<compile_context>
chip_gen: v7x
topology: tpu7x:2x2x1
jax: 0.10.2.dev20260603
libtpu: 0.0.44.dev20260713+nightly
codegen_flags: <defaults>
</compile_context>

<pallas_src>
import jax
import jax.numpy as jnp
from jax import lax
from jax.experimental import pallas as pl
from jax.experimental.pallas import tpu as pltpu
from jax.experimental.pallas import tpu_sc as plsc

_N = 20000
_IOU_THR = 0.5
_SCORE_THR = 0.1
_MAX_KEEP = 256
_NEG = -1e10

_L = 16
_NS = 16
_NPAD = 20480
_SHARD = _NPAD // _NS
_NSLICE = _SHARD // _L
_FNEG = -3.0e38
_K = 4


def _nms_body(x1_h, y1_h, x2_h, y2_h, s_h, out_h,
              x1_v, y1_v, x2_v, y2_v, s_v, area_v, kept_v, tab_v, comm_v,
              tbl_sh):
    wid = lax.axis_index("s")
    loff = wid * _SHARD
    iota = lax.iota(jnp.int32, _L)
    zeros_i = jnp.zeros((_L,), jnp.int32)
    zf = jnp.zeros((_L,), jnp.float32)

    pltpu.sync_copy(x1_h, x1_v)
    pltpu.sync_copy(y1_h, y1_v)
    pltpu.sync_copy(x2_h, x2_v)
    pltpu.sync_copy(y2_h, y2_v)
    pltpu.sync_copy(s_h.at[pl.ds(loff, _SHARD)], s_v)

    @plsc.parallel_loop(0, 5 * _MAX_KEEP, unroll=8)
    def _zero(j):
        kept_v[j, :] = zf

    def _topk_update(carry, vn, idxv):
        av = [carry[2 * k] for k in range(_K)]
        ai = [carry[2 * k + 1] for k in range(_K)]
        g = [vn > av[k] for k in range(_K)]
        nv = [jnp.where(g[0], vn, av[0])]
        ni = [jnp.where(g[0], idxv, ai[0])]
        for k in range(1, _K):
            nv.append(jnp.where(g[k - 1], av[k - 1],
                                jnp.where(g[k], vn, av[k])))
            ni.append(jnp.where(g[k - 1], ai[k - 1],
                                jnp.where(g[k], idxv, ai[k])))
        out = []
        for k in range(_K):
            out += [nv[k], ni[k]]
        return tuple(out)

    def _better(xv, xi, yv, yi):
        return (yv > xv) | ((yv == xv) & (yi < xi))

    def _merge4(a, b):
        w = []
        for k in range(_K):
            av, ai = a[k]
            bv, bi = b[_K - 1 - k]
            p = _better(av, ai, bv, bi)
            w.append((jnp.where(p, bv, av), jnp.where(p, bi, ai)))

        def cas(i, j):
            pv, pi = w[i]
            qv, qi = w[j]
            p = _better(pv, pi, qv, qi)
            w[i] = (jnp.where(p, qv, pv), jnp.where(p, qi, pi))
            w[j] = (jnp.where(p, pv, qv), jnp.where(p, pi, qi))

        cas(0, 2)
        cas(1, 3)
        cas(0, 1)
        cas(2, 3)
        return w

    def _butterfly4(s):
        for sh in (8, 4, 2, 1):
            perm = iota ^ sh
            p = [(v.at[perm].get(mode="promise_in_bounds"),
                  i.at[perm].get(mode="promise_in_bounds")) for v, i in s]
            s = _merge4(s, p)
        return s

    def _publish(carry, slot):
        s = [(carry[2 * k], carry[2 * k + 1]) for k in range(_K)]
        s = _butterfly4(s)
        row = plsc.bitcast(s[_K - 1][1], jnp.float32)
        for k in range(_K - 1, -1, -1):
            v, i = s[k]
            fi = plsc.bitcast(i, jnp.float32)
            if k < _K - 1:
                row = jnp.where(iota == 2 * k + 1, fi, row)
            row = jnp.where(iota == 2 * k, v, row)
        comm_v[...] = row
        pltpu.sync_copy(comm_v, tbl_sh.at[slot, wid])
        plsc.subcore_barrier()

    def _box(idx_v):
        bx1 = plsc.load_gather(x1_v, [idx_v])
        by1 = plsc.load_gather(y1_v, [idx_v])
        bx2 = plsc.load_gather(x2_v, [idx_v])
        by2 = plsc.load_gather(y2_v, [idx_v])
        ba = jnp.maximum(bx2 - bx1, 0.0) * jnp.maximum(by2 - by1, 0.0)
        return (bx1, by1, bx2, by2, ba)

    def _iou(a, b):
        iw = jnp.maximum(jnp.minimum(a[2], b[2]) - jnp.maximum(a[0], b[0]),
                         0.0)
        ih = jnp.maximum(jnp.minimum(a[3], b[3]) - jnp.maximum(a[1], b[1]),
                         0.0)
        inter = iw * ih
        return inter / (a[4] + b[4] - inter + 1e-6)

    topk_init = tuple(x for _ in range(_K)
                      for x in (jnp.full((_L,), _FNEG, jnp.float32), zeros_i))

    @plsc.parallel_loop(0, _NSLICE, unroll=8, carry=topk_init)
    def _pro(i, carry):
        sl = pl.ds(i * _L, _L)
        gsl = pl.ds(loff + i * _L, _L)
        v = s_v[sl]
        v = jnp.where(v > _SCORE_THR, v, _NEG)
        s_v[sl] = v
        area_v[sl] = (jnp.maximum(x2_v[gsl] - x1_v[gsl], 0.0)
                      * jnp.maximum(y2_v[gsl] - y1_v[gsl], 0.0))
        return _topk_update(carry, v, loff + i * _L + iota)

    _publish(_pro, 0)

    def _cond(carry):
        _, _, cont = carry
        return cont == 1

    def _round(carry):
        r, t, _ = carry
        pltpu.sync_copy(tbl_sh.at[r % 2], tab_v)
        s = [(plsc.load_gather(tab_v, [iota, zeros_i + 2 * k]),
              plsc.bitcast(
                  plsc.load_gather(tab_v, [iota, zeros_i + 2 * k + 1]),
                  jnp.int32))
             for k in range(_K)]
        s = _butterfly4(s)
        vals = [v for v, _ in s]
        idxs = [i for _, i in s]
        valid = [v > (_NEG / 2.0) for v in vals]
        boxes = [_box(i) for i in idxs]

        tv = jnp.full((_L,), t, jnp.int32)
        c = [valid[0]]
        for k in range(1, _K):
            ck = c[k - 1] & valid[k] & (tv + k < _MAX_KEEP)
            for j in range(k):
                ck = ck & jnp.logical_not(_iou(boxes[j], boxes[k]) > _IOU_THR)
            c.append(ck)

        m1_s = vals[0][0]
        valid1_s = m1_s > (_NEG / 2.0)
        c_s = [jnp.where(ck, 1, 0)[0] for ck in c]

        kept_v[t, :] = jnp.where(valid[0], boxes[0][0], zf)
        kept_v[t + _MAX_KEEP, :] = jnp.where(valid[0], boxes[0][1], zf)
        kept_v[t + 2 * _MAX_KEEP, :] = jnp.where(valid[0], boxes[0][2], zf)
        kept_v[t + 3 * _MAX_KEEP, :] = jnp.where(valid[0], boxes[0][3], zf)
        kept_v[t + 4 * _MAX_KEEP, :] = jnp.where(valid[0], vals[0], zf)

        for k in range(1, _K):
            @pl.when(c_s[k] == 1)
            def _(k=k):
                kept_v[t + k, :] = boxes[k][0]
                kept_v[t + k + _MAX_KEEP, :] = boxes[k][1]
                kept_v[t + k + 2 * _MAX_KEEP, :] = boxes[k][2]
                kept_v[t + k + 3 * _MAX_KEEP, :] = boxes[k][3]
                kept_v[t + k + 4 * _MAX_KEEP, :] = vals[k]

        @plsc.parallel_loop(0, _NSLICE, unroll=20, carry=topk_init)
        def _pass(i, carry):
            sl = pl.ds(i * _L, _L)
            gsl = pl.ds(loff + i * _L, _L)
            idxv = loff + i * _L + iota
            v = s_v[sl]
            cb = (x1_v[gsl], y1_v[gsl], x2_v[gsl], y2_v[gsl], area_v[sl])
            supp = (_iou(boxes[0], cb) > _IOU_THR) & c[0]
            for k in range(1, _K):
                supp = supp | ((_iou(boxes[k], cb) > _IOU_THR) & c[k])
            vn = jnp.where(supp, _NEG, v)
            s_v[sl] = vn
            return _topk_update(carry, vn, idxv)

        _publish(_pass, (r + 1) % 2)

        t_next = t + 1 + c_s[1] + c_s[2] + c_s[3]
        cont = jnp.where(valid1_s & (t_next < _MAX_KEEP), 1, 0)
        return r + 1, t_next, cont

    lax.while_loop(_cond, _round, (jnp.int32(0), jnp.int32(0), jnp.int32(1)))

    @pl.when(wid == 0)
    def _():
        pltpu.sync_copy(kept_v, out_h)


@jax.jit
def _nms_sc(x1, y1, x2, y2, s):
    mesh = plsc.VectorSubcoreMesh(core_axis_name="c", subcore_axis_name="s",
                                  num_cores=1)
    f = pl.kernel(
        _nms_body,
        out_type=jax.ShapeDtypeStruct((5 * _MAX_KEEP, _L), jnp.float32),
        mesh=mesh,
        compiler_params=pltpu.CompilerParams(needs_layout_passes=False,
                                             use_tc_tiling_on_sc=False),
        scratch_types=[
            pltpu.VMEM((_NPAD,), jnp.float32),
            pltpu.VMEM((_NPAD,), jnp.float32),
            pltpu.VMEM((_NPAD,), jnp.float32),
            pltpu.VMEM((_NPAD,), jnp.float32),
            pltpu.VMEM((_SHARD,), jnp.float32),
            pltpu.VMEM((_SHARD,), jnp.float32),
            pltpu.VMEM((5 * _MAX_KEEP, _L), jnp.float32),
            pltpu.VMEM((_NS, _L), jnp.float32),
            pltpu.VMEM((_L,), jnp.float32),
            pltpu.VMEM_SHARED((2, _NS, _L), jnp.float32),
        ],
    )
    return f(x1, y1, x2, y2, s)


def kernel(boxes, scores):
    pad = _NPAD - _N
    x1 = jnp.pad(boxes[:, 0], (0, pad))
    y1 = jnp.pad(boxes[:, 1], (0, pad))
    x2 = jnp.pad(boxes[:, 2], (0, pad))
    y2 = jnp.pad(boxes[:, 3], (0, pad))
    s = jnp.pad(scores, (0, pad))
    out = _nms_sc(x1, y1, x2, y2, s)
    return out[:, 0].reshape(5, _MAX_KEEP).T

# --- scband reference (transcript-rebuilt; emitter-appended) ---
"""Pipeline reference for scband-frustum-proposer-seg-29025388987120 (READ-ONLY COPY).

The authoritative reference and input builder live on the scoring server;
editing this copy changes nothing except your own understanding.
"""

import jax, jax.numpy as jnp
import numpy as np

N = 20000
IOU_THR = 0.5
SCORE_THR = 0.1
MAX_KEEP = 256
NEG = -1e10


def setup_inputs(seed: int = 0) -> dict:
    key = jax.random.key(seed)
    k1, k2 = jax.random.split(key)
    u = jax.random.uniform(k1, (N, 4), dtype=jnp.float32)
    xy = u[:, :2] * 1000.0
    wh = u[:, 2:] * 100.0 + 1.0
    boxes = jnp.concatenate([xy, xy + wh], axis=1)  # valid [x1,y1,x2,y2]
    scores = jax.random.uniform(k2, (N,), dtype=jnp.float32)
    return {"boxes": boxes, "scores": scores}


def _iou_one_vs_all(box, boxes):
    x1 = jnp.maximum(box[0], boxes[:, 0])
    y1 = jnp.maximum(box[1], boxes[:, 1])
    x2 = jnp.minimum(box[2], boxes[:, 2])
    y2 = jnp.minimum(box[3], boxes[:, 3])
    iw = jnp.clip(x2 - x1, 0.0, None)
    ih = jnp.clip(y2 - y1, 0.0, None)
    inter = iw * ih
    a1 = jnp.clip(box[2] - box[0], 0.0, None) * jnp.clip(box[3] - box[1], 0.0, None)
    a2 = jnp.clip(boxes[:, 2] - boxes[:, 0], 0.0, None) * jnp.clip(boxes[:, 3] - boxes[:, 1], 0.0, None)
    return inter / (a1 + a2 - inter + 1e-6)


def reference(boxes, scores):
    # Greedy class-agnostic NMS with score thresholding, as used inside the
    # FrustumProposerSEG proposal filtering stage (score_thr + nms on proposals).
    s0 = jnp.where(scores > SCORE_THR, scores, NEG)

    def body(s_cur, _):
        idx = jnp.argmax(s_cur)                 # pick highest remaining score
        best = s_cur[idx]                       # gather
        box = boxes[idx]                        # gather
        iou = _iou_one_vs_all(box, boxes)       # stream over all N boxes
        valid = best > (NEG / 2.0)
        suppress = (iou > IOU_THR) & valid
        s_next = jnp.where(suppress, NEG, s_cur)
        s_next = s_next.at[idx].set(NEG)        # scatter-overwrite
        kept_score = jnp.where(valid, best, 0.0)
        kept_box = jnp.where(valid, box, jnp.zeros_like(box))
        return s_next, jnp.concatenate([kept_box, kept_score[None]], axis=0)

    _, kept = jax.lax.scan(body, s0, None, length=MAX_KEEP)
    return kept  # [MAX_KEEP, 5] = [x1,y1,x2,y2,score] per kept detection

if __name__ == "__main__":
    import jax
    _d = setup_inputs()
    print(jax.jit(kernel)(*tuple(_d.values())))

</pallas_src>

<mosaic_0001>
#map = affine_map<(d0, d1) -> (0)>
#map1 = affine_map<(d0, d1) -> (0, 0)>
module attributes {stable_mosaic.version = 14 : i64} {
  func.func @_nms_body(%arg0: i32, %arg1: i32, %arg2: memref<20480xf32, #tpu.memory_space<hbm>>, %arg3: memref<20480xf32, #tpu.memory_space<hbm>>, %arg4: memref<20480xf32, #tpu.memory_space<hbm>>, %arg5: memref<20480xf32, #tpu.memory_space<hbm>>, %arg6: memref<20480xf32, #tpu.memory_space<hbm>>, %arg7: memref<1280x16xf32, #tpu.memory_space<hbm>>, %arg8: memref<20480xf32, #tpu.memory_space<vmem>>, %arg9: memref<20480xf32, #tpu.memory_space<vmem>>, %arg10: memref<20480xf32, #tpu.memory_space<vmem>>, %arg11: memref<20480xf32, #tpu.memory_space<vmem>>, %arg12: memref<1280xf32, #tpu.memory_space<vmem>>, %arg13: memref<1280xf32, #tpu.memory_space<vmem>>, %arg14: memref<1280x16xf32, #tpu.memory_space<vmem>>, %arg15: memref<16x16xf32, #tpu.memory_space<vmem>>, %arg16: memref<16xf32, #tpu.memory_space<vmem>>, %arg17: memref<2x16x16xf32, #tpu.memory_space<vmem_shared>>) attributes {dimension_semantics = [#tpu.dimension_semantics<core_parallel>, #tpu.dimension_semantics<subcore_parallel>], iteration_bounds = array<i64: 1, 16>, scalar_prefetch = 0 : i64, scratch_operands = 10 : i64, tpu.core_type = #tpu.core_type<sc_vector_subcore>, window_params = [{transform_indices = #map}, {transform_indices = #map}, {transform_indices = #map}, {transform_indices = #map}, {transform_indices = #map}, {transform_indices = #map1}]} {
    %mul3A = arith.constant 1280 : i32
    %mul3A_0 = arith.muli %arg1, %mul3A : i32
    %iota3A = tpu.iota {dimensions = array<i32: 0>} : vector<16xi32>
    %broadcast_in_dim3A = arith.constant 0 : i32
    %broadcast_in_dim3A_1 = vector.broadcast %broadcast_in_dim3A : i32 to vector<16xi32>
    %broadcast_in_dim3A_2 = arith.constant 0.000000e+00 : f32
    %broadcast_in_dim3A_3 = vector.broadcast %broadcast_in_dim3A_2 : f32 to vector<16xf32>
    "tpu.region"() ({
      %run_scoped3A_636 = tpu.sem_alloc : memref<!tpu.dma_semaphore, #tpu.memory_space<semaphore_mem>>
      tpu.enqueue_dma source(%arg2 : memref<20480xf32, #tpu.memory_space<hbm>>) target(%arg8 : memref<20480xf32, #tpu.memory_space<vmem>>) target_semaphore(%run_scoped3A_636 : memref<!tpu.dma_semaphore, #tpu.memory_space<semaphore_mem>>)
      tpu.wait_dma2 semaphore(%run_scoped3A_636 : memref<!tpu.dma_semaphore, #tpu.memory_space<semaphore_mem>>) src(%arg2 : memref<20480xf32, #tpu.memory_space<hbm>>) dst(%arg8 : memref<20480xf32, #tpu.memory_space<vmem>>)
      tpu.yield
    }) : () -> ()
    "tpu.region"() ({
      %run_scoped3A_636 = tpu.sem_alloc : memref<!tpu.dma_semaphore, #tpu.memory_space<semaphore_mem>>
      tpu.enqueue_dma source(%arg3 : memref<20480xf32, #tpu.memory_space<hbm>>) target(%arg9 : memref<20480xf32, #tpu.memory_space<vmem>>) target_semaphore(%run_scoped3A_636 : memref<!tpu.dma_semaphore, #tpu.memory_space<semaphore_mem>>)
      tpu.wait_dma2 semaphore(%run_scoped3A_636 : memref<!tpu.dma_semaphore, #tpu.memory_space<semaphore_mem>>) src(%arg3 : memref<20480xf32, #tpu.memory_space<hbm>>) dst(%arg9 : memref<20480xf32, #tpu.memory_space<vmem>>)
      tpu.yield
    }) : () -> ()
    "tpu.region"() ({
      %run_scoped3A_636 = tpu.sem_alloc : memref<!tpu.dma_semaphore, #tpu.memory_space<semaphore_mem>>
      tpu.enqueue_dma source(%arg4 : memref<20480xf32, #tpu.memory_space<hbm>>) target(%arg10 : memref<20480xf32, #tpu.memory_space<vmem>>) target_semaphore(%run_scoped3A_636 : memref<!tpu.dma_semaphore, #tpu.memory_space<semaphore_mem>>)
      tpu.wait_dma2 semaphore(%run_scoped3A_636 : memref<!tpu.dma_semaphore, #tpu.memory_space<semaphore_mem>>) src(%arg4 : memref<20480xf32, #tpu.memory_space<hbm>>) dst(%arg10 : memref<20480xf32, #tpu.memory_space<vmem>>)
      tpu.yield
    }) : () -> ()
    "tpu.region"() ({
      %run_scoped3A_636 = tpu.sem_alloc : memref<!tpu.dma_semaphore, #tpu.memory_space<semaphore_mem>>
      tpu.enqueue_dma source(%arg5 : memref<20480xf32, #tpu.memory_space<hbm>>) target(%arg11 : memref<20480xf32, #tpu.memory_space<vmem>>) target_semaphore(%run_scoped3A_636 : memref<!tpu.dma_semaphore, #tpu.memory_space<semaphore_mem>>)
      tpu.wait_dma2 semaphore(%run_scoped3A_636 : memref<!tpu.dma_semaphore, #tpu.memory_space<semaphore_mem>>) src(%arg5 : memref<20480xf32, #tpu.memory_space<hbm>>) dst(%arg11 : memref<20480xf32, #tpu.memory_space<vmem>>)
      tpu.yield
    }) : () -> ()
    "tpu.region"() ({
      %run_scoped3A_636 = tpu.sem_alloc : memref<!tpu.dma_semaphore, #tpu.memory_space<semaphore_mem>>
      %dma_start3A = tpu.memref_slice %arg6[%mul3A_0] : memref<20480xf32, #tpu.memory_space<hbm>> -> memref<1280xf32, #tpu.memory_space<hbm>>
      %dma_start3A_637 = tpu.memref_slice %arg6[%mul3A_0] : memref<20480xf32, #tpu.memory_space<hbm>> -> memref<1280xf32, #tpu.memory_space<hbm>>
      tpu.enqueue_dma source(%dma_start3A_637 : memref<1280xf32, #tpu.memory_space<hbm>>) target(%arg12 : memref<1280xf32, #tpu.memory_space<vmem>>) target_semaphore(%run_scoped3A_636 : memref<!tpu.dma_semaphore, #tpu.memory_space<semaphore_mem>>)
      %dma_wait3A = tpu.memref_slice %arg6[%mul3A_0] : memref<20480xf32, #tpu.memory_space<hbm>> -> memref<1280xf32, #tpu.memory_space<hbm>>
      %dma_wait3A_638 = tpu.memref_slice %arg6[%mul3A_0] : memref<20480xf32, #tpu.memory_space<hbm>> -> memref<1280xf32, #tpu.memory_space<hbm>>
      tpu.wait_dma2 semaphore(%run_scoped3A_636 : memref<!tpu.dma_semaphore, #tpu.memory_space<semaphore_mem>>) src(%dma_wait3A_638 : memref<1280xf32, #tpu.memory_space<hbm>>) dst(%arg12 : memref<1280xf32, #tpu.memory_space<vmem>>)
      tpu.yield
    }) : () -> ()
    %parallel_loop3A = arith.constant 0 : i32
    %parallel_loop3A_4 = arith.constant 1280 : i32
    %parallel_loop3A_5 = arith.constant 1 : i32
    scf.for %parallel_loop3A_636 = %parallel_loop3A to %parallel_loop3A_4 step %parallel_loop3A_5  : i32 {
      %parallel_loop3A_637 = arith.index_cast %parallel_loop3A_636 : i32 to index
      %parallel_loop3A_638 = arith.constant 0 : index
      %parallel_loop3A_639 = tpu.vector_load %arg14[%parallel_loop3A_637, %parallel_loop3A_638] {strides = array<i32>} : memref<1280x16xf32, #tpu.memory_space<vmem>>, vector<16xf32>,
      tpu.vector_store %arg14[%parallel_loop3A_637, %parallel_loop3A_638], %broadcast_in_dim3A_3 {strides = array<i32>} : memref<1280x16xf32, #tpu.memory_space<vmem>>, vector<16xf32>,
    } {sc.loop_unroll_factor = 8 : i64, sc.parallel_access}
    %broadcast_in_dim3A_6 = arith.constant -3.000000e+38 : f32
    %broadcast_in_dim3A_7 = vector.broadcast %broadcast_in_dim3A_6 : f32 to vector<16xf32>
    %broadcast_in_dim3A_8 = arith.constant -3.000000e+38 : f32
    %broadcast_in_dim3A_9 = vector.broadcast %broadcast_in_dim3A_8 : f32 to vector<16xf32>
    %broadcast_in_dim3A_10 = arith.constant -3.000000e+38 : f32
    %broadcast_in_dim3A_11 = vector.broadcast %broadcast_in_dim3A_10 : f32 to vector<16xf32>
    %broadcast_in_dim3A_12 = arith.constant -3.000000e+38 : f32
    %broadcast_in_dim3A_13 = vector.broadcast %broadcast_in_dim3A_12 : f32 to vector<16xf32>
    %parallel_loop3A_14 = arith.constant 0 : i32
    %parallel_loop3A_15 = arith.constant 80 : i32
    %parallel_loop3A_16 = arith.constant 1 : i32
    %parallel_loop3A_17:8 = scf.for %parallel_loop3A_636 = %parallel_loop3A_14 to %parallel_loop3A_15 step %parallel_loop3A_16 iter_args(%parallel_loop3A_637 = %broadcast_in_dim3A_7, %parallel_loop3A_638 = %broadcast_in_dim3A_1, %parallel_loop3A_639 = %broadcast_in_dim3A_9, %parallel_loop3A_640 = %broadcast_in_dim3A_1, %parallel_loop3A_641 = %broadcast_in_dim3A_11, %parallel_loop3A_642 = %broadcast_in_dim3A_1, %parallel_loop3A_643 = %broadcast_in_dim3A_13, %parallel_loop3A_644 = %broadcast_in_dim3A_1) -> (vector<16xf32>, vector<16xi32>, vector<16xf32>, vector<16xi32>, vector<16xf32>, vector<16xi32>, vector<16xf32>, vector<16xi32>)  : i32 {
      %parallel_loop3A_645 = arith.constant 16 : i32
      %parallel_loop3A_646 = arith.muli %parallel_loop3A_636, %parallel_loop3A_645 : i32
      %parallel_loop3A_647 = arith.constant 16 : i32
      %parallel_loop3A_648 = arith.muli %parallel_loop3A_636, %parallel_loop3A_647 : i32
      %parallel_loop3A_649 = arith.addi %mul3A_0, %parallel_loop3A_648 : i32
      %parallel_loop3A_650 = arith.index_cast %parallel_loop3A_646 : i32 to index
      %parallel_loop3A_651 = tpu.vector_load %arg12[%parallel_loop3A_650] {strides = array<i32>} : memref<1280xf32, #tpu.memory_space<vmem>>, vector<16xf32>,
      %parallel_loop3A_652 = arith.constant 1.000000e-01 : f32
      %parallel_loop3A_653 = vector.broadcast %parallel_loop3A_652 : f32 to vector<16xf32>
      %parallel_loop3A_654 = arith.cmpf ogt, %parallel_loop3A_651, %parallel_loop3A_653 : vector<16xf32>
      %parallel_loop3A_655 = arith.constant -1.000000e+10 : f32
      %parallel_loop3A_656 = vector.broadcast %parallel_loop3A_655 : f32 to vector<16xf32>
      %parallel_loop3A_657 = arith.select %parallel_loop3A_654, %parallel_loop3A_651, %parallel_loop3A_656 : vector<16xi1>, vector<16xf32>
      %parallel_loop3A_658 = arith.index_cast %parallel_loop3A_646 : i32 to index
      %parallel_loop3A_659 = tpu.vector_load %arg12[%parallel_loop3A_658] {strides = array<i32>} : memref<1280xf32, #tpu.memory_space<vmem>>, vector<16xf32>,
      tpu.vector_store %arg12[%parallel_loop3A_658], %parallel_loop3A_657 {strides = array<i32>} : memref<1280xf32, #tpu.memory_space<vmem>>, vector<16xf32>,
      %parallel_loop3A_660 = arith.index_cast %parallel_loop3A_649 : i32 to index
      %parallel_loop3A_661 = tpu.vector_load %arg10[%parallel_loop3A_660] {strides = array<i32>} : memref<20480xf32, #tpu.memory_space<vmem>>, vector<16xf32>,
      %parallel_loop3A_662 = arith.index_cast %parallel_loop3A_649 : i32 to index
      %parallel_loop3A_663 = tpu.vector_load %arg8[%parallel_loop3A_662] {strides = array<i32>} : memref<20480xf32, #tpu.memory_space<vmem>>, vector<16xf32>,
      %parallel_loop3A_664 = arith.subf %parallel_loop3A_661, %parallel_loop3A_663 : vector<16xf32>
      %parallel_loop3A_665 = arith.constant 0.000000e+00 : f32
      %parallel_loop3A_666 = vector.broadcast %parallel_loop3A_665 : f32 to vector<16xf32>
      %parallel_loop3A_667 = arith.maximumf %parallel_loop3A_664, %parallel_loop3A_666 : vector<16xf32>
      %parallel_loop3A_668 = arith.index_cast %parallel_loop3A_649 : i32 to index
      %parallel_loop3A_669 = tpu.vector_load %arg11[%parallel_loop3A_668] {strides = array<i32>} : memref<20480xf32, #tpu.memory_space<vmem>>, vector<16xf32>,
      %parallel_loop3A_670 = arith.index_cast %parallel_loop3A_649 : i32 to index
      %parallel_loop3A_671 = tpu.vector_load %arg9[%parallel_loop3A_670] {strides = array<i32>} : memref<20480xf32, #tpu.memory_space<vmem>>, vector<16xf32>,
      %parallel_loop3A_672 = arith.subf %parallel_loop3A_669, %parallel_loop3A_671 : vector<16xf32>
      %parallel_loop3A_673 = arith.constant 0.000000e+00 : f32
      %parallel_loop3A_674 = vector.broadcast %parallel_loop3A_673 : f32 to vector<16xf32>
      %parallel_loop3A_675 = arith.maximumf %parallel_loop3A_672, %parallel_loop3A_674 : vector<16xf32>
      %parallel_loop3A_676 = arith.mulf %parallel_loop3A_667, %parallel_loop3A_675 : vector<16xf32>
      %parallel_loop3A_677 = arith.index_cast %parallel_loop3A_646 : i32 to index
      %parallel_loop3A_678 = tpu.vector_load %arg13[%parallel_loop3A_677] {strides = array<i32>} : memref<1280xf32, #tpu.memory_space<vmem>>, vector<16xf32>,
      tpu.vector_store %arg13[%parallel_loop3A_677], %parallel_loop3A_676 {strides = array<i32>} : memref<1280xf32, #tpu.memory_space<vmem>>, vector<16xf32>,
      %parallel_loop3A_679 = arith.constant 16 : i32
      %parallel_loop3A_680 = arith.muli %parallel_loop3A_636, %parallel_loop3A_679 : i32
      %parallel_loop3A_681 = arith.addi %mul3A_0, %parallel_loop3A_680 : i32
      %parallel_loop3A_682 = vector.broadcast %parallel_loop3A_681 : i32 to vector<16xi32>
      %parallel_loop3A_683 = arith.addi %parallel_loop3A_682, %iota3A : vector<16xi32>
      %parallel_loop3A_684 = arith.cmpf ogt, %parallel_loop3A_657, %parallel_loop3A_637 : vector<16xf32>
      %parallel_loop3A_685 = arith.cmpf ogt, %parallel_loop3A_657, %parallel_loop3A_639 : vector<16xf32>
      %parallel_loop3A_686 = arith.cmpf ogt, %parallel_loop3A_657, %parallel_loop3A_641 : vector<16xf32>
      %parallel_loop3A_687 = arith.cmpf ogt, %parallel_loop3A_657, %parallel_loop3A_643 : vector<16xf32>
      %parallel_loop3A_688 = arith.select %parallel_loop3A_684, %parallel_loop3A_657, %parallel_loop3A_637 : vector<16xi1>, vector<16xf32>
      %parallel_loop3A_689 = arith.select %parallel_loop3A_684, %parallel_loop3A_683, %parallel_loop3A_638 : vector<16xi1>, vector<16xi32>
      %parallel_loop3A_690 = arith.select %parallel_loop3A_685, %parallel_loop3A_657, %parallel_loop3A_639 : vector<16xi1>, vector<16xf32>
      %parallel_loop3A_691 = arith.select %parallel_loop3A_684, %parallel_loop3A_637, %parallel_loop3A_690 : vector<16xi1>, vector<16xf32>
      %parallel_loop3A_692 = arith.select %parallel_loop3A_685, %parallel_loop3A_683, %parallel_loop3A_640 : vector<16xi1>, vector<16xi32>
      %parallel_loop3A_693 = arith.select %parallel_loop3A_684, %parallel_loop3A_638, %parallel_loop3A_692 : vector<16xi1>, vector<16xi32>
      %parallel_loop3A_694 = arith.select %parallel_loop3A_686, %parallel_loop3A_657, %parallel_loop3A_641 : vector<16xi1>, vector<16xf32>
      %parallel_loop3A_695 = arith.select %parallel_loop3A_685, %parallel_loop3A_639, %parallel_loop3A_694 : vector<16xi1>, vector<16xf32>
      %parallel_loop3A_696 = arith.select %parallel_loop3A_686, %parallel_loop3A_683, %parallel_loop3A_642 : vector<16xi1>, vector<16xi32>
      %parallel_loop3A_697 = arith.select %parallel_loop3A_685, %parallel_loop3A_640, %parallel_loop3A_696 : vector<16xi1>, vector<16xi32>
      %parallel_loop3A_698 = arith.select %parallel_loop3A_687, %parallel_loop3A_657, %parallel_loop3A_643 : vector<16xi1>, vector<16xf32>
      %parallel_loop3A_699 = arith.select %parallel_loop3A_686, %parallel_loop3A_641, %parallel_loop3A_698 : vector<16xi1>, vector<16xf32>
      %parallel_loop3A_700 = arith.select %parallel_loop3A_687, %parallel_loop3A_683, %parallel_loop3A_644 : vector<16xi1>, vector<16xi32>
      %parallel_loop3A_701 = arith.select %parallel_loop3A_686, %parallel_loop3A_642, %parallel_loop3A_700 : vector<16xi1>, vector<16xi32>
      scf.yield %parallel_loop3A_688, %parallel_loop3A_689, %parallel_loop3A_691, %parallel_loop3A_693, %parallel_loop3A_695, %parallel_loop3A_697, %parallel_loop3A_699, %parallel_loop3A_701 : vector<16xf32>, vector<16xi32>, vector<16xf32>, vector<16xi32>, vector<16xf32>, vector<16xi32>, vector<16xf32>, vector<16xi32>
    } {sc.loop_unroll_factor = 8 : i64, sc.parallel_access}
    %xor3A = arith.constant 8 : i32
    %xor3A_18 = vector.broadcast %xor3A : i32 to vector<16xi32>
    %xor3A_19 = arith.xori %iota3A, %xor3A_18 : vector<16xi32>
    %lt3A = arith.constant 0 : i32
    %lt3A_20 = vector.broadcast %lt3A : i32 to vector<16xi32>
    %lt3A_21 = arith.cmpi slt, %xor3A_19, %lt3A_20 : vector<16xi32>
    %add3A = arith.constant 16 : i32
    %add3A_22 = vector.broadcast %add3A : i32 to vector<16xi32>
    %add3A_23 = arith.addi %xor3A_19, %add3A_22 : vector<16xi32>
    %select_n3A = arith.select %lt3A_21, %add3A_23, %xor3A_19 : vector<16xi1>, vector<16xi32>
    %broadcast_in_dim3A_24 = vector.shape_cast %select_n3A : vector<16xi32> to vector<16x1xi32>
    %gather3A = vector.shape_cast %broadcast_in_dim3A_24 : vector<16x1xi32> to vector<16xi32>
    %gather3A_25 = tpu.dynamic_gather %parallel_loop3A_17#0[%gather3A] in [0] : vector<16xf32>, vector<16xi32> -> vector<16xf32>
    %lt3A_26 = arith.constant 0 : i32
    %lt3A_27 = vector.broadcast %lt3A_26 : i32 to vector<16xi32>
    %lt3A_28 = arith.cmpi slt, %xor3A_19, %lt3A_27 : vector<16xi32>
    %add3A_29 = arith.constant 16 : i32
    %add3A_30 = vector.broadcast %add3A_29 : i32 to vector<16xi32>
    %add3A_31 = arith.addi %xor3A_19, %add3A_30 : vector<16xi32>
    %select_n3A_32 = arith.select %lt3A_28, %add3A_31, %xor3A_19 : vector<16xi1>, vector<16xi32>
    %broadcast_in_dim3A_33 = vector.shape_cast %select_n3A_32 : vector<16xi32> to vector<16x1xi32>
    %gather3A_34 = vector.shape_cast %broadcast_in_dim3A_33 : vector<16x1xi32> to vector<16xi32>
    %gather3A_35 = tpu.dynamic_gather %parallel_loop3A_17#1[%gather3A_34] in [0] : vector<16xi32>, vector<16xi32> -> vector<16xi32>
    %lt3A_36 = arith.constant 0 : i32
    %lt3A_37 = vector.broadcast %lt3A_36 : i32 to vector<16xi32>
    %lt3A_38 = arith.cmpi slt, %xor3A_19, %lt3A_37 : vector<16xi32>
    %add3A_39 = arith.constant 16 : i32
    %add3A_40 = vector.broadcast %add3A_39 : i32 to vector<16xi32>
    %add3A_41 = arith.addi %xor3A_19, %add3A_40 : vector<16xi32>
    %select_n3A_42 = arith.select %lt3A_38, %add3A_41, %xor3A_19 : vector<16xi1>, vector<16xi32>
    %broadcast_in_dim3A_43 = vector.shape_cast %select_n3A_42 : vector<16xi32> to vector<16x1xi32>
    %gather3A_44 = vector.shape_cast %broadcast_in_dim3A_43 : vector<16x1xi32> to vector<16xi32>
    %gather3A_45 = tpu.dynamic_gather %parallel_loop3A_17#2[%gather3A_44] in [0] : vector<16xf32>, vector<16xi32> -> vector<16xf32>
    %lt3A_46 = arith.constant 0 : i32
    %lt3A_47 = vector.broadcast %lt3A_46 : i32 to vector<16xi32>
    %lt3A_48 = arith.cmpi slt, %xor3A_19, %lt3A_47 : vector<16xi32>
    %add3A_49 = arith.constant 16 : i32
    %add3A_50 = vector.broadcast %add3A_49 : i32 to vector<16xi32>
    %add3A_51 = arith.addi %xor3A_19, %add3A_50 : vector<16xi32>
    %select_n3A_52 = arith.select %lt3A_48, %add3A_51, %xor3A_19 : vector<16xi1>, vector<16xi32>
    %broadcast_in_dim3A_53 = vector.shape_cast %select_n3A_52 : vector<16xi32> to vector<16x1xi32>
    %gather3A_54 = vector.shape_cast %broadcast_in_dim3A_53 : vector<16x1xi32> to vector<16xi32>
    %gather3A_55 = tpu.dynamic_gather %parallel_loop3A_17#3[%gather3A_54] in [0] : vector<16xi32>, vector<16xi32> -> vector<16xi32>
    %lt3A_56 = arith.constant 0 : i32
    %lt3A_57 = vector.broadcast %lt3A_56 : i32 to vector<16xi32>
    %lt3A_58 = arith.cmpi slt, %xor3A_19, %lt3A_57 : vector<16xi32>
    %add3A_59 = arith.constant 16 : i32
    %add3A_60 = vector.broadcast %add3A_59 : i32 to vector<16xi32>
    %add3A_61 = arith.addi %xor3A_19, %add3A_60 : vector<16xi32>
    %select_n3A_62 = arith.select %lt3A_58, %add3A_61, %xor3A_19 : vector<16xi1>, vector<16xi32>
    %broadcast_in_dim3A_63 = vector.shape_cast %select_n3A_62 : vector<16xi32> to vector<16x1xi32>
    %gather3A_64 = vector.shape_cast %broadcast_in_dim3A_63 : vector<16x1xi32> to vector<16xi32>
    %gather3A_65 = tpu.dynamic_gather %parallel_loop3A_17#4[%gather3A_64] in [0] : vector<16xf32>, vector<16xi32> -> vector<16xf32>
    %lt3A_66 = arith.constant 0 : i32
    %lt3A_67 = vector.broadcast %lt3A_66 : i32 to vector<16xi32>
    %lt3A_68 = arith.cmpi slt, %xor3A_19, %lt3A_67 : vector<16xi32>
    %add3A_69 = arith.constant 16 : i32
    %add3A_70 = vector.broadcast %add3A_69 : i32 to vector<16xi32>
    %add3A_71 = arith.addi %xor3A_19, %add3A_70 : vector<16xi32>
    %select_n3A_72 = arith.select %lt3A_68, %add3A_71, %xor3A_19 : vector<16xi1>, vector<16xi32>
    %broadcast_in_dim3A_73 = vector.shape_cast %select_n3A_72 : vector<16xi32> to vector<16x1xi32>
    %gather3A_74 = vector.shape_cast %broadcast_in_dim3A_73 : vector<16x1xi32> to vector<16xi32>
    %gather3A_75 = tpu.dynamic_gather %parallel_loop3A_17#5[%gather3A_74] in [0] : vector<16xi32>, vector<16xi32> -> vector<16xi32>
    %lt3A_76 = arith.constant 0 : i32
    %lt3A_77 = vector.broadcast %lt3A_76 : i32 to vector<16xi32>
    %lt3A_78 = arith.cmpi slt, %xor3A_19, %lt3A_77 : vector<16xi32>
    %add3A_79 = arith.constant 16 : i32
    %add3A_80 = vector.broadcast %add3A_79 : i32 to vector<16xi32>
    %add3A_81 = arith.addi %xor3A_19, %add3A_80 : vector<16xi32>
    %select_n3A_82 = arith.select %lt3A_78, %add3A_81, %xor3A_19 : vector<16xi1>, vector<16xi32>
    %broadcast_in_dim3A_83 = vector.shape_cast %select_n3A_82 : vector<16xi32> to vector<16x1xi32>
    %gather3A_84 = vector.shape_cast %broadcast_in_dim3A_83 : vector<16x1xi32> to vector<16xi32>
    %gather3A_85 = tpu.dynamic_gather %parallel_loop3A_17#6[%gather3A_84] in [0] : vector<16xf32>, vector<16xi32> -> vector<16xf32>
    %lt3A_86 = arith.constant 0 : i32
    %lt3A_87 = vector.broadcast %lt3A_86 : i32 to vector<16xi32>
    %lt3A_88 = arith.cmpi slt, %xor3A_19, %lt3A_87 : vector<16xi32>
    %add3A_89 = arith.constant 16 : i32
    %add3A_90 = vector.broadcast %add3A_89 : i32 to vector<16xi32>
    %add3A_91 = arith.addi %xor3A_19, %add3A_90 : vector<16xi32>
    %select_n3A_92 = arith.select %lt3A_88, %add3A_91, %xor3A_19 : vector<16xi1>, vector<16xi32>
    %broadcast_in_dim3A_93 = vector.shape_cast %select_n3A_92 : vector<16xi32> to vector<16x1xi32>
    %gather3A_94 = vector.shape_cast %broadcast_in_dim3A_93 : vector<16x1xi32> to vector<16xi32>
    %gather3A_95 = tpu.dynamic_gather %parallel_loop3A_17#7[%gather3A_94] in [0] : vector<16xi32>, vector<16xi32> -> vector<16xi32>
    %gt3A = arith.cmpf ogt, %gather3A_85, %parallel_loop3A_17#0 : vector<16xf32>
    %eq3A = arith.cmpf oeq, %gather3A_85, %parallel_loop3A_17#0 : vector<16xf32>
    %lt3A_96 = arith.cmpi slt, %gather3A_95, %parallel_loop3A_17#1 : vector<16xi32>
    %and3A = arith.andi %eq3A, %lt3A_96 : vector<16xi1>
    %or3A = arith.ori %gt3A, %and3A : vector<16xi1>
    %select_n3A_97 = arith.select %or3A, %gather3A_85, %parallel_loop3A_17#0 : vector<16xi1>, vector<16xf32>
    %select_n3A_98 = arith.select %or3A, %gather3A_95, %parallel_loop3A_17#1 : vector<16xi1>, vector<16xi32>
    %gt3A_99 = arith.cmpf ogt, %gather3A_65, %parallel_loop3A_17#2 : vector<16xf32>
    %eq3A_100 = arith.cmpf oeq, %gather3A_65, %parallel_loop3A_17#2 : vector<16xf32>
    %lt3A_101 = arith.cmpi slt, %gather3A_75, %parallel_loop3A_17#3 : vector<16xi32>
    %and3A_102 = arith.andi %eq3A_100, %lt3A_101 : vector<16xi1>
    %or3A_103 = arith.ori %gt3A_99, %and3A_102 : vector<16xi1>
    %select_n3A_104 = arith.select %or3A_103, %gather3A_65, %parallel_loop3A_17#2 : vector<16xi1>, vector<16xf32>
    %select_n3A_105 = arith.select %or3A_103, %gather3A_75, %parallel_loop3A_17#3 : vector<16xi1>, vector<16xi32>
    %gt3A_106 = arith.cmpf ogt, %gather3A_45, %parallel_loop3A_17#4 : vector<16xf32>
    %eq3A_107 = arith.cmpf oeq, %gather3A_45, %parallel_loop3A_17#4 : vector<16xf32>
    %lt3A_108 = arith.cmpi slt, %gather3A_55, %parallel_loop3A_17#5 : vector<16xi32>
    %and3A_109 = arith.andi %eq3A_107, %lt3A_108 : vector<16xi1>
    %or3A_110 = arith.ori %gt3A_106, %and3A_109 : vector<16xi1>
    %select_n3A_111 = arith.select %or3A_110, %gather3A_45, %parallel_loop3A_17#4 : vector<16xi1>, vector<16xf32>
    %select_n3A_112 = arith.select %or3A_110, %gather3A_55, %parallel_loop3A_17#5 : vector<16xi1>, vector<16xi32>
    %gt3A_113 = arith.cmpf ogt, %gather3A_25, %parallel_loop3A_17#6 : vector<16xf32>
    %eq3A_114 = arith.cmpf oeq, %gather3A_25, %parallel_loop3A_17#6 : vector<16xf32>
    %lt3A_115 = arith.cmpi slt, %gather3A_35, %parallel_loop3A_17#7 : vector<16xi32>
    %and3A_116 = arith.andi %eq3A_114, %lt3A_115 : vector<16xi1>
    %or3A_117 = arith.ori %gt3A_113, %and3A_116 : vector<16xi1>
    %select_n3A_118 = arith.select %or3A_117, %gather3A_25, %parallel_loop3A_17#6 : vector<16xi1>, vector<16xf32>
    %select_n3A_119 = arith.select %or3A_117, %gather3A_35, %parallel_loop3A_17#7 : vector<16xi1>, vector<16xi32>
    %gt3A_120 = arith.cmpf ogt, %select_n3A_111, %select_n3A_97 : vector<16xf32>
    %eq3A_121 = arith.cmpf oeq, %select_n3A_111, %select_n3A_97 : vector<16xf32>
    %lt3A_122 = arith.cmpi slt, %select_n3A_112, %select_n3A_98 : vector<16xi32>
    %and3A_123 = arith.andi %eq3A_121, %lt3A_122 : vector<16xi1>
    %or3A_124 = arith.ori %gt3A_120, %and3A_123 : vector<16xi1>
    %select_n3A_125 = arith.select %or3A_124, %select_n3A_111, %select_n3A_97 : vector<16xi1>, vector<16xf32>
    %select_n3A_126 = arith.select %or3A_124, %select_n3A_112, %select_n3A_98 : vector<16xi1>, vector<16xi32>
    %select_n3A_127 = arith.select %or3A_124, %select_n3A_97, %select_n3A_111 : vector<16xi1>, vector<16xf32>
    %select_n3A_128 = arith.select %or3A_124, %select_n3A_98, %select_n3A_112 : vector<16xi1>, vector<16xi32>
    %gt3A_129 = arith.cmpf ogt, %select_n3A_118, %select_n3A_104 : vector<16xf32>
    %eq3A_130 = arith.cmpf oeq, %select_n3A_118, %select_n3A_104 : vector<16xf32>
    %lt3A_131 = arith.cmpi slt, %select_n3A_119, %select_n3A_105 : vector<16xi32>
    %and3A_132 = arith.andi %eq3A_130, %lt3A_131 : vector<16xi1>
    %or3A_133 = arith.ori %gt3A_129, %and3A_132 : vector<16xi1>
    %select_n3A_134 = arith.select %or3A_133, %select_n3A_118, %select_n3A_104 : vector<16xi1>, vector<16xf32>
    %select_n3A_135 = arith.select %or3A_133, %select_n3A_119, %select_n3A_105 : vector<16xi1>, vector<16xi32>
    %select_n3A_136 = arith.select %or3A_133, %select_n3A_104, %select_n3A_118 : vector<16xi1>, vector<16xf32>
    %select_n3A_137 = arith.select %or3A_133, %select_n3A_105, %select_n3A_119 : vector<16xi1>, vector<16xi32>
    %gt3A_138 = arith.cmpf ogt, %select_n3A_134, %select_n3A_125 : vector<16xf32>
    %eq3A_139 = arith.cmpf oeq, %select_n3A_134, %select_n3A_125 : vector<16xf32>
    %lt3A_140 = arith.cmpi slt, %select_n3A_135, %select_n3A_126 : vector<16xi32>
    %and3A_141 = arith.andi %eq3A_139, %lt3A_140 : vector<16xi1>
    %or3A_142 = arith.ori %gt3A_138, %and3A_141 : vector<16xi1>
    %select_n3A_143 = arith.select %or3A_142, %select_n3A_134, %select_n3A_125 : vector<16xi1>, vector<16xf32>
    %select_n3A_144 = arith.select %or3A_142, %select_n3A_135, %select_n3A_126 : vector<16xi1>, vector<16xi32>
    %select_n3A_145 = arith.select %or3A_142, %select_n3A_125, %select_n3A_134 : vector<16xi1>, vector<16xf32>
    %select_n3A_146 = arith.select %or3A_142, %select_n3A_126, %select_n3A_135 : vector<16xi1>, vector<16xi32>
    %gt3A_147 = arith.cmpf ogt, %select_n3A_136, %select_n3A_127 : vector<16xf32>
    %eq3A_148 = arith.cmpf oeq, %select_n3A_136, %select_n3A_127 : vector<16xf32>
    %lt3A_149 = arith.cmpi slt, %select_n3A_137, %select_n3A_128 : vector<16xi32>
    %and3A_150 = arith.andi %eq3A_148, %lt3A_149 : vector<16xi1>
    %or3A_151 = arith.ori %gt3A_147, %and3A_150 : vector<16xi1>
    %select_n3A_152 = arith.select %or3A_151, %select_n3A_136, %select_n3A_127 : vector<16xi1>, vector<16xf32>
    %select_n3A_153 = arith.select %or3A_151, %select_n3A_137, %select_n3A_128 : vector<16xi1>, vector<16xi32>
    %select_n3A_154 = arith.select %or3A_151, %select_n3A_127, %select_n3A_136 : vector<16xi1>, vector<16xf32>
    %select_n3A_155 = arith.select %or3A_151, %select_n3A_128, %select_n3A_137 : vector<16xi1>, vector<16xi32>
    %xor3A_156 = arith.constant 4 : i32
    %xor3A_157 = vector.broadcast %xor3A_156 : i32 to vector<16xi32>
    %xor3A_158 = arith.xori %iota3A, %xor3A_157 : vector<16xi32>
    %lt3A_159 = arith.constant 0 : i32
    %lt3A_160 = vector.broadcast %lt3A_159 : i32 to vector<16xi32>
    %lt3A_161 = arith.cmpi slt, %xor3A_158, %lt3A_160 : vector<16xi32>
    %add3A_162 = arith.constant 16 : i32
    %add3A_163 = vector.broadcast %add3A_162 : i32 to vector<16xi32>
    %add3A_164 = arith.addi %xor3A_158, %add3A_163 : vector<16xi32>
    %select_n3A_165 = arith.select %lt3A_161, %add3A_164, %xor3A_158 : vector<16xi1>, vector<16xi32>
    %broadcast_in_dim3A_166 = vector.shape_cast %select_n3A_165 : vector<16xi32> to vector<16x1xi32>
    %gather3A_167 = vector.shape_cast %broadcast_in_dim3A_166 : vector<16x1xi32> to vector<16xi32>
    %gather3A_168 = tpu.dynamic_gather %select_n3A_143[%gather3A_167] in [0] : vector<16xf32>, vector<16xi32> -> vector<16xf32>
    %lt3A_169 = arith.constant 0 : i32
    %lt3A_170 = vector.broadcast %lt3A_169 : i32 to vector<16xi32>
    %lt3A_171 = arith.cmpi slt, %xor3A_158, %lt3A_170 : vector<16xi32>
    %add3A_172 = arith.constant 16 : i32
    %add3A_173 = vector.broadcast %add3A_172 : i32 to vector<16xi32>
    %add3A_174 = arith.addi %xor3A_158, %add3A_173 : vector<16xi32>
    %select_n3A_175 = arith.select %lt3A_171, %add3A_174, %xor3A_158 : vector<16xi1>, vector<16xi32>
    %broadcast_in_dim3A_176 = vector.shape_cast %select_n3A_175 : vector<16xi32> to vector<16x1xi32>
    %gather3A_177 = vector.shape_cast %broadcast_in_dim3A_176 : vector<16x1xi32> to vector<16xi32>
    %gather3A_178 = tpu.dynamic_gather %select_n3A_144[%gather3A_177] in [0] : vector<16xi32>, vector<16xi32> -> vector<16xi32>
    %lt3A_179 = arith.constant 0 : i32
    %lt3A_180 = vector.broadcast %lt3A_179 : i32 to vector<16xi32>
    %lt3A_181 = arith.cmpi slt, %xor3A_158, %lt3A_180 : vector<16xi32>
    %add3A_182 = arith.constant 16 : i32
    %add3A_183 = vector.broadcast %add3A_182 : i32 to vector<16xi32>
    %add3A_184 = arith.addi %xor3A_158, %add3A_183 : vector<16xi32>
    %select_n3A_185 = arith.select %lt3A_181, %add3A_184, %xor3A_158 : vector<16xi1>, vector<16xi32>
    %broadcast_in_dim3A_186 = vector.shape_cast %select_n3A_185 : vector<16xi32> to vector<16x1xi32>
    %gather3A_187 = vector.shape_cast %broadcast_in_dim3A_186 : vector<16x1xi32> to vector<16xi32>
    %gather3A_188 = tpu.dynamic_gather %select_n3A_145[%gather3A_187] in [0] : vector<16xf32>, vector<16xi32> -> vector<16xf32>
    %lt3A_189 = arith.constant 0 : i32
    %lt3A_190 = vector.broadcast %lt3A_189 : i32 to vector<16xi32>
    %lt3A_191 = arith.cmpi slt, %xor3A_158, %lt3A_190 : vector<16xi32>
    %add3A_192 = arith.constant 16 : i32
    %add3A_193 = vector.broadcast %add3A_192 : i32 to vector<16xi32>
    %add3A_194 = arith.addi %xor3A_158, %add3A_193 : vector<16xi32>
    %select_n3A_195 = arith.select %lt3A_191, %add3A_194, %xor3A_158 : vector<16xi1>, vector<16xi32>
    %broadcast_in_dim3A_196 = vector.shape_cast %select_n3A_195 : vector<16xi32> to vector<16x1xi32>
    %gather3A_197 = vector.shape_cast %broadcast_in_dim3A_196 : vector<16x1xi32> to vector<16xi32>
    %gather3A_198 = tpu.dynamic_gather %select_n3A_146[%gather3A_197] in [0] : vector<16xi32>, vector<16xi32> -> vector<16xi32>
    %lt3A_199 = arith.constant 0 : i32
    %lt3A_200 = vector.broadcast %lt3A_199 : i32 to vector<16xi32>
    %lt3A_201 = arith.cmpi slt, %xor3A_158, %lt3A_200 : vector<16xi32>
    %add3A_202 = arith.constant 16 : i32
    %add3A_203 = vector.broadcast %add3A_202 : i32 to vector<16xi32>
    %add3A_204 = arith.addi %xor3A_158, %add3A_203 : vector<16xi32>
    %select_n3A_205 = arith.select %lt3A_201, %add3A_204, %xor3A_158 : vector<16xi1>, vector<16xi32>
    %broadcast_in_dim3A_206 = vector.shape_cast %select_n3A_205 : vector<16xi32> to vector<16x1xi32>
    %gather3A_207 = vector.shape_cast %broadcast_in_dim3A_206 : vector<16x1xi32> to vector<16xi32>
    %gather3A_208 = tpu.dynamic_gather %select_n3A_152[%gather3A_207] in [0] : vector<16xf32>, vector<16xi32> -> vector<16xf32>
    %lt3A_209 = arith.constant 0 : i32
    %lt3A_210 = vector.broadcast %lt3A_209 : i32 to vector<16xi32>
    %lt3A_211 = arith.cmpi slt, %xor3A_158, %lt3A_210 : vector<16xi32>
    %add3A_212 = arith.constant 16 : i32
    %add3A_213 = vector.broadcast %add3A_212 : i32 to vector<16xi32>
    %add3A_214 = arith.addi %xor3A_158, %add3A_213 : vector<16xi32>
    %select_n3A_215 = arith.select %lt3A_211, %add3A_214, %xor3A_158 : vector<16xi1>, vector<16xi32>
    %broadcast_in_dim3A_216 = vector.shape_cast %select_n3A_215 : vector<16xi32> to vector<16x1xi32>
    %gather3A_217 = vector.shape_cast %broadcast_in_dim3A_216 : vector<16x1xi32> to vector<16xi32>
    %gather3A_218 = tpu.dynamic_gather %select_n3A_153[%gather3A_217] in [0] : vector<16xi32>, vector<16xi32> -> vector<16xi32>
    %lt3A_219 = arith.constant 0 : i32
    %lt3A_220 = vector.broadcast %lt3A_219 : i32 to vector<16xi32>
    %lt3A_221 = arith.cmpi slt, %xor3A_158, %lt3A_220 : vector<16xi32>
    %add3A_222 = arith.constant 16 : i32
    %add3A_223 = vector.broadcast %add3A_222 : i32 to vector<16xi32>
    %add3A_224 = arith.addi %xor3A_158, %add3A_223 : vector<16xi32>
    %select_n3A_225 = arith.select %lt3A_221, %add3A_224, %xor3A_158 : vector<16xi1>, vector<16xi32>
    %broadcast_in_dim3A_226 = vector.shape_cast %select_n3A_225 : vector<16xi32> to vector<16x1xi32>
    %gather3A_227 = vector.shape_cast %broadcast_in_dim3A_226 : vector<16x1xi32> to vector<16xi32>
    %gather3A_228 = tpu.dynamic_gather %select_n3A_154[%gather3A_227] in [0] : vector<16xf32>, vector<16xi32> -> vector<16xf32>
    %lt3A_229 = arith.constant 0 : i32
    %lt3A_230 = vector.broadcast %lt3A_229 : i32 to vector<16xi32>
    %lt3A_231 = arith.cmpi slt, %xor3A_158, %lt3A_230 : vector<16xi32>
    %add3A_232 = arith.constant 16 : i32
    %add3A_233 = vector.broadcast %add3A_232 : i32 to vector<16xi32>
    %add3A_234 = arith.addi %xor3A_158, %add3A_233 : vector<16xi32>
    %select_n3A_235 = arith.select %lt3A_231, %add3A_234, %xor3A_158 : vector<16xi1>, vector<16xi32>
    %broadcast_in_dim3A_236 = vector.shape_cast %select_n3A_235 : vector<16xi32> to vector<16x1xi32>
    %gather3A_237 = vector.shape_cast %broadcast_in_dim3A_236 : vector<16x1xi32> to vector<16xi32>
    %gather3A_238 = tpu.dynamic_gather %select_n3A_155[%gather3A_237] in [0] : vector<16xi32>, vector<16xi32> -> vector<16xi32>
    %gt3A_239 = arith.cmpf ogt, %gather3A_228, %select_n3A_143 : vector<16xf32>
    %eq3A_240 = arith.cmpf oeq, %gather3A_228, %select_n3A_143 : vector<16xf32>
    %lt3A_241 = arith.cmpi slt, %gather3A_238, %select_n3A_144 : vector<16xi32>
    %and3A_242 = arith.andi %eq3A_240, %lt3A_241 : vector<16xi1>
    %or3A_243 = arith.ori %gt3A_239, %and3A_242 : vector<16xi1>
    %select_n3A_244 = arith.select %or3A_243, %gather3A_228, %select_n3A_143 : vector<16xi1>, vector<16xf32>
    %select_n3A_245 = arith.select %or3A_243, %gather3A_238, %select_n3A_144 : vector<16xi1>, vector<16xi32>
    %gt3A_246 = arith.cmpf ogt, %gather3A_208, %select_n3A_145 : vector<16xf32>
    %eq3A_247 = arith.cmpf oeq, %gather3A_208, %select_n3A_145 : vector<16xf32>
    %lt3A_248 = arith.cmpi slt, %gather3A_218, %select_n3A_146 : vector<16xi32>
    %and3A_249 = arith.andi %eq3A_247, %lt3A_248 : vector<16xi1>
    %or3A_250 = arith.ori %gt3A_246, %and3A_249 : vector<16xi1>
    %select_n3A_251 = arith.select %or3A_250, %gather3A_208, %select_n3A_145 : vector<16xi1>, vector<16xf32>
    %select_n3A_252 = arith.select %or3A_250, %gather3A_218, %select_n3A_146 : vector<16xi1>, vector<16xi32>
    %gt3A_253 = arith.cmpf ogt, %gather3A_188, %select_n3A_152 : vector<16xf32>
    %eq3A_254 = arith.cmpf oeq, %gather3A_188, %select_n3A_152 : vector<16xf32>
    %lt3A_255 = arith.cmpi slt, %gather3A_198, %select_n3A_153 : vector<16xi32>
    %and3A_256 = arith.andi %eq3A_254, %lt3A_255 : vector<16xi1>
    %or3A_257 = arith.ori %gt3A_253, %and3A_256 : vector<16xi1>
    %select_n3A_258 = arith.select %or3A_257, %gather3A_188, %select_n3A_152 : vector<16xi1>, vector<16xf32>
    %select_n3A_259 = arith.select %or3A_257, %gather3A_198, %select_n3A_153 : vector<16xi1>, vector<16xi32>
    %gt3A_260 = arith.cmpf ogt, %gather3A_168, %select_n3A_154 : vector<16xf32>
    %eq3A_261 = arith.cmpf oeq, %gather3A_168, %select_n3A_154 : vector<16xf32>
    %lt3A_262 = arith.cmpi slt, %gather3A_178, %select_n3A_155 : vector<16xi32>
    %and3A_263 = arith.andi %eq3A_261, %lt3A_262 : vector<16xi1>
    %or3A_264 = arith.ori %gt3A_260, %and3A_263 : vector<16xi1>
    %select_n3A_265 = arith.select %or3A_264, %gather3A_168, %select_n3A_154 : vector<16xi1>, vector<16xf32>
    %select_n3A_266 = arith.select %or3A_264, %gather3A_178, %select_n3A_155 : vector<16xi1>, vector<16xi32>
    %gt3A_267 = arith.cmpf ogt, %select_n3A_258, %select_n3A_244 : vector<16xf32>
    %eq3A_268 = arith.cmpf oeq, %select_n3A_258, %select_n3A_244 : vector<16xf32>
    %lt3A_269 = arith.cmpi slt, %select_n3A_259, %select_n3A_245 : vector<16xi32>
    %and3A_270 = arith.andi %eq3A_268, %lt3A_269 : vector<16xi1>
    %or3A_271 = arith.ori %gt3A_267, %and3A_270 : vector<16xi1>
    %select_n3A_272 = arith.select %or3A_271, %select_n3A_258, %select_n3A_244 : vector<16xi1>, vector<16xf32>
    %select_n3A_273 = arith.select %or3A_271, %select_n3A_259, %select_n3A_245 : vector<16xi1>, vector<16xi32>
    %select_n3A_274 = arith.select %or3A_271, %select_n3A_244, %select_n3A_258 : vector<16xi1>, vector<16xf32>
    %select_n3A_275 = arith.select %or3A_271, %select_n3A_245, %select_n3A_259 : vector<16xi1>, vector<16xi32>
    %gt3A_276 = arith.cmpf ogt, %select_n3A_265, %select_n3A_251 : vector<16xf32>
    %eq3A_277 = arith.cmpf oeq, %select_n3A_265, %select_n3A_251 : vector<16xf32>
    %lt3A_278 = arith.cmpi slt, %select_n3A_266, %select_n3A_252 : vector<16xi32>
    %and3A_279 = arith.andi %eq3A_277, %lt3A_278 : vector<16xi1>
    %or3A_280 = arith.ori %gt3A_276, %and3A_279 : vector<16xi1>
    %select_n3A_281 = arith.select %or3A_280, %select_n3A_265, %select_n3A_251 : vector<16xi1>, vector<16xf32>
    %select_n3A_282 = arith.select %or3A_280, %select_n3A_266, %select_n3A_252 : vector<16xi1>, vector<16xi32>
    %select_n3A_283 = arith.select %or3A_280, %select_n3A_251, %select_n3A_265 : vector<16xi1>, vector<16xf32>
    %select_n3A_284 = arith.select %or3A_280, %select_n3A_252, %select_n3A_266 : vector<16xi1>, vector<16xi32>
    %gt3A_285 = arith.cmpf ogt, %select_n3A_281, %select_n3A_272 : vector<16xf32>
    %eq3A_286 = arith.cmpf oeq, %select_n3A_281, %select_n3A_272 : vector<16xf32>
    %lt3A_287 = arith.cmpi slt, %select_n3A_282, %select_n3A_273 : vector<16xi32>
    %and3A_288 = arith.andi %eq3A_286, %lt3A_287 : vector<16xi1>
    %or3A_289 = arith.ori %gt3A_285, %and3A_288 : vector<16xi1>
    %select_n3A_290 = arith.select %or3A_289, %select_n3A_281, %select_n3A_272 : vector<16xi1>, vector<16xf32>
    %select_n3A_291 = arith.select %or3A_289, %select_n3A_282, %select_n3A_273 : vector<16xi1>, vector<16xi32>
    %select_n3A_292 = arith.select %or3A_289, %select_n3A_272, %select_n3A_281 : vector<16xi1>, vector<16xf32>
    %select_n3A_293 = arith.select %or3A_289, %select_n3A_273, %select_n3A_282 : vector<16xi1>, vector<16xi32>
    %gt3A_294 = arith.cmpf ogt, %select_n3A_283, %select_n3A_274 : vector<16xf32>
    %eq3A_295 = arith.cmpf oeq, %select_n3A_283, %select_n3A_274 : vector<16xf32>
    %lt3A_296 = arith.cmpi slt, %select_n3A_284, %select_n3A_275 : vector<16xi32>
    %and3A_297 = arith.andi %eq3A_295, %lt3A_296 : vector<16xi1>
    %or3A_298 = arith.ori %gt3A_294, %and3A_297 : vector<16xi1>
    %select_n3A_299 = arith.select %or3A_298, %select_n3A_283, %select_n3A_274 : vector<16xi1>, vector<16xf32>
    %select_n3A_300 = arith.select %or3A_298, %select_n3A_284, %select_n3A_275 : vector<16xi1>, vector<16xi32>
    %select_n3A_301 = arith.select %or3A_298, %select_n3A_274, %select_n3A_283 : vector<16xi1>, vector<16xf32>
    %select_n3A_302 = arith.select %or3A_298, %select_n3A_275, %select_n3A_284 : vector<16xi1>, vector<16xi32>
    %xor3A_303 = arith.constant 2 : i32
    %xor3A_304 = vector.broadcast %xor3A_303 : i32 to vector<16xi32>
    %xor3A_305 = arith.xori %iota3A, %xor3A_304 : vector<16xi32>
    %lt3A_306 = arith.constant 0 : i32
    %lt3A_307 = vector.broadcast %lt3A_306 : i32 to vector<16xi32>
    %lt3A_308 = arith.cmpi slt, %xor3A_305, %lt3A_307 : vector<16xi32>
    %add3A_309 = arith.constant 16 : i32
    %add3A_310 = vector.broadcast %add3A_309 : i32 to vector<16xi32>
    %add3A_311 = arith.addi %xor3A_305, %add3A_310 : vector<16xi32>
    %select_n3A_312 = arith.select %lt3A_308, %add3A_311, %xor3A_305 : vector<16xi1>, vector<16xi32>
    %broadcast_in_dim3A_313 = vector.shape_cast %select_n3A_312 : vector<16xi32> to vector<16x1xi32>
    %gather3A_314 = vector.shape_cast %broadcast_in_dim3A_313 : vector<16x1xi32> to vector<16xi32>
    %gather3A_315 = tpu.dynamic_gather %select_n3A_290[%gather3A_314] in [0] : vector<16xf32>, vector<16xi32> -> vector<16xf32>
    %lt3A_316 = arith.constant 0 : i32
    %lt3A_317 = vector.broadcast %lt3A_316 : i32 to vector<16xi32>
    %lt3A_318 = arith.cmpi slt, %xor3A_305, %lt3A_317 : vector<16xi32>
    %add3A_319 = arith.constant 16 : i32
    %add3A_320 = vector.broadcast %add3A_319 : i32 to vector<16xi32>
    %add3A_321 = arith.addi %xor3A_305, %add3A_320 : vector<16xi32>
    %select_n3A_322 = arith.select %lt3A_318, %add3A_321, %xor3A_305 : vector<16xi1>, vector<16xi32>
    %broadcast_in_dim3A_323 = vector.shape_cast %select_n3A_322 : vector<16xi32> to vector<16x1xi32>
    %gather3A_324 = vector.shape_cast %broadcast_in_dim3A_323 : vector<16x1xi32> to vector<16xi32>
    %gather3A_325 = tpu.dynamic_gather %select_n3A_291[%gather3A_324] in [0] : vector<16xi32>, vector<16xi32> -> vector<16xi32>
    %lt3A_326 = arith.constant 0 : i32
    %lt3A_327 = vector.broadcast %lt3A_326 : i32 to vector<16xi32>
    %lt3A_328 = arith.cmpi slt, %xor3A_305, %lt3A_327 : vector<16xi32>
    %add3A_329 = arith.constant 16 : i32
    %add3A_330 = vector.broadcast %add3A_329 : i32 to vector<16xi32>
    %add3A_331 = arith.addi %xor3A_305, %add3A_330 : vector<16xi32>
    %select_n3A_332 = arith.select %lt3A_328, %add3A_331, %xor3A_305 : vector<16xi1>, vector<16xi32>
    %broadcast_in_dim3A_333 = vector.shape_cast %select_n3A_332 : vector<16xi32> to vector<16x1xi32>
    %gather3A_334 = vector.shape_cast %broadcast_in_dim3A_333 : vector<16x1xi32> to vector<16xi32>
    %gather3A_335 = tpu.dynamic_gather %select_n3A_292[%gather3A_334] in [0] : vector<16xf32>, vector<16xi32> -> vector<16xf32>
    %lt3A_336 = arith.constant 0 : i32
    %lt3A_337 = vector.broadcast %lt3A_336 : i32 to vector<16xi32>
    %lt3A_338 = arith.cmpi slt, %xor3A_305, %lt3A_337 : vector<16xi32>
    %add3A_339 = arith.constant 16 : i32
    %add3A_340 = vector.broadcast %add3A_339 : i32 to vector<16xi32>
    %add3A_341 = arith.addi %xor3A_305, %add3A_340 : vector<16xi32>
    %select_n3A_342 = arith.select %lt3A_338, %add3A_341, %xor3A_305 : vector<16xi1>, vector<16xi32>
    %broadcast_in_dim3A_343 = vector.shape_cast %select_n3A_342 : vector<16xi32> to vector<16x1xi32>
    %gather3A_344 = vector.shape_cast %broadcast_in_dim3A_343 : vector<16x1xi32> to vector<16xi32>
    %gather3A_345 = tpu.dynamic_gather %select_n3A_293[%gather3A_344] in [0] : vector<16xi32>, vector<16xi32> -> vector<16xi32>
    %lt3A_346 = arith.constant 0 : i32
    %lt3A_347 = vector.broadcast %lt3A_346 : i32 to vector<16xi32>
    %lt3A_348 = arith.cmpi slt, %xor3A_305, %lt3A_347 : vector<16xi32>
    %add3A_349 = arith.constant 16 : i32
    %add3A_350 = vector.broadcast %add3A_349 : i32 to vector<16xi32>
    %add3A_351 = arith.addi %xor3A_305, %add3A_350 : vector<16xi32>
    %select_n3A_352 = arith.select %lt3A_348, %add3A_351, %xor3A_305 : vector<16xi1>, vector<16xi32>
    %broadcast_in_dim3A_353 = vector.shape_cast %select_n3A_352 : vector<16xi32> to vector<16x1xi32>
    %gather3A_354 = vector.shape_cast %broadcast_in_dim3A_353 : vector<16x1xi32> to vector<16xi32>
    %gather3A_355 = tpu.dynamic_gather %select_n3A_299[%gather3A_354] in [0] : vector<16xf32>, vector<16xi32> -> vector<16xf32>
    %lt3A_356 = arith.constant 0 : i32
    %lt3A_357 = vector.broadcast %lt3A_356 : i32 to vector<16xi32>
    %lt3A_358 = arith.cmpi slt, %xor3A_305, %lt3A_357 : vector<16xi32>
    %add3A_359 = arith.constant 16 : i32
    %add3A_360 = vector.broadcast %add3A_359 : i32 to vector<16xi32>
    %add3A_361 = arith.addi %xor3A_305, %add3A_360 : vector<16xi32>
    %select_n3A_362 = arith.select %lt3A_358, %add3A_361, %xor3A_305 : vector<16xi1>, vector<16xi32>
    %broadcast_in_dim3A_363 = vector.shape_cast %select_n3A_362 : vector<16xi32> to vector<16x1xi32>
    %gather3A_364 = vector.shape_cast %broadcast_in_dim3A_363 : vector<16x1xi32> to vector<16xi32>
    %gather3A_365 = tpu.dynamic_gather %select_n3A_300[%gather3A_364] in [0] : vector<16xi32>, vector<16xi32> -> vector<16xi32>
    %lt3A_366 = arith.constant 0 : i32
    %lt3A_367 = vector.broadcast %lt3A_366 : i32 to vector<16xi32>
    %lt3A_368 = arith.cmpi slt, %xor3A_305, %lt3A_367 : vector<16xi32>
    %add3A_369 = arith.constant 16 : i32
    %add3A_370 = vector.broadcast %add3A_369 : i32 to vector<16xi32>
    %add3A_371 = arith.addi %xor3A_305, %add3A_370 : vector<16xi32>
    %select_n3A_372 = arith.select %lt3A_368, %add3A_371, %xor3A_305 : vector<16xi1>, vector<16xi32>
    %broadcast_in_dim3A_373 = vector.shape_cast %select_n3A_372 : vector<16xi32> to vector<16x1xi32>
    %gather3A_374 = vector.shape_cast %broadcast_in_dim3A_373 : vector<16x1xi32> to vector<16xi32>
    %gather3A_375 = tpu.dynamic_gather %select_n3A_301[%gather3A_374] in [0] : vector<16xf32>, vector<16xi32> -> vector<16xf32>
    %lt3A_376 = arith.constant 0 : i32
    %lt3A_377 = vector.broadcast %lt3A_376 : i32 to vector<16xi32>
    %lt3A_378 = arith.cmpi slt, %xor3A_305, %lt3A_377 : vector<16xi32>
    %add3A_379 = arith.constant 16 : i32
    %add3A_380 = vector.broadcast %add3A_379 : i32 to vector<16xi32>
    %add3A_381 = arith.addi %xor3A_305, %add3A_380 : vector<16xi32>
    %select_n3A_382 = arith.select %lt3A_378, %add3A_381, %xor3A_305 : vector<16xi1>, vector<16xi32>
    %broadcast_in_dim3A_383 = vector.shape_cast %select_n3A_382 : vector<16xi32> to vector<16x1xi32>
    %gather3A_384 = vector.shape_cast %broadcast_in_dim3A_383 : vector<16x1xi32> to vector<16xi32>
    %gather3A_385 = tpu.dynamic_gather %select_n3A_302[%gather3A_384] in [0] : vector<16xi32>, vector<16xi32> -> vector<16xi32>
    %gt3A_386 = arith.cmpf ogt, %gather3A_375, %select_n3A_290 : vector<16xf32>
    %eq3A_387 = arith.cmpf oeq, %gather3A_375, %select_n3A_290 : vector<16xf32>
    %lt3A_388 = arith.cmpi slt, %gather3A_385, %select_n3A_291 : vector<16xi32>
    %and3A_389 = arith.andi %eq3A_387, %lt3A_388 : vector<16xi1>
    %or3A_390 = arith.ori %gt3A_386, %and3A_389 : vector<16xi1>
    %select_n3A_391 = arith.select %or3A_390, %gather3A_375, %select_n3A_290 : vector<16xi1>, vector<16xf32>
    %select_n3A_392 = arith.select %or3A_390, %gather3A_385, %select_n3A_291 : vector<16xi1>, vector<16xi32>
    %gt3A_393 = arith.cmpf ogt, %gather3A_355, %select_n3A_292 : vector<16xf32>
    %eq3A_394 = arith.cmpf oeq, %gather3A_355, %select_n3A_292 : vector<16xf32>
    %lt3A_395 = arith.cmpi slt, %gather3A_365, %select_n3A_293 : vector<16xi32>
    %and3A_396 = arith.andi %eq3A_394, %lt3A_395 : vector<16xi1>
    %or3A_397 = arith.ori %gt3A_393, %and3A_396 : vector<16xi1>
    %select_n3A_398 = arith.select %or3A_397, %gather3A_355, %select_n3A_292 : vector<16xi1>, vector<16xf32>
    %select_n3A_399 = arith.select %or3A_397, %gather3A_365, %select_n3A_293 : vector<16xi1>, vector<16xi32>
    %gt3A_400 = arith.cmpf ogt, %gather3A_335, %select_n3A_299 : vector<16xf32>
    %eq3A_401 = arith.cmpf oeq, %gather3A_335, %select_n3A_299 : vector<16xf32>
    %lt3A_402 = arith.cmpi slt, %gather3A_345, %select_n3A_300 : vector<16xi32>
    %and3A_403 = arith.andi %eq3A_401, %lt3A_402 : vector<16xi1>
    %or3A_404 = arith.ori %gt3A_400, %and3A_403 : vector<16xi1>
    %select_n3A_405 = arith.select %or3A_404, %gather3A_335, %select_n3A_299 : vector<16xi1>, vector<16xf32>
    %select_n3A_406 = arith.select %or3A_404, %gather3A_345, %select_n3A_300 : vector<16xi1>, vector<16xi32>
    %gt3A_407 = arith.cmpf ogt, %gather3A_315, %select_n3A_301 : vector<16xf32>
    %eq3A_408 = arith.cmpf oeq, %gather3A_315, %select_n3A_301 : vector<16xf32>
    %lt3A_409 = arith.cmpi slt, %gather3A_325, %select_n3A_302 : vector<16xi32>
    %and3A_410 = arith.andi %eq3A_408, %lt3A_409 : vector<16xi1>
    %or3A_411 = arith.ori %gt3A_407, %and3A_410 : vector<16xi1>
    %select_n3A_412 = arith.select %or3A_411, %gather3A_315, %select_n3A_301 : vector<16xi1>, vector<16xf32>
    %select_n3A_413 = arith.select %or3A_411, %gather3A_325, %select_n3A_302 : vector<16xi1>, vector<16xi32>
    %gt3A_414 = arith.cmpf ogt, %select_n3A_405, %select_n3A_391 : vector<16xf32>
    %eq3A_415 = arith.cmpf oeq, %select_n3A_405, %select_n3A_391 : vector<16xf32>
    %lt3A_416 = arith.cmpi slt, %select_n3A_406, %select_n3A_392 : vector<16xi32>
    %and3A_417 = arith.andi %eq3A_415, %lt3A_416 : vector<16xi1>
    %or3A_418 = arith.ori %gt3A_414, %and3A_417 : vector<16xi1>
    %select_n3A_419 = arith.select %or3A_418, %select_n3A_405, %select_n3A_391 : vector<16xi1>, vector<16xf32>
    %select_n3A_420 = arith.select %or3A_418, %select_n3A_406, %select_n3A_392 : vector<16xi1>, vector<16xi32>
    %select_n3A_421 = arith.select %or3A_418, %select_n3A_391, %select_n3A_405 : vector<16xi1>, vector<16xf32>
    %select_n3A_422 = arith.select %or3A_418, %select_n3A_392, %select_n3A_406 : vector<16xi1>, vector<16xi32>
    %gt3A_423 = arith.cmpf ogt, %select_n3A_412, %select_n3A_398 : vector<16xf32>
    %eq3A_424 = arith.cmpf oeq, %select_n3A_412, %select_n3A_398 : vector<16xf32>
    %lt3A_425 = arith.cmpi slt, %select_n3A_413, %select_n3A_399 : vector<16xi32>
    %and3A_426 = arith.andi %eq3A_424, %lt3A_425 : vector<16xi1>
    %or3A_427 = arith.ori %gt3A_423, %and3A_426 : vector<16xi1>
    %select_n3A_428 = arith.select %or3A_427, %select_n3A_412, %select_n3A_398 : vector<16xi1>, vector<16xf32>
    %select_n3A_429 = arith.select %or3A_427, %select_n3A_413, %select_n3A_399 : vector<16xi1>, vector<16xi32>
    %select_n3A_430 = arith.select %or3A_427, %select_n3A_398, %select_n3A_412 : vector<16xi1>, vector<16xf32>
    %select_n3A_431 = arith.select %or3A_427, %select_n3A_399, %select_n3A_413 : vector<16xi1>, vector<16xi32>
    %gt3A_432 = arith.cmpf ogt, %select_n3A_428, %select_n3A_419 : vector<16xf32>
    %eq3A_433 = arith.cmpf oeq, %select_n3A_428, %select_n3A_419 : vector<16xf32>
    %lt3A_434 = arith.cmpi slt, %select_n3A_429, %select_n3A_420 : vector<16xi32>
    %and3A_435 = arith.andi %eq3A_433, %lt3A_434 : vector<16xi1>
    %or3A_436 = arith.ori %gt3A_432, %and3A_435 : vector<16xi1>
    %select_n3A_437 = arith.select %or3A_436, %select_n3A_428, %select_n3A_419 : vector<16xi1>, vector<16xf32>
    %select_n3A_438 = arith.select %or3A_436, %select_n3A_429, %select_n3A_420 : vector<16xi1>, vector<16xi32>
    %select_n3A_439 = arith.select %or3A_436, %select_n3A_419, %select_n3A_428 : vector<16xi1>, vector<16xf32>
    %select_n3A_440 = arith.select %or3A_436, %select_n3A_420, %select_n3A_429 : vector<16xi1>, vector<16xi32>
    %gt3A_441 = arith.cmpf ogt, %select_n3A_430, %select_n3A_421 : vector<16xf32>
    %eq3A_442 = arith.cmpf oeq, %select_n3A_430, %select_n3A_421 : vector<16xf32>
    %lt3A_443 = arith.cmpi slt, %select_n3A_431, %select_n3A_422 : vector<16xi32>
    %and3A_444 = arith.andi %eq3A_442, %lt3A_443 : vector<16xi1>
    %or3A_445 = arith.ori %gt3A_441, %and3A_444 : vector<16xi1>
    %select_n3A_446 = arith.select %or3A_445, %select_n3A_430, %select_n3A_421 : vector<16xi1>, vector<16xf32>
    %select_n3A_447 = arith.select %or3A_445, %select_n3A_431, %select_n3A_422 : vector<16xi1>, vector<16xi32>
    %select_n3A_448 = arith.select %or3A_445, %select_n3A_421, %select_n3A_430 : vector<16xi1>, vector<16xf32>
    %select_n3A_449 = arith.select %or3A_445, %select_n3A_422, %select_n3A_431 : vector<16xi1>, vector<16xi32>
    %xor3A_450 = arith.constant 1 : i32
    %xor3A_451 = vector.broadcast %xor3A_450 : i32 to vector<16xi32>
    %xor3A_452 = arith.xori %iota3A, %xor3A_451 : vector<16xi32>
    %lt3A_453 = arith.constant 0 : i32
    %lt3A_454 = vector.broadcast %lt3A_453 : i32 to vector<16xi32>
    %lt3A_455 = arith.cmpi slt, %xor3A_452, %lt3A_454 : vector<16xi32>
    %add3A_456 = arith.constant 16 : i32
    %add3A_457 = vector.broadcast %add3A_456 : i32 to vector<16xi32>
    %add3A_458 = arith.addi %xor3A_452, %add3A_457 : vector<16xi32>
    %select_n3A_459 = arith.select %lt3A_455, %add3A_458, %xor3A_452 : vector<16xi1>, vector<16xi32>
    %broadcast_in_dim3A_460 = vector.shape_cast %select_n3A_459 : vector<16xi32> to vector<16x1xi32>
    %gather3A_461 = vector.shape_cast %broadcast_in_dim3A_460 : vector<16x1xi32> to vector<16xi32>
    %gather3A_462 = tpu.dynamic_gather %select_n3A_437[%gather3A_461] in [0] : vector<16xf32>, vector<16xi32> -> vector<16xf32>
    %lt3A_463 = arith.constant 0 : i32
    %lt3A_464 = vector.broadcast %lt3A_463 : i32 to vector<16xi32>
    %lt3A_465 = arith.cmpi slt, %xor3A_452, %lt3A_464 : vector<16xi32>
    %add3A_466 = arith.constant 16 : i32
    %add3A_467 = vector.broadcast %add3A_466 : i32 to vector<16xi32>
    %add3A_468 = arith.addi %xor3A_452, %add3A_467 : vector<16xi32>
    %select_n3A_469 = arith.select %lt3A_465, %add3A_468, %xor3A_452 : vector<16xi1>, vector<16xi32>
    %broadcast_in_dim3A_470 = vector.shape_cast %select_n3A_469 : vector<16xi32> to vector<16x1xi32>
    %gather3A_471 = vector.shape_cast %broadcast_in_dim3A_470 : vector<16x1xi32> to vector<16xi32>
    %gather3A_472 = tpu.dynamic_gather %select_n3A_438[%gather3A_471] in [0] : vector<16xi32>, vector<16xi32> -> vector<16xi32>
    %lt3A_473 = arith.constant 0 : i32
    %lt3A_474 = vector.broadcast %lt3A_473 : i32 to vector<16xi32>
    %lt3A_475 = arith.cmpi slt, %xor3A_452, %lt3A_474 : vector<16xi32>
    %add3A_476 = arith.constant 16 : i32
    %add3A_477 = vector.broadcast %add3A_476 : i32 to vector<16xi32>
    %add3A_478 = arith.addi %xor3A_452, %add3A_477 : vector<16xi32>
    %select_n3A_479 = arith.select %lt3A_475, %add3A_478, %xor3A_452 : vector<16xi1>, vector<16xi32>
    %broadcast_in_dim3A_480 = vector.shape_cast %select_n3A_479 : vector<16xi32> to vector<16x1xi32>
    %gather3A_481 = vector.shape_cast %broadcast_in_dim3A_480 : vector<16x1xi32> to vector<16xi32>
    %gather3A_482 = tpu.dynamic_gather %select_n3A_439[%gather3A_481] in [0] : vector<16xf32>, vector<16xi32> -> vector<16xf32>
    %lt3A_483 = arith.constant 0 : i32
    %lt3A_484 = vector.broadcast %lt3A_483 : i32 to vector<16xi32>
    %lt3A_485 = arith.cmpi slt, %xor3A_452, %lt3A_484 : vector<16xi32>
    %add3A_486 = arith.constant 16 : i32
    %add3A_487 = vector.broadcast %add3A_486 : i32 to vector<16xi32>
    %add3A_488 = arith.addi %xor3A_452, %add3A_487 : vector<16xi32>
    %select_n3A_489 = arith.select %lt3A_485, %add3A_488, %xor3A_452 : vector<16xi1>, vector<16xi32>
    %broadcast_in_dim3A_490 = vector.shape_cast %select_n3A_489 : vector<16xi32> to vector<16x1xi32>
    %gather3A_491 = vector.shape_cast %broadcast_in_dim3A_490 : vector<16x1xi32> to vector<16xi32>
    %gather3A_492 = tpu.dynamic_gather %select_n3A_440[%gather3A_491] in [0] : vector<16xi32>, vector<16xi32> -> vector<16xi32>
    %lt3A_493 = arith.constant 0 : i32
    %lt3A_494 = vector.broadcast %lt3A_493 : i32 to vector<16xi32>
    %lt3A_495 = arith.cmpi slt, %xor3A_452, %lt3A_494 : vector<16xi32>
    %add3A_496 = arith.constant 16 : i32
    %add3A_497 = vector.broadcast %add3A_496 : i32 to vector<16xi32>
    %add3A_498 = arith.addi %xor3A_452, %add3A_497 : vector<16xi32>
    %select_n3A_499 = arith.select %lt3A_495, %add3A_498, %xor3A_452 : vector<16xi1>, vector<16xi32>
    %broadcast_in_dim3A_500 = vector.shape_cast %select_n3A_499 : vector<16xi32> to vector<16x1xi32>
    %gather3A_501 = vector.shape_cast %broadcast_in_dim3A_500 : vector<16x1xi32> to vector<16xi32>
    %gather3A_502 = tpu.dynamic_gather %select_n3A_446[%gather3A_501] in [0] : vector<16xf32>, vector<16xi32> -> vector<16xf32>
    %lt3A_503 = arith.constant 0 : i32
    %lt3A_504 = vector.broadcast %lt3A_503 : i32 to vector<16xi32>
    %lt3A_505 = arith.cmpi slt, %xor3A_452, %lt3A_504 : vector<16xi32>
    %add3A_506 = arith.constant 16 : i32
    %add3A_507 = vector.broadcast %add3A_506 : i32 to vector<16xi32>
    %add3A_508 = arith.addi %xor3A_452, %add3A_507 : vector<16xi32>
    %select_n3A_509 = arith.select %lt3A_505, %add3A_508, %xor3A_452 : vector<16xi1>, vector<16xi32>
    %broadcast_in_dim3A_510 = vector.shape_cast %select_n3A_509 : vector<16xi32> to vector<16x1xi32>
    %gather3A_511 = vector.shape_cast %broadcast_in_dim3A_510 : vector<16x1xi32> to vector<16xi32>
    %gather3A_512 = tpu.dynamic_gather %select_n3A_447[%gather3A_511] in [0] : vector<16xi32>, vector<16xi32> -> vector<16xi32>
    %lt3A_513 = arith.constant 0 : i32
    %lt3A_514 = vector.broadcast %lt3A_513 : i32 to vector<16xi32>
    %lt3A_515 = arith.cmpi slt, %xor3A_452, %lt3A_514 : vector<16xi32>
    %add3A_516 = arith.constant 16 : i32
    %add3A_517 = vector.broadcast %add3A_516 : i32 to vector<16xi32>
    %add3A_518 = arith.addi %xor3A_452, %add3A_517 : vector<16xi32>
    %select_n3A_519 = arith.select %lt3A_515, %add3A_518, %xor3A_452 : vector<16xi1>, vector<16xi32>
    %broadcast_in_dim3A_520 = vector.shape_cast %select_n3A_519 : vector<16xi32> to vector<16x1xi32>
    %gather3A_521 = vector.shape_cast %broadcast_in_dim3A_520 : vector<16x1xi32> to vector<16xi32>
    %gather3A_522 = tpu.dynamic_gather %select_n3A_448[%gather3A_521] in [0] : vector<16xf32>, vector<16xi32> -> vector<16xf32>
    %lt3A_523 = arith.constant 0 : i32
    %lt3A_524 = vector.broadcast %lt3A_523 : i32 to vector<16xi32>
    %lt3A_525 = arith.cmpi slt, %xor3A_452, %lt3A_524 : vector<16xi32>
    %add3A_526 = arith.constant 16 : i32
    %add3A_527 = vector.broadcast %add3A_526 : i32 to vector<16xi32>
    %add3A_528 = arith.addi %xor3A_452, %add3A_527 : vector<16xi32>
    %select_n3A_529 = arith.select %lt3A_525, %add3A_528, %xor3A_452 : vector<16xi1>, vector<16xi32>
    %broadcast_in_dim3A_530 = vector.shape_cast %select_n3A_529 : vector<16xi32> to vector<16x1xi32>
    %gather3A_531 = vector.shape_cast %broadcast_in_dim3A_530 : vector<16x1xi32> to vector<16xi32>
    %gather3A_532 = tpu.dynamic_gather %select_n3A_449[%gather3A_531] in [0] : vector<16xi32>, vector<16xi32> -> vector<16xi32>
    %gt3A_533 = arith.cmpf ogt, %gather3A_522, %select_n3A_437 : vector<16xf32>
    %eq3A_534 = arith.cmpf oeq, %gather3A_522, %select_n3A_437 : vector<16xf32>
    %lt3A_535 = arith.cmpi slt, %gather3A_532, %select_n3A_438 : vector<16xi32>
    %and3A_536 = arith.andi %eq3A_534, %lt3A_535 : vector<16xi1>
    %or3A_537 = arith.ori %gt3A_533, %and3A_536 : vector<16xi1>
    %select_n3A_538 = arith.select %or3A_537, %gather3A_522, %select_n3A_437 : vector<16xi1>, vector<16xf32>
    %select_n3A_539 = arith.select %or3A_537, %gather3A_532, %select_n3A_438 : vector<16xi1>, vector<16xi32>
    %gt3A_540 = arith.cmpf ogt, %gather3A_502, %select_n3A_439 : vector<16xf32>
    %eq3A_541 = arith.cmpf oeq, %gather3A_502, %select_n3A_439 : vector<16xf32>
    %lt3A_542 = arith.cmpi slt, %gather3A_512, %select_n3A_440 : vector<16xi32>
    %and3A_543 = arith.andi %eq3A_541, %lt3A_542 : vector<16xi1>
    %or3A_544 = arith.ori %gt3A_540, %and3A_543 : vector<16xi1>
    %select_n3A_545 = arith.select %or3A_544, %gather3A_502, %select_n3A_439 : vector<16xi1>, vector<16xf32>
    %select_n3A_546 = arith.select %or3A_544, %gather3A_512, %select_n3A_440 : vector<16xi1>, vector<16xi32>
    %gt3A_547 = arith.cmpf ogt, %gather3A_482, %select_n3A_446 : vector<16xf32>
    %eq3A_548 = arith.cmpf oeq, %gather3A_482, %select_n3A_446 : vector<16xf32>
    %lt3A_549 = arith.cmpi slt, %gather3A_492, %select_n3A_447 : vector<16xi32>
    %and3A_550 = arith.andi %eq3A_548, %lt3A_549 : vector<16xi1>
    %or3A_551 = arith.ori %gt3A_547, %and3A_550 : vector<16xi1>
    %select_n3A_552 = arith.select %or3A_551, %gather3A_482, %select_n3A_446 : vector<16xi1>, vector<16xf32>
    %select_n3A_553 = arith.select %or3A_551, %gather3A_492, %select_n3A_447 : vector<16xi1>, vector<16xi32>
    %gt3A_554 = arith.cmpf ogt, %gather3A_462, %select_n3A_448 : vector<16xf32>
    %eq3A_555 = arith.cmpf oeq, %gather3A_462, %select_n3A_448 : vector<16xf32>
    %lt3A_556 = arith.cmpi slt, %gather3A_472, %select_n3A_449 : vector<16xi32>
    %and3A_557 = arith.andi %eq3A_555, %lt3A_556 : vector<16xi1>
    %or3A_558 = arith.ori %gt3A_554, %and3A_557 : vector<16xi1>
    %select_n3A_559 = arith.select %or3A_558, %gather3A_462, %select_n3A_448 : vector<16xi1>, vector<16xf32>
    %select_n3A_560 = arith.select %or3A_558, %gather3A_472, %select_n3A_449 : vector<16xi1>, vector<16xi32>
    %gt3A_561 = arith.cmpf ogt, %select_n3A_552, %select_n3A_538 : vector<16xf32>
    %eq3A_562 = arith.cmpf oeq, %select_n3A_552, %select_n3A_538 : vector<16xf32>
    %lt3A_563 = arith.cmpi slt, %select_n3A_553, %select_n3A_539 : vector<16xi32>
    %and3A_564 = arith.andi %eq3A_562, %lt3A_563 : vector<16xi1>
    %or3A_565 = arith.ori %gt3A_561, %and3A_564 : vector<16xi1>
    %select_n3A_566 = arith.select %or3A_565, %select_n3A_552, %select_n3A_538 : vector<16xi1>, vector<16xf32>
    %select_n3A_567 = arith.select %or3A_565, %select_n3A_553, %select_n3A_539 : vector<16xi1>, vector<16xi32>
    %select_n3A_568 = arith.select %or3A_565, %select_n3A_538, %select_n3A_552 : vector<16xi1>, vector<16xf32>
    %select_n3A_569 = arith.select %or3A_565, %select_n3A_539, %select_n3A_553 : vector<16xi1>, vector<16xi32>
    %gt3A_570 = arith.cmpf ogt, %select_n3A_559, %select_n3A_545 : vector<16xf32>
    %eq3A_571 = arith.cmpf oeq, %select_n3A_559, %select_n3A_545 : vector<16xf32>
    %lt3A_572 = arith.cmpi slt, %select_n3A_560, %select_n3A_546 : vector<16xi32>
    %and3A_573 = arith.andi %eq3A_571, %lt3A_572 : vector<16xi1>
    %or3A_574 = arith.ori %gt3A_570, %and3A_573 : vector<16xi1>
    %select_n3A_575 = arith.select %or3A_574, %select_n3A_559, %select_n3A_545 : vector<16xi1>, vector<16xf32>
    %select_n3A_576 = arith.select %or3A_574, %select_n3A_560, %select_n3A_546 : vector<16xi1>, vector<16xi32>
    %select_n3A_577 = arith.select %or3A_574, %select_n3A_545, %select_n3A_559 : vector<16xi1>, vector<16xf32>
    %select_n3A_578 = arith.select %or3A_574, %select_n3A_546, %select_n3A_560 : vector<16xi1>, vector<16xi32>
    %gt3A_579 = arith.cmpf ogt, %select_n3A_575, %select_n3A_566 : vector<16xf32>
    %eq3A_580 = arith.cmpf oeq, %select_n3A_575, %select_n3A_566 : vector<16xf32>
    %lt3A_581 = arith.cmpi slt, %select_n3A_576, %select_n3A_567 : vector<16xi32>
    %and3A_582 = arith.andi %eq3A_580, %lt3A_581 : vector<16xi1>
    %or3A_583 = arith.ori %gt3A_579, %and3A_582 : vector<16xi1>
    %select_n3A_584 = arith.select %or3A_583, %select_n3A_575, %select_n3A_566 : vector<16xi1>, vector<16xf32>
    %select_n3A_585 = arith.select %or3A_583, %select_n3A_576, %select_n3A_567 : vector<16xi1>, vector<16xi32>
    %select_n3A_586 = arith.select %or3A_583, %select_n3A_566, %select_n3A_575 : vector<16xi1>, vector<16xf32>
    %select_n3A_587 = arith.select %or3A_583, %select_n3A_567, %select_n3A_576 : vector<16xi1>, vector<16xi32>
    %gt3A_588 = arith.cmpf ogt, %select_n3A_577, %select_n3A_568 : vector<16xf32>
    %eq3A_589 = arith.cmpf oeq, %select_n3A_577, %select_n3A_568 : vector<16xf32>
    %lt3A_590 = arith.cmpi slt, %select_n3A_578, %select_n3A_569 : vector<16xi32>
    %and3A_591 = arith.andi %eq3A_589, %lt3A_590 : vector<16xi1>
    %or3A_592 = arith.ori %gt3A_588, %and3A_591 : vector<16xi1>
    %select_n3A_593 = arith.select %or3A_592, %select_n3A_577, %select_n3A_568 : vector<16xi1>, vector<16xf32>
    %select_n3A_594 = arith.select %or3A_592, %select_n3A_578, %select_n3A_569 : vector<16xi1>, vector<16xi32>
    %select_n3A_595 = arith.select %or3A_592, %select_n3A_568, %select_n3A_577 : vector<16xi1>, vector<16xf32>
    %select_n3A_596 = arith.select %or3A_592, %select_n3A_569, %select_n3A_578 : vector<16xi1>, vector<16xi32>
    %bitcast3A = vector.bitcast %select_n3A_596 : vector<16xi32> to vector<16xf32>
    %bitcast3A_597 = vector.bitcast %select_n3A_596 : vector<16xi32> to vector<16xf32>
    %eq3A_598 = arith.constant 6 : i32
    %eq3A_599 = vector.broadcast %eq3A_598 : i32 to vector<16xi32>
    %eq3A_600 = arith.cmpi eq, %iota3A, %eq3A_599 : vector<16xi32>
    %select_n3A_601 = arith.select %eq3A_600, %select_n3A_595, %bitcast3A : vector<16xi1>, vector<16xf32>
    %bitcast3A_602 = vector.bitcast %select_n3A_594 : vector<16xi32> to vector<16xf32>
    %eq3A_603 = arith.constant 5 : i32
    %eq3A_604 = vector.broadcast %eq3A_603 : i32 to vector<16xi32>
    %eq3A_605 = arith.cmpi eq, %iota3A, %eq3A_604 : vector<16xi32>
    %select_n3A_606 = arith.select %eq3A_605, %bitcast3A_602, %select_n3A_601 : vector<16xi1>, vector<16xf32>
    %eq3A_607 = arith.constant 4 : i32
    %eq3A_608 = vector.broadcast %eq3A_607 : i32 to vector<16xi32>
    %eq3A_609 = arith.cmpi eq, %iota3A, %eq3A_608 : vector<16xi32>
    %select_n3A_610 = arith.select %eq3A_609, %select_n3A_593, %select_n3A_606 : vector<16xi1>, vector<16xf32>
    %bitcast3A_611 = vector.bitcast %select_n3A_587 : vector<16xi32> to vector<16xf32>
    %eq3A_612 = arith.constant 3 : i32
    %eq3A_613 = vector.broadcast %eq3A_612 : i32 to vector<16xi32>
    %eq3A_614 = arith.cmpi eq, %iota3A, %eq3A_613 : vector<16xi32>
    %select_n3A_615 = arith.select %eq3A_614, %bitcast3A_611, %select_n3A_610 : vector<16xi1>, vector<16xf32>
    %eq3A_616 = arith.constant 2 : i32
    %eq3A_617 = vector.broadcast %eq3A_616 : i32 to vector<16xi32>
    %eq3A_618 = arith.cmpi eq, %iota3A, %eq3A_617 : vector<16xi32>
    %select_n3A_619 = arith.select %eq3A_618, %select_n3A_586, %select_n3A_615 : vector<16xi1>, vector<16xf32>
    %bitcast3A_620 = vector.bitcast %select_n3A_585 : vector<16xi32> to vector<16xf32>
    %eq3A_621 = arith.constant 1 : i32
    %eq3A_622 = vector.broadcast %eq3A_621 : i32 to vector<16xi32>
    %eq3A_623 = arith.cmpi eq, %iota3A, %eq3A_622 : vector<16xi32>
    %select_n3A_624 = arith.select %eq3A_623, %bitcast3A_620, %select_n3A_619 : vector<16xi1>, vector<16xf32>
    %eq3A_625 = arith.constant 0 : i32
    %eq3A_626 = vector.broadcast %eq3A_625 : i32 to vector<16xi32>
    %eq3A_627 = arith.cmpi eq, %iota3A, %eq3A_626 : vector<16xi32>
    %select_n3A_628 = arith.select %eq3A_627, %select_n3A_584, %select_n3A_624 : vector<16xi1>, vector<16xf32>
    %swap3A = arith.constant 0 : index
    %swap3A_629 = tpu.vector_load %arg16[%swap3A] {strides = array<i32>} : memref<16xf32, #tpu.memory_space<vmem>>, vector<16xf32>,
    tpu.vector_store %arg16[%swap3A], %select_n3A_628 {strides = array<i32>} : memref<16xf32, #tpu.memory_space<vmem>>, vector<16xf32>,
    %run_scoped3A = arith.constant 0 : i32
    "tpu.region"() ({
      %run_scoped3A_636 = tpu.sem_alloc : memref<!tpu.dma_semaphore, #tpu.memory_space<semaphore_mem>>
      %dma_start3A = arith.constant 0 : i32
      %dma_start3A_637 = tpu.memref_slice %arg17[%run_scoped3A, %arg1, %dma_start3A] : memref<2x16x16xf32, #tpu.memory_space<vmem_shared>> -> memref<1x1x16xf32, #tpu.memory_space<vmem_shared>>
      %dma_start3A_638 = tpu.memref_squeeze %dma_start3A_637 : memref<1x1x16xf32, #tpu.memory_space<vmem_shared>> -> memref<16xf32, #tpu.memory_space<vmem_shared>>
      %dma_start3A_639 = arith.constant 0 : i32
      %dma_start3A_640 = tpu.memref_slice %arg17[%run_scoped3A, %arg1, %dma_start3A_639] : memref<2x16x16xf32, #tpu.memory_space<vmem_shared>> -> memref<1x1x16xf32, #tpu.memory_space<vmem_shared>>
      %dma_start3A_641 = tpu.memref_squeeze %dma_start3A_640 : memref<1x1x16xf32, #tpu.memory_space<vmem_shared>> -> memref<16xf32, #tpu.memory_space<vmem_shared>>
      tpu.enqueue_dma source(%arg16 : memref<16xf32, #tpu.memory_space<vmem>>) target(%dma_start3A_641 : memref<16xf32, #tpu.memory_space<vmem_shared>>) target_semaphore(%run_scoped3A_636 : memref<!tpu.dma_semaphore, #tpu.memory_space<semaphore_mem>>)
      %dma_wait3A = arith.constant 0 : i32
      %dma_wait3A_642 = tpu.memref_slice %arg17[%run_scoped3A, %arg1, %dma_wait3A] : memref<2x16x16xf32, #tpu.memory_space<vmem_shared>> -> memref<1x1x16xf32, #tpu.memory_space<vmem_shared>>
      %dma_wait3A_643 = tpu.memref_squeeze %dma_wait3A_642 : memref<1x1x16xf32, #tpu.memory_space<vmem_shared>> -> memref<16xf32, #tpu.memory_space<vmem_shared>>
      %dma_wait3A_644 = arith.constant 0 : i32
      %dma_wait3A_645 = tpu.memref_slice %arg17[%run_scoped3A, %arg1, %dma_wait3A_644] : memref<2x16x16xf32, #tpu.memory_space<vmem_shared>> -> memref<1x1x16xf32, #tpu.memory_space<vmem_shared>>
      %dma_wait3A_646 = tpu.memref_squeeze %dma_wait3A_645 : memref<1x1x16xf32, #tpu.memory_space<vmem_shared>> -> memref<16xf32, #tpu.memory_space<vmem_shared>>
      tpu.wait_dma2 semaphore(%run_scoped3A_636 : memref<!tpu.dma_semaphore, #tpu.memory_space<semaphore_mem>>) src(%arg16 : memref<16xf32, #tpu.memory_space<vmem>>) dst(%dma_wait3A_646 : memref<16xf32, #tpu.memory_space<vmem_shared>>)
      tpu.yield
    }) : () -> ()
    %barrier3A = arith.constant 0 : index
    tpu.barrier barrier_id(%barrier3A)
    %while3A = arith.constant 0 : i32
    %while3A_630 = arith.constant 0 : i32
    %while3A_631 = arith.constant 1 : i32
    %while3A_632:3 = scf.while (%while3A_636 = %while3A, %while3A_637 = %while3A_630, %while3A_638 = %while3A_631) : (i32, i32, i32) -> (i32, i32, i32) {
      %eq3A_639 = arith.constant 1 : i32
      %eq3A_640 = arith.cmpi eq, %while3A_638, %eq3A_639 : i32
      scf.condition(%eq3A_640) %while3A_636, %while3A_637, %while3A_638 : i32, i32, i32
    } do {
    ^bb0(%while3A_636: i32, %while3A_637: i32, %while3A_638: i32):
      %jit3A = arith.constant 2 : i32
      %eq3A_639 = arith.constant 0 : i32
      %eq3A_640 = arith.cmpi eq, %jit3A, %eq3A_639 : i32
      %jit3A_641 = arith.constant 1 : i32
      %select_n3A_642 = arith.select %eq3A_640, %jit3A_641, %jit3A : i32
      %rem3A = arith.remsi %while3A_636, %select_n3A_642 : i32
      %ne3A = arith.constant 0 : i32
      %ne3A_643 = arith.cmpi ne, %rem3A, %ne3A : i32
      %lt3A_644 = arith.constant 0 : i32
      %lt3A_645 = arith.cmpi slt, %rem3A, %lt3A_644 : i32
      %lt3A_646 = arith.constant 0 : i32
      %lt3A_647 = arith.cmpi slt, %select_n3A_642, %lt3A_646 : i32
      %ne3A_648 = arith.xori %lt3A_645, %lt3A_647 : i1
      %and3A_649 = arith.andi %ne3A_648, %ne3A_643 : i1
      %add3A_650 = arith.addi %rem3A, %select_n3A_642 : i32
      %select_n3A_651 = arith.select %and3A_649, %add3A_650, %rem3A : i32
      "tpu.region"() ({
        %run_scoped3A_2254 = tpu.sem_alloc : memref<!tpu.dma_semaphore, #tpu.memory_space<semaphore_mem>>
        %dma_start3A = arith.constant 0 : i32
        %dma_start3A_2255 = arith.constant 0 : i32
        %dma_start3A_2256 = tpu.memref_slice %arg17[%select_n3A_651, %dma_start3A, %dma_start3A_2255] : memref<2x16x16xf32, #tpu.memory_space<vmem_shared>> -> memref<1x16x16xf32, #tpu.memory_space<vmem_shared>>
        %dma_start3A_2257 = tpu.memref_squeeze %dma_start3A_2256 : memref<1x16x16xf32, #tpu.memory_space<vmem_shared>> -> memref<16x16xf32, #tpu.memory_space<vmem_shared>>
        %dma_start3A_2258 = arith.constant 0 : i32
        %dma_start3A_2259 = arith.constant 0 : i32
        %dma_start3A_2260 = tpu.memref_slice %arg17[%select_n3A_651, %dma_start3A_2258, %dma_start3A_2259] : memref<2x16x16xf32, #tpu.memory_space<vmem_shared>> -> memref<1x16x16xf32, #tpu.memory_space<vmem_shared>>
        %dma_start3A_2261 = tpu.memref_squeeze %dma_start3A_2260 : memref<1x16x16xf32, #tpu.memory_space<vmem_shared>> -> memref<16x16xf32, #tpu.memory_space<vmem_shared>>
        tpu.enqueue_dma source(%dma_start3A_2261 : memref<16x16xf32, #tpu.memory_space<vmem_shared>>) target(%arg15 : memref<16x16xf32, #tpu.memory_space<vmem>>) target_semaphore(%run_scoped3A_2254 : memref<!tpu.dma_semaphore, #tpu.memory_space<semaphore_mem>>)
        %dma_wait3A = arith.constant 0 : i32
        %dma_wait3A_2262 = arith.constant 0 : i32
        %dma_wait3A_2263 = tpu.memref_slice %arg17[%select_n3A_651, %dma_wait3A, %dma_wait3A_2262] : memref<2x16x16xf32, #tpu.memory_space<vmem_shared>> -> memref<1x16x16xf32, #tpu.memory_space<vmem_shared>>
        %dma_wait3A_2264 = tpu.memref_squeeze %dma_wait3A_2263 : memref<1x16x16xf32, #tpu.memory_space<vmem_shared>> -> memref<16x16xf32, #tpu.memory_space<vmem_shared>>
        %dma_wait3A_2265 = arith.constant 0 : i32
        %dma_wait3A_2266 = arith.constant 0 : i32
        %dma_wait3A_2267 = tpu.memref_slice %arg17[%select_n3A_651, %dma_wait3A_2265, %dma_wait3A_2266] : memref<2x16x16xf32, #tpu.memory_space<vmem_shared>> -> memref<1x16x16xf32, #tpu.memory_space<vmem_shared>>
        %dma_wait3A_2268 = tpu.memref_squeeze %dma_wait3A_2267 : memref<1x16x16xf32, #tpu.memory_space<vmem_shared>> -> memref<16x16xf32, #tpu.memory_space<vmem_shared>>
        tpu.wait_dma2 semaphore(%run_scoped3A_2254 : memref<!tpu.dma_semaphore, #tpu.memory_space<semaphore_mem>>) src(%dma_wait3A_2268 : memref<16x16xf32, #tpu.memory_space<vmem_shared>>) dst(%arg15 : memref<16x16xf32, #tpu.memory_space<vmem>>)
        tpu.yield
      }) : () -> ()
      %add3A_652 = arith.constant 0 : i32
      %add3A_653 = vector.broadcast %add3A_652 : i32 to vector<16xi32>
      %add3A_654 = arith.addi %broadcast_in_dim3A_1, %add3A_653 : vector<16xi32>
      %gather3A_655 = tpu.vector_load_idx %arg15[%iota3A, %add3A_654] : memref<16x16xf32, #tpu.memory_space<vmem>>[vector<16xi32>, vector<16xi32>], vector<16xf32>,
      %add3A_656 = arith.constant 0 : i32
      %add3A_657 = vector.broadcast %add3A_656 : i32 to vector<16xi32>
      %add3A_658 = arith.addi %broadcast_in_dim3A_1, %add3A_657 : vector<16xi32>
      %add3A_659 = arith.constant 1 : i32
      %add3A_660 = vector.broadcast %add3A_659 : i32 to vector<16xi32>
      %add3A_661 = arith.addi %add3A_658, %add3A_660 : vector<16xi32>
      %gather3A_662 = tpu.vector_load_idx %arg15[%iota3A, %add3A_661] : memref<16x16xf32, #tpu.memory_space<vmem>>[vector<16xi32>, vector<16xi32>], vector<16xf32>,
      %bitcast3A_663 = vector.bitcast %gather3A_662 : vector<16xf32> to vector<16xi32>
      %add3A_664 = arith.constant 2 : i32
      %add3A_665 = vector.broadcast %add3A_664 : i32 to vector<16xi32>
      %add3A_666 = arith.addi %broadcast_in_dim3A_1, %add3A_665 : vector<16xi32>
      %gather3A_667 = tpu.vector_load_idx %arg15[%iota3A, %add3A_666] : memref<16x16xf32, #tpu.memory_space<vmem>>[vector<16xi32>, vector<16xi32>], vector<16xf32>,
      %add3A_668 = arith.constant 2 : i32
      %add3A_669 = vector.broadcast %add3A_668 : i32 to vector<16xi32>
      %add3A_670 = arith.addi %broadcast_in_dim3A_1, %add3A_669 : vector<16xi32>
      %add3A_671 = arith.constant 1 : i32
      %add3A_672 = vector.broadcast %add3A_671 : i32 to vector<16xi32>
      %add3A_673 = arith.addi %add3A_670, %add3A_672 : vector<16xi32>
      %gather3A_674 = tpu.vector_load_idx %arg15[%iota3A, %add3A_673] : memref<16x16xf32, #tpu.memory_space<vmem>>[vector<16xi32>, vector<16xi32>], vector<16xf32>,
      %bitcast3A_675 = vector.bitcast %gather3A_674 : vector<16xf32> to vector<16xi32>
      %add3A_676 = arith.constant 4 : i32
      %add3A_677 = vector.broadcast %add3A_676 : i32 to vector<16xi32>
      %add3A_678 = arith.addi %broadcast_in_dim3A_1, %add3A_677 : vector<16xi32>
      %gather3A_679 = tpu.vector_load_idx %arg15[%iota3A, %add3A_678] : memref<16x16xf32, #tpu.memory_space<vmem>>[vector<16xi32>, vector<16xi32>], vector<16xf32>,
      %add3A_680 = arith.constant 4 : i32
      %add3A_681 = vector.broadcast %add3A_680 : i32 to vector<16xi32>
      %add3A_682 = arith.addi %broadcast_in_dim3A_1, %add3A_681 : vector<16xi32>
      %add3A_683 = arith.constant 1 : i32
      %add3A_684 = vector.broadcast %add3A_683 : i32 to vector<16xi32>
      %add3A_685 = arith.addi %add3A_682, %add3A_684 : vector<16xi32>
      %gather3A_686 = tpu.vector_load_idx %arg15[%iota3A, %add3A_685] : memref<16x16xf32, #tpu.memory_space<vmem>>[vector<16xi32>, vector<16xi32>], vector<16xf32>,
      %bitcast3A_687 = vector.bitcast %gather3A_686 : vector<16xf32> to vector<16xi32>
      %add3A_688 = arith.constant 6 : i32
      %add3A_689 = vector.broadcast %add3A_688 : i32 to vector<16xi32>
      %add3A_690 = arith.addi %broadcast_in_dim3A_1, %add3A_689 : vector<16xi32>
      %gather3A_691 = tpu.vector_load_idx %arg15[%iota3A, %add3A_690] : memref<16x16xf32, #tpu.memory_space<vmem>>[vector<16xi32>, vector<16xi32>], vector<16xf32>,
      %add3A_692 = arith.constant 6 : i32
      %add3A_693 = vector.broadcast %add3A_692 : i32 to vector<16xi32>
      %add3A_694 = arith.addi %broadcast_in_dim3A_1, %add3A_693 : vector<16xi32>
      %add3A_695 = arith.constant 1 : i32
      %add3A_696 = vector.broadcast %add3A_695 : i32 to vector<16xi32>
      %add3A_697 = arith.addi %add3A_694, %add3A_696 : vector<16xi32>
      %gather3A_698 = tpu.vector_load_idx %arg15[%iota3A, %add3A_697] : memref<16x16xf32, #tpu.memory_space<vmem>>[vector<16xi32>, vector<16xi32>], vector<16xf32>,
      %bitcast3A_699 = vector.bitcast %gather3A_698 : vector<16xf32> to vector<16xi32>
      %xor3A_700 = arith.constant 8 : i32
      %xor3A_701 = vector.broadcast %xor3A_700 : i32 to vector<16xi32>
      %xor3A_702 = arith.xori %iota3A, %xor3A_701 : vector<16xi32>
      %lt3A_703 = arith.constant 0 : i32
      %lt3A_704 = vector.broadcast %lt3A_703 : i32 to vector<16xi32>
      %lt3A_705 = arith.cmpi slt, %xor3A_702, %lt3A_704 : vector<16xi32>
      %add3A_706 = arith.constant 16 : i32
      %add3A_707 = vector.broadcast %add3A_706 : i32 to vector<16xi32>
      %add3A_708 = arith.addi %xor3A_702, %add3A_707 : vector<16xi32>
      %select_n3A_709 = arith.select %lt3A_705, %add3A_708, %xor3A_702 : vector<16xi1>, vector<16xi32>
      %broadcast_in_dim3A_710 = vector.shape_cast %select_n3A_709 : vector<16xi32> to vector<16x1xi32>
      %gather3A_711 = vector.shape_cast %broadcast_in_dim3A_710 : vector<16x1xi32> to vector<16xi32>
      %gather3A_712 = tpu.dynamic_gather %gather3A_655[%gather3A_711] in [0] : vector<16xf32>, vector<16xi32> -> vector<16xf32>
      %lt3A_713 = arith.constant 0 : i32
      %lt3A_714 = vector.broadcast %lt3A_713 : i32 to vector<16xi32>
      %lt3A_715 = arith.cmpi slt, %xor3A_702, %lt3A_714 : vector<16xi32>
      %add3A_716 = arith.constant 16 : i32
      %add3A_717 = vector.broadcast %add3A_716 : i32 to vector<16xi32>
      %add3A_718 = arith.addi %xor3A_702, %add3A_717 : vector<16xi32>
      %select_n3A_719 = arith.select %lt3A_715, %add3A_718, %xor3A_702 : vector<16xi1>, vector<16xi32>
      %broadcast_in_dim3A_720 = vector.shape_cast %select_n3A_719 : vector<16xi32> to vector<16x1xi32>
      %gather3A_721 = vector.shape_cast %broadcast_in_dim3A_720 : vector<16x1xi32> to vector<16xi32>
      %gather3A_722 = tpu.dynamic_gather %bitcast3A_663[%gather3A_721] in [0] : vector<16xi32>, vector<16xi32> -> vector<16xi32>
      %lt3A_723 = arith.constant 0 : i32
      %lt3A_724 = vector.broadcast %lt3A_723 : i32 to vector<16xi32>
      %lt3A_725 = arith.cmpi slt, %xor3A_702, %lt3A_724 : vector<16xi32>
      %add3A_726 = arith.constant 16 : i32
      %add3A_727 = vector.broadcast %add3A_726 : i32 to vector<16xi32>
      %add3A_728 = arith.addi %xor3A_702, %add3A_727 : vector<16xi32>
      %select_n3A_729 = arith.select %lt3A_725, %add3A_728, %xor3A_702 : vector<16xi1>, vector<16xi32>
      %broadcast_in_dim3A_730 = vector.shape_cast %select_n3A_729 : vector<16xi32> to vector<16x1xi32>
      %gather3A_731 = vector.shape_cast %broadcast_in_dim3A_730 : vector<16x1xi32> to vector<16xi32>
      %gather3A_732 = tpu.dynamic_gather %gather3A_667[%gather3A_731] in [0] : vector<16xf32>, vector<16xi32> -> vector<16xf32>
      %lt3A_733 = arith.constant 0 : i32
      %lt3A_734 = vector.broadcast %lt3A_733 : i32 to vector<16xi32>
      %lt3A_735 = arith.cmpi slt, %xor3A_702, %lt3A_734 : vector<16xi32>
      %add3A_736 = arith.constant 16 : i32
      %add3A_737 = vector.broadcast %add3A_736 : i32 to vector<16xi32>
      %add3A_738 = arith.addi %xor3A_702, %add3A_737 : vector<16xi32>
      %select_n3A_739 = arith.select %lt3A_735, %add3A_738, %xor3A_702 : vector<16xi1>, vector<16xi32>
      %broadcast_in_dim3A_740 = vector.shape_cast %select_n3A_739 : vector<16xi32> to vector<16x1xi32>
      %gather3A_741 = vector.shape_cast %broadcast_in_dim3A_740 : vector<16x1xi32> to vector<16xi32>
      %gather3A_742 = tpu.dynamic_gather %bitcast3A_675[%gather3A_741] in [0] : vector<16xi32>, vector<16xi32> -> vector<16xi32>
      %lt3A_743 = arith.constant 0 : i32
      %lt3A_744 = vector.broadcast %lt3A_743 : i32 to vector<16xi32>
      %lt3A_745 = arith.cmpi slt, %xor3A_702, %lt3A_744 : vector<16xi32>
      %add3A_746 = arith.constant 16 : i32
      %add3A_747 = vector.broadcast %add3A_746 : i32 to vector<16xi32>
      %add3A_748 = arith.addi %xor3A_702, %add3A_747 : vector<16xi32>
      %select_n3A_749 = arith.select %lt3A_745, %add3A_748, %xor3A_702 : vector<16xi1>, vector<16xi32>
      %broadcast_in_dim3A_750 = vector.shape_cast %select_n3A_749 : vector<16xi32> to vector<16x1xi32>
      %gather3A_751 = vector.shape_cast %broadcast_in_dim3A_750 : vector<16x1xi32> to vector<16xi32>
      %gather3A_752 = tpu.dynamic_gather %gather3A_679[%gather3A_751] in [0] : vector<16xf32>, vector<16xi32> -> vector<16xf32>
      %lt3A_753 = arith.constant 0 : i32
      %lt3A_754 = vector.broadcast %lt3A_753 : i32 to vector<16xi32>
      %lt3A_755 = arith.cmpi slt, %xor3A_702, %lt3A_754 : vector<16xi32>
      %add3A_756 = arith.constant 16 : i32
      %add3A_757 = vector.broadcast %add3A_756 : i32 to vector<16xi32>
      %add3A_758 = arith.addi %xor3A_702, %add3A_757 : vector<16xi32>
      %select_n3A_759 = arith.select %lt3A_755, %add3A_758, %xor3A_702 : vector<16xi1>, vector<16xi32>
      %broadcast_in_dim3A_760 = vector.shape_cast %select_n3A_759 : vector<16xi32> to vector<16x1xi32>
      %gather3A_761 = vector.shape_cast %broadcast_in_dim3A_760 : vector<16x1xi32> to vector<16xi32>
      %gather3A_762 = tpu.dynamic_gather %bitcast3A_687[%gather3A_761] in [0] : vector<16xi32>, vector<16xi32> -> vector<16xi32>
      %lt3A_763 = arith.constant 0 : i32
      %lt3A_764 = vector.broadcast %lt3A_763 : i32 to vector<16xi32>
      %lt3A_765 = arith.cmpi slt, %xor3A_702, %lt3A_764 : vector<16xi32>
      %add3A_766 = arith.constant 16 : i32
      %add3A_767 = vector.broadcast %add3A_766 : i32 to vector<16xi32>
      %add3A_768 = arith.addi %xor3A_702, %add3A_767 : vector<16xi32>
      %select_n3A_769 = arith.select %lt3A_765, %add3A_768, %xor3A_702 : vector<16xi1>, vector<16xi32>
      %broadcast_in_dim3A_770 = vector.shape_cast %select_n3A_769 : vector<16xi32> to vector<16x1xi32>
      %gather3A_771 = vector.shape_cast %broadcast_in_dim3A_770 : vector<16x1xi32> to vector<16xi32>
      %gather3A_772 = tpu.dynamic_gather %gather3A_691[%gather3A_771] in [0] : vector<16xf32>, vector<16xi32> -> vector<16xf32>
      %lt3A_773 = arith.constant 0 : i32
      %lt3A_774 = vector.broadcast %lt3A_773 : i32 to vector<16xi32>
      %lt3A_775 = arith.cmpi slt, %xor3A_702, %lt3A_774 : vector<16xi32>
      %add3A_776 = arith.constant 16 : i32
      %add3A_777 = vector.broadcast %add3A_776 : i32 to vector<16xi32>
      %add3A_778 = arith.addi %xor3A_702, %add3A_777 : vector<16xi32>
      %select_n3A_779 = arith.select %lt3A_775, %add3A_778, %xor3A_702 : vector<16xi1>, vector<16xi32>
      %broadcast_in_dim3A_780 = vector.shape_cast %select_n3A_779 : vector<16xi32> to vector<16x1xi32>
      %gather3A_781 = vector.shape_cast %broadcast_in_dim3A_780 : vector<16x1xi32> to vector<16xi32>
      %gather3A_782 = tpu.dynamic_gather %bitcast3A_699[%gather3A_781] in [0] : vector<16xi32>, vector<16xi32> -> vector<16xi32>
      %gt3A_783 = arith.cmpf ogt, %gather3A_772, %gather3A_655 : vector<16xf32>
      %eq3A_784 = arith.cmpf oeq, %gather3A_772, %gather3A_655 : vector<16xf32>
      %lt3A_785 = arith.cmpi slt, %gather3A_782, %bitcast3A_663 : vector<16xi32>
      %and3A_786 = arith.andi %eq3A_784, %lt3A_785 : vector<16xi1>
      %or3A_787 = arith.ori %gt3A_783, %and3A_786 : vector<16xi1>
      %select_n3A_788 = arith.select %or3A_787, %gather3A_772, %gather3A_655 : vector<16xi1>, vector<16xf32>
      %select_n3A_789 = arith.select %or3A_787, %gather3A_782, %bitcast3A_663 : vector<16xi1>, vector<16xi32>
      %gt3A_790 = arith.cmpf ogt, %gather3A_752, %gather3A_667 : vector<16xf32>
      %eq3A_791 = arith.cmpf oeq, %gather3A_752, %gather3A_667 : vector<16xf32>
      %lt3A_792 = arith.cmpi slt, %gather3A_762, %bitcast3A_675 : vector<16xi32>
      %and3A_793 = arith.andi %eq3A_791, %lt3A_792 : vector<16xi1>
      %or3A_794 = arith.ori %gt3A_790, %and3A_793 : vector<16xi1>
      %select_n3A_795 = arith.select %or3A_794, %gather3A_752, %gather3A_667 : vector<16xi1>, vector<16xf32>
      %select_n3A_796 = arith.select %or3A_794, %gather3A_762, %bitcast3A_675 : vector<16xi1>, vector<16xi32>
      %gt3A_797 = arith.cmpf ogt, %gather3A_732, %gather3A_679 : vector<16xf32>
      %eq3A_798 = arith.cmpf oeq, %gather3A_732, %gather3A_679 : vector<16xf32>
      %lt3A_799 = arith.cmpi slt, %gather3A_742, %bitcast3A_687 : vector<16xi32>
      %and3A_800 = arith.andi %eq3A_798, %lt3A_799 : vector<16xi1>
      %or3A_801 = arith.ori %gt3A_797, %and3A_800 : vector<16xi1>
      %select_n3A_802 = arith.select %or3A_801, %gather3A_732, %gather3A_679 : vector<16xi1>, vector<16xf32>
      %select_n3A_803 = arith.select %or3A_801, %gather3A_742, %bitcast3A_687 : vector<16xi1>, vector<16xi32>
      %gt3A_804 = arith.cmpf ogt, %gather3A_712, %gather3A_691 : vector<16xf32>
      %eq3A_805 = arith.cmpf oeq, %gather3A_712, %gather3A_691 : vector<16xf32>
      %lt3A_806 = arith.cmpi slt, %gather3A_722, %bitcast3A_699 : vector<16xi32>
      %and3A_807 = arith.andi %eq3A_805, %lt3A_806 : vector<16xi1>
      %or3A_808 = arith.ori %gt3A_804, %and3A_807 : vector<16xi1>
      %select_n3A_809 = arith.select %or3A_808, %gather3A_712, %gather3A_691 : vector<16xi1>, vector<16xf32>
      %select_n3A_810 = arith.select %or3A_808, %gather3A_722, %bitcast3A_699 : vector<16xi1>, vector<16xi32>
      %gt3A_811 = arith.cmpf ogt, %select_n3A_802, %select_n3A_788 : vector<16xf32>
      %eq3A_812 = arith.cmpf oeq, %select_n3A_802, %select_n3A_788 : vector<16xf32>
      %lt3A_813 = arith.cmpi slt, %select_n3A_803, %select_n3A_789 : vector<16xi32>
      %and3A_814 = arith.andi %eq3A_812, %lt3A_813 : vector<16xi1>
      %or3A_815 = arith.ori %gt3A_811, %and3A_814 : vector<16xi1>
      %select_n3A_816 = arith.select %or3A_815, %select_n3A_802, %select_n3A_788 : vector<16xi1>, vector<16xf32>
      %select_n3A_817 = arith.select %or3A_815, %select_n3A_803, %select_n3A_789 : vector<16xi1>, vector<16xi32>
      %select_n3A_818 = arith.select %or3A_815, %select_n3A_788, %select_n3A_802 : vector<16xi1>, vector<16xf32>
      %select_n3A_819 = arith.select %or3A_815, %select_n3A_789, %select_n3A_803 : vector<16xi1>, vector<16xi32>
      %gt3A_820 = arith.cmpf ogt, %select_n3A_809, %select_n3A_795 : vector<16xf32>
      %eq3A_821 = arith.cmpf oeq, %select_n3A_809, %select_n3A_795 : vector<16xf32>
      %lt3A_822 = arith.cmpi slt, %select_n3A_810, %select_n3A_796 : vector<16xi32>
      %and3A_823 = arith.andi %eq3A_821, %lt3A_822 : vector<16xi1>
      %or3A_824 = arith.ori %gt3A_820, %and3A_823 : vector<16xi1>
      %select_n3A_825 = arith.select %or3A_824, %select_n3A_809, %select_n3A_795 : vector<16xi1>, vector<16xf32>
      %select_n3A_826 = arith.select %or3A_824, %select_n3A_810, %select_n3A_796 : vector<16xi1>, vector<16xi32>
      %select_n3A_827 = arith.select %or3A_824, %select_n3A_795, %select_n3A_809 : vector<16xi1>, vector<16xf32>
      %select_n3A_828 = arith.select %or3A_824, %select_n3A_796, %select_n3A_810 : vector<16xi1>, vector<16xi32>
      %gt3A_829 = arith.cmpf ogt, %select_n3A_825, %select_n3A_816 : vector<16xf32>
      %eq3A_830 = arith.cmpf oeq, %select_n3A_825, %select_n3A_816 : vector<16xf32>
      %lt3A_831 = arith.cmpi slt, %select_n3A_826, %select_n3A_817 : vector<16xi32>
      %and3A_832 = arith.andi %eq3A_830, %lt3A_831 : vector<16xi1>
      %or3A_833 = arith.ori %gt3A_829, %and3A_832 : vector<16xi1>
      %select_n3A_834 = arith.select %or3A_833, %select_n3A_825, %select_n3A_816 : vector<16xi1>, vector<16xf32>
      %select_n3A_835 = arith.select %or3A_833, %select_n3A_826, %select_n3A_817 : vector<16xi1>, vector<16xi32>
      %select_n3A_836 = arith.select %or3A_833, %select_n3A_816, %select_n3A_825 : vector<16xi1>, vector<16xf32>
      %select_n3A_837 = arith.select %or3A_833, %select_n3A_817, %select_n3A_826 : vector<16xi1>, vector<16xi32>
      %gt3A_838 = arith.cmpf ogt, %select_n3A_827, %select_n3A_818 : vector<16xf32>
      %eq3A_839 = arith.cmpf oeq, %select_n3A_827, %select_n3A_818 : vector<16xf32>
      %lt3A_840 = arith.cmpi slt, %select_n3A_828, %select_n3A_819 : vector<16xi32>
      %and3A_841 = arith.andi %eq3A_839, %lt3A_840 : vector<16xi1>
      %or3A_842 = arith.ori %gt3A_838, %and3A_841 : vector<16xi1>
      %select_n3A_843 = arith.select %or3A_842, %select_n3A_827, %select_n3A_818 : vector<16xi1>, vector<16xf32>
      %select_n3A_844 = arith.select %or3A_842, %select_n3A_828, %select_n3A_819 : vector<16xi1>, vector<16xi32>
      %select_n3A_845 = arith.select %or3A_842, %select_n3A_818, %select_n3A_827 : vector<16xi1>, vector<16xf32>
      %select_n3A_846 = arith.select %or3A_842, %select_n3A_819, %select_n3A_828 : vector<16xi1>, vector<16xi32>
      %xor3A_847 = arith.constant 4 : i32
      %xor3A_848 = vector.broadcast %xor3A_847 : i32 to vector<16xi32>
      %xor3A_849 = arith.xori %iota3A, %xor3A_848 : vector<16xi32>
      %lt3A_850 = arith.constant 0 : i32
      %lt3A_851 = vector.broadcast %lt3A_850 : i32 to vector<16xi32>
      %lt3A_852 = arith.cmpi slt, %xor3A_849, %lt3A_851 : vector<16xi32>
      %add3A_853 = arith.constant 16 : i32
      %add3A_854 = vector.broadcast %add3A_853 : i32 to vector<16xi32>
      %add3A_855 = arith.addi %xor3A_849, %add3A_854 : vector<16xi32>
      %select_n3A_856 = arith.select %lt3A_852, %add3A_855, %xor3A_849 : vector<16xi1>, vector<16xi32>
      %broadcast_in_dim3A_857 = vector.shape_cast %select_n3A_856 : vector<16xi32> to vector<16x1xi32>
      %gather3A_858 = vector.shape_cast %broadcast_in_dim3A_857 : vector<16x1xi32> to vector<16xi32>
      %gather3A_859 = tpu.dynamic_gather %select_n3A_834[%gather3A_858] in [0] : vector<16xf32>, vector<16xi32> -> vector<16xf32>
      %lt3A_860 = arith.constant 0 : i32
      %lt3A_861 = vector.broadcast %lt3A_860 : i32 to vector<16xi32>
      %lt3A_862 = arith.cmpi slt, %xor3A_849, %lt3A_861 : vector<16xi32>
      %add3A_863 = arith.constant 16 : i32
      %add3A_864 = vector.broadcast %add3A_863 : i32 to vector<16xi32>
      %add3A_865 = arith.addi %xor3A_849, %add3A_864 : vector<16xi32>
      %select_n3A_866 = arith.select %lt3A_862, %add3A_865, %xor3A_849 : vector<16xi1>, vector<16xi32>
      %broadcast_in_dim3A_867 = vector.shape_cast %select_n3A_866 : vector<16xi32> to vector<16x1xi32>
      %gather3A_868 = vector.shape_cast %broadcast_in_dim3A_867 : vector<16x1xi32> to vector<16xi32>
      %gather3A_869 = tpu.dynamic_gather %select_n3A_835[%gather3A_868] in [0] : vector<16xi32>, vector<16xi32> -> vector<16xi32>
      %lt3A_870 = arith.constant 0 : i32
      %lt3A_871 = vector.broadcast %lt3A_870 : i32 to vector<16xi32>
      %lt3A_872 = arith.cmpi slt, %xor3A_849, %lt3A_871 : vector<16xi32>
      %add3A_873 = arith.constant 16 : i32
      %add3A_874 = vector.broadcast %add3A_873 : i32 to vector<16xi32>
      %add3A_875 = arith.addi %xor3A_849, %add3A_874 : vector<16xi32>
      %select_n3A_876 = arith.select %lt3A_872, %add3A_875, %xor3A_849 : vector<16xi1>, vector<16xi32>
      %broadcast_in_dim3A_877 = vector.shape_cast %select_n3A_876 : vector<16xi32> to vector<16x1xi32>
      %gather3A_878 = vector.shape_cast %broadcast_in_dim3A_877 : vector<16x1xi32> to vector<16xi32>
      %gather3A_879 = tpu.dynamic_gather %select_n3A_836[%gather3A_878] in [0] : vector<16xf32>, vector<16xi32> -> vector<16xf32>
      %lt3A_880 = arith.constant 0 : i32
      %lt3A_881 = vector.broadcast %lt3A_880 : i32 to vector<16xi32>
      %lt3A_882 = arith.cmpi slt, %xor3A_849, %lt3A_881 : vector<16xi32>
      %add3A_883 = arith.constant 16 : i32
      %add3A_884 = vector.broadcast %add3A_883 : i32 to vector<16xi32>
      %add3A_885 = arith.addi %xor3A_849, %add3A_884 : vector<16xi32>
      %select_n3A_886 = arith.select %lt3A_882, %add3A_885, %xor3A_849 : vector<16xi1>, vector<16xi32>
      %broadcast_in_dim3A_887 = vector.shape_cast %select_n3A_886 : vector<16xi32> to vector<16x1xi32>
      %gather3A_888 = vector.shape_cast %broadcast_in_dim3A_887 : vector<16x1xi32> to vector<16xi32>
      %gather3A_889 = tpu.dynamic_gather %select_n3A_837[%gather3A_888] in [0] : vector<16xi32>, vector<16xi32> -> vector<16xi32>
      %lt3A_890 = arith.constant 0 : i32
      %lt3A_891 = vector.broadcast %lt3A_890 : i32 to vector<16xi32>
      %lt3A_892 = arith.cmpi slt, %xor3A_849, %lt3A_891 : vector<16xi32>
      %add3A_893 = arith.constant 16 : i32
      %add3A_894 = vector.broadcast %add3A_893 : i32 to vector<16xi32>
      %add3A_895 = arith.addi %xor3A_849, %add3A_894 : vector<16xi32>
      %select_n3A_896 = arith.select %lt3A_892, %add3A_895, %xor3A_849 : vector<16xi1>, vector<16xi32>
      %broadcast_in_dim3A_897 = vector.shape_cast %select_n3A_896 : vector<16xi32> to vector<16x1xi32>
      %gather3A_898 = vector.shape_cast %broadcast_in_dim3A_897 : vector<16x1xi32> to vector<16xi32>
      %gather3A_899 = tpu.dynamic_gather %select_n3A_843[%gather3A_898] in [0] : vector<16xf32>, vector<16xi32> -> vector<16xf32>
      %lt3A_900 = arith.constant 0 : i32
      %lt3A_901 = vector.broadcast %lt3A_900 : i32 to vector<16xi32>
      %lt3A_902 = arith.cmpi slt, %xor3A_849, %lt3A_901 : vector<16xi32>
      %add3A_903 = arith.constant 16 : i32
      %add3A_904 = vector.broadcast %add3A_903 : i32 to vector<16xi32>
      %add3A_905 = arith.addi %xor3A_849, %add3A_904 : vector<16xi32>
      %select_n3A_906 = arith.select %lt3A_902, %add3A_905, %xor3A_849 : vector<16xi1>, vector<16xi32>
      %broadcast_in_dim3A_907 = vector.shape_cast %select_n3A_906 : vector<16xi32> to vector<16x1xi32>
      %gather3A_908 = vector.shape_cast %broadcast_in_dim3A_907 : vector<16x1xi32> to vector<16xi32>
      %gather3A_909 = tpu.dynamic_gather %select_n3A_844[%gather3A_908] in [0] : vector<16xi32>, vector<16xi32> -> vector<16xi32>
      %lt3A_910 = arith.constant 0 : i32
      %lt3A_911 = vector.broadcast %lt3A_910 : i32 to vector<16xi32>
      %lt3A_912 = arith.cmpi slt, %xor3A_849, %lt3A_911 : vector<16xi32>
      %add3A_913 = arith.constant 16 : i32
      %add3A_914 = vector.broadcast %add3A_913 : i32 to vector<16xi32>
      %add3A_915 = arith.addi %xor3A_849, %add3A_914 : vector<16xi32>
      %select_n3A_916 = arith.select %lt3A_912, %add3A_915, %xor3A_849 : vector<16xi1>, vector<16xi32>
      %broadcast_in_dim3A_917 = vector.shape_cast %select_n3A_916 : vector<16xi32> to vector<16x1xi32>
      %gather3A_918 = vector.shape_cast %broadcast_in_dim3A_917 : vector<16x1xi32> to vector<16xi32>
      %gather3A_919 = tpu.dynamic_gather %select_n3A_845[%gather3A_918] in [0] : vector<16xf32>, vector<16xi32> -> vector<16xf32>
      %lt3A_920 = arith.constant 0 : i32
      %lt3A_921 = vector.broadcast %lt3A_920 : i32 to vector<16xi32>
      %lt3A_922 = arith.cmpi slt, %xor3A_849, %lt3A_921 : vector<16xi32>
      %add3A_923 = arith.constant 16 : i32
      %add3A_924 = vector.broadcast %add3A_923 : i32 to vector<16xi32>
      %add3A_925 = arith.addi %xor3A_849, %add3A_924 : vector<16xi32>
      %select_n3A_926 = arith.select %lt3A_922, %add3A_925, %xor3A_849 : vector<16xi1>, vector<16xi32>
      %broadcast_in_dim3A_927 = vector.shape_cast %select_n3A_926 : vector<16xi32> to vector<16x1xi32>
      %gather3A_928 = vector.shape_cast %broadcast_in_dim3A_927 : vector<16x1xi32> to vector<16xi32>
      %gather3A_929 = tpu.dynamic_gather %select_n3A_846[%gather3A_928] in [0] : vector<16xi32>, vector<16xi32> -> vector<16xi32>
      %gt3A_930 = arith.cmpf ogt, %gather3A_919, %select_n3A_834 : vector<16xf32>
      %eq3A_931 = arith.cmpf oeq, %gather3A_919, %select_n3A_834 : vector<16xf32>
      %lt3A_932 = arith.cmpi slt, %gather3A_929, %select_n3A_835 : vector<16xi32>
      %and3A_933 = arith.andi %eq3A_931, %lt3A_932 : vector<16xi1>
      %or3A_934 = arith.ori %gt3A_930, %and3A_933 : vector<16xi1>
      %select_n3A_935 = arith.select %or3A_934, %gather3A_919, %select_n3A_834 : vector<16xi1>, vector<16xf32>
      %select_n3A_936 = arith.select %or3A_934, %gather3A_929, %select_n3A_835 : vector<16xi1>, vector<16xi32>
      %gt3A_937 = arith.cmpf ogt, %gather3A_899, %select_n3A_836 : vector<16xf32>
      %eq3A_938 = arith.cmpf oeq, %gather3A_899, %select_n3A_836 : vector<16xf32>
      %lt3A_939 = arith.cmpi slt, %gather3A_909, %select_n3A_837 : vector<16xi32>
      %and3A_940 = arith.andi %eq3A_938, %lt3A_939 : vector<16xi1>
      %or3A_941 = arith.ori %gt3A_937, %and3A_940 : vector<16xi1>
      %select_n3A_942 = arith.select %or3A_941, %gather3A_899, %select_n3A_836 : vector<16xi1>, vector<16xf32>
      %select_n3A_943 = arith.select %or3A_941, %gather3A_909, %select_n3A_837 : vector<16xi1>, vector<16xi32>
      %gt3A_944 = arith.cmpf ogt, %gather3A_879, %select_n3A_843 : vector<16xf32>
      %eq3A_945 = arith.cmpf oeq, %gather3A_879, %select_n3A_843 : vector<16xf32>
      %lt3A_946 = arith.cmpi slt, %gather3A_889, %select_n3A_844 : vector<16xi32>
      %and3A_947 = arith.andi %eq3A_945, %lt3A_946 : vector<16xi1>
      %or3A_948 = arith.ori %gt3A_944, %and3A_947 : vector<16xi1>
      %select_n3A_949 = arith.select %or3A_948, %gather3A_879, %select_n3A_843 : vector<16xi1>, vector<16xf32>
      %select_n3A_950 = arith.select %or3A_948, %gather3A_889, %select_n3A_844 : vector<16xi1>, vector<16xi32>
      %gt3A_951 = arith.cmpf ogt, %gather3A_859, %select_n3A_845 : vector<16xf32>
      %eq3A_952 = arith.cmpf oeq, %gather3A_859, %select_n3A_845 : vector<16xf32>
      %lt3A_953 = arith.cmpi slt, %gather3A_869, %select_n3A_846 : vector<16xi32>
      %and3A_954 = arith.andi %eq3A_952, %lt3A_953 : vector<16xi1>
      %or3A_955 = arith.ori %gt3A_951, %and3A_954 : vector<16xi1>
      %select_n3A_956 = arith.select %or3A_955, %gather3A_859, %select_n3A_845 : vector<16xi1>, vector<16xf32>
      %select_n3A_957 = arith.select %or3A_955, %gather3A_869, %select_n3A_846 : vector<16xi1>, vector<16xi32>
      %gt3A_958 = arith.cmpf ogt, %select_n3A_949, %select_n3A_935 : vector<16xf32>
      %eq3A_959 = arith.cmpf oeq, %select_n3A_949, %select_n3A_935 : vector<16xf32>
      %lt3A_960 = arith.cmpi slt, %select_n3A_950, %select_n3A_936 : vector<16xi32>
      %and3A_961 = arith.andi %eq3A_959, %lt3A_960 : vector<16xi1>
      %or3A_962 = arith.ori %gt3A_958, %and3A_961 : vector<16xi1>
      %select_n3A_963 = arith.select %or3A_962, %select_n3A_949, %select_n3A_935 : vector<16xi1>, vector<16xf32>
      %select_n3A_964 = arith.select %or3A_962, %select_n3A_950, %select_n3A_936 : vector<16xi1>, vector<16xi32>
      %select_n3A_965 = arith.select %or3A_962, %select_n3A_935, %select_n3A_949 : vector<16xi1>, vector<16xf32>
      %select_n3A_966 = arith.select %or3A_962, %select_n3A_936, %select_n3A_950 : vector<16xi1>, vector<16xi32>
      %gt3A_967 = arith.cmpf ogt, %select_n3A_956, %select_n3A_942 : vector<16xf32>
      %eq3A_968 = arith.cmpf oeq, %select_n3A_956, %select_n3A_942 : vector<16xf32>
      %lt3A_969 = arith.cmpi slt, %select_n3A_957, %select_n3A_943 : vector<16xi32>
      %and3A_970 = arith.andi %eq3A_968, %lt3A_969 : vector<16xi1>
      %or3A_971 = arith.ori %gt3A_967, %and3A_970 : vector<16xi1>
      %select_n3A_972 = arith.select %or3A_971, %select_n3A_956, %select_n3A_942 : vector<16xi1>, vector<16xf32>
      %select_n3A_973 = arith.select %or3A_971, %select_n3A_957, %select_n3A_943 : vector<16xi1>, vector<16xi32>
      %select_n3A_974 = arith.select %or3A_971, %select_n3A_942, %select_n3A_956 : vector<16xi1>, vector<16xf32>
      %select_n3A_975 = arith.select %or3A_971, %select_n3A_943, %select_n3A_957 : vector<16xi1>, vector<16xi32>
      %gt3A_976 = arith.cmpf ogt, %select_n3A_972, %select_n3A_963 : vector<16xf32>
      %eq3A_977 = arith.cmpf oeq, %select_n3A_972, %select_n3A_963 : vector<16xf32>
      %lt3A_978 = arith.cmpi slt, %select_n3A_973, %select_n3A_964 : vector<16xi32>
      %and3A_979 = arith.andi %eq3A_977, %lt3A_978 : vector<16xi1>
      %or3A_980 = arith.ori %gt3A_976, %and3A_979 : vector<16xi1>
      %select_n3A_981 = arith.select %or3A_980, %select_n3A_972, %select_n3A_963 : vector<16xi1>, vector<16xf32>
      %select_n3A_982 = arith.select %or3A_980, %select_n3A_973, %select_n3A_964 : vector<16xi1>, vector<16xi32>
      %select_n3A_983 = arith.select %or3A_980, %select_n3A_963, %select_n3A_972 : vector<16xi1>, vector<16xf32>
      %select_n3A_984 = arith.select %or3A_980, %select_n3A_964, %select_n3A_973 : vector<16xi1>, vector<16xi32>
      %gt3A_985 = arith.cmpf ogt, %select_n3A_974, %select_n3A_965 : vector<16xf32>
      %eq3A_986 = arith.cmpf oeq, %select_n3A_974, %select_n3A_965 : vector<16xf32>
      %lt3A_987 = arith.cmpi slt, %select_n3A_975, %select_n3A_966 : vector<16xi32>
      %and3A_988 = arith.andi %eq3A_986, %lt3A_987 : vector<16xi1>
      %or3A_989 = arith.ori %gt3A_985, %and3A_988 : vector<16xi1>
      %select_n3A_990 = arith.select %or3A_989, %select_n3A_974, %select_n3A_965 : vector<16xi1>, vector<16xf32>
      %select_n3A_991 = arith.select %or3A_989, %select_n3A_975, %select_n3A_966 : vector<16xi1>, vector<16xi32>
      %select_n3A_992 = arith.select %or3A_989, %select_n3A_965, %select_n3A_974 : vector<16xi1>, vector<16xf32>
      %select_n3A_993 = arith.select %or3A_989, %select_n3A_966, %select_n3A_975 : vector<16xi1>, vector<16xi32>
      %xor3A_994 = arith.constant 2 : i32
      %xor3A_995 = vector.broadcast %xor3A_994 : i32 to vector<16xi32>
      %xor3A_996 = arith.xori %iota3A, %xor3A_995 : vector<16xi32>
      %lt3A_997 = arith.constant 0 : i32
      %lt3A_998 = vector.broadcast %lt3A_997 : i32 to vector<16xi32>
      %lt3A_999 = arith.cmpi slt, %xor3A_996, %lt3A_998 : vector<16xi32>
      %add3A_1000 = arith.constant 16 : i32
      %add3A_1001 = vector.broadcast %add3A_1000 : i32 to vector<16xi32>
      %add3A_1002 = arith.addi %xor3A_996, %add3A_1001 : vector<16xi32>
      %select_n3A_1003 = arith.select %lt3A_999, %add3A_1002, %xor3A_996 : vector<16xi1>, vector<16xi32>
      %broadcast_in_dim3A_1004 = vector.shape_cast %select_n3A_1003 : vector<16xi32> to vector<16x1xi32>
      %gather3A_1005 = vector.shape_cast %broadcast_in_dim3A_1004 : vector<16x1xi32> to vector<16xi32>
      %gather3A_1006 = tpu.dynamic_gather %select_n3A_981[%gather3A_1005] in [0] : vector<16xf32>, vector<16xi32> -> vector<16xf32>
      %lt3A_1007 = arith.constant 0 : i32
      %lt3A_1008 = vector.broadcast %lt3A_1007 : i32 to vector<16xi32>
      %lt3A_1009 = arith.cmpi slt, %xor3A_996, %lt3A_1008 : vector<16xi32>
      %add3A_1010 = arith.constant 16 : i32
      %add3A_1011 = vector.broadcast %add3A_1010 : i32 to vector<16xi32>
      %add3A_1012 = arith.addi %xor3A_996, %add3A_1011 : vector<16xi32>
      %select_n3A_1013 = arith.select %lt3A_1009, %add3A_1012, %xor3A_996 : vector<16xi1>, vector<16xi32>
      %broadcast_in_dim3A_1014 = vector.shape_cast %select_n3A_1013 : vector<16xi32> to vector<16x1xi32>
      %gather3A_1015 = vector.shape_cast %broadcast_in_dim3A_1014 : vector<16x1xi32> to vector<16xi32>
      %gather3A_1016 = tpu.dynamic_gather %select_n3A_982[%gather3A_1015] in [0] : vector<16xi32>, vector<16xi32> -> vector<16xi32>
      %lt3A_1017 = arith.constant 0 : i32
      %lt3A_1018 = vector.broadcast %lt3A_1017 : i32 to vector<16xi32>
      %lt3A_1019 = arith.cmpi slt, %xor3A_996, %lt3A_1018 : vector<16xi32>
      %add3A_1020 = arith.constant 16 : i32
      %add3A_1021 = vector.broadcast %add3A_1020 : i32 to vector<16xi32>
      %add3A_1022 = arith.addi %xor3A_996, %add3A_1021 : vector<16xi32>
      %select_n3A_1023 = arith.select %lt3A_1019, %add3A_1022, %xor3A_996 : vector<16xi1>, vector<16xi32>
      %broadcast_in_dim3A_1024 = vector.shape_cast %select_n3A_1023 : vector<16xi32> to vector<16x1xi32>
      %gather3A_1025 = vector.shape_cast %broadcast_in_dim3A_1024 : vector<16x1xi32> to vector<16xi32>
      %gather3A_1026 = tpu.dynamic_gather %select_n3A_983[%gather3A_1025] in [0] : vector<16xf32>, vector<16xi32> -> vector<16xf32>
      %lt3A_1027 = arith.constant 0 : i32
      %lt3A_1028 = vector.broadcast %lt3A_1027 : i32 to vector<16xi32>
      %lt3A_1029 = arith.cmpi slt, %xor3A_996, %lt3A_1028 : vector<16xi32>
      %add3A_1030 = arith.constant 16 : i32
      %add3A_1031 = vector.broadcast %add3A_1030 : i32 to vector<16xi32>
      %add3A_1032 = arith.addi %xor3A_996, %add3A_1031 : vector<16xi32>
      %select_n3A_1033 = arith.select %lt3A_1029, %add3A_1032, %xor3A_996 : vector<16xi1>, vector<16xi32>
      %broadcast_in_dim3A_1034 = vector.shape_cast %select_n3A_1033 : vector<16xi32> to vector<16x1xi32>
      %gather3A_1035 = vector.shape_cast %broadcast_in_dim3A_1034 : vector<16x1xi32> to vector<16xi32>
      %gather3A_1036 = tpu.dynamic_gather %select_n3A_984[%gather3A_1035] in [0] : vector<16xi32>, vector<16xi32> -> vector<16xi32>
      %lt3A_1037 = arith.constant 0 : i32
      %lt3A_1038 = vector.broadcast %lt3A_1037 : i32 to vector<16xi32>
      %lt3A_1039 = arith.cmpi slt, %xor3A_996, %lt3A_1038 : vector<16xi32>
      %add3A_1040 = arith.constant 16 : i32
      %add3A_1041 = vector.broadcast %add3A_1040 : i32 to vector<16xi32>
      %add3A_1042 = arith.addi %xor3A_996, %add3A_1041 : vector<16xi32>
      %select_n3A_1043 = arith.select %lt3A_1039, %add3A_1042, %xor3A_996 : vector<16xi1>, vector<16xi32>
      %broadcast_in_dim3A_1044 = vector.shape_cast %select_n3A_1043 : vector<16xi32> to vector<16x1xi32>
      %gather3A_1045 = vector.shape_cast %broadcast_in_dim3A_1044 : vector<16x1xi32> to vector<16xi32>
      %gather3A_1046 = tpu.dynamic_gather %select_n3A_990[%gather3A_1045] in [0] : vector<16xf32>, vector<16xi32> -> vector<16xf32>
      %lt3A_1047 = arith.constant 0 : i32
      %lt3A_1048 = vector.broadcast %lt3A_1047 : i32 to vector<16xi32>
      %lt3A_1049 = arith.cmpi slt, %xor3A_996, %lt3A_1048 : vector<16xi32>
      %add3A_1050 = arith.constant 16 : i32
      %add3A_1051 = vector.broadcast %add3A_1050 : i32 to vector<16xi32>
      %add3A_1052 = arith.addi %xor3A_996, %add3A_1051 : vector<16xi32>
      %select_n3A_1053 = arith.select %lt3A_1049, %add3A_1052, %xor3A_996 : vector<16xi1>, vector<16xi32>
      %broadcast_in_dim3A_1054 = vector.shape_cast %select_n3A_1053 : vector<16xi32> to vector<16x1xi32>
      %gather3A_1055 = vector.shape_cast %broadcast_in_dim3A_1054 : vector<16x1xi32> to vector<16xi32>
      %gather3A_1056 = tpu.dynamic_gather %select_n3A_991[%gather3A_1055] in [0] : vector<16xi32>, vector<16xi32> -> vector<16xi32>
      %lt3A_1057 = arith.constant 0 : i32
      %lt3A_1058 = vector.broadcast %lt3A_1057 : i32 to vector<16xi32>
      %lt3A_1059 = arith.cmpi slt, %xor3A_996, %lt3A_1058 : vector<16xi32>
      %add3A_1060 = arith.constant 16 : i32
      %add3A_1061 = vector.broadcast %add3A_1060 : i32 to vector<16xi32>
      %add3A_1062 = arith.addi %xor3A_996, %add3A_1061 : vector<16xi32>
      %select_n3A_1063 = arith.select %lt3A_1059, %add3A_1062, %xor3A_996 : vector<16xi1>, vector<16xi32>
      %broadcast_in_dim3A_1064 = vector.shape_cast %select_n3A_1063 : vector<16xi32> to vector<16x1xi32>
      %gather3A_1065 = vector.shape_cast %broadcast_in_dim3A_1064 : vector<16x1xi32> to vector<16xi32>
      %gather3A_1066 = tpu.dynamic_gather %select_n3A_992[%gather3A_1065] in [0] : vector<16xf32>, vector<16xi32> -> vector<16xf32>
      %lt3A_1067 = arith.constant 0 : i32
      %lt3A_1068 = vector.broadcast %lt3A_1067 : i32 to vector<16xi32>
      %lt3A_1069 = arith.cmpi slt, %xor3A_996, %lt3A_1068 : vector<16xi32>
      %add3A_1070 = arith.constant 16 : i32
      %add3A_1071 = vector.broadcast %add3A_1070 : i32 to vector<16xi32>
      %add3A_1072 = arith.addi %xor3A_996, %add3A_1071 : vector<16xi32>
      %select_n3A_1073 = arith.select %lt3A_1069, %add3A_1072, %xor3A_996 : vector<16xi1>, vector<16xi32>
      %broadcast_in_dim3A_1074 = vector.shape_cast %select_n3A_1073 : vector<16xi32> to vector<16x1xi32>
      %gather3A_1075 = vector.shape_cast %broadcast_in_dim3A_1074 : vector<16x1xi32> to vector<16xi32>
      %gather3A_1076 = tpu.dynamic_gather %select_n3A_993[%gather3A_1075] in [0] : vector<16xi32>, vector<16xi32> -> vector<16xi32>
      %gt3A_1077 = arith.cmpf ogt, %gather3A_1066, %select_n3A_981 : vector<16xf32>
      %eq3A_1078 = arith.cmpf oeq, %gather3A_1066, %select_n3A_981 : vector<16xf32>
      %lt3A_1079 = arith.cmpi slt, %gather3A_1076, %select_n3A_982 : vector<16xi32>
      %and3A_1080 = arith.andi %eq3A_1078, %lt3A_1079 : vector<16xi1>
      %or3A_1081 = arith.ori %gt3A_1077, %and3A_1080 : vector<16xi1>
      %select_n3A_1082 = arith.select %or3A_1081, %gather3A_1066, %select_n3A_981 : vector<16xi1>, vector<16xf32>
      %select_n3A_1083 = arith.select %or3A_1081, %gather3A_1076, %select_n3A_982 : vector<16xi1>, vector<16xi32>
      %gt3A_1084 = arith.cmpf ogt, %gather3A_1046, %select_n3A_983 : vector<16xf32>
      %eq3A_1085 = arith.cmpf oeq, %gather3A_1046, %select_n3A_983 : vector<16xf32>
      %lt3A_1086 = arith.cmpi slt, %gather3A_1056, %select_n3A_984 : vector<16xi32>
      %and3A_1087 = arith.andi %eq3A_1085, %lt3A_1086 : vector<16xi1>
      %or3A_1088 = arith.ori %gt3A_1084, %and3A_1087 : vector<16xi1>
      %select_n3A_1089 = arith.select %or3A_1088, %gather3A_1046, %select_n3A_983 : vector<16xi1>, vector<16xf32>
      %select_n3A_1090 = arith.select %or3A_1088, %gather3A_1056, %select_n3A_984 : vector<16xi1>, vector<16xi32>
      %gt3A_1091 = arith.cmpf ogt, %gather3A_1026, %select_n3A_990 : vector<16xf32>
      %eq3A_1092 = arith.cmpf oeq, %gather3A_1026, %select_n3A_990 : vector<16xf32>
      %lt3A_1093 = arith.cmpi slt, %gather3A_1036, %select_n3A_991 : vector<16xi32>
      %and3A_1094 = arith.andi %eq3A_1092, %lt3A_1093 : vector<16xi1>
      %or3A_1095 = arith.ori %gt3A_1091, %and3A_1094 : vector<16xi1>
      %select_n3A_1096 = arith.select %or3A_1095, %gather3A_1026, %select_n3A_990 : vector<16xi1>, vector<16xf32>
      %select_n3A_1097 = arith.select %or3A_1095, %gather3A_1036, %select_n3A_991 : vector<16xi1>, vector<16xi32>
      %gt3A_1098 = arith.cmpf ogt, %gather3A_1006, %select_n3A_992 : vector<16xf32>
      %eq3A_1099 = arith.cmpf oeq, %gather3A_1006, %select_n3A_992 : vector<16xf32>
      %lt3A_1100 = arith.cmpi slt, %gather3A_1016, %select_n3A_993 : vector<16xi32>
      %and3A_1101 = arith.andi %eq3A_1099, %lt3A_1100 : vector<16xi1>
      %or3A_1102 = arith.ori %gt3A_1098, %and3A_1101 : vector<16xi1>
      %select_n3A_1103 = arith.select %or3A_1102, %gather3A_1006, %select_n3A_992 : vector<16xi1>, vector<16xf32>
      %select_n3A_1104 = arith.select %or3A_1102, %gather3A_1016, %select_n3A_993 : vector<16xi1>, vector<16xi32>
      %gt3A_1105 = arith.cmpf ogt, %select_n3A_1096, %select_n3A_1082 : vector<16xf32>
      %eq3A_1106 = arith.cmpf oeq, %select_n3A_1096, %select_n3A_1082 : vector<16xf32>
      %lt3A_1107 = arith.cmpi slt, %select_n3A_1097, %select_n3A_1083 : vector<16xi32>
      %and3A_1108 = arith.andi %eq3A_1106, %lt3A_1107 : vector<16xi1>
      %or3A_1109 = arith.ori %gt3A_1105, %and3A_1108 : vector<16xi1>
      %select_n3A_1110 = arith.select %or3A_1109, %select_n3A_1096, %select_n3A_1082 : vector<16xi1>, vector<16xf32>
      %select_n3A_1111 = arith.select %or3A_1109, %select_n3A_1097, %select_n3A_1083 : vector<16xi1>, vector<16xi32>
      %select_n3A_1112 = arith.select %or3A_1109, %select_n3A_1082, %select_n3A_1096 : vector<16xi1>, vector<16xf32>
      %select_n3A_1113 = arith.select %or3A_1109, %select_n3A_1083, %select_n3A_1097 : vector<16xi1>, vector<16xi32>
      %gt3A_1114 = arith.cmpf ogt, %select_n3A_1103, %select_n3A_1089 : vector<16xf32>
      %eq3A_1115 = arith.cmpf oeq, %select_n3A_1103, %select_n3A_1089 : vector<16xf32>
      %lt3A_1116 = arith.cmpi slt, %select_n3A_1104, %select_n3A_1090 : vector<16xi32>
      %and3A_1117 = arith.andi %eq3A_1115, %lt3A_1116 : vector<16xi1>
      %or3A_1118 = arith.ori %gt3A_1114, %and3A_1117 : vector<16xi1>
      %select_n3A_1119 = arith.select %or3A_1118, %select_n3A_1103, %select_n3A_1089 : vector<16xi1>, vector<16xf32>
      %select_n3A_1120 = arith.select %or3A_1118, %select_n3A_1104, %select_n3A_1090 : vector<16xi1>, vector<16xi32>
      %select_n3A_1121 = arith.select %or3A_1118, %select_n3A_1089, %select_n3A_1103 : vector<16xi1>, vector<16xf32>
      %select_n3A_1122 = arith.select %or3A_1118, %select_n3A_1090, %select_n3A_1104 : vector<16xi1>, vector<16xi32>
      %gt3A_1123 = arith.cmpf ogt, %select_n3A_1119, %select_n3A_1110 : vector<16xf32>
      %eq3A_1124 = arith.cmpf oeq, %select_n3A_1119, %select_n3A_1110 : vector<16xf32>
      %lt3A_1125 = arith.cmpi slt, %select_n3A_1120, %select_n3A_1111 : vector<16xi32>
      %and3A_1126 = arith.andi %eq3A_1124, %lt3A_1125 : vector<16xi1>
      %or3A_1127 = arith.ori %gt3A_1123, %and3A_1126 : vector<16xi1>
      %select_n3A_1128 = arith.select %or3A_1127, %select_n3A_1119, %select_n3A_1110 : vector<16xi1>, vector<16xf32>
      %select_n3A_1129 = arith.select %or3A_1127, %select_n3A_1120, %select_n3A_1111 : vector<16xi1>, vector<16xi32>
      %select_n3A_1130 = arith.select %or3A_1127, %select_n3A_1110, %select_n3A_1119 : vector<16xi1>, vector<16xf32>
      %select_n3A_1131 = arith.select %or3A_1127, %select_n3A_1111, %select_n3A_1120 : vector<16xi1>, vector<16xi32>
      %gt3A_1132 = arith.cmpf ogt, %select_n3A_1121, %select_n3A_1112 : vector<16xf32>
      %eq3A_1133 = arith.cmpf oeq, %select_n3A_1121, %select_n3A_1112 : vector<16xf32>
      %lt3A_1134 = arith.cmpi slt, %select_n3A_1122, %select_n3A_1113 : vector<16xi32>
      %and3A_1135 = arith.andi %eq3A_1133, %lt3A_1134 : vector<16xi1>
      %or3A_1136 = arith.ori %gt3A_1132, %and3A_1135 : vector<16xi1>
      %select_n3A_1137 = arith.select %or3A_1136, %select_n3A_1121, %select_n3A_1112 : vector<16xi1>, vector<16xf32>
      %select_n3A_1138 = arith.select %or3A_1136, %select_n3A_1122, %select_n3A_1113 : vector<16xi1>, vector<16xi32>
      %select_n3A_1139 = arith.select %or3A_1136, %select_n3A_1112, %select_n3A_1121 : vector<16xi1>, vector<16xf32>
      %select_n3A_1140 = arith.select %or3A_1136, %select_n3A_1113, %select_n3A_1122 : vector<16xi1>, vector<16xi32>
      %xor3A_1141 = arith.constant 1 : i32
      %xor3A_1142 = vector.broadcast %xor3A_1141 : i32 to vector<16xi32>
      %xor3A_1143 = arith.xori %iota3A, %xor3A_1142 : vector<16xi32>
      %lt3A_1144 = arith.constant 0 : i32
      %lt3A_1145 = vector.broadcast %lt3A_1144 : i32 to vector<16xi32>
      %lt3A_1146 = arith.cmpi slt, %xor3A_1143, %lt3A_1145 : vector<16xi32>
      %add3A_1147 = arith.constant 16 : i32
      %add3A_1148 = vector.broadcast %add3A_1147 : i32 to vector<16xi32>
      %add3A_1149 = arith.addi %xor3A_1143, %add3A_1148 : vector<16xi32>
      %select_n3A_1150 = arith.select %lt3A_1146, %add3A_1149, %xor3A_1143 : vector<16xi1>, vector<16xi32>
      %broadcast_in_dim3A_1151 = vector.shape_cast %select_n3A_1150 : vector<16xi32> to vector<16x1xi32>
      %gather3A_1152 = vector.shape_cast %broadcast_in_dim3A_1151 : vector<16x1xi32> to vector<16xi32>
      %gather3A_1153 = tpu.dynamic_gather %select_n3A_1128[%gather3A_1152] in [0] : vector<16xf32>, vector<16xi32> -> vector<16xf32>
      %lt3A_1154 = arith.constant 0 : i32
      %lt3A_1155 = vector.broadcast %lt3A_1154 : i32 to vector<16xi32>
      %lt3A_1156 = arith.cmpi slt, %xor3A_1143, %lt3A_1155 : vector<16xi32>
      %add3A_1157 = arith.constant 16 : i32
      %add3A_1158 = vector.broadcast %add3A_1157 : i32 to vector<16xi32>
      %add3A_1159 = arith.addi %xor3A_1143, %add3A_1158 : vector<16xi32>
      %select_n3A_1160 = arith.select %lt3A_1156, %add3A_1159, %xor3A_1143 : vector<16xi1>, vector<16xi32>
      %broadcast_in_dim3A_1161 = vector.shape_cast %select_n3A_1160 : vector<16xi32> to vector<16x1xi32>
      %gather3A_1162 = vector.shape_cast %broadcast_in_dim3A_1161 : vector<16x1xi32> to vector<16xi32>
      %gather3A_1163 = tpu.dynamic_gather %select_n3A_1129[%gather3A_1162] in [0] : vector<16xi32>, vector<16xi32> -> vector<16xi32>
      %lt3A_1164 = arith.constant 0 : i32
      %lt3A_1165 = vector.broadcast %lt3A_1164 : i32 to vector<16xi32>
      %lt3A_1166 = arith.cmpi slt, %xor3A_1143, %lt3A_1165 : vector<16xi32>
      %add3A_1167 = arith.constant 16 : i32
      %add3A_1168 = vector.broadcast %add3A_1167 : i32 to vector<16xi32>
      %add3A_1169 = arith.addi %xor3A_1143, %add3A_1168 : vector<16xi32>
      %select_n3A_1170 = arith.select %lt3A_1166, %add3A_1169, %xor3A_1143 : vector<16xi1>, vector<16xi32>
      %broadcast_in_dim3A_1171 = vector.shape_cast %select_n3A_1170 : vector<16xi32> to vector<16x1xi32>
      %gather3A_1172 = vector.shape_cast %broadcast_in_dim3A_1171 : vector<16x1xi32> to vector<16xi32>
      %gather3A_1173 = tpu.dynamic_gather %select_n3A_1130[%gather3A_1172] in [0] : vector<16xf32>, vector<16xi32> -> vector<16xf32>
      %lt3A_1174 = arith.constant 0 : i32
      %lt3A_1175 = vector.broadcast %lt3A_1174 : i32 to vector<16xi32>
      %lt3A_1176 = arith.cmpi slt, %xor3A_1143, %lt3A_1175 : vector<16xi32>
      %add3A_1177 = arith.constant 16 : i32
      %add3A_1178 = vector.broadcast %add3A_1177 : i32 to vector<16xi32>
      %add3A_1179 = arith.addi %xor3A_1143, %add3A_1178 : vector<16xi32>
      %select_n3A_1180 = arith.select %lt3A_1176, %add3A_1179, %xor3A_1143 : vector<16xi1>, vector<16xi32>
      %broadcast_in_dim3A_1181 = vector.shape_cast %select_n3A_1180 : vector<16xi32> to vector<16x1xi32>
      %gather3A_1182 = vector.shape_cast %broadcast_in_dim3A_1181 : vector<16x1xi32> to vector<16xi32>
      %gather3A_1183 = tpu.dynamic_gather %select_n3A_1131[%gather3A_1182] in [0] : vector<16xi32>, vector<16xi32> -> vector<16xi32>
      %lt3A_1184 = arith.constant 0 : i32
      %lt3A_1185 = vector.broadcast %lt3A_1184 : i32 to vector<16xi32>
      %lt3A_1186 = arith.cmpi slt, %xor3A_1143, %lt3A_1185 : vector<16xi32>
      %add3A_1187 = arith.constant 16 : i32
      %add3A_1188 = vector.broadcast %add3A_1187 : i32 to vector<16xi32>
      %add3A_1189 = arith.addi %xor3A_1143, %add3A_1188 : vector<16xi32>
      %select_n3A_1190 = arith.select %lt3A_1186, %add3A_1189, %xor3A_1143 : vector<16xi1>, vector<16xi32>
      %broadcast_in_dim3A_1191 = vector.shape_cast %select_n3A_1190 : vector<16xi32> to vector<16x1xi32>
      %gather3A_1192 = vector.shape_cast %broadcast_in_dim3A_1191 : vector<16x1xi32> to vector<16xi32>
      %gather3A_1193 = tpu.dynamic_gather %select_n3A_1137[%gather3A_1192] in [0] : vector<16xf32>, vector<16xi32> -> vector<16xf32>
      %lt3A_1194 = arith.constant 0 : i32
      %lt3A_1195 = vector.broadcast %lt3A_1194 : i32 to vector<16xi32>
      %lt3A_1196 = arith.cmpi slt, %xor3A_1143, %lt3A_1195 : vector<16xi32>
      %add3A_1197 = arith.constant 16 : i32
      %add3A_1198 = vector.broadcast %add3A_1197 : i32 to vector<16xi32>
      %add3A_1199 = arith.addi %xor3A_1143, %add3A_1198 : vector<16xi32>
      %select_n3A_1200 = arith.select %lt3A_1196, %add3A_1199, %xor3A_1143 : vector<16xi1>, vector<16xi32>
      %broadcast_in_dim3A_1201 = vector.shape_cast %select_n3A_1200 : vector<16xi32> to vector<16x1xi32>
      %gather3A_1202 = vector.shape_cast %broadcast_in_dim3A_1201 : vector<16x1xi32> to vector<16xi32>
      %gather3A_1203 = tpu.dynamic_gather %select_n3A_1138[%gather3A_1202] in [0] : vector<16xi32>, vector<16xi32> -> vector<16xi32>
      %lt3A_1204 = arith.constant 0 : i32
      %lt3A_1205 = vector.broadcast %lt3A_1204 : i32 to vector<16xi32>
      %lt3A_1206 = arith.cmpi slt, %xor3A_1143, %lt3A_1205 : vector<16xi32>
      %add3A_1207 = arith.constant 16 : i32
      %add3A_1208 = vector.broadcast %add3A_1207 : i32 to vector<16xi32>
      %add3A_1209 = arith.addi %xor3A_1143, %add3A_1208 : vector<16xi32>
      %select_n3A_1210 = arith.select %lt3A_1206, %add3A_1209, %xor3A_1143 : vector<16xi1>, vector<16xi32>
      %broadcast_in_dim3A_1211 = vector.shape_cast %select_n3A_1210 : vector<16xi32> to vector<16x1xi32>
      %gather3A_1212 = vector.shape_cast %broadcast_in_dim3A_1211 : vector<16x1xi32> to vector<16xi32>
      %gather3A_1213 = tpu.dynamic_gather %select_n3A_1139[%gather3A_1212] in [0] : vector<16xf32>, vector<16xi32> -> vector<16xf32>
      %lt3A_1214 = arith.constant 0 : i32
      %lt3A_1215 = vector.broadcast %lt3A_1214 : i32 to vector<16xi32>
      %lt3A_1216 = arith.cmpi slt, %xor3A_1143, %lt3A_1215 : vector<16xi32>
      %add3A_1217 = arith.constant 16 : i32
      %add3A_1218 = vector.broadcast %add3A_1217 : i32 to vector<16xi32>
      %add3A_1219 = arith.addi %xor3A_1143, %add3A_1218 : vector<16xi32>
      %select_n3A_1220 = arith.select %lt3A_1216, %add3A_1219, %xor3A_1143 : vector<16xi1>, vector<16xi32>
      %broadcast_in_dim3A_1221 = vector.shape_cast %select_n3A_1220 : vector<16xi32> to vector<16x1xi32>
      %gather3A_1222 = vector.shape_cast %broadcast_in_dim3A_1221 : vector<16x1xi32> to vector<16xi32>
      %gather3A_1223 = tpu.dynamic_gather %select_n3A_1140[%gather3A_1222] in [0] : vector<16xi32>, vector<16xi32> -> vector<16xi32>
      %gt3A_1224 = arith.cmpf ogt, %gather3A_1213, %select_n3A_1128 : vector<16xf32>
      %eq3A_1225 = arith.cmpf oeq, %gather3A_1213, %select_n3A_1128 : vector<16xf32>
      %lt3A_1226 = arith.cmpi slt, %gather3A_1223, %select_n3A_1129 : vector<16xi32>
      %and3A_1227 = arith.andi %eq3A_1225, %lt3A_1226 : vector<16xi1>
      %or3A_1228 = arith.ori %gt3A_1224, %and3A_1227 : vector<16xi1>
      %select_n3A_1229 = arith.select %or3A_1228, %gather3A_1213, %select_n3A_1128 : vector<16xi1>, vector<16xf32>
      %select_n3A_1230 = arith.select %or3A_1228, %gather3A_1223, %select_n3A_1129 : vector<16xi1>, vector<16xi32>
      %gt3A_1231 = arith.cmpf ogt, %gather3A_1193, %select_n3A_1130 : vector<16xf32>
      %eq3A_1232 = arith.cmpf oeq, %gather3A_1193, %select_n3A_1130 : vector<16xf32>
      %lt3A_1233 = arith.cmpi slt, %gather3A_1203, %select_n3A_1131 : vector<16xi32>
      %and3A_1234 = arith.andi %eq3A_1232, %lt3A_1233 : vector<16xi1>
      %or3A_1235 = arith.ori %gt3A_1231, %and3A_1234 : vector<16xi1>
      %select_n3A_1236 = arith.select %or3A_1235, %gather3A_1193, %select_n3A_1130 : vector<16xi1>, vector<16xf32>
      %select_n3A_1237 = arith.select %or3A_1235, %gather3A_1203, %select_n3A_1131 : vector<16xi1>, vector<16xi32>
      %gt3A_1238 = arith.cmpf ogt, %gather3A_1173, %select_n3A_1137 : vector<16xf32>
      %eq3A_1239 = arith.cmpf oeq, %gather3A_1173, %select_n3A_1137 : vector<16xf32>
      %lt3A_1240 = arith.cmpi slt, %gather3A_1183, %select_n3A_1138 : vector<16xi32>
      %and3A_1241 = arith.andi %eq3A_1239, %lt3A_1240 : vector<16xi1>
      %or3A_1242 = arith.ori %gt3A_1238, %and3A_1241 : vector<16xi1>
      %select_n3A_1243 = arith.select %or3A_1242, %gather3A_1173, %select_n3A_1137 : vector<16xi1>, vector<16xf32>
      %select_n3A_1244 = arith.select %or3A_1242, %gather3A_1183, %select_n3A_1138 : vector<16xi1>, vector<16xi32>
      %gt3A_1245 = arith.cmpf ogt, %gather3A_1153, %select_n3A_1139 : vector<16xf32>
      %eq3A_1246 = arith.cmpf oeq, %gather3A_1153, %select_n3A_1139 : vector<16xf32>
      %lt3A_1247 = arith.cmpi slt, %gather3A_1163, %select_n3A_1140 : vector<16xi32>
      %and3A_1248 = arith.andi %eq3A_1246, %lt3A_1247 : vector<16xi1>
      %or3A_1249 = arith.ori %gt3A_1245, %and3A_1248 : vector<16xi1>
      %select_n3A_1250 = arith.select %or3A_1249, %gather3A_1153, %select_n3A_1139 : vector<16xi1>, vector<16xf32>
      %select_n3A_1251 = arith.select %or3A_1249, %gather3A_1163, %select_n3A_1140 : vector<16xi1>, vector<16xi32>
      %gt3A_1252 = arith.cmpf ogt, %select_n3A_1243, %select_n3A_1229 : vector<16xf32>
      %eq3A_1253 = arith.cmpf oeq, %select_n3A_1243, %select_n3A_1229 : vector<16xf32>
      %lt3A_1254 = arith.cmpi slt, %select_n3A_1244, %select_n3A_1230 : vector<16xi32>
      %and3A_1255 = arith.andi %eq3A_1253, %lt3A_1254 : vector<16xi1>
      %or3A_1256 = arith.ori %gt3A_1252, %and3A_1255 : vector<16xi1>
      %select_n3A_1257 = arith.select %or3A_1256, %select_n3A_1243, %select_n3A_1229 : vector<16xi1>, vector<16xf32>
      %select_n3A_1258 = arith.select %or3A_1256, %select_n3A_1244, %select_n3A_1230 : vector<16xi1>, vector<16xi32>
      %select_n3A_1259 = arith.select %or3A_1256, %select_n3A_1229, %select_n3A_1243 : vector<16xi1>, vector<16xf32>
      %select_n3A_1260 = arith.select %or3A_1256, %select_n3A_1230, %select_n3A_1244 : vector<16xi1>, vector<16xi32>
      %gt3A_1261 = arith.cmpf ogt, %select_n3A_1250, %select_n3A_1236 : vector<16xf32>
      %eq3A_1262 = arith.cmpf oeq, %select_n3A_1250, %select_n3A_1236 : vector<16xf32>
      %lt3A_1263 = arith.cmpi slt, %select_n3A_1251, %select_n3A_1237 : vector<16xi32>
      %and3A_1264 = arith.andi %eq3A_1262, %lt3A_1263 : vector<16xi1>
      %or3A_1265 = arith.ori %gt3A_1261, %and3A_1264 : vector<16xi1>
      %select_n3A_1266 = arith.select %or3A_1265, %select_n3A_1250, %select_n3A_1236 : vector<16xi1>, vector<16xf32>
      %select_n3A_1267 = arith.select %or3A_1265, %select_n3A_1251, %select_n3A_1237 : vector<16xi1>, vector<16xi32>
      %select_n3A_1268 = arith.select %or3A_1265, %select_n3A_1236, %select_n3A_1250 : vector<16xi1>, vector<16xf32>
      %select_n3A_1269 = arith.select %or3A_1265, %select_n3A_1237, %select_n3A_1251 : vector<16xi1>, vector<16xi32>
      %gt3A_1270 = arith.cmpf ogt, %select_n3A_1266, %select_n3A_1257 : vector<16xf32>
      %eq3A_1271 = arith.cmpf oeq, %select_n3A_1266, %select_n3A_1257 : vector<16xf32>
      %lt3A_1272 = arith.cmpi slt, %select_n3A_1267, %select_n3A_1258 : vector<16xi32>
      %and3A_1273 = arith.andi %eq3A_1271, %lt3A_1272 : vector<16xi1>
      %or3A_1274 = arith.ori %gt3A_1270, %and3A_1273 : vector<16xi1>
      %select_n3A_1275 = arith.select %or3A_1274, %select_n3A_1266, %select_n3A_1257 : vector<16xi1>, vector<16xf32>
      %select_n3A_1276 = arith.select %or3A_1274, %select_n3A_1267, %select_n3A_1258 : vector<16xi1>, vector<16xi32>
      %select_n3A_1277 = arith.select %or3A_1274, %select_n3A_1257, %select_n3A_1266 : vector<16xi1>, vector<16xf32>
      %select_n3A_1278 = arith.select %or3A_1274, %select_n3A_1258, %select_n3A_1267 : vector<16xi1>, vector<16xi32>
      %gt3A_1279 = arith.cmpf ogt, %select_n3A_1268, %select_n3A_1259 : vector<16xf32>
      %eq3A_1280 = arith.cmpf oeq, %select_n3A_1268, %select_n3A_1259 : vector<16xf32>
      %lt3A_1281 = arith.cmpi slt, %select_n3A_1269, %select_n3A_1260 : vector<16xi32>
      %and3A_1282 = arith.andi %eq3A_1280, %lt3A_1281 : vector<16xi1>
      %or3A_1283 = arith.ori %gt3A_1279, %and3A_1282 : vector<16xi1>
      %select_n3A_1284 = arith.select %or3A_1283, %select_n3A_1268, %select_n3A_1259 : vector<16xi1>, vector<16xf32>
      %select_n3A_1285 = arith.select %or3A_1283, %select_n3A_1269, %select_n3A_1260 : vector<16xi1>, vector<16xi32>
      %select_n3A_1286 = arith.select %or3A_1283, %select_n3A_1259, %select_n3A_1268 : vector<16xi1>, vector<16xf32>
      %select_n3A_1287 = arith.select %or3A_1283, %select_n3A_1260, %select_n3A_1269 : vector<16xi1>, vector<16xi32>
      %gt3A_1288 = arith.constant -5.000000e+09 : f32
      %gt3A_1289 = vector.broadcast %gt3A_1288 : f32 to vector<16xf32>
      %gt3A_1290 = arith.cmpf ogt, %select_n3A_1275, %gt3A_1289 : vector<16xf32>
      %gt3A_1291 = arith.constant -5.000000e+09 : f32
      %gt3A_1292 = vector.broadcast %gt3A_1291 : f32 to vector<16xf32>
      %gt3A_1293 = arith.cmpf ogt, %select_n3A_1277, %gt3A_1292 : vector<16xf32>
      %gt3A_1294 = arith.constant -5.000000e+09 : f32
      %gt3A_1295 = vector.broadcast %gt3A_1294 : f32 to vector<16xf32>
      %gt3A_1296 = arith.cmpf ogt, %select_n3A_1284, %gt3A_1295 : vector<16xf32>
      %gt3A_1297 = arith.constant -5.000000e+09 : f32
      %gt3A_1298 = vector.broadcast %gt3A_1297 : f32 to vector<16xf32>
      %gt3A_1299 = arith.cmpf ogt, %select_n3A_1286, %gt3A_1298 : vector<16xf32>
      %gather3A_1300 = tpu.vector_load_idx %arg8[%select_n3A_1276] : memref<20480xf32, #tpu.memory_space<vmem>>[vector<16xi32>], vector<16xf32>,
      %gather3A_1301 = tpu.vector_load_idx %arg9[%select_n3A_1276] : memref<20480xf32, #tpu.memory_space<vmem>>[vector<16xi32>], vector<16xf32>,
      %gather3A_1302 = tpu.vector_load_idx %arg10[%select_n3A_1276] : memref<20480xf32, #tpu.memory_space<vmem>>[vector<16xi32>], vector<16xf32>,
      %gather3A_1303 = tpu.vector_load_idx %arg11[%select_n3A_1276] : memref<20480xf32, #tpu.memory_space<vmem>>[vector<16xi32>], vector<16xf32>,
      %sub3A = arith.subf %gather3A_1302, %gather3A_1300 : vector<16xf32>
      %max3A = arith.constant 0.000000e+00 : f32
      %max3A_1304 = vector.broadcast %max3A : f32 to vector<16xf32>
      %max3A_1305 = arith.maximumf %sub3A, %max3A_1304 : vector<16xf32>
      %sub3A_1306 = arith.subf %gather3A_1303, %gather3A_1301 : vector<16xf32>
      %max3A_1307 = arith.constant 0.000000e+00 : f32
      %max3A_1308 = vector.broadcast %max3A_1307 : f32 to vector<16xf32>
      %max3A_1309 = arith.maximumf %sub3A_1306, %max3A_1308 : vector<16xf32>
      %mul3A_1310 = arith.mulf %max3A_1305, %max3A_1309 : vector<16xf32>
      %gather3A_1311 = tpu.vector_load_idx %arg8[%select_n3A_1278] : memref<20480xf32, #tpu.memory_space<vmem>>[vector<16xi32>], vector<16xf32>,
      %gather3A_1312 = tpu.vector_load_idx %arg9[%select_n3A_1278] : memref<20480xf32, #tpu.memory_space<vmem>>[vector<16xi32>], vector<16xf32>,
      %gather3A_1313 = tpu.vector_load_idx %arg10[%select_n3A_1278] : memref<20480xf32, #tpu.memory_space<vmem>>[vector<16xi32>], vector<16xf32>,
      %gather3A_1314 = tpu.vector_load_idx %arg11[%select_n3A_1278] : memref<20480xf32, #tpu.memory_space<vmem>>[vector<16xi32>], vector<16xf32>,
      %sub3A_1315 = arith.subf %gather3A_1313, %gather3A_1311 : vector<16xf32>
      %max3A_1316 = arith.constant 0.000000e+00 : f32
      %max3A_1317 = vector.broadcast %max3A_1316 : f32 to vector<16xf32>
      %max3A_1318 = arith.maximumf %sub3A_1315, %max3A_1317 : vector<16xf32>
      %sub3A_1319 = arith.subf %gather3A_1314, %gather3A_1312 : vector<16xf32>
      %max3A_1320 = arith.constant 0.000000e+00 : f32
      %max3A_1321 = vector.broadcast %max3A_1320 : f32 to vector<16xf32>
      %max3A_1322 = arith.maximumf %sub3A_1319, %max3A_1321 : vector<16xf32>
      %mul3A_1323 = arith.mulf %max3A_1318, %max3A_1322 : vector<16xf32>
      %gather3A_1324 = tpu.vector_load_idx %arg8[%select_n3A_1285] : memref<20480xf32, #tpu.memory_space<vmem>>[vector<16xi32>], vector<16xf32>,
      %gather3A_1325 = tpu.vector_load_idx %arg9[%select_n3A_1285] : memref<20480xf32, #tpu.memory_space<vmem>>[vector<16xi32>], vector<16xf32>,
      %gather3A_1326 = tpu.vector_load_idx %arg10[%select_n3A_1285] : memref<20480xf32, #tpu.memory_space<vmem>>[vector<16xi32>], vector<16xf32>,
      %gather3A_1327 = tpu.vector_load_idx %arg11[%select_n3A_1285] : memref<20480xf32, #tpu.memory_space<vmem>>[vector<16xi32>], vector<16xf32>,
      %sub3A_1328 = arith.subf %gather3A_1326, %gather3A_1324 : vector<16xf32>
      %max3A_1329 = arith.constant 0.000000e+00 : f32
      %max3A_1330 = vector.broadcast %max3A_1329 : f32 to vector<16xf32>
      %max3A_1331 = arith.maximumf %sub3A_1328, %max3A_1330 : vector<16xf32>
      %sub3A_1332 = arith.subf %gather3A_1327, %gather3A_1325 : vector<16xf32>
      %max3A_1333 = arith.constant 0.000000e+00 : f32
      %max3A_1334 = vector.broadcast %max3A_1333 : f32 to vector<16xf32>
      %max3A_1335 = arith.maximumf %sub3A_1332, %max3A_1334 : vector<16xf32>
      %mul3A_1336 = arith.mulf %max3A_1331, %max3A_1335 : vector<16xf32>
      %gather3A_1337 = tpu.vector_load_idx %arg8[%select_n3A_1287] : memref<20480xf32, #tpu.memory_space<vmem>>[vector<16xi32>], vector<16xf32>,
      %gather3A_1338 = tpu.vector_load_idx %arg9[%select_n3A_1287] : memref<20480xf32, #tpu.memory_space<vmem>>[vector<16xi32>], vector<16xf32>,
      %gather3A_1339 = tpu.vector_load_idx %arg10[%select_n3A_1287] : memref<20480xf32, #tpu.memory_space<vmem>>[vector<16xi32>], vector<16xf32>,
      %gather3A_1340 = tpu.vector_load_idx %arg11[%select_n3A_1287] : memref<20480xf32, #tpu.memory_space<vmem>>[vector<16xi32>], vector<16xf32>,
      %sub3A_1341 = arith.subf %gather3A_1339, %gather3A_1337 : vector<16xf32>
      %max3A_1342 = arith.constant 0.000000e+00 : f32
      %max3A_1343 = vector.broadcast %max3A_1342 : f32 to vector<16xf32>
      %max3A_1344 = arith.maximumf %sub3A_1341, %max3A_1343 : vector<16xf32>
      %sub3A_1345 = arith.subf %gather3A_1340, %gather3A_1338 : vector<16xf32>
      %max3A_1346 = arith.constant 0.000000e+00 : f32
      %max3A_1347 = vector.broadcast %max3A_1346 : f32 to vector<16xf32>
      %max3A_1348 = arith.maximumf %sub3A_1345, %max3A_1347 : vector<16xf32>
      %mul3A_1349 = arith.mulf %max3A_1344, %max3A_1348 : vector<16xf32>
      %broadcast_in_dim3A_1350 = vector.broadcast %while3A_637 : i32 to vector<16xi32>
      %and3A_1351 = arith.andi %gt3A_1290, %gt3A_1293 : vector<16xi1>
      %add3A_1352 = arith.constant 1 : i32
      %add3A_1353 = vector.broadcast %add3A_1352 : i32 to vector<16xi32>
      %add3A_1354 = arith.addi %broadcast_in_dim3A_1350, %add3A_1353 : vector<16xi32>
      %lt3A_1355 = arith.constant 256 : i32
      %lt3A_1356 = vector.broadcast %lt3A_1355 : i32 to vector<16xi32>
      %lt3A_1357 = arith.cmpi slt, %add3A_1354, %lt3A_1356 : vector<16xi32>
      %and3A_1358 = arith.andi %and3A_1351, %lt3A_1357 : vector<16xi1>
      %min3A = arith.minimumf %gather3A_1302, %gather3A_1313 : vector<16xf32>
      %max3A_1359 = arith.maximumf %gather3A_1300, %gather3A_1311 : vector<16xf32>
      %sub3A_1360 = arith.subf %min3A, %max3A_1359 : vector<16xf32>
      %max3A_1361 = arith.constant 0.000000e+00 : f32
      %max3A_1362 = vector.broadcast %max3A_1361 : f32 to vector<16xf32>
      %max3A_1363 = arith.maximumf %sub3A_1360, %max3A_1362 : vector<16xf32>
      %min3A_1364 = arith.minimumf %gather3A_1303, %gather3A_1314 : vector<16xf32>
      %max3A_1365 = arith.maximumf %gather3A_1301, %gather3A_1312 : vector<16xf32>
      %sub3A_1366 = arith.subf %min3A_1364, %max3A_1365 : vector<16xf32>
      %max3A_1367 = arith.constant 0.000000e+00 : f32
      %max3A_1368 = vector.broadcast %max3A_1367 : f32 to vector<16xf32>
      %max3A_1369 = arith.maximumf %sub3A_1366, %max3A_1368 : vector<16xf32>
      %mul3A_1370 = arith.mulf %max3A_1363, %max3A_1369 : vector<16xf32>
      %add3A_1371 = arith.addf %mul3A_1310, %mul3A_1323 : vector<16xf32>
      %sub3A_1372 = arith.subf %add3A_1371, %mul3A_1370 : vector<16xf32>
      %add3A_1373 = arith.constant 9.99999997E-7 : f32
      %add3A_1374 = vector.broadcast %add3A_1373 : f32 to vector<16xf32>
      %add3A_1375 = arith.addf %sub3A_1372, %add3A_1374 : vector<16xf32>
      %div3A = arith.divf %mul3A_1370, %add3A_1375 : vector<16xf32>
      %gt3A_1376 = arith.constant 5.000000e-01 : f32
      %gt3A_1377 = vector.broadcast %gt3A_1376 : f32 to vector<16xf32>
      %gt3A_1378 = arith.cmpf ogt, %div3A, %gt3A_1377 : vector<16xf32>
      %not3A = arith.constant dense<true> : vector<16xi1>
      %not3A_1379 = arith.xori %gt3A_1378, %not3A : vector<16xi1>
      %and3A_1380 = arith.andi %and3A_1358, %not3A_1379 : vector<16xi1>
      %and3A_1381 = arith.andi %and3A_1380, %gt3A_1296 : vector<16xi1>
      %add3A_1382 = arith.constant 2 : i32
      %add3A_1383 = vector.broadcast %add3A_1382 : i32 to vector<16xi32>
      %add3A_1384 = arith.addi %broadcast_in_dim3A_1350, %add3A_1383 : vector<16xi32>
      %lt3A_1385 = arith.constant 256 : i32
      %lt3A_1386 = vector.broadcast %lt3A_1385 : i32 to vector<16xi32>
      %lt3A_1387 = arith.cmpi slt, %add3A_1384, %lt3A_1386 : vector<16xi32>
      %and3A_1388 = arith.andi %and3A_1381, %lt3A_1387 : vector<16xi1>
      %min3A_1389 = arith.minimumf %gather3A_1302, %gather3A_1326 : vector<16xf32>
      %max3A_1390 = arith.maximumf %gather3A_1300, %gather3A_1324 : vector<16xf32>
      %sub3A_1391 = arith.subf %min3A_1389, %max3A_1390 : vector<16xf32>
      %max3A_1392 = arith.constant 0.000000e+00 : f32
      %max3A_1393 = vector.broadcast %max3A_1392 : f32 to vector<16xf32>
      %max3A_1394 = arith.maximumf %sub3A_1391, %max3A_1393 : vector<16xf32>
      %min3A_1395 = arith.minimumf %gather3A_1303, %gather3A_1327 : vector<16xf32>
      %max3A_1396 = arith.maximumf %gather3A_1301, %gather3A_1325 : vector<16xf32>
      %sub3A_1397 = arith.subf %min3A_1395, %max3A_1396 : vector<16xf32>
      %max3A_1398 = arith.constant 0.000000e+00 : f32
      %max3A_1399 = vector.broadcast %max3A_1398 : f32 to vector<16xf32>
      %max3A_1400 = arith.maximumf %sub3A_1397, %max3A_1399 : vector<16xf32>
      %mul3A_1401 = arith.mulf %max3A_1394, %max3A_1400 : vector<16xf32>
      %add3A_1402 = arith.addf %mul3A_1310, %mul3A_1336 : vector<16xf32>
      %sub3A_1403 = arith.subf %add3A_1402, %mul3A_1401 : vector<16xf32>
      %add3A_1404 = arith.constant 9.99999997E-7 : f32
      %add3A_1405 = vector.broadcast %add3A_1404 : f32 to vector<16xf32>
      %add3A_1406 = arith.addf %sub3A_1403, %add3A_1405 : vector<16xf32>
      %div3A_1407 = arith.divf %mul3A_1401, %add3A_1406 : vector<16xf32>
      %gt3A_1408 = arith.constant 5.000000e-01 : f32
      %gt3A_1409 = vector.broadcast %gt3A_1408 : f32 to vector<16xf32>
      %gt3A_1410 = arith.cmpf ogt, %div3A_1407, %gt3A_1409 : vector<16xf32>
      %not3A_1411 = arith.constant dense<true> : vector<16xi1>
      %not3A_1412 = arith.xori %gt3A_1410, %not3A_1411 : vector<16xi1>
      %and3A_1413 = arith.andi %and3A_1388, %not3A_1412 : vector<16xi1>
      %min3A_1414 = arith.minimumf %gather3A_1313, %gather3A_1326 : vector<16xf32>
      %max3A_1415 = arith.maximumf %gather3A_1311, %gather3A_1324 : vector<16xf32>
      %sub3A_1416 = arith.subf %min3A_1414, %max3A_1415 : vector<16xf32>
      %max3A_1417 = arith.constant 0.000000e+00 : f32
      %max3A_1418 = vector.broadcast %max3A_1417 : f32 to vector<16xf32>
      %max3A_1419 = arith.maximumf %sub3A_1416, %max3A_1418 : vector<16xf32>
      %min3A_1420 = arith.minimumf %gather3A_1314, %gather3A_1327 : vector<16xf32>
      %max3A_1421 = arith.maximumf %gather3A_1312, %gather3A_1325 : vector<16xf32>
      %sub3A_1422 = arith.subf %min3A_1420, %max3A_1421 : vector<16xf32>
      %max3A_1423 = arith.constant 0.000000e+00 : f32
      %max3A_1424 = vector.broadcast %max3A_1423 : f32 to vector<16xf32>
      %max3A_1425 = arith.maximumf %sub3A_1422, %max3A_1424 : vector<16xf32>
      %mul3A_1426 = arith.mulf %max3A_1419, %max3A_1425 : vector<16xf32>
      %add3A_1427 = arith.addf %mul3A_1323, %mul3A_1336 : vector<16xf32>
      %sub3A_1428 = arith.subf %add3A_1427, %mul3A_1426 : vector<16xf32>
      %add3A_1429 = arith.constant 9.99999997E-7 : f32
      %add3A_1430 = vector.broadcast %add3A_1429 : f32 to vector<16xf32>
      %add3A_1431 = arith.addf %sub3A_1428, %add3A_1430 : vector<16xf32>
      %div3A_1432 = arith.divf %mul3A_1426, %add3A_1431 : vector<16xf32>
      %gt3A_1433 = arith.constant 5.000000e-01 : f32
      %gt3A_1434 = vector.broadcast %gt3A_1433 : f32 to vector<16xf32>
      %gt3A_1435 = arith.cmpf ogt, %div3A_1432, %gt3A_1434 : vector<16xf32>
      %not3A_1436 = arith.constant dense<true> : vector<16xi1>
      %not3A_1437 = arith.xori %gt3A_1435, %not3A_1436 : vector<16xi1>
      %and3A_1438 = arith.andi %and3A_1413, %not3A_1437 : vector<16xi1>
      %and3A_1439 = arith.andi %and3A_1438, %gt3A_1299 : vector<16xi1>
      %add3A_1440 = arith.constant 3 : i32
      %add3A_1441 = vector.broadcast %add3A_1440 : i32 to vector<16xi32>
      %add3A_1442 = arith.addi %broadcast_in_dim3A_1350, %add3A_1441 : vector<16xi32>
      %lt3A_1443 = arith.constant 256 : i32
      %lt3A_1444 = vector.broadcast %lt3A_1443 : i32 to vector<16xi32>
      %lt3A_1445 = arith.cmpi slt, %add3A_1442, %lt3A_1444 : vector<16xi32>
      %and3A_1446 = arith.andi %and3A_1439, %lt3A_1445 : vector<16xi1>
      %min3A_1447 = arith.minimumf %gather3A_1302, %gather3A_1339 : vector<16xf32>
      %max3A_1448 = arith.maximumf %gather3A_1300, %gather3A_1337 : vector<16xf32>
      %sub3A_1449 = arith.subf %min3A_1447, %max3A_1448 : vector<16xf32>
      %max3A_1450 = arith.constant 0.000000e+00 : f32
      %max3A_1451 = vector.broadcast %max3A_1450 : f32 to vector<16xf32>
      %max3A_1452 = arith.maximumf %sub3A_1449, %max3A_1451 : vector<16xf32>
      %min3A_1453 = arith.minimumf %gather3A_1303, %gather3A_1340 : vector<16xf32>
      %max3A_1454 = arith.maximumf %gather3A_1301, %gather3A_1338 : vector<16xf32>
      %sub3A_1455 = arith.subf %min3A_1453, %max3A_1454 : vector<16xf32>
      %max3A_1456 = arith.constant 0.000000e+00 : f32
      %max3A_1457 = vector.broadcast %max3A_1456 : f32 to vector<16xf32>
      %max3A_1458 = arith.maximumf %sub3A_1455, %max3A_1457 : vector<16xf32>
      %mul3A_1459 = arith.mulf %max3A_1452, %max3A_1458 : vector<16xf32>
      %add3A_1460 = arith.addf %mul3A_1310, %mul3A_1349 : vector<16xf32>
      %sub3A_1461 = arith.subf %add3A_1460, %mul3A_1459 : vector<16xf32>
      %add3A_1462 = arith.constant 9.99999997E-7 : f32
      %add3A_1463 = vector.broadcast %add3A_1462 : f32 to vector<16xf32>
      %add3A_1464 = arith.addf %sub3A_1461, %add3A_1463 : vector<16xf32>
      %div3A_1465 = arith.divf %mul3A_1459, %add3A_1464 : vector<16xf32>
      %gt3A_1466 = arith.constant 5.000000e-01 : f32
      %gt3A_1467 = vector.broadcast %gt3A_1466 : f32 to vector<16xf32>
      %gt3A_1468 = arith.cmpf ogt, %div3A_1465, %gt3A_1467 : vector<16xf32>
      %not3A_1469 = arith.constant dense<true> : vector<16xi1>
      %not3A_1470 = arith.xori %gt3A_1468, %not3A_1469 : vector<16xi1>
      %and3A_1471 = arith.andi %and3A_1446, %not3A_1470 : vector<16xi1>
      %min3A_1472 = arith.minimumf %gather3A_1313, %gather3A_1339 : vector<16xf32>
      %max3A_1473 = arith.maximumf %gather3A_1311, %gather3A_1337 : vector<16xf32>
      %sub3A_1474 = arith.subf %min3A_1472, %max3A_1473 : vector<16xf32>
      %max3A_1475 = arith.constant 0.000000e+00 : f32
      %max3A_1476 = vector.broadcast %max3A_1475 : f32 to vector<16xf32>
      %max3A_1477 = arith.maximumf %sub3A_1474, %max3A_1476 : vector<16xf32>
      %min3A_1478 = arith.minimumf %gather3A_1314, %gather3A_1340 : vector<16xf32>
      %max3A_1479 = arith.maximumf %gather3A_1312, %gather3A_1338 : vector<16xf32>
      %sub3A_1480 = arith.subf %min3A_1478, %max3A_1479 : vector<16xf32>
      %max3A_1481 = arith.constant 0.000000e+00 : f32
      %max3A_1482 = vector.broadcast %max3A_1481 : f32 to vector<16xf32>
      %max3A_1483 = arith.maximumf %sub3A_1480, %max3A_1482 : vector<16xf32>
      %mul3A_1484 = arith.mulf %max3A_1477, %max3A_1483 : vector<16xf32>
      %add3A_1485 = arith.addf %mul3A_1323, %mul3A_1349 : vector<16xf32>
      %sub3A_1486 = arith.subf %add3A_1485, %mul3A_1484 : vector<16xf32>
      %add3A_1487 = arith.constant 9.99999997E-7 : f32
      %add3A_1488 = vector.broadcast %add3A_1487 : f32 to vector<16xf32>
      %add3A_1489 = arith.addf %sub3A_1486, %add3A_1488 : vector<16xf32>
      %div3A_1490 = arith.divf %mul3A_1484, %add3A_1489 : vector<16xf32>
      %gt3A_1491 = arith.constant 5.000000e-01 : f32
      %gt3A_1492 = vector.broadcast %gt3A_1491 : f32 to vector<16xf32>
      %gt3A_1493 = arith.cmpf ogt, %div3A_1490, %gt3A_1492 : vector<16xf32>
      %not3A_1494 = arith.constant dense<true> : vector<16xi1>
      %not3A_1495 = arith.xori %gt3A_1493, %not3A_1494 : vector<16xi1>
      %and3A_1496 = arith.andi %and3A_1471, %not3A_1495 : vector<16xi1>
      %min3A_1497 = arith.minimumf %gather3A_1326, %gather3A_1339 : vector<16xf32>
      %max3A_1498 = arith.maximumf %gather3A_1324, %gather3A_1337 : vector<16xf32>
      %sub3A_1499 = arith.subf %min3A_1497, %max3A_1498 : vector<16xf32>
      %max3A_1500 = arith.constant 0.000000e+00 : f32
      %max3A_1501 = vector.broadcast %max3A_1500 : f32 to vector<16xf32>
      %max3A_1502 = arith.maximumf %sub3A_1499, %max3A_1501 : vector<16xf32>
      %min3A_1503 = arith.minimumf %gather3A_1327, %gather3A_1340 : vector<16xf32>
      %max3A_1504 = arith.maximumf %gather3A_1325, %gather3A_1338 : vector<16xf32>
      %sub3A_1505 = arith.subf %min3A_1503, %max3A_1504 : vector<16xf32>
      %max3A_1506 = arith.constant 0.000000e+00 : f32
      %max3A_1507 = vector.broadcast %max3A_1506 : f32 to vector<16xf32>
      %max3A_1508 = arith.maximumf %sub3A_1505, %max3A_1507 : vector<16xf32>
      %mul3A_1509 = arith.mulf %max3A_1502, %max3A_1508 : vector<16xf32>
      %add3A_1510 = arith.addf %mul3A_1336, %mul3A_1349 : vector<16xf32>
      %sub3A_1511 = arith.subf %add3A_1510, %mul3A_1509 : vector<16xf32>
      %add3A_1512 = arith.constant 9.99999997E-7 : f32
      %add3A_1513 = vector.broadcast %add3A_1512 : f32 to vector<16xf32>
      %add3A_1514 = arith.addf %sub3A_1511, %add3A_1513 : vector<16xf32>
      %div3A_1515 = arith.divf %mul3A_1509, %add3A_1514 : vector<16xf32>
      %gt3A_1516 = arith.constant 5.000000e-01 : f32
      %gt3A_1517 = vector.broadcast %gt3A_1516 : f32 to vector<16xf32>
      %gt3A_1518 = arith.cmpf ogt, %div3A_1515, %gt3A_1517 : vector<16xf32>
      %not3A_1519 = arith.constant dense<true> : vector<16xi1>
      %not3A_1520 = arith.xori %gt3A_1518, %not3A_1519 : vector<16xi1>
      %and3A_1521 = arith.andi %and3A_1496, %not3A_1520 : vector<16xi1>
      %slice3A = vector.extract_strided_slice %select_n3A_1275 {offsets = [0], sizes = [1], strides = [1]} : vector<16xf32> to vector<1xf32>
      %squeeze3A = vector.extract %slice3A[0] : f32 from vector<1xf32>
      %gt3A_1522 = arith.constant -5.000000e+09 : f32
      %gt3A_1523 = arith.cmpf ogt, %squeeze3A, %gt3A_1522 : f32
      %jit3A_1524 = arith.constant 1 : i32
      %jit3A_1525 = arith.constant 0 : i32
      %broadcast_in_dim3A_1526 = vector.broadcast %jit3A_1524 : i32 to vector<16xi32>
      %broadcast_in_dim3A_1527 = vector.broadcast %jit3A_1525 : i32 to vector<16xi32>
      %select_n3A_1528 = arith.select %gt3A_1290, %broadcast_in_dim3A_1526, %broadcast_in_dim3A_1527 : vector<16xi1>, vector<16xi32>
      %slice3A_1529 = vector.extract_strided_slice %select_n3A_1528 {offsets = [0], sizes = [1], strides = [1]} : vector<16xi32> to vector<1xi32>
      %squeeze3A_1530 = vector.extract %slice3A_1529[0] : i32 from vector<1xi32>
      %jit3A_1531 = arith.constant 1 : i32
      %jit3A_1532 = arith.constant 0 : i32
      %broadcast_in_dim3A_1533 = vector.broadcast %jit3A_1531 : i32 to vector<16xi32>
      %broadcast_in_dim3A_1534 = vector.broadcast %jit3A_1532 : i32 to vector<16xi32>
      %select_n3A_1535 = arith.select %and3A_1380, %broadcast_in_dim3A_1533, %broadcast_in_dim3A_1534 : vector<16xi1>, vector<16xi32>
      %slice3A_1536 = vector.extract_strided_slice %select_n3A_1535 {offsets = [0], sizes = [1], strides = [1]} : vector<16xi32> to vector<1xi32>
      %squeeze3A_1537 = vector.extract %slice3A_1536[0] : i32 from vector<1xi32>
      %jit3A_1538 = arith.constant 1 : i32
      %jit3A_1539 = arith.constant 0 : i32
      %broadcast_in_dim3A_1540 = vector.broadcast %jit3A_1538 : i32 to vector<16xi32>
      %broadcast_in_dim3A_1541 = vector.broadcast %jit3A_1539 : i32 to vector<16xi32>
      %select_n3A_1542 = arith.select %and3A_1438, %broadcast_in_dim3A_1540, %broadcast_in_dim3A_1541 : vector<16xi1>, vector<16xi32>
      %slice3A_1543 = vector.extract_strided_slice %select_n3A_1542 {offsets = [0], sizes = [1], strides = [1]} : vector<16xi32> to vector<1xi32>
      %squeeze3A_1544 = vector.extract %slice3A_1543[0] : i32 from vector<1xi32>
      %jit3A_1545 = arith.constant 1 : i32
      %jit3A_1546 = arith.constant 0 : i32
      %broadcast_in_dim3A_1547 = vector.broadcast %jit3A_1545 : i32 to vector<16xi32>
      %broadcast_in_dim3A_1548 = vector.broadcast %jit3A_1546 : i32 to vector<16xi32>
      %select_n3A_1549 = arith.select %and3A_1521, %broadcast_in_dim3A_1547, %broadcast_in_dim3A_1548 : vector<16xi1>, vector<16xi32>
      %slice3A_1550 = vector.extract_strided_slice %select_n3A_1549 {offsets = [0], sizes = [1], strides = [1]} : vector<16xi32> to vector<1xi32>
      %squeeze3A_1551 = vector.extract %slice3A_1550[0] : i32 from vector<1xi32>
      %select_n3A_1552 = arith.select %gt3A_1290, %gather3A_1300, %broadcast_in_dim3A_3 : vector<16xi1>, vector<16xf32>
      %swap3A_1553 = arith.index_cast %while3A_637 : i32 to index
      %swap3A_1554 = arith.constant 0 : index
      %swap3A_1555 = tpu.vector_load %arg14[%swap3A_1553, %swap3A_1554] {strides = array<i32>} : memref<1280x16xf32, #tpu.memory_space<vmem>>, vector<16xf32>,
      tpu.vector_store %arg14[%swap3A_1553, %swap3A_1554], %select_n3A_1552 {strides = array<i32>} : memref<1280x16xf32, #tpu.memory_space<vmem>>, vector<16xf32>,
      %select_n3A_1556 = arith.select %gt3A_1290, %gather3A_1301, %broadcast_in_dim3A_3 : vector<16xi1>, vector<16xf32>
      %add3A_1557 = arith.constant 256 : i32
      %add3A_1558 = arith.addi %while3A_637, %add3A_1557 : i32
      %swap3A_1559 = arith.index_cast %add3A_1558 : i32 to index
      %swap3A_1560 = arith.constant 0 : index
      %swap3A_1561 = tpu.vector_load %arg14[%swap3A_1559, %swap3A_1560] {strides = array<i32>} : memref<1280x16xf32, #tpu.memory_space<vmem>>, vector<16xf32>,
      tpu.vector_store %arg14[%swap3A_1559, %swap3A_1560], %select_n3A_1556 {strides = array<i32>} : memref<1280x16xf32, #tpu.memory_space<vmem>>, vector<16xf32>,
      %select_n3A_1562 = arith.select %gt3A_1290, %gather3A_1302, %broadcast_in_dim3A_3 : vector<16xi1>, vector<16xf32>
      %add3A_1563 = arith.constant 512 : i32
      %add3A_1564 = arith.addi %while3A_637, %add3A_1563 : i32
      %swap3A_1565 = arith.index_cast %add3A_1564 : i32 to index
      %swap3A_1566 = arith.constant 0 : index
      %swap3A_1567 = tpu.vector_load %arg14[%swap3A_1565, %swap3A_1566] {strides = array<i32>} : memref<1280x16xf32, #tpu.memory_space<vmem>>, vector<16xf32>,
      tpu.vector_store %arg14[%swap3A_1565, %swap3A_1566], %select_n3A_1562 {strides = array<i32>} : memref<1280x16xf32, #tpu.memory_space<vmem>>, vector<16xf32>,
      %select_n3A_1568 = arith.select %gt3A_1290, %gather3A_1303, %broadcast_in_dim3A_3 : vector<16xi1>, vector<16xf32>
      %add3A_1569 = arith.constant 768 : i32
      %add3A_1570 = arith.addi %while3A_637, %add3A_1569 : i32
      %swap3A_1571 = arith.index_cast %add3A_1570 : i32 to index
      %swap3A_1572 = arith.constant 0 : index
      %swap3A_1573 = tpu.vector_load %arg14[%swap3A_1571, %swap3A_1572] {strides = array<i32>} : memref<1280x16xf32, #tpu.memory_space<vmem>>, vector<16xf32>,
      tpu.vector_store %arg14[%swap3A_1571, %swap3A_1572], %select_n3A_1568 {strides = array<i32>} : memref<1280x16xf32, #tpu.memory_space<vmem>>, vector<16xf32>,
      %select_n3A_1574 = arith.select %gt3A_1290, %select_n3A_1275, %broadcast_in_dim3A_3 : vector<16xi1>, vector<16xf32>
      %add3A_1575 = arith.constant 1024 : i32
      %add3A_1576 = arith.addi %while3A_637, %add3A_1575 : i32
      %swap3A_1577 = arith.index_cast %add3A_1576 : i32 to index
      %swap3A_1578 = arith.constant 0 : index
      %swap3A_1579 = tpu.vector_load %arg14[%swap3A_1577, %swap3A_1578] {strides = array<i32>} : memref<1280x16xf32, #tpu.memory_space<vmem>>, vector<16xf32>,
      tpu.vector_store %arg14[%swap3A_1577, %swap3A_1578], %select_n3A_1574 {strides = array<i32>} : memref<1280x16xf32, #tpu.memory_space<vmem>>, vector<16xf32>,
      %eq3A_1580 = arith.constant 1 : i32
      %eq3A_1581 = arith.cmpi eq, %squeeze3A_1537, %eq3A_1580 : i32
      %convert_element_type3A_1582 = arith.extui %eq3A_1581 : i1 to i32
      %cond3A_1583 = arith.constant 0 : i32
      %cond3A_1584 = arith.cmpi ne, %convert_element_type3A_1582, %cond3A_1583 : i32
      scf.if %cond3A_1584 {
        %add3A_2254 = arith.constant 1 : i32
        %add3A_2255 = arith.addi %while3A_637, %add3A_2254 : i32
        %swap3A_2256 = arith.index_cast %add3A_2255 : i32 to index
        %swap3A_2257 = arith.constant 0 : index
        %swap3A_2258 = tpu.vector_load %arg14[%swap3A_2256, %swap3A_2257] {strides = array<i32>} : memref<1280x16xf32, #tpu.memory_space<vmem>>, vector<16xf32>,
        tpu.vector_store %arg14[%swap3A_2256, %swap3A_2257], %gather3A_1311 {strides = array<i32>} : memref<1280x16xf32, #tpu.memory_space<vmem>>, vector<16xf32>,
        %add3A_2259 = arith.constant 1 : i32
        %add3A_2260 = arith.addi %while3A_637, %add3A_2259 : i32
        %add3A_2261 = arith.constant 256 : i32
        %add3A_2262 = arith.addi %add3A_2260, %add3A_2261 : i32
        %swap3A_2263 = arith.index_cast %add3A_2262 : i32 to index
        %swap3A_2264 = arith.constant 0 : index
        %swap3A_2265 = tpu.vector_load %arg14[%swap3A_2263, %swap3A_2264] {strides = array<i32>} : memref<1280x16xf32, #tpu.memory_space<vmem>>, vector<16xf32>,
        tpu.vector_store %arg14[%swap3A_2263, %swap3A_2264], %gather3A_1312 {strides = array<i32>} : memref<1280x16xf32, #tpu.memory_space<vmem>>, vector<16xf32>,
        %add3A_2266 = arith.constant 1 : i32
        %add3A_2267 = arith.addi %while3A_637, %add3A_2266 : i32
        %add3A_2268 = arith.constant 512 : i32
        %add3A_2269 = arith.addi %add3A_2267, %add3A_2268 : i32
        %swap3A_2270 = arith.index_cast %add3A_2269 : i32 to index
        %swap3A_2271 = arith.constant 0 : index
        %swap3A_2272 = tpu.vector_load %arg14[%swap3A_2270, %swap3A_2271] {strides = array<i32>} : memref<1280x16xf32, #tpu.memory_space<vmem>>, vector<16xf32>,
        tpu.vector_store %arg14[%swap3A_2270, %swap3A_2271], %gather3A_1313 {strides = array<i32>} : memref<1280x16xf32, #tpu.memory_space<vmem>>, vector<16xf32>,
        %add3A_2273 = arith.constant 1 : i32
        %add3A_2274 = arith.addi %while3A_637, %add3A_2273 : i32
        %add3A_2275 = arith.constant 768 : i32
        %add3A_2276 = arith.addi %add3A_2274, %add3A_2275 : i32
        %swap3A_2277 = arith.index_cast %add3A_2276 : i32 to index
        %swap3A_2278 = arith.constant 0 : index
        %swap3A_2279 = tpu.vector_load %arg14[%swap3A_2277, %swap3A_2278] {strides = array<i32>} : memref<1280x16xf32, #tpu.memory_space<vmem>>, vector<16xf32>,
        tpu.vector_store %arg14[%swap3A_2277, %swap3A_2278], %gather3A_1314 {strides = array<i32>} : memref<1280x16xf32, #tpu.memory_space<vmem>>, vector<16xf32>,
        %add3A_2280 = arith.constant 1 : i32
        %add3A_2281 = arith.addi %while3A_637, %add3A_2280 : i32
        %add3A_2282 = arith.constant 1024 : i32
        %add3A_2283 = arith.addi %add3A_2281, %add3A_2282 : i32
        %swap3A_2284 = arith.index_cast %add3A_2283 : i32 to index
        %swap3A_2285 = arith.constant 0 : index
        %swap3A_2286 = tpu.vector_load %arg14[%swap3A_2284, %swap3A_2285] {strides = array<i32>} : memref<1280x16xf32, #tpu.memory_space<vmem>>, vector<16xf32>,
        tpu.vector_store %arg14[%swap3A_2284, %swap3A_2285], %select_n3A_1277 {strides = array<i32>} : memref<1280x16xf32, #tpu.memory_space<vmem>>, vector<16xf32>,
      } else {
      }
      %eq3A_1585 = arith.constant 1 : i32
      %eq3A_1586 = arith.cmpi eq, %squeeze3A_1544, %eq3A_1585 : i32
      %convert_element_type3A_1587 = arith.extui %eq3A_1586 : i1 to i32
      %cond3A_1588 = arith.constant 0 : i32
      %cond3A_1589 = arith.cmpi ne, %convert_element_type3A_1587, %cond3A_1588 : i32
      scf.if %cond3A_1589 {
        %add3A_2254 = arith.constant 2 : i32
        %add3A_2255 = arith.addi %while3A_637, %add3A_2254 : i32
        %swap3A_2256 = arith.index_cast %add3A_2255 : i32 to index
        %swap3A_2257 = arith.constant 0 : index
        %swap3A_2258 = tpu.vector_load %arg14[%swap3A_2256, %swap3A_2257] {strides = array<i32>} : memref<1280x16xf32, #tpu.memory_space<vmem>>, vector<16xf32>,
        tpu.vector_store %arg14[%swap3A_2256, %swap3A_2257], %gather3A_1324 {strides = array<i32>} : memref<1280x16xf32, #tpu.memory_space<vmem>>, vector<16xf32>,
        %add3A_2259 = arith.constant 2 : i32
        %add3A_2260 = arith.addi %while3A_637, %add3A_2259 : i32
        %add3A_2261 = arith.constant 256 : i32
        %add3A_2262 = arith.addi %add3A_2260, %add3A_2261 : i32
        %swap3A_2263 = arith.index_cast %add3A_2262 : i32 to index
        %swap3A_2264 = arith.constant 0 : index
        %swap3A_2265 = tpu.vector_load %arg14[%swap3A_2263, %swap3A_2264] {strides = array<i32>} : memref<1280x16xf32, #tpu.memory_space<vmem>>, vector<16xf32>,
        tpu.vector_store %arg14[%swap3A_2263, %swap3A_2264], %gather3A_1325 {strides = array<i32>} : memref<1280x16xf32, #tpu.memory_space<vmem>>, vector<16xf32>,
        %add3A_2266 = arith.constant 2 : i32
        %add3A_2267 = arith.addi %while3A_637, %add3A_2266 : i32
        %add3A_2268 = arith.constant 512 : i32
        %add3A_2269 = arith.addi %add3A_2267, %add3A_2268 : i32
        %swap3A_2270 = arith.index_cast %add3A_2269 : i32 to index
        %swap3A_2271 = arith.constant 0 : index
        %swap3A_2272 = tpu.vector_load %arg14[%swap3A_2270, %swap3A_2271] {strides = array<i32>} : memref<1280x16xf32, #tpu.memory_space<vmem>>, vector<16xf32>,
        tpu.vector_store %arg14[%swap3A_2270, %swap3A_2271], %gather3A_1326 {strides = array<i32>} : memref<1280x16xf32, #tpu.memory_space<vmem>>, vector<16xf32>,
        %add3A_2273 = arith.constant 2 : i32
        %add3A_2274 = arith.addi %while3A_637, %add3A_2273 : i32
        %add3A_2275 = arith.constant 768 : i32
        %add3A_2276 = arith.addi %add3A_2274, %add3A_2275 : i32
        %swap3A_2277 = arith.index_cast %add3A_2276 : i32 to index
        %swap3A_2278 = arith.constant 0 : index
        %swap3A_2279 = tpu.vector_load %arg14[%swap3A_2277, %swap3A_2278] {strides = array<i32>} : memref<1280x16xf32, #tpu.memory_space<vmem>>, vector<16xf32>,
        tpu.vector_store %arg14[%swap3A_2277, %swap3A_2278], %gather3A_1327 {strides = array<i32>} : memref<1280x16xf32, #tpu.memory_space<vmem>>, vector<16xf32>,
        %add3A_2280 = arith.constant 2 : i32
        %add3A_2281 = arith.addi %while3A_637, %add3A_2280 : i32
        %add3A_2282 = arith.constant 1024 : i32
        %add3A_2283 = arith.addi %add3A_2281, %add3A_2282 : i32
        %swap3A_2284 = arith.index_cast %add3A_2283 : i32 to index
        %swap3A_2285 = arith.constant 0 : index
        %swap3A_2286 = tpu.vector_load %arg14[%swap3A_2284, %swap3A_2285] {strides = array<i32>} : memref<1280x16xf32, #tpu.memory_space<vmem>>, vector<16xf32>,
        tpu.vector_store %arg14[%swap3A_2284, %swap3A_2285], %select_n3A_1284 {strides = array<i32>} : memref<1280x16xf32, #tpu.memory_space<vmem>>, vector<16xf32>,
      } else {
      }
      %eq3A_1590 = arith.constant 1 : i32
      %eq3A_1591 = arith.cmpi eq, %squeeze3A_1551, %eq3A_1590 : i32
      %convert_element_type3A_1592 = arith.extui %eq3A_1591 : i1 to i32
      %cond3A_1593 = arith.constant 0 : i32
      %cond3A_1594 = arith.cmpi ne, %convert_element_type3A_1592, %cond3A_1593 : i32
      scf.if %cond3A_1594 {
        %add3A_2254 = arith.constant 3 : i32
        %add3A_2255 = arith.addi %while3A_637, %add3A_2254 : i32
        %swap3A_2256 = arith.index_cast %add3A_2255 : i32 to index
        %swap3A_2257 = arith.constant 0 : index
        %swap3A_2258 = tpu.vector_load %arg14[%swap3A_2256, %swap3A_2257] {strides = array<i32>} : memref<1280x16xf32, #tpu.memory_space<vmem>>, vector<16xf32>,
        tpu.vector_store %arg14[%swap3A_2256, %swap3A_2257], %gather3A_1337 {strides = array<i32>} : memref<1280x16xf32, #tpu.memory_space<vmem>>, vector<16xf32>,
        %add3A_2259 = arith.constant 3 : i32
        %add3A_2260 = arith.addi %while3A_637, %add3A_2259 : i32
        %add3A_2261 = arith.constant 256 : i32
        %add3A_2262 = arith.addi %add3A_2260, %add3A_2261 : i32
        %swap3A_2263 = arith.index_cast %add3A_2262 : i32 to index
        %swap3A_2264 = arith.constant 0 : index
        %swap3A_2265 = tpu.vector_load %arg14[%swap3A_2263, %swap3A_2264] {strides = array<i32>} : memref<1280x16xf32, #tpu.memory_space<vmem>>, vector<16xf32>,
        tpu.vector_store %arg14[%swap3A_2263, %swap3A_2264], %gather3A_1338 {strides = array<i32>} : memref<1280x16xf32, #tpu.memory_space<vmem>>, vector<16xf32>,
        %add3A_2266 = arith.constant 3 : i32
        %add3A_2267 = arith.addi %while3A_637, %add3A_2266 : i32
        %add3A_2268 = arith.constant 512 : i32
        %add3A_2269 = arith.addi %add3A_2267, %add3A_2268 : i32
        %swap3A_2270 = arith.index_cast %add3A_2269 : i32 to index
        %swap3A_2271 = arith.constant 0 : index
        %swap3A_2272 = tpu.vector_load %arg14[%swap3A_2270, %swap3A_2271] {strides = array<i32>} : memref<1280x16xf32, #tpu.memory_space<vmem>>, vector<16xf32>,
        tpu.vector_store %arg14[%swap3A_2270, %swap3A_2271], %gather3A_1339 {strides = array<i32>} : memref<1280x16xf32, #tpu.memory_space<vmem>>, vector<16xf32>,
        %add3A_2273 = arith.constant 3 : i32
        %add3A_2274 = arith.addi %while3A_637, %add3A_2273 : i32
        %add3A_2275 = arith.constant 768 : i32
        %add3A_2276 = arith.addi %add3A_2274, %add3A_2275 : i32
        %swap3A_2277 = arith.index_cast %add3A_2276 : i32 to index
        %swap3A_2278 = arith.constant 0 : index
        %swap3A_2279 = tpu.vector_load %arg14[%swap3A_2277, %swap3A_2278] {strides = array<i32>} : memref<1280x16xf32, #tpu.memory_space<vmem>>, vector<16xf32>,
        tpu.vector_store %arg14[%swap3A_2277, %swap3A_2278], %gather3A_1340 {strides = array<i32>} : memref<1280x16xf32, #tpu.memory_space<vmem>>, vector<16xf32>,
        %add3A_2280 = arith.constant 3 : i32
        %add3A_2281 = arith.addi %while3A_637, %add3A_2280 : i32
        %add3A_2282 = arith.constant 1024 : i32
        %add3A_2283 = arith.addi %add3A_2281, %add3A_2282 : i32
        %swap3A_2284 = arith.index_cast %add3A_2283 : i32 to index
        %swap3A_2285 = arith.constant 0 : index
        %swap3A_2286 = tpu.vector_load %arg14[%swap3A_2284, %swap3A_2285] {strides = array<i32>} : memref<1280x16xf32, #tpu.memory_space<vmem>>, vector<16xf32>,
        tpu.vector_store %arg14[%swap3A_2284, %swap3A_2285], %select_n3A_1286 {strides = array<i32>} : memref<1280x16xf32, #tpu.memory_space<vmem>>, vector<16xf32>,
      } else {
      }
      %parallel_loop3A_1595 = arith.constant 0 : i32
      %parallel_loop3A_1596 = arith.constant 80 : i32
      %parallel_loop3A_1597 = arith.constant 1 : i32
      %parallel_loop3A_1598:8 = scf.for %parallel_loop3A_2254 = %parallel_loop3A_1595 to %parallel_loop3A_1596 step %parallel_loop3A_1597 iter_args(%parallel_loop3A_2255 = %broadcast_in_dim3A_7, %parallel_loop3A_2256 = %broadcast_in_dim3A_1, %parallel_loop3A_2257 = %broadcast_in_dim3A_9, %parallel_loop3A_2258 = %broadcast_in_dim3A_1, %parallel_loop3A_2259 = %broadcast_in_dim3A_11, %parallel_loop3A_2260 = %broadcast_in_dim3A_1, %parallel_loop3A_2261 = %broadcast_in_dim3A_13, %parallel_loop3A_2262 = %broadcast_in_dim3A_1) -> (vector<16xf32>, vector<16xi32>, vector<16xf32>, vector<16xi32>, vector<16xf32>, vector<16xi32>, vector<16xf32>, vector<16xi32>)  : i32 {
        %parallel_loop3A_2263 = arith.constant 16 : i32
        %parallel_loop3A_2264 = arith.muli %parallel_loop3A_2254, %parallel_loop3A_2263 : i32
        %parallel_loop3A_2265 = arith.constant 16 : i32
        %parallel_loop3A_2266 = arith.muli %parallel_loop3A_2254, %parallel_loop3A_2265 : i32
        %parallel_loop3A_2267 = arith.addi %mul3A_0, %parallel_loop3A_2266 : i32
        %parallel_loop3A_2268 = arith.constant 16 : i32
        %parallel_loop3A_2269 = arith.muli %parallel_loop3A_2254, %parallel_loop3A_2268 : i32
        %parallel_loop3A_2270 = arith.addi %mul3A_0, %parallel_loop3A_2269 : i32
        %parallel_loop3A_2271 = vector.broadcast %parallel_loop3A_2270 : i32 to vector<16xi32>
        %parallel_loop3A_2272 = arith.addi %parallel_loop3A_2271, %iota3A : vector<16xi32>
        %parallel_loop3A_2273 = arith.index_cast %parallel_loop3A_2264 : i32 to index
        %parallel_loop3A_2274 = tpu.vector_load %arg12[%parallel_loop3A_2273] {strides = array<i32>} : memref<1280xf32, #tpu.memory_space<vmem>>, vector<16xf32>,
        %parallel_loop3A_2275 = arith.index_cast %parallel_loop3A_2267 : i32 to index
        %parallel_loop3A_2276 = tpu.vector_load %arg8[%parallel_loop3A_2275] {strides = array<i32>} : memref<20480xf32, #tpu.memory_space<vmem>>, vector<16xf32>,
        %parallel_loop3A_2277 = arith.index_cast %parallel_loop3A_2267 : i32 to index
        %parallel_loop3A_2278 = tpu.vector_load %arg9[%parallel_loop3A_2277] {strides = array<i32>} : memref<20480xf32, #tpu.memory_space<vmem>>, vector<16xf32>,
        %parallel_loop3A_2279 = arith.index_cast %parallel_loop3A_2267 : i32 to index
        %parallel_loop3A_2280 = tpu.vector_load %arg10[%parallel_loop3A_2279] {strides = array<i32>} : memref<20480xf32, #tpu.memory_space<vmem>>, vector<16xf32>,
        %parallel_loop3A_2281 = arith.index_cast %parallel_loop3A_2267 : i32 to index
        %parallel_loop3A_2282 = tpu.vector_load %arg11[%parallel_loop3A_2281] {strides = array<i32>} : memref<20480xf32, #tpu.memory_space<vmem>>, vector<16xf32>,
        %parallel_loop3A_2283 = arith.index_cast %parallel_loop3A_2264 : i32 to index
        %parallel_loop3A_2284 = tpu.vector_load %arg13[%parallel_loop3A_2283] {strides = array<i32>} : memref<1280xf32, #tpu.memory_space<vmem>>, vector<16xf32>,
        %parallel_loop3A_2285 = arith.minimumf %gather3A_1302, %parallel_loop3A_2280 : vector<16xf32>
        %parallel_loop3A_2286 = arith.maximumf %gather3A_1300, %parallel_loop3A_2276 : vector<16xf32>
        %parallel_loop3A_2287 = arith.subf %parallel_loop3A_2285, %parallel_loop3A_2286 : vector<16xf32>
        %parallel_loop3A_2288 = arith.constant 0.000000e+00 : f32
        %parallel_loop3A_2289 = vector.broadcast %parallel_loop3A_2288 : f32 to vector<16xf32>
        %parallel_loop3A_2290 = arith.maximumf %parallel_loop3A_2287, %parallel_loop3A_2289 : vector<16xf32>
        %parallel_loop3A_2291 = arith.minimumf %gather3A_1303, %parallel_loop3A_2282 : vector<16xf32>
        %parallel_loop3A_2292 = arith.maximumf %gather3A_1301, %parallel_loop3A_2278 : vector<16xf32>
        %parallel_loop3A_2293 = arith.subf %parallel_loop3A_2291, %parallel_loop3A_2292 : vector<16xf32>
        %parallel_loop3A_2294 = arith.constant 0.000000e+00 : f32
        %parallel_loop3A_2295 = vector.broadcast %parallel_loop3A_2294 : f32 to vector<16xf32>
        %parallel_loop3A_2296 = arith.maximumf %parallel_loop3A_2293, %parallel_loop3A_2295 : vector<16xf32>
        %parallel_loop3A_2297 = arith.mulf %parallel_loop3A_2290, %parallel_loop3A_2296 : vector<16xf32>
        %parallel_loop3A_2298 = arith.addf %mul3A_1310, %parallel_loop3A_2284 : vector<16xf32>
        %parallel_loop3A_2299 = arith.subf %parallel_loop3A_2298, %parallel_loop3A_2297 : vector<16xf32>
        %parallel_loop3A_2300 = arith.constant 9.99999997E-7 : f32
        %parallel_loop3A_2301 = vector.broadcast %parallel_loop3A_2300 : f32 to vector<16xf32>
        %parallel_loop3A_2302 = arith.addf %parallel_loop3A_2299, %parallel_loop3A_2301 : vector<16xf32>
        %parallel_loop3A_2303 = arith.divf %parallel_loop3A_2297, %parallel_loop3A_2302 : vector<16xf32>
        %parallel_loop3A_2304 = arith.constant 5.000000e-01 : f32
        %parallel_loop3A_2305 = vector.broadcast %parallel_loop3A_2304 : f32 to vector<16xf32>
        %parallel_loop3A_2306 = arith.cmpf ogt, %parallel_loop3A_2303, %parallel_loop3A_2305 : vector<16xf32>
        %parallel_loop3A_2307 = arith.andi %parallel_loop3A_2306, %gt3A_1290 : vector<16xi1>
        %parallel_loop3A_2308 = arith.minimumf %gather3A_1313, %parallel_loop3A_2280 : vector<16xf32>
        %parallel_loop3A_2309 = arith.maximumf %gather3A_1311, %parallel_loop3A_2276 : vector<16xf32>
        %parallel_loop3A_2310 = arith.subf %parallel_loop3A_2308, %parallel_loop3A_2309 : vector<16xf32>
        %parallel_loop3A_2311 = arith.constant 0.000000e+00 : f32
        %parallel_loop3A_2312 = vector.broadcast %parallel_loop3A_2311 : f32 to vector<16xf32>
        %parallel_loop3A_2313 = arith.maximumf %parallel_loop3A_2310, %parallel_loop3A_2312 : vector<16xf32>
        %parallel_loop3A_2314 = arith.minimumf %gather3A_1314, %parallel_loop3A_2282 : vector<16xf32>
        %parallel_loop3A_2315 = arith.maximumf %gather3A_1312, %parallel_loop3A_2278 : vector<16xf32>
        %parallel_loop3A_2316 = arith.subf %parallel_loop3A_2314, %parallel_loop3A_2315 : vector<16xf32>
        %parallel_loop3A_2317 = arith.constant 0.000000e+00 : f32
        %parallel_loop3A_2318 = vector.broadcast %parallel_loop3A_2317 : f32 to vector<16xf32>
        %parallel_loop3A_2319 = arith.maximumf %parallel_loop3A_2316, %parallel_loop3A_2318 : vector<16xf32>
        %parallel_loop3A_2320 = arith.mulf %parallel_loop3A_2313, %parallel_loop3A_2319 : vector<16xf32>
        %parallel_loop3A_2321 = arith.addf %mul3A_1323, %parallel_loop3A_2284 : vector<16xf32>
        %parallel_loop3A_2322 = arith.subf %parallel_loop3A_2321, %parallel_loop3A_2320 : vector<16xf32>
        %parallel_loop3A_2323 = arith.constant 9.99999997E-7 : f32
        %parallel_loop3A_2324 = vector.broadcast %parallel_loop3A_2323 : f32 to vector<16xf32>
        %parallel_loop3A_2325 = arith.addf %parallel_loop3A_2322, %parallel_loop3A_2324 : vector<16xf32>
        %parallel_loop3A_2326 = arith.divf %parallel_loop3A_2320, %parallel_loop3A_2325 : vector<16xf32>
        %parallel_loop3A_2327 = arith.constant 5.000000e-01 : f32
        %parallel_loop3A_2328 = vector.broadcast %parallel_loop3A_2327 : f32 to vector<16xf32>
        %parallel_loop3A_2329 = arith.cmpf ogt, %parallel_loop3A_2326, %parallel_loop3A_2328 : vector<16xf32>
        %parallel_loop3A_2330 = arith.andi %parallel_loop3A_2329, %and3A_1380 : vector<16xi1>
        %parallel_loop3A_2331 = arith.ori %parallel_loop3A_2307, %parallel_loop3A_2330 : vector<16xi1>
        %parallel_loop3A_2332 = arith.minimumf %gather3A_1326, %parallel_loop3A_2280 : vector<16xf32>
        %parallel_loop3A_2333 = arith.maximumf %gather3A_1324, %parallel_loop3A_2276 : vector<16xf32>
        %parallel_loop3A_2334 = arith.subf %parallel_loop3A_2332, %parallel_loop3A_2333 : vector<16xf32>
        %parallel_loop3A_2335 = arith.constant 0.000000e+00 : f32
        %parallel_loop3A_2336 = vector.broadcast %parallel_loop3A_2335 : f32 to vector<16xf32>
        %parallel_loop3A_2337 = arith.maximumf %parallel_loop3A_2334, %parallel_loop3A_2336 : vector<16xf32>
        %parallel_loop3A_2338 = arith.minimumf %gather3A_1327, %parallel_loop3A_2282 : vector<16xf32>
        %parallel_loop3A_2339 = arith.maximumf %gather3A_1325, %parallel_loop3A_2278 : vector<16xf32>
        %parallel_loop3A_2340 = arith.subf %parallel_loop3A_2338, %parallel_loop3A_2339 : vector<16xf32>
        %parallel_loop3A_2341 = arith.constant 0.000000e+00 : f32
        %parallel_loop3A_2342 = vector.broadcast %parallel_loop3A_2341 : f32 to vector<16xf32>
        %parallel_loop3A_2343 = arith.maximumf %parallel_loop3A_2340, %parallel_loop3A_2342 : vector<16xf32>
        %parallel_loop3A_2344 = arith.mulf %parallel_loop3A_2337, %parallel_loop3A_2343 : vector<16xf32>
        %parallel_loop3A_2345 = arith.addf %mul3A_1336, %parallel_loop3A_2284 : vector<16xf32>
        %parallel_loop3A_2346 = arith.subf %parallel_loop3A_2345, %parallel_loop3A_2344 : vector<16xf32>
        %parallel_loop3A_2347 = arith.constant 9.99999997E-7 : f32
        %parallel_loop3A_2348 = vector.broadcast %parallel_loop3A_2347 : f32 to vector<16xf32>
        %parallel_loop3A_2349 = arith.addf %parallel_loop3A_2346, %parallel_loop3A_2348 : vector<16xf32>
        %parallel_loop3A_2350 = arith.divf %parallel_loop3A_2344, %parallel_loop3A_2349 : vector<16xf32>
        %parallel_loop3A_2351 = arith.constant 5.000000e-01 : f32
        %parallel_loop3A_2352 = vector.broadcast %parallel_loop3A_2351 : f32 to vector<16xf32>
        %parallel_loop3A_2353 = arith.cmpf ogt, %parallel_loop3A_2350, %parallel_loop3A_2352 : vector<16xf32>
        %parallel_loop3A_2354 = arith.andi %parallel_loop3A_2353, %and3A_1438 : vector<16xi1>
        %parallel_loop3A_2355 = arith.ori %parallel_loop3A_2331, %parallel_loop3A_2354 : vector<16xi1>
        %parallel_loop3A_2356 = arith.minimumf %gather3A_1339, %parallel_loop3A_2280 : vector<16xf32>
        %parallel_loop3A_2357 = arith.maximumf %gather3A_1337, %parallel_loop3A_2276 : vector<16xf32>
        %parallel_loop3A_2358 = arith.subf %parallel_loop3A_2356, %parallel_loop3A_2357 : vector<16xf32>
        %parallel_loop3A_2359 = arith.constant 0.000000e+00 : f32
        %parallel_loop3A_2360 = vector.broadcast %parallel_loop3A_2359 : f32 to vector<16xf32>
        %parallel_loop3A_2361 = arith.maximumf %parallel_loop3A_2358, %parallel_loop3A_2360 : vector<16xf32>
        %parallel_loop3A_2362 = arith.minimumf %gather3A_1340, %parallel_loop3A_2282 : vector<16xf32>
        %parallel_loop3A_2363 = arith.maximumf %gather3A_1338, %parallel_loop3A_2278 : vector<16xf32>
        %parallel_loop3A_2364 = arith.subf %parallel_loop3A_2362, %parallel_loop3A_2363 : vector<16xf32>
        %parallel_loop3A_2365 = arith.constant 0.000000e+00 : f32
        %parallel_loop3A_2366 = vector.broadcast %parallel_loop3A_2365 : f32 to vector<16xf32>
        %parallel_loop3A_2367 = arith.maximumf %parallel_loop3A_2364, %parallel_loop3A_2366 : vector<16xf32>
        %parallel_loop3A_2368 = arith.mulf %parallel_loop3A_2361, %parallel_loop3A_2367 : vector<16xf32>
        %parallel_loop3A_2369 = arith.addf %mul3A_1349, %parallel_loop3A_2284 : vector<16xf32>
        %parallel_loop3A_2370 = arith.subf %parallel_loop3A_2369, %parallel_loop3A_2368 : vector<16xf32>
        %parallel_loop3A_2371 = arith.constant 9.99999997E-7 : f32
        %parallel_loop3A_2372 = vector.broadcast %parallel_loop3A_2371 : f32 to vector<16xf32>
        %parallel_loop3A_2373 = arith.addf %parallel_loop3A_2370, %parallel_loop3A_2372 : vector<16xf32>
        %parallel_loop3A_2374 = arith.divf %parallel_loop3A_2368, %parallel_loop3A_2373 : vector<16xf32>
        %parallel_loop3A_2375 = arith.constant 5.000000e-01 : f32
        %parallel_loop3A_2376 = vector.broadcast %parallel_loop3A_2375 : f32 to vector<16xf32>
        %parallel_loop3A_2377 = arith.cmpf ogt, %parallel_loop3A_2374, %parallel_loop3A_2376 : vector<16xf32>
        %parallel_loop3A_2378 = arith.andi %parallel_loop3A_2377, %and3A_1521 : vector<16xi1>
        %parallel_loop3A_2379 = arith.ori %parallel_loop3A_2355, %parallel_loop3A_2378 : vector<16xi1>
        %parallel_loop3A_2380 = arith.constant -1.000000e+10 : f32
        %parallel_loop3A_2381 = vector.broadcast %parallel_loop3A_2380 : f32 to vector<16xf32>
        %parallel_loop3A_2382 = arith.select %parallel_loop3A_2379, %parallel_loop3A_2381, %parallel_loop3A_2274 : vector<16xi1>, vector<16xf32>
        %parallel_loop3A_2383 = arith.index_cast %parallel_loop3A_2264 : i32 to index
        %parallel_loop3A_2384 = tpu.vector_load %arg12[%parallel_loop3A_2383] {strides = array<i32>} : memref<1280xf32, #tpu.memory_space<vmem>>, vector<16xf32>,
        tpu.vector_store %arg12[%parallel_loop3A_2383], %parallel_loop3A_2382 {strides = array<i32>} : memref<1280xf32, #tpu.memory_space<vmem>>, vector<16xf32>,
        %parallel_loop3A_2385 = arith.cmpf ogt, %parallel_loop3A_2382, %parallel_loop3A_2255 : vector<16xf32>
        %parallel_loop3A_2386 = arith.cmpf ogt, %parallel_loop3A_2382, %parallel_loop3A_2257 : vector<16xf32>
        %parallel_loop3A_2387 = arith.cmpf ogt, %parallel_loop3A_2382, %parallel_loop3A_2259 : vector<16xf32>
        %parallel_loop3A_2388 = arith.cmpf ogt, %parallel_loop3A_2382, %parallel_loop3A_2261 : vector<16xf32>
        %parallel_loop3A_2389 = arith.select %parallel_loop3A_2385, %parallel_loop3A_2382, %parallel_loop3A_2255 : vector<16xi1>, vector<16xf32>
        %parallel_loop3A_2390 = arith.select %parallel_loop3A_2385, %parallel_loop3A_2272, %parallel_loop3A_2256 : vector<16xi1>, vector<16xi32>
        %parallel_loop3A_2391 = arith.select %parallel_loop3A_2386, %parallel_loop3A_2382, %parallel_loop3A_2257 : vector<16xi1>, vector<16xf32>
        %parallel_loop3A_2392 = arith.select %parallel_loop3A_2385, %parallel_loop3A_2255, %parallel_loop3A_2391 : vector<16xi1>, vector<16xf32>
        %parallel_loop3A_2393 = arith.select %parallel_loop3A_2386, %parallel_loop3A_2272, %parallel_loop3A_2258 : vector<16xi1>, vector<16xi32>
        %parallel_loop3A_2394 = arith.select %parallel_loop3A_2385, %parallel_loop3A_2256, %parallel_loop3A_2393 : vector<16xi1>, vector<16xi32>
        %parallel_loop3A_2395 = arith.select %parallel_loop3A_2387, %parallel_loop3A_2382, %parallel_loop3A_2259 : vector<16xi1>, vector<16xf32>
        %parallel_loop3A_2396 = arith.select %parallel_loop3A_2386, %parallel_loop3A_2257, %parallel_loop3A_2395 : vector<16xi1>, vector<16xf32>
        %parallel_loop3A_2397 = arith.select %parallel_loop3A_2387, %parallel_loop3A_2272, %parallel_loop3A_2260 : vector<16xi1>, vector<16xi32>
        %parallel_loop3A_2398 = arith.select %parallel_loop3A_2386, %parallel_loop3A_2258, %parallel_loop3A_2397 : vector<16xi1>, vector<16xi32>
        %parallel_loop3A_2399 = arith.select %parallel_loop3A_2388, %parallel_loop3A_2382, %parallel_loop3A_2261 : vector<16xi1>, vector<16xf32>
        %parallel_loop3A_2400 = arith.select %parallel_loop3A_2387, %parallel_loop3A_2259, %parallel_loop3A_2399 : vector<16xi1>, vector<16xf32>
        %parallel_loop3A_2401 = arith.select %parallel_loop3A_2388, %parallel_loop3A_2272, %parallel_loop3A_2262 : vector<16xi1>, vector<16xi32>
        %parallel_loop3A_2402 = arith.select %parallel_loop3A_2387, %parallel_loop3A_2260, %parallel_loop3A_2401 : vector<16xi1>, vector<16xi32>
        scf.yield %parallel_loop3A_2389, %parallel_loop3A_2390, %parallel_loop3A_2392, %parallel_loop3A_2394, %parallel_loop3A_2396, %parallel_loop3A_2398, %parallel_loop3A_2400, %parallel_loop3A_2402 : vector<16xf32>, vector<16xi32>, vector<16xf32>, vector<16xi32>, vector<16xf32>, vector<16xi32>, vector<16xf32>, vector<16xi32>
      } {sc.loop_unroll_factor = 20 : i64, sc.parallel_access}
      %add3A_1599 = arith.constant 1 : i32
      %add3A_1600 = arith.addi %while3A_636, %add3A_1599 : i32
      %jit3A_1601 = arith.constant 2 : i32
      %eq3A_1602 = arith.constant 0 : i32
      %eq3A_1603 = arith.cmpi eq, %jit3A_1601, %eq3A_1602 : i32
      %jit3A_1604 = arith.constant 1 : i32
      %select_n3A_1605 = arith.select %eq3A_1603, %jit3A_1604, %jit3A_1601 : i32
      %rem3A_1606 = arith.remsi %add3A_1600, %select_n3A_1605 : i32
      %ne3A_1607 = arith.constant 0 : i32
      %ne3A_1608 = arith.cmpi ne, %rem3A_1606, %ne3A_1607 : i32
      %lt3A_1609 = arith.constant 0 : i32
      %lt3A_1610 = arith.cmpi slt, %rem3A_1606, %lt3A_1609 : i32
      %lt3A_1611 = arith.constant 0 : i32
      %lt3A_1612 = arith.cmpi slt, %select_n3A_1605, %lt3A_1611 : i32
      %ne3A_1613 = arith.xori %lt3A_1610, %lt3A_1612 : i1
      %and3A_1614 = arith.andi %ne3A_1613, %ne3A_1608 : i1
      %add3A_1615 = arith.addi %rem3A_1606, %select_n3A_1605 : i32
      %select_n3A_1616 = arith.select %and3A_1614, %add3A_1615, %rem3A_1606 : i32
      %xor3A_1617 = arith.constant 8 : i32
      %xor3A_1618 = vector.broadcast %xor3A_1617 : i32 to vector<16xi32>
      %xor3A_1619 = arith.xori %iota3A, %xor3A_1618 : vector<16xi32>
      %lt3A_1620 = arith.constant 0 : i32
      %lt3A_1621 = vector.broadcast %lt3A_1620 : i32 to vector<16xi32>
      %lt3A_1622 = arith.cmpi slt, %xor3A_1619, %lt3A_1621 : vector<16xi32>
      %add3A_1623 = arith.constant 16 : i32
      %add3A_1624 = vector.broadcast %add3A_1623 : i32 to vector<16xi32>
      %add3A_1625 = arith.addi %xor3A_1619, %add3A_1624 : vector<16xi32>
      %select_n3A_1626 = arith.select %lt3A_1622, %add3A_1625, %xor3A_1619 : vector<16xi1>, vector<16xi32>
      %broadcast_in_dim3A_1627 = vector.shape_cast %select_n3A_1626 : vector<16xi32> to vector<16x1xi32>
      %gather3A_1628 = vector.shape_cast %broadcast_in_dim3A_1627 : vector<16x1xi32> to vector<16xi32>
      %gather3A_1629 = tpu.dynamic_gather %parallel_loop3A_1598#0[%gather3A_1628] in [0] : vector<16xf32>, vector<16xi32> -> vector<16xf32>
      %lt3A_1630 = arith.constant 0 : i32
      %lt3A_1631 = vector.broadcast %lt3A_1630 : i32 to vector<16xi32>
      %lt3A_1632 = arith.cmpi slt, %xor3A_1619, %lt3A_1631 : vector<16xi32>
      %add3A_1633 = arith.constant 16 : i32
      %add3A_1634 = vector.broadcast %add3A_1633 : i32 to vector<16xi32>
      %add3A_1635 = arith.addi %xor3A_1619, %add3A_1634 : vector<16xi32>
      %select_n3A_1636 = arith.select %lt3A_1632, %add3A_1635, %xor3A_1619 : vector<16xi1>, vector<16xi32>
      %broadcast_in_dim3A_1637 = vector.shape_cast %select_n3A_1636 : vector<16xi32> to vector<16x1xi32>
      %gather3A_1638 = vector.shape_cast %broadcast_in_dim3A_1637 : vector<16x1xi32> to vector<16xi32>
      %gather3A_1639 = tpu.dynamic_gather %parallel_loop3A_1598#1[%gather3A_1638] in [0] : vector<16xi32>, vector<16xi32> -> vector<16xi32>
      %lt3A_1640 = arith.constant 0 : i32
      %lt3A_1641 = vector.broadcast %lt3A_1640 : i32 to vector<16xi32>
      %lt3A_1642 = arith.cmpi slt, %xor3A_1619, %lt3A_1641 : vector<16xi32>
      %add3A_1643 = arith.constant 16 : i32
      %add3A_1644 = vector.broadcast %add3A_1643 : i32 to vector<16xi32>
      %add3A_1645 = arith.addi %xor3A_1619, %add3A_1644 : vector<16xi32>
      %select_n3A_1646 = arith.select %lt3A_1642, %add3A_1645, %xor3A_1619 : vector<16xi1>, vector<16xi32>
      %broadcast_in_dim3A_1647 = vector.shape_cast %select_n3A_1646 : vector<16xi32> to vector<16x1xi32>
      %gather3A_1648 = vector.shape_cast %broadcast_in_dim3A_1647 : vector<16x1xi32> to vector<16xi32>
      %gather3A_1649 = tpu.dynamic_gather %parallel_loop3A_1598#2[%gather3A_1648] in [0] : vector<16xf32>, vector<16xi32> -> vector<16xf32>
      %lt3A_1650 = arith.constant 0 : i32
      %lt3A_1651 = vector.broadcast %lt3A_1650 : i32 to vector<16xi32>
      %lt3A_1652 = arith.cmpi slt, %xor3A_1619, %lt3A_1651 : vector<16xi32>
      %add3A_1653 = arith.constant 16 : i32
      %add3A_1654 = vector.broadcast %add3A_1653 : i32 to vector<16xi32>
      %add3A_1655 = arith.addi %xor3A_1619, %add3A_1654 : vector<16xi32>
      %select_n3A_1656 = arith.select %lt3A_1652, %add3A_1655, %xor3A_1619 : vector<16xi1>, vector<16xi32>
      %broadcast_in_dim3A_1657 = vector.shape_cast %select_n3A_1656 : vector<16xi32> to vector<16x1xi32>
      %gather3A_1658 = vector.shape_cast %broadcast_in_dim3A_1657 : vector<16x1xi32> to vector<16xi32>
      %gather3A_1659 = tpu.dynamic_gather %parallel_loop3A_1598#3[%gather3A_1658] in [0] : vector<16xi32>, vector<16xi32> -> vector<16xi32>
      %lt3A_1660 = arith.constant 0 : i32
      %lt3A_1661 = vector.broadcast %lt3A_1660 : i32 to vector<16xi32>
      %lt3A_1662 = arith.cmpi slt, %xor3A_1619, %lt3A_1661 : vector<16xi32>
      %add3A_1663 = arith.constant 16 : i32
      %add3A_1664 = vector.broadcast %add3A_1663 : i32 to vector<16xi32>
      %add3A_1665 = arith.addi %xor3A_1619, %add3A_1664 : vector<16xi32>
      %select_n3A_1666 = arith.select %lt3A_1662, %add3A_1665, %xor3A_1619 : vector<16xi1>, vector<16xi32>
      %broadcast_in_dim3A_1667 = vector.shape_cast %select_n3A_1666 : vector<16xi32> to vector<16x1xi32>
      %gather3A_1668 = vector.shape_cast %broadcast_in_dim3A_1667 : vector<16x1xi32> to vector<16xi32>
      %gather3A_1669 = tpu.dynamic_gather %parallel_loop3A_1598#4[%gather3A_1668] in [0] : vector<16xf32>, vector<16xi32> -> vector<16xf32>
      %lt3A_1670 = arith.constant 0 : i32
      %lt3A_1671 = vector.broadcast %lt3A_1670 : i32 to vector<16xi32>
      %lt3A_1672 = arith.cmpi slt, %xor3A_1619, %lt3A_1671 : vector<16xi32>
      %add3A_1673 = arith.constant 16 : i32
      %add3A_1674 = vector.broadcast %add3A_1673 : i32 to vector<16xi32>
      %add3A_1675 = arith.addi %xor3A_1619, %add3A_1674 : vector<16xi32>
      %select_n3A_1676 = arith.select %lt3A_1672, %add3A_1675, %xor3A_1619 : vector<16xi1>, vector<16xi32>
      %broadcast_in_dim3A_1677 = vector.shape_cast %select_n3A_1676 : vector<16xi32> to vector<16x1xi32>
      %gather3A_1678 = vector.shape_cast %broadcast_in_dim3A_1677 : vector<16x1xi32> to vector<16xi32>
      %gather3A_1679 = tpu.dynamic_gather %parallel_loop3A_1598#5[%gather3A_1678] in [0] : vector<16xi32>, vector<16xi32> -> vector<16xi32>
      %lt3A_1680 = arith.constant 0 : i32
      %lt3A_1681 = vector.broadcast %lt3A_1680 : i32 to vector<16xi32>
      %lt3A_1682 = arith.cmpi slt, %xor3A_1619, %lt3A_1681 : vector<16xi32>
      %add3A_1683 = arith.constant 16 : i32
      %add3A_1684 = vector.broadcast %add3A_1683 : i32 to vector<16xi32>
      %add3A_1685 = arith.addi %xor3A_1619, %add3A_1684 : vector<16xi32>
      %select_n3A_1686 = arith.select %lt3A_1682, %add3A_1685, %xor3A_1619 : vector<16xi1>, vector<16xi32>
      %broadcast_in_dim3A_1687 = vector.shape_cast %select_n3A_1686 : vector<16xi32> to vector<16x1xi32>
      %gather3A_1688 = vector.shape_cast %broadcast_in_dim3A_1687 : vector<16x1xi32> to vector<16xi32>
      %gather3A_1689 = tpu.dynamic_gather %parallel_loop3A_1598#6[%gather3A_1688] in [0] : vector<16xf32>, vector<16xi32> -> vector<16xf32>
      %lt3A_1690 = arith.constant 0 : i32
      %lt3A_1691 = vector.broadcast %lt3A_1690 : i32 to vector<16xi32>
      %lt3A_1692 = arith.cmpi slt, %xor3A_1619, %lt3A_1691 : vector<16xi32>
      %add3A_1693 = arith.constant 16 : i32
      %add3A_1694 = vector.broadcast %add3A_1693 : i32 to vector<16xi32>
      %add3A_1695 = arith.addi %xor3A_1619, %add3A_1694 : vector<16xi32>
      %select_n3A_1696 = arith.select %lt3A_1692, %add3A_1695, %xor3A_1619 : vector<16xi1>, vector<16xi32>
      %broadcast_in_dim3A_1697 = vector.shape_cast %select_n3A_1696 : vector<16xi32> to vector<16x1xi32>
      %gather3A_1698 = vector.shape_cast %broadcast_in_dim3A_1697 : vector<16x1xi32> to vector<16xi32>
      %gather3A_1699 = tpu.dynamic_gather %parallel_loop3A_1598#7[%gather3A_1698] in [0] : vector<16xi32>, vector<16xi32> -> vector<16xi32>
      %gt3A_1700 = arith.cmpf ogt, %gather3A_1689, %parallel_loop3A_1598#0 : vector<16xf32>
      %eq3A_1701 = arith.cmpf oeq, %gather3A_1689, %parallel_loop3A_1598#0 : vector<16xf32>
      %lt3A_1702 = arith.cmpi slt, %gather3A_1699, %parallel_loop3A_1598#1 : vector<16xi32>
      %and3A_1703 = arith.andi %eq3A_1701, %lt3A_1702 : vector<16xi1>
      %or3A_1704 = arith.ori %gt3A_1700, %and3A_1703 : vector<16xi1>
      %select_n3A_1705 = arith.select %or3A_1704, %gather3A_1689, %parallel_loop3A_1598#0 : vector<16xi1>, vector<16xf32>
      %select_n3A_1706 = arith.select %or3A_1704, %gather3A_1699, %parallel_loop3A_1598#1 : vector<16xi1>, vector<16xi32>
      %gt3A_1707 = arith.cmpf ogt, %gather3A_1669, %parallel_loop3A_1598#2 : vector<16xf32>
      %eq3A_1708 = arith.cmpf oeq, %gather3A_1669, %parallel_loop3A_1598#2 : vector<16xf32>
      %lt3A_1709 = arith.cmpi slt, %gather3A_1679, %parallel_loop3A_1598#3 : vector<16xi32>
      %and3A_1710 = arith.andi %eq3A_1708, %lt3A_1709 : vector<16xi1>
      %or3A_1711 = arith.ori %gt3A_1707, %and3A_1710 : vector<16xi1>
      %select_n3A_1712 = arith.select %or3A_1711, %gather3A_1669, %parallel_loop3A_1598#2 : vector<16xi1>, vector<16xf32>
      %select_n3A_1713 = arith.select %or3A_1711, %gather3A_1679, %parallel_loop3A_1598#3 : vector<16xi1>, vector<16xi32>
      %gt3A_1714 = arith.cmpf ogt, %gather3A_1649, %parallel_loop3A_1598#4 : vector<16xf32>
      %eq3A_1715 = arith.cmpf oeq, %gather3A_1649, %parallel_loop3A_1598#4 : vector<16xf32>
      %lt3A_1716 = arith.cmpi slt, %gather3A_1659, %parallel_loop3A_1598#5 : vector<16xi32>
      %and3A_1717 = arith.andi %eq3A_1715, %lt3A_1716 : vector<16xi1>
      %or3A_1718 = arith.ori %gt3A_1714, %and3A_1717 : vector<16xi1>
      %select_n3A_1719 = arith.select %or3A_1718, %gather3A_1649, %parallel_loop3A_1598#4 : vector<16xi1>, vector<16xf32>
      %select_n3A_1720 = arith.select %or3A_1718, %gather3A_1659, %parallel_loop3A_1598#5 : vector<16xi1>, vector<16xi32>
      %gt3A_1721 = arith.cmpf ogt, %gather3A_1629, %parallel_loop3A_1598#6 : vector<16xf32>
      %eq3A_1722 = arith.cmpf oeq, %gather3A_1629, %parallel_loop3A_1598#6 : vector<16xf32>
      %lt3A_1723 = arith.cmpi slt, %gather3A_1639, %parallel_loop3A_1598#7 : vector<16xi32>
      %and3A_1724 = arith.andi %eq3A_1722, %lt3A_1723 : vector<16xi1>
      %or3A_1725 = arith.ori %gt3A_1721, %and3A_1724 : vector<16xi1>
      %select_n3A_1726 = arith.select %or3A_1725, %gather3A_1629, %parallel_loop3A_1598#6 : vector<16xi1>, vector<16xf32>
      %select_n3A_1727 = arith.select %or3A_1725, %gather3A_1639, %parallel_loop3A_1598#7 : vector<16xi1>, vector<16xi32>
      %gt3A_1728 = arith.cmpf ogt, %select_n3A_1719, %select_n3A_1705 : vector<16xf32>
      %eq3A_1729 = arith.cmpf oeq, %select_n3A_1719, %select_n3A_1705 : vector<16xf32>
      %lt3A_1730 = arith.cmpi slt, %select_n3A_1720, %select_n3A_1706 : vector<16xi32>
      %and3A_1731 = arith.andi %eq3A_1729, %lt3A_1730 : vector<16xi1>
      %or3A_1732 = arith.ori %gt3A_1728, %and3A_1731 : vector<16xi1>
      %select_n3A_1733 = arith.select %or3A_1732, %select_n3A_1719, %select_n3A_1705 : vector<16xi1>, vector<16xf32>
      %select_n3A_1734 = arith.select %or3A_1732, %select_n3A_1720, %select_n3A_1706 : vector<16xi1>, vector<16xi32>
      %select_n3A_1735 = arith.select %or3A_1732, %select_n3A_1705, %select_n3A_1719 : vector<16xi1>, vector<16xf32>
      %select_n3A_1736 = arith.select %or3A_1732, %select_n3A_1706, %select_n3A_1720 : vector<16xi1>, vector<16xi32>
      %gt3A_1737 = arith.cmpf ogt, %select_n3A_1726, %select_n3A_1712 : vector<16xf32>
      %eq3A_1738 = arith.cmpf oeq, %select_n3A_1726, %select_n3A_1712 : vector<16xf32>
      %lt3A_1739 = arith.cmpi slt, %select_n3A_1727, %select_n3A_1713 : vector<16xi32>
      %and3A_1740 = arith.andi %eq3A_1738, %lt3A_1739 : vector<16xi1>
      %or3A_1741 = arith.ori %gt3A_1737, %and3A_1740 : vector<16xi1>
      %select_n3A_1742 = arith.select %or3A_1741, %select_n3A_1726, %select_n3A_1712 : vector<16xi1>, vector<16xf32>
      %select_n3A_1743 = arith.select %or3A_1741, %select_n3A_1727, %select_n3A_1713 : vector<16xi1>, vector<16xi32>
      %select_n3A_1744 = arith.select %or3A_1741, %select_n3A_1712, %select_n3A_1726 : vector<16xi1>, vector<16xf32>
      %select_n3A_1745 = arith.select %or3A_1741, %select_n3A_1713, %select_n3A_1727 : vector<16xi1>, vector<16xi32>
      %gt3A_1746 = arith.cmpf ogt, %select_n3A_1742, %select_n3A_1733 : vector<16xf32>
      %eq3A_1747 = arith.cmpf oeq, %select_n3A_1742, %select_n3A_1733 : vector<16xf32>
      %lt3A_1748 = arith.cmpi slt, %select_n3A_1743, %select_n3A_1734 : vector<16xi32>
      %and3A_1749 = arith.andi %eq3A_1747, %lt3A_1748 : vector<16xi1>
      %or3A_1750 = arith.ori %gt3A_1746, %and3A_1749 : vector<16xi1>
      %select_n3A_1751 = arith.select %or3A_1750, %select_n3A_1742, %select_n3A_1733 : vector<16xi1>, vector<16xf32>
      %select_n3A_1752 = arith.select %or3A_1750, %select_n3A_1743, %select_n3A_1734 : vector<16xi1>, vector<16xi32>
      %select_n3A_1753 = arith.select %or3A_1750, %select_n3A_1733, %select_n3A_1742 : vector<16xi1>, vector<16xf32>
      %select_n3A_1754 = arith.select %or3A_1750, %select_n3A_1734, %select_n3A_1743 : vector<16xi1>, vector<16xi32>
      %gt3A_1755 = arith.cmpf ogt, %select_n3A_1744, %select_n3A_1735 : vector<16xf32>
      %eq3A_1756 = arith.cmpf oeq, %select_n3A_1744, %select_n3A_1735 : vector<16xf32>
      %lt3A_1757 = arith.cmpi slt, %select_n3A_1745, %select_n3A_1736 : vector<16xi32>
      %and3A_1758 = arith.andi %eq3A_1756, %lt3A_1757 : vector<16xi1>
      %or3A_1759 = arith.ori %gt3A_1755, %and3A_1758 : vector<16xi1>
      %select_n3A_1760 = arith.select %or3A_1759, %select_n3A_1744, %select_n3A_1735 : vector<16xi1>, vector<16xf32>
      %select_n3A_1761 = arith.select %or3A_1759, %select_n3A_1745, %select_n3A_1736 : vector<16xi1>, vector<16xi32>
      %select_n3A_1762 = arith.select %or3A_1759, %select_n3A_1735, %select_n3A_1744 : vector<16xi1>, vector<16xf32>
      %select_n3A_1763 = arith.select %or3A_1759, %select_n3A_1736, %select_n3A_1745 : vector<16xi1>, vector<16xi32>
      %xor3A_1764 = arith.constant 4 : i32
      %xor3A_1765 = vector.broadcast %xor3A_1764 : i32 to vector<16xi32>
      %xor3A_1766 = arith.xori %iota3A, %xor3A_1765 : vector<16xi32>
      %lt3A_1767 = arith.constant 0 : i32
      %lt3A_1768 = vector.broadcast %lt3A_1767 : i32 to vector<16xi32>
      %lt3A_1769 = arith.cmpi slt, %xor3A_1766, %lt3A_1768 : vector<16xi32>
      %add3A_1770 = arith.constant 16 : i32
      %add3A_1771 = vector.broadcast %add3A_1770 : i32 to vector<16xi32>
      %add3A_1772 = arith.addi %xor3A_1766, %add3A_1771 : vector<16xi32>
      %select_n3A_1773 = arith.select %lt3A_1769, %add3A_1772, %xor3A_1766 : vector<16xi1>, vector<16xi32>
      %broadcast_in_dim3A_1774 = vector.shape_cast %select_n3A_1773 : vector<16xi32> to vector<16x1xi32>
      %gather3A_1775 = vector.shape_cast %broadcast_in_dim3A_1774 : vector<16x1xi32> to vector<16xi32>
      %gather3A_1776 = tpu.dynamic_gather %select_n3A_1751[%gather3A_1775] in [0] : vector<16xf32>, vector<16xi32> -> vector<16xf32>
      %lt3A_1777 = arith.constant 0 : i32
      %lt3A_1778 = vector.broadcast %lt3A_1777 : i32 to vector<16xi32>
      %lt3A_1779 = arith.cmpi slt, %xor3A_1766, %lt3A_1778 : vector<16xi32>
      %add3A_1780 = arith.constant 16 : i32
      %add3A_1781 = vector.broadcast %add3A_1780 : i32 to vector<16xi32>
      %add3A_1782 = arith.addi %xor3A_1766, %add3A_1781 : vector<16xi32>
      %select_n3A_1783 = arith.select %lt3A_1779, %add3A_1782, %xor3A_1766 : vector<16xi1>, vector<16xi32>
      %broadcast_in_dim3A_1784 = vector.shape_cast %select_n3A_1783 : vector<16xi32> to vector<16x1xi32>
      %gather3A_1785 = vector.shape_cast %broadcast_in_dim3A_1784 : vector<16x1xi32> to vector<16xi32>
      %gather3A_1786 = tpu.dynamic_gather %select_n3A_1752[%gather3A_1785] in [0] : vector<16xi32>, vector<16xi32> -> vector<16xi32>
      %lt3A_1787 = arith.constant 0 : i32
      %lt3A_1788 = vector.broadcast %lt3A_1787 : i32 to vector<16xi32>
      %lt3A_1789 = arith.cmpi slt, %xor3A_1766, %lt3A_1788 : vector<16xi32>
      %add3A_1790 = arith.constant 16 : i32
      %add3A_1791 = vector.broadcast %add3A_1790 : i32 to vector<16xi32>
      %add3A_1792 = arith.addi %xor3A_1766, %add3A_1791 : vector<16xi32>
      %select_n3A_1793 = arith.select %lt3A_1789, %add3A_1792, %xor3A_1766 : vector<16xi1>, vector<16xi32>
      %broadcast_in_dim3A_1794 = vector.shape_cast %select_n3A_1793 : vector<16xi32> to vector<16x1xi32>
      %gather3A_1795 = vector.shape_cast %broadcast_in_dim3A_1794 : vector<16x1xi32> to vector<16xi32>
      %gather3A_1796 = tpu.dynamic_gather %select_n3A_1753[%gather3A_1795] in [0] : vector<16xf32>, vector<16xi32> -> vector<16xf32>
      %lt3A_1797 = arith.constant 0 : i32
      %lt3A_1798 = vector.broadcast %lt3A_1797 : i32 to vector<16xi32>
      %lt3A_1799 = arith.cmpi slt, %xor3A_1766, %lt3A_1798 : vector<16xi32>
      %add3A_1800 = arith.constant 16 : i32
      %add3A_1801 = vector.broadcast %add3A_1800 : i32 to vector<16xi32>
      %add3A_1802 = arith.addi %xor3A_1766, %add3A_1801 : vector<16xi32>
      %select_n3A_1803 = arith.select %lt3A_1799, %add3A_1802, %xor3A_1766 : vector<16xi1>, vector<16xi32>
      %broadcast_in_dim3A_1804 = vector.shape_cast %select_n3A_1803 : vector<16xi32> to vector<16x1xi32>
      %gather3A_1805 = vector.shape_cast %broadcast_in_dim3A_1804 : vector<16x1xi32> to vector<16xi32>
      %gather3A_1806 = tpu.dynamic_gather %select_n3A_1754[%gather3A_1805] in [0] : vector<16xi32>, vector<16xi32> -> vector<16xi32>
      %lt3A_1807 = arith.constant 0 : i32
      %lt3A_1808 = vector.broadcast %lt3A_1807 : i32 to vector<16xi32>
      %lt3A_1809 = arith.cmpi slt, %xor3A_1766, %lt3A_1808 : vector<16xi32>
      %add3A_1810 = arith.constant 16 : i32
      %add3A_1811 = vector.broadcast %add3A_1810 : i32 to vector<16xi32>
      %add3A_1812 = arith.addi %xor3A_1766, %add3A_1811 : vector<16xi32>
      %select_n3A_1813 = arith.select %lt3A_1809, %add3A_1812, %xor3A_1766 : vector<16xi1>, vector<16xi32>
      %broadcast_in_dim3A_1814 = vector.shape_cast %select_n3A_1813 : vector<16xi32> to vector<16x1xi32>
      %gather3A_1815 = vector.shape_cast %broadcast_in_dim3A_1814 : vector<16x1xi32> to vector<16xi32>
      %gather3A_1816 = tpu.dynamic_gather %select_n3A_1760[%gather3A_1815] in [0] : vector<16xf32>, vector<16xi32> -> vector<16xf32>
      %lt3A_1817 = arith.constant 0 : i32
      %lt3A_1818 = vector.broadcast %lt3A_1817 : i32 to vector<16xi32>
      %lt3A_1819 = arith.cmpi slt, %xor3A_1766, %lt3A_1818 : vector<16xi32>
      %add3A_1820 = arith.constant 16 : i32
      %add3A_1821 = vector.broadcast %add3A_1820 : i32 to vector<16xi32>
      %add3A_1822 = arith.addi %xor3A_1766, %add3A_1821 : vector<16xi32>
      %select_n3A_1823 = arith.select %lt3A_1819, %add3A_1822, %xor3A_1766 : vector<16xi1>, vector<16xi32>
      %broadcast_in_dim3A_1824 = vector.shape_cast %select_n3A_1823 : vector<16xi32> to vector<16x1xi32>
      %gather3A_1825 = vector.shape_cast %broadcast_in_dim3A_1824 : vector<16x1xi32> to vector<16xi32>
      %gather3A_1826 = tpu.dynamic_gather %select_n3A_1761[%gather3A_1825] in [0] : vector<16xi32>, vector<16xi32> -> vector<16xi32>
      %lt3A_1827 = arith.constant 0 : i32
      %lt3A_1828 = vector.broadcast %lt3A_1827 : i32 to vector<16xi32>
      %lt3A_1829 = arith.cmpi slt, %xor3A_1766, %lt3A_1828 : vector<16xi32>
      %add3A_1830 = arith.constant 16 : i32
      %add3A_1831 = vector.broadcast %add3A_1830 : i32 to vector<16xi32>
      %add3A_1832 = arith.addi %xor3A_1766, %add3A_1831 : vector<16xi32>
      %select_n3A_1833 = arith.select %lt3A_1829, %add3A_1832, %xor3A_1766 : vector<16xi1>, vector<16xi32>
      %broadcast_in_dim3A_1834 = vector.shape_cast %select_n3A_1833 : vector<16xi32> to vector<16x1xi32>
      %gather3A_1835 = vector.shape_cast %broadcast_in_dim3A_1834 : vector<16x1xi32> to vector<16xi32>
      %gather3A_1836 = tpu.dynamic_gather %select_n3A_1762[%gather3A_1835] in [0] : vector<16xf32>, vector<16xi32> -> vector<16xf32>
      %lt3A_1837 = arith.constant 0 : i32
      %lt3A_1838 = vector.broadcast %lt3A_1837 : i32 to vector<16xi32>
      %lt3A_1839 = arith.cmpi slt, %xor3A_1766, %lt3A_1838 : vector<16xi32>
      %add3A_1840 = arith.constant 16 : i32
      %add3A_1841 = vector.broadcast %add3A_1840 : i32 to vector<16xi32>
      %add3A_1842 = arith.addi %xor3A_1766, %add3A_1841 : vector<16xi32>
      %select_n3A_1843 = arith.select %lt3A_1839, %add3A_1842, %xor3A_1766 : vector<16xi1>, vector<16xi32>
      %broadcast_in_dim3A_1844 = vector.shape_cast %select_n3A_1843 : vector<16xi32> to vector<16x1xi32>
      %gather3A_1845 = vector.shape_cast %broadcast_in_dim3A_1844 : vector<16x1xi32> to vector<16xi32>
      %gather3A_1846 = tpu.dynamic_gather %select_n3A_1763[%gather3A_1845] in [0] : vector<16xi32>, vector<16xi32> -> vector<16xi32>
      %gt3A_1847 = arith.cmpf ogt, %gather3A_1836, %select_n3A_1751 : vector<16xf32>
      %eq3A_1848 = arith.cmpf oeq, %gather3A_1836, %select_n3A_1751 : vector<16xf32>
      %lt3A_1849 = arith.cmpi slt, %gather3A_1846, %select_n3A_1752 : vector<16xi32>
      %and3A_1850 = arith.andi %eq3A_1848, %lt3A_1849 : vector<16xi1>
      %or3A_1851 = arith.ori %gt3A_1847, %and3A_1850 : vector<16xi1>
      %select_n3A_1852 = arith.select %or3A_1851, %gather3A_1836, %select_n3A_1751 : vector<16xi1>, vector<16xf32>
      %select_n3A_1853 = arith.select %or3A_1851, %gather3A_1846, %select_n3A_1752 : vector<16xi1>, vector<16xi32>
      %gt3A_1854 = arith.cmpf ogt, %gather3A_1816, %select_n3A_1753 : vector<16xf32>
      %eq3A_1855 = arith.cmpf oeq, %gather3A_1816, %select_n3A_1753 : vector<16xf32>
      %lt3A_1856 = arith.cmpi slt, %gather3A_1826, %select_n3A_1754 : vector<16xi32>
      %and3A_1857 = arith.andi %eq3A_1855, %lt3A_1856 : vector<16xi1>
      %or3A_1858 = arith.ori %gt3A_1854, %and3A_1857 : vector<16xi1>
      %select_n3A_1859 = arith.select %or3A_1858, %gather3A_1816, %select_n3A_1753 : vector<16xi1>, vector<16xf32>
      %select_n3A_1860 = arith.select %or3A_1858, %gather3A_1826, %select_n3A_1754 : vector<16xi1>, vector<16xi32>
      %gt3A_1861 = arith.cmpf ogt, %gather3A_1796, %select_n3A_1760 : vector<16xf32>
      %eq3A_1862 = arith.cmpf oeq, %gather3A_1796, %select_n3A_1760 : vector<16xf32>
      %lt3A_1863 = arith.cmpi slt, %gather3A_1806, %select_n3A_1761 : vector<16xi32>
      %and3A_1864 = arith.andi %eq3A_1862, %lt3A_1863 : vector<16xi1>
      %or3A_1865 = arith.ori %gt3A_1861, %and3A_1864 : vector<16xi1>
      %select_n3A_1866 = arith.select %or3A_1865, %gather3A_1796, %select_n3A_1760 : vector<16xi1>, vector<16xf32>
      %select_n3A_1867 = arith.select %or3A_1865, %gather3A_1806, %select_n3A_1761 : vector<16xi1>, vector<16xi32>
      %gt3A_1868 = arith.cmpf ogt, %gather3A_1776, %select_n3A_1762 : vector<16xf32>
      %eq3A_1869 = arith.cmpf oeq, %gather3A_1776, %select_n3A_1762 : vector<16xf32>
      %lt3A_1870 = arith.cmpi slt, %gather3A_1786, %select_n3A_1763 : vector<16xi32>
      %and3A_1871 = arith.andi %eq3A_1869, %lt3A_1870 : vector<16xi1>
      %or3A_1872 = arith.ori %gt3A_1868, %and3A_1871 : vector<16xi1>
      %select_n3A_1873 = arith.select %or3A_1872, %gather3A_1776, %select_n3A_1762 : vector<16xi1>, vector<16xf32>
      %select_n3A_1874 = arith.select %or3A_1872, %gather3A_1786, %select_n3A_1763 : vector<16xi1>, vector<16xi32>
      %gt3A_1875 = arith.cmpf ogt, %select_n3A_1866, %select_n3A_1852 : vector<16xf32>
      %eq3A_1876 = arith.cmpf oeq, %select_n3A_1866, %select_n3A_1852 : vector<16xf32>
      %lt3A_1877 = arith.cmpi slt, %select_n3A_1867, %select_n3A_1853 : vector<16xi32>
      %and3A_1878 = arith.andi %eq3A_1876, %lt3A_1877 : vector<16xi1>
      %or3A_1879 = arith.ori %gt3A_1875, %and3A_1878 : vector<16xi1>
      %select_n3A_1880 = arith.select %or3A_1879, %select_n3A_1866, %select_n3A_1852 : vector<16xi1>, vector<16xf32>
      %select_n3A_1881 = arith.select %or3A_1879, %select_n3A_1867, %select_n3A_1853 : vector<16xi1>, vector<16xi32>
      %select_n3A_1882 = arith.select %or3A_1879, %select_n3A_1852, %select_n3A_1866 : vector<16xi1>, vector<16xf32>
      %select_n3A_1883 = arith.select %or3A_1879, %select_n3A_1853, %select_n3A_1867 : vector<16xi1>, vector<16xi32>
      %gt3A_1884 = arith.cmpf ogt, %select_n3A_1873, %select_n3A_1859 : vector<16xf32>
      %eq3A_1885 = arith.cmpf oeq, %select_n3A_1873, %select_n3A_1859 : vector<16xf32>
      %lt3A_1886 = arith.cmpi slt, %select_n3A_1874, %select_n3A_1860 : vector<16xi32>
      %and3A_1887 = arith.andi %eq3A_1885, %lt3A_1886 : vector<16xi1>
      %or3A_1888 = arith.ori %gt3A_1884, %and3A_1887 : vector<16xi1>
      %select_n3A_1889 = arith.select %or3A_1888, %select_n3A_1873, %select_n3A_1859 : vector<16xi1>, vector<16xf32>
      %select_n3A_1890 = arith.select %or3A_1888, %select_n3A_1874, %select_n3A_1860 : vector<16xi1>, vector<16xi32>
      %select_n3A_1891 = arith.select %or3A_1888, %select_n3A_1859, %select_n3A_1873 : vector<16xi1>, vector<16xf32>
      %select_n3A_1892 = arith.select %or3A_1888, %select_n3A_1860, %select_n3A_1874 : vector<16xi1>, vector<16xi32>
      %gt3A_1893 = arith.cmpf ogt, %select_n3A_1889, %select_n3A_1880 : vector<16xf32>
      %eq3A_1894 = arith.cmpf oeq, %select_n3A_1889, %select_n3A_1880 : vector<16xf32>
      %lt3A_1895 = arith.cmpi slt, %select_n3A_1890, %select_n3A_1881 : vector<16xi32>
      %and3A_1896 = arith.andi %eq3A_1894, %lt3A_1895 : vector<16xi1>
      %or3A_1897 = arith.ori %gt3A_1893, %and3A_1896 : vector<16xi1>
      %select_n3A_1898 = arith.select %or3A_1897, %select_n3A_1889, %select_n3A_1880 : vector<16xi1>, vector<16xf32>
      %select_n3A_1899 = arith.select %or3A_1897, %select_n3A_1890, %select_n3A_1881 : vector<16xi1>, vector<16xi32>
      %select_n3A_1900 = arith.select %or3A_1897, %select_n3A_1880, %select_n3A_1889 : vector<16xi1>, vector<16xf32>
      %select_n3A_1901 = arith.select %or3A_1897, %select_n3A_1881, %select_n3A_1890 : vector<16xi1>, vector<16xi32>
      %gt3A_1902 = arith.cmpf ogt, %select_n3A_1891, %select_n3A_1882 : vector<16xf32>
      %eq3A_1903 = arith.cmpf oeq, %select_n3A_1891, %select_n3A_1882 : vector<16xf32>
      %lt3A_1904 = arith.cmpi slt, %select_n3A_1892, %select_n3A_1883 : vector<16xi32>
      %and3A_1905 = arith.andi %eq3A_1903, %lt3A_1904 : vector<16xi1>
      %or3A_1906 = arith.ori %gt3A_1902, %and3A_1905 : vector<16xi1>
      %select_n3A_1907 = arith.select %or3A_1906, %select_n3A_1891, %select_n3A_1882 : vector<16xi1>, vector<16xf32>
      %select_n3A_1908 = arith.select %or3A_1906, %select_n3A_1892, %select_n3A_1883 : vector<16xi1>, vector<16xi32>
      %select_n3A_1909 = arith.select %or3A_1906, %select_n3A_1882, %select_n3A_1891 : vector<16xi1>, vector<16xf32>
      %select_n3A_1910 = arith.select %or3A_1906, %select_n3A_1883, %select_n3A_1892 : vector<16xi1>, vector<16xi32>
      %xor3A_1911 = arith.constant 2 : i32
      %xor3A_1912 = vector.broadcast %xor3A_1911 : i32 to vector<16xi32>
      %xor3A_1913 = arith.xori %iota3A, %xor3A_1912 : vector<16xi32>
      %lt3A_1914 = arith.constant 0 : i32
      %lt3A_1915 = vector.broadcast %lt3A_1914 : i32 to vector<16xi32>
      %lt3A_1916 = arith.cmpi slt, %xor3A_1913, %lt3A_1915 : vector<16xi32>
      %add3A_1917 = arith.constant 16 : i32
      %add3A_1918 = vector.broadcast %add3A_1917 : i32 to vector<16xi32>
      %add3A_1919 = arith.addi %xor3A_1913, %add3A_1918 : vector<16xi32>
      %select_n3A_1920 = arith.select %lt3A_1916, %add3A_1919, %xor3A_1913 : vector<16xi1>, vector<16xi32>
      %broadcast_in_dim3A_1921 = vector.shape_cast %select_n3A_1920 : vector<16xi32> to vector<16x1xi32>
      %gather3A_1922 = vector.shape_cast %broadcast_in_dim3A_1921 : vector<16x1xi32> to vector<16xi32>
      %gather3A_1923 = tpu.dynamic_gather %select_n3A_1898[%gather3A_1922] in [0] : vector<16xf32>, vector<16xi32> -> vector<16xf32>
      %lt3A_1924 = arith.constant 0 : i32
      %lt3A_1925 = vector.broadcast %lt3A_1924 : i32 to vector<16xi32>
      %lt3A_1926 = arith.cmpi slt, %xor3A_1913, %lt3A_1925 : vector<16xi32>
      %add3A_1927 = arith.constant 16 : i32
      %add3A_1928 = vector.broadcast %add3A_1927 : i32 to vector<16xi32>
      %add3A_1929 = arith.addi %xor3A_1913, %add3A_1928 : vector<16xi32>
      %select_n3A_1930 = arith.select %lt3A_1926, %add3A_1929, %xor3A_1913 : vector<16xi1>, vector<16xi32>
      %broadcast_in_dim3A_1931 = vector.shape_cast %select_n3A_1930 : vector<16xi32> to vector<16x1xi32>
      %gather3A_1932 = vector.shape_cast %broadcast_in_dim3A_1931 : vector<16x1xi32> to vector<16xi32>
      %gather3A_1933 = tpu.dynamic_gather %select_n3A_1899[%gather3A_1932] in [0] : vector<16xi32>, vector<16xi32> -> vector<16xi32>
      %lt3A_1934 = arith.constant 0 : i32
      %lt3A_1935 = vector.broadcast %lt3A_1934 : i32 to vector<16xi32>
      %lt3A_1936 = arith.cmpi slt, %xor3A_1913, %lt3A_1935 : vector<16xi32>
      %add3A_1937 = arith.constant 16 : i32
      %add3A_1938 = vector.broadcast %add3A_1937 : i32 to vector<16xi32>
      %add3A_1939 = arith.addi %xor3A_1913, %add3A_1938 : vector<16xi32>
      %select_n3A_1940 = arith.select %lt3A_1936, %add3A_1939, %xor3A_1913 : vector<16xi1>, vector<16xi32>
      %broadcast_in_dim3A_1941 = vector.shape_cast %select_n3A_1940 : vector<16xi32> to vector<16x1xi32>
      %gather3A_1942 = vector.shape_cast %broadcast_in_dim3A_1941 : vector<16x1xi32> to vector<16xi32>
      %gather3A_1943 = tpu.dynamic_gather %select_n3A_1900[%gather3A_1942] in [0] : vector<16xf32>, vector<16xi32> -> vector<16xf32>
      %lt3A_1944 = arith.constant 0 : i32
      %lt3A_1945 = vector.broadcast %lt3A_1944 : i32 to vector<16xi32>
      %lt3A_1946 = arith.cmpi slt, %xor3A_1913, %lt3A_1945 : vector<16xi32>
      %add3A_1947 = arith.constant 16 : i32
      %add3A_1948 = vector.broadcast %add3A_1947 : i32 to vector<16xi32>
      %add3A_1949 = arith.addi %xor3A_1913, %add3A_1948 : vector<16xi32>
      %select_n3A_1950 = arith.select %lt3A_1946, %add3A_1949, %xor3A_1913 : vector<16xi1>, vector<16xi32>
      %broadcast_in_dim3A_1951 = vector.shape_cast %select_n3A_1950 : vector<16xi32> to vector<16x1xi32>
      %gather3A_1952 = vector.shape_cast %broadcast_in_dim3A_1951 : vector<16x1xi32> to vector<16xi32>
      %gather3A_1953 = tpu.dynamic_gather %select_n3A_1901[%gather3A_1952] in [0] : vector<16xi32>, vector<16xi32> -> vector<16xi32>
      %lt3A_1954 = arith.constant 0 : i32
      %lt3A_1955 = vector.broadcast %lt3A_1954 : i32 to vector<16xi32>
      %lt3A_1956 = arith.cmpi slt, %xor3A_1913, %lt3A_1955 : vector<16xi32>
      %add3A_1957 = arith.constant 16 : i32
      %add3A_1958 = vector.broadcast %add3A_1957 : i32 to vector<16xi32>
      %add3A_1959 = arith.addi %xor3A_1913, %add3A_1958 : vector<16xi32>
      %select_n3A_1960 = arith.select %lt3A_1956, %add3A_1959, %xor3A_1913 : vector<16xi1>, vector<16xi32>
      %broadcast_in_dim3A_1961 = vector.shape_cast %select_n3A_1960 : vector<16xi32> to vector<16x1xi32>
      %gather3A_1962 = vector.shape_cast %broadcast_in_dim3A_1961 : vector<16x1xi32> to vector<16xi32>
      %gather3A_1963 = tpu.dynamic_gather %select_n3A_1907[%gather3A_1962] in [0] : vector<16xf32>, vector<16xi32> -> vector<16xf32>
      %lt3A_1964 = arith.constant 0 : i32
      %lt3A_1965 = vector.broadcast %lt3A_1964 : i32 to vector<16xi32>
      %lt3A_1966 = arith.cmpi slt, %xor3A_1913, %lt3A_1965 : vector<16xi32>
      %add3A_1967 = arith.constant 16 : i32
      %add3A_1968 = vector.broadcast %add3A_1967 : i32 to vector<16xi32>
      %add3A_1969 = arith.addi %xor3A_1913, %add3A_1968 : vector<16xi32>
      %select_n3A_1970 = arith.select %lt3A_1966, %add3A_1969, %xor3A_1913 : vector<16xi1>, vector<16xi32>
      %broadcast_in_dim3A_1971 = vector.shape_cast %select_n3A_1970 : vector<16xi32> to vector<16x1xi32>
      %gather3A_1972 = vector.shape_cast %broadcast_in_dim3A_1971 : vector<16x1xi32> to vector<16xi32>
      %gather3A_1973 = tpu.dynamic_gather %select_n3A_1908[%gather3A_1972] in [0] : vector<16xi32>, vector<16xi32> -> vector<16xi32>
      %lt3A_1974 = arith.constant 0 : i32
      %lt3A_1975 = vector.broadcast %lt3A_1974 : i32 to vector<16xi32>
      %lt3A_1976 = arith.cmpi slt, %xor3A_1913, %lt3A_1975 : vector<16xi32>
      %add3A_1977 = arith.constant 16 : i32
      %add3A_1978 = vector.broadcast %add3A_1977 : i32 to vector<16xi32>
      %add3A_1979 = arith.addi %xor3A_1913, %add3A_1978 : vector<16xi32>
      %select_n3A_1980 = arith.select %lt3A_1976, %add3A_1979, %xor3A_1913 : vector<16xi1>, vector<16xi32>
      %broadcast_in_dim3A_1981 = vector.shape_cast %select_n3A_1980 : vector<16xi32> to vector<16x1xi32>
      %gather3A_1982 = vector.shape_cast %broadcast_in_dim3A_1981 : vector<16x1xi32> to vector<16xi32>
      %gather3A_1983 = tpu.dynamic_gather %select_n3A_1909[%gather3A_1982] in [0] : vector<16xf32>, vector<16xi32> -> vector<16xf32>
      %lt3A_1984 = arith.constant 0 : i32
      %lt3A_1985 = vector.broadcast %lt3A_1984 : i32 to vector<16xi32>
      %lt3A_1986 = arith.cmpi slt, %xor3A_1913, %lt3A_1985 : vector<16xi32>
      %add3A_1987 = arith.constant 16 : i32
      %add3A_1988 = vector.broadcast %add3A_1987 : i32 to vector<16xi32>
      %add3A_1989 = arith.addi %xor3A_1913, %add3A_1988 : vector<16xi32>
      %select_n3A_1990 = arith.select %lt3A_1986, %add3A_1989, %xor3A_1913 : vector<16xi1>, vector<16xi32>
      %broadcast_in_dim3A_1991 = vector.shape_cast %select_n3A_1990 : vector<16xi32> to vector<16x1xi32>
      %gather3A_1992 = vector.shape_cast %broadcast_in_dim3A_1991 : vector<16x1xi32> to vector<16xi32>
      %gather3A_1993 = tpu.dynamic_gather %select_n3A_1910[%gather3A_1992] in [0] : vector<16xi32>, vector<16xi32> -> vector<16xi32>
      %gt3A_1994 = arith.cmpf ogt, %gather3A_1983, %select_n3A_1898 : vector<16xf32>
      %eq3A_1995 = arith.cmpf oeq, %gather3A_1983, %select_n3A_1898 : vector<16xf32>
      %lt3A_1996 = arith.cmpi slt, %gather3A_1993, %select_n3A_1899 : vector<16xi32>
      %and3A_1997 = arith.andi %eq3A_1995, %lt3A_1996 : vector<16xi1>
      %or3A_1998 = arith.ori %gt3A_1994, %and3A_1997 : vector<16xi1>
      %select_n3A_1999 = arith.select %or3A_1998, %gather3A_1983, %select_n3A_1898 : vector<16xi1>, vector<16xf32>
      %select_n3A_2000 = arith.select %or3A_1998, %gather3A_1993, %select_n3A_1899 : vector<16xi1>, vector<16xi32>
      %gt3A_2001 = arith.cmpf ogt, %gather3A_1963, %select_n3A_1900 : vector<16xf32>
      %eq3A_2002 = arith.cmpf oeq, %gather3A_1963, %select_n3A_1900 : vector<16xf32>
      %lt3A_2003 = arith.cmpi slt, %gather3A_1973, %select_n3A_1901 : vector<16xi32>
      %and3A_2004 = arith.andi %eq3A_2002, %lt3A_2003 : vector<16xi1>
      %or3A_2005 = arith.ori %gt3A_2001, %and3A_2004 : vector<16xi1>
      %select_n3A_2006 = arith.select %or3A_2005, %gather3A_1963, %select_n3A_1900 : vector<16xi1>, vector<16xf32>
      %select_n3A_2007 = arith.select %or3A_2005, %gather3A_1973, %select_n3A_1901 : vector<16xi1>, vector<16xi32>
      %gt3A_2008 = arith.cmpf ogt, %gather3A_1943, %select_n3A_1907 : vector<16xf32>
      %eq3A_2009 = arith.cmpf oeq, %gather3A_1943, %select_n3A_1907 : vector<16xf32>
      %lt3A_2010 = arith.cmpi slt, %gather3A_1953, %select_n3A_1908 : vector<16xi32>
      %and3A_2011 = arith.andi %eq3A_2009, %lt3A_2010 : vector<16xi1>
      %or3A_2012 = arith.ori %gt3A_2008, %and3A_2011 : vector<16xi1>
      %select_n3A_2013 = arith.select %or3A_2012, %gather3A_1943, %select_n3A_1907 : vector<16xi1>, vector<16xf32>
      %select_n3A_2014 = arith.select %or3A_2012, %gather3A_1953, %select_n3A_1908 : vector<16xi1>, vector<16xi32>
      %gt3A_2015 = arith.cmpf ogt, %gather3A_1923, %select_n3A_1909 : vector<16xf32>
      %eq3A_2016 = arith.cmpf oeq, %gather3A_1923, %select_n3A_1909 : vector<16xf32>
      %lt3A_2017 = arith.cmpi slt, %gather3A_1933, %select_n3A_1910 : vector<16xi32>
      %and3A_2018 = arith.andi %eq3A_2016, %lt3A_2017 : vector<16xi1>
      %or3A_2019 = arith.ori %gt3A_2015, %and3A_2018 : vector<16xi1>
      %select_n3A_2020 = arith.select %or3A_2019, %gather3A_1923, %select_n3A_1909 : vector<16xi1>, vector<16xf32>
      %select_n3A_2021 = arith.select %or3A_2019, %gather3A_1933, %select_n3A_1910 : vector<16xi1>, vector<16xi32>
      %gt3A_2022 = arith.cmpf ogt, %select_n3A_2013, %select_n3A_1999 : vector<16xf32>
      %eq3A_2023 = arith.cmpf oeq, %select_n3A_2013, %select_n3A_1999 : vector<16xf32>
      %lt3A_2024 = arith.cmpi slt, %select_n3A_2014, %select_n3A_2000 : vector<16xi32>
      %and3A_2025 = arith.andi %eq3A_2023, %lt3A_2024 : vector<16xi1>
      %or3A_2026 = arith.ori %gt3A_2022, %and3A_2025 : vector<16xi1>
      %select_n3A_2027 = arith.select %or3A_2026, %select_n3A_2013, %select_n3A_1999 : vector<16xi1>, vector<16xf32>
      %select_n3A_2028 = arith.select %or3A_2026, %select_n3A_2014, %select_n3A_2000 : vector<16xi1>, vector<16xi32>
      %select_n3A_2029 = arith.select %or3A_2026, %select_n3A_1999, %select_n3A_2013 : vector<16xi1>, vector<16xf32>
      %select_n3A_2030 = arith.select %or3A_2026, %select_n3A_2000, %select_n3A_2014 : vector<16xi1>, vector<16xi32>
      %gt3A_2031 = arith.cmpf ogt, %select_n3A_2020, %select_n3A_2006 : vector<16xf32>
      %eq3A_2032 = arith.cmpf oeq, %select_n3A_2020, %select_n3A_2006 : vector<16xf32>
      %lt3A_2033 = arith.cmpi slt, %select_n3A_2021, %select_n3A_2007 : vector<16xi32>
      %and3A_2034 = arith.andi %eq3A_2032, %lt3A_2033 : vector<16xi1>
      %or3A_2035 = arith.ori %gt3A_2031, %and3A_2034 : vector<16xi1>
      %select_n3A_2036 = arith.select %or3A_2035, %select_n3A_2020, %select_n3A_2006 : vector<16xi1>, vector<16xf32>
      %select_n3A_2037 = arith.select %or3A_2035, %select_n3A_2021, %select_n3A_2007 : vector<16xi1>, vector<16xi32>
      %select_n3A_2038 = arith.select %or3A_2035, %select_n3A_2006, %select_n3A_2020 : vector<16xi1>, vector<16xf32>
      %select_n3A_2039 = arith.select %or3A_2035, %select_n3A_2007, %select_n3A_2021 : vector<16xi1>, vector<16xi32>
      %gt3A_2040 = arith.cmpf ogt, %select_n3A_2036, %select_n3A_2027 : vector<16xf32>
      %eq3A_2041 = arith.cmpf oeq, %select_n3A_2036, %select_n3A_2027 : vector<16xf32>
      %lt3A_2042 = arith.cmpi slt, %select_n3A_2037, %select_n3A_2028 : vector<16xi32>
      %and3A_2043 = arith.andi %eq3A_2041, %lt3A_2042 : vector<16xi1>
      %or3A_2044 = arith.ori %gt3A_2040, %and3A_2043 : vector<16xi1>
      %select_n3A_2045 = arith.select %or3A_2044, %select_n3A_2036, %select_n3A_2027 : vector<16xi1>, vector<16xf32>
      %select_n3A_2046 = arith.select %or3A_2044, %select_n3A_2037, %select_n3A_2028 : vector<16xi1>, vector<16xi32>
      %select_n3A_2047 = arith.select %or3A_2044, %select_n3A_2027, %select_n3A_2036 : vector<16xi1>, vector<16xf32>
      %select_n3A_2048 = arith.select %or3A_2044, %select_n3A_2028, %select_n3A_2037 : vector<16xi1>, vector<16xi32>
      %gt3A_2049 = arith.cmpf ogt, %select_n3A_2038, %select_n3A_2029 : vector<16xf32>
      %eq3A_2050 = arith.cmpf oeq, %select_n3A_2038, %select_n3A_2029 : vector<16xf32>
      %lt3A_2051 = arith.cmpi slt, %select_n3A_2039, %select_n3A_2030 : vector<16xi32>
      %and3A_2052 = arith.andi %eq3A_2050, %lt3A_2051 : vector<16xi1>
      %or3A_2053 = arith.ori %gt3A_2049, %and3A_2052 : vector<16xi1>
      %select_n3A_2054 = arith.select %or3A_2053, %select_n3A_2038, %select_n3A_2029 : vector<16xi1>, vector<16xf32>
      %select_n3A_2055 = arith.select %or3A_2053, %select_n3A_2039, %select_n3A_2030 : vector<16xi1>, vector<16xi32>
      %select_n3A_2056 = arith.select %or3A_2053, %select_n3A_2029, %select_n3A_2038 : vector<16xi1>, vector<16xf32>
      %select_n3A_2057 = arith.select %or3A_2053, %select_n3A_2030, %select_n3A_2039 : vector<16xi1>, vector<16xi32>
      %xor3A_2058 = arith.constant 1 : i32
      %xor3A_2059 = vector.broadcast %xor3A_2058 : i32 to vector<16xi32>
      %xor3A_2060 = arith.xori %iota3A, %xor3A_2059 : vector<16xi32>
      %lt3A_2061 = arith.constant 0 : i32
      %lt3A_2062 = vector.broadcast %lt3A_2061 : i32 to vector<16xi32>
      %lt3A_2063 = arith.cmpi slt, %xor3A_2060, %lt3A_2062 : vector<16xi32>
      %add3A_2064 = arith.constant 16 : i32
      %add3A_2065 = vector.broadcast %add3A_2064 : i32 to vector<16xi32>
      %add3A_2066 = arith.addi %xor3A_2060, %add3A_2065 : vector<16xi32>
      %select_n3A_2067 = arith.select %lt3A_2063, %add3A_2066, %xor3A_2060 : vector<16xi1>, vector<16xi32>
      %broadcast_in_dim3A_2068 = vector.shape_cast %select_n3A_2067 : vector<16xi32> to vector<16x1xi32>
      %gather3A_2069 = vector.shape_cast %broadcast_in_dim3A_2068 : vector<16x1xi32> to vector<16xi32>
      %gather3A_2070 = tpu.dynamic_gather %select_n3A_2045[%gather3A_2069] in [0] : vector<16xf32>, vector<16xi32> -> vector<16xf32>
      %lt3A_2071 = arith.constant 0 : i32
      %lt3A_2072 = vector.broadcast %lt3A_2071 : i32 to vector<16xi32>
      %lt3A_2073 = arith.cmpi slt, %xor3A_2060, %lt3A_2072 : vector<16xi32>
      %add3A_2074 = arith.constant 16 : i32
      %add3A_2075 = vector.broadcast %add3A_2074 : i32 to vector<16xi32>
      %add3A_2076 = arith.addi %xor3A_2060, %add3A_2075 : vector<16xi32>
      %select_n3A_2077 = arith.select %lt3A_2073, %add3A_2076, %xor3A_2060 : vector<16xi1>, vector<16xi32>
      %broadcast_in_dim3A_2078 = vector.shape_cast %select_n3A_2077 : vector<16xi32> to vector<16x1xi32>
      %gather3A_2079 = vector.shape_cast %broadcast_in_dim3A_2078 : vector<16x1xi32> to vector<16xi32>
      %gather3A_2080 = tpu.dynamic_gather %select_n3A_2046[%gather3A_2079] in [0] : vector<16xi32>, vector<16xi32> -> vector<16xi32>
      %lt3A_2081 = arith.constant 0 : i32
      %lt3A_2082 = vector.broadcast %lt3A_2081 : i32 to vector<16xi32>
      %lt3A_2083 = arith.cmpi slt, %xor3A_2060, %lt3A_2082 : vector<16xi32>
      %add3A_2084 = arith.constant 16 : i32
      %add3A_2085 = vector.broadcast %add3A_2084 : i32 to vector<16xi32>
      %add3A_2086 = arith.addi %xor3A_2060, %add3A_2085 : vector<16xi32>
      %select_n3A_2087 = arith.select %lt3A_2083, %add3A_2086, %xor3A_2060 : vector<16xi1>, vector<16xi32>
      %broadcast_in_dim3A_2088 = vector.shape_cast %select_n3A_2087 : vector<16xi32> to vector<16x1xi32>
      %gather3A_2089 = vector.shape_cast %broadcast_in_dim3A_2088 : vector<16x1xi32> to vector<16xi32>
      %gather3A_2090 = tpu.dynamic_gather %select_n3A_2047[%gather3A_2089] in [0] : vector<16xf32>, vector<16xi32> -> vector<16xf32>
      %lt3A_2091 = arith.constant 0 : i32
      %lt3A_2092 = vector.broadcast %lt3A_2091 : i32 to vector<16xi32>
      %lt3A_2093 = arith.cmpi slt, %xor3A_2060, %lt3A_2092 : vector<16xi32>
      %add3A_2094 = arith.constant 16 : i32
      %add3A_2095 = vector.broadcast %add3A_2094 : i32 to vector<16xi32>
      %add3A_2096 = arith.addi %xor3A_2060, %add3A_2095 : vector<16xi32>
      %select_n3A_2097 = arith.select %lt3A_2093, %add3A_2096, %xor3A_2060 : vector<16xi1>, vector<16xi32>
      %broadcast_in_dim3A_2098 = vector.shape_cast %select_n3A_2097 : vector<16xi32> to vector<16x1xi32>
      %gather3A_2099 = vector.shape_cast %broadcast_in_dim3A_2098 : vector<16x1xi32> to vector<16xi32>
      %gather3A_2100 = tpu.dynamic_gather %select_n3A_2048[%gather3A_2099] in [0] : vector<16xi32>, vector<16xi32> -> vector<16xi32>
      %lt3A_2101 = arith.constant 0 : i32
      %lt3A_2102 = vector.broadcast %lt3A_2101 : i32 to vector<16xi32>
      %lt3A_2103 = arith.cmpi slt, %xor3A_2060, %lt3A_2102 : vector<16xi32>
      %add3A_2104 = arith.constant 16 : i32
      %add3A_2105 = vector.broadcast %add3A_2104 : i32 to vector<16xi32>
      %add3A_2106 = arith.addi %xor3A_2060, %add3A_2105 : vector<16xi32>
      %select_n3A_2107 = arith.select %lt3A_2103, %add3A_2106, %xor3A_2060 : vector<16xi1>, vector<16xi32>
      %broadcast_in_dim3A_2108 = vector.shape_cast %select_n3A_2107 : vector<16xi32> to vector<16x1xi32>
      %gather3A_2109 = vector.shape_cast %broadcast_in_dim3A_2108 : vector<16x1xi32> to vector<16xi32>
      %gather3A_2110 = tpu.dynamic_gather %select_n3A_2054[%gather3A_2109] in [0] : vector<16xf32>, vector<16xi32> -> vector<16xf32>
      %lt3A_2111 = arith.constant 0 : i32
      %lt3A_2112 = vector.broadcast %lt3A_2111 : i32 to vector<16xi32>
      %lt3A_2113 = arith.cmpi slt, %xor3A_2060, %lt3A_2112 : vector<16xi32>
      %add3A_2114 = arith.constant 16 : i32
      %add3A_2115 = vector.broadcast %add3A_2114 : i32 to vector<16xi32>
      %add3A_2116 = arith.addi %xor3A_2060, %add3A_2115 : vector<16xi32>
      %select_n3A_2117 = arith.select %lt3A_2113, %add3A_2116, %xor3A_2060 : vector<16xi1>, vector<16xi32>
      %broadcast_in_dim3A_2118 = vector.shape_cast %select_n3A_2117 : vector<16xi32> to vector<16x1xi32>
      %gather3A_2119 = vector.shape_cast %broadcast_in_dim3A_2118 : vector<16x1xi32> to vector<16xi32>
      %gather3A_2120 = tpu.dynamic_gather %select_n3A_2055[%gather3A_2119] in [0] : vector<16xi32>, vector<16xi32> -> vector<16xi32>
      %lt3A_2121 = arith.constant 0 : i32
      %lt3A_2122 = vector.broadcast %lt3A_2121 : i32 to vector<16xi32>
      %lt3A_2123 = arith.cmpi slt, %xor3A_2060, %lt3A_2122 : vector<16xi32>
      %add3A_2124 = arith.constant 16 : i32
      %add3A_2125 = vector.broadcast %add3A_2124 : i32 to vector<16xi32>
      %add3A_2126 = arith.addi %xor3A_2060, %add3A_2125 : vector<16xi32>
      %select_n3A_2127 = arith.select %lt3A_2123, %add3A_2126, %xor3A_2060 : vector<16xi1>, vector<16xi32>
      %broadcast_in_dim3A_2128 = vector.shape_cast %select_n3A_2127 : vector<16xi32> to vector<16x1xi32>
      %gather3A_2129 = vector.shape_cast %broadcast_in_dim3A_2128 : vector<16x1xi32> to vector<16xi32>
      %gather3A_2130 = tpu.dynamic_gather %select_n3A_2056[%gather3A_2129] in [0] : vector<16xf32>, vector<16xi32> -> vector<16xf32>
      %lt3A_2131 = arith.constant 0 : i32
      %lt3A_2132 = vector.broadcast %lt3A_2131 : i32 to vector<16xi32>
      %lt3A_2133 = arith.cmpi slt, %xor3A_2060, %lt3A_2132 : vector<16xi32>
      %add3A_2134 = arith.constant 16 : i32
      %add3A_2135 = vector.broadcast %add3A_2134 : i32 to vector<16xi32>
      %add3A_2136 = arith.addi %xor3A_2060, %add3A_2135 : vector<16xi32>
      %select_n3A_2137 = arith.select %lt3A_2133, %add3A_2136, %xor3A_2060 : vector<16xi1>, vector<16xi32>
      %broadcast_in_dim3A_2138 = vector.shape_cast %select_n3A_2137 : vector<16xi32> to vector<16x1xi32>
      %gather3A_2139 = vector.shape_cast %broadcast_in_dim3A_2138 : vector<16x1xi32> to vector<16xi32>
      %gather3A_2140 = tpu.dynamic_gather %select_n3A_2057[%gather3A_2139] in [0] : vector<16xi32>, vector<16xi32> -> vector<16xi32>
      %gt3A_2141 = arith.cmpf ogt, %gather3A_2130, %select_n3A_2045 : vector<16xf32>
      %eq3A_2142 = arith.cmpf oeq, %gather3A_2130, %select_n3A_2045 : vector<16xf32>
      %lt3A_2143 = arith.cmpi slt, %gather3A_2140, %select_n3A_2046 : vector<16xi32>
      %and3A_2144 = arith.andi %eq3A_2142, %lt3A_2143 : vector<16xi1>
      %or3A_2145 = arith.ori %gt3A_2141, %and3A_2144 : vector<16xi1>
      %select_n3A_2146 = arith.select %or3A_2145, %gather3A_2130, %select_n3A_2045 : vector<16xi1>, vector<16xf32>
      %select_n3A_2147 = arith.select %or3A_2145, %gather3A_2140, %select_n3A_2046 : vector<16xi1>, vector<16xi32>
      %gt3A_2148 = arith.cmpf ogt, %gather3A_2110, %select_n3A_2047 : vector<16xf32>
      %eq3A_2149 = arith.cmpf oeq, %gather3A_2110, %select_n3A_2047 : vector<16xf32>
      %lt3A_2150 = arith.cmpi slt, %gather3A_2120, %select_n3A_2048 : vector<16xi32>
      %and3A_2151 = arith.andi %eq3A_2149, %lt3A_2150 : vector<16xi1>
      %or3A_2152 = arith.ori %gt3A_2148, %and3A_2151 : vector<16xi1>
      %select_n3A_2153 = arith.select %or3A_2152, %gather3A_2110, %select_n3A_2047 : vector<16xi1>, vector<16xf32>
      %select_n3A_2154 = arith.select %or3A_2152, %gather3A_2120, %select_n3A_2048 : vector<16xi1>, vector<16xi32>
      %gt3A_2155 = arith.cmpf ogt, %gather3A_2090, %select_n3A_2054 : vector<16xf32>
      %eq3A_2156 = arith.cmpf oeq, %gather3A_2090, %select_n3A_2054 : vector<16xf32>
      %lt3A_2157 = arith.cmpi slt, %gather3A_2100, %select_n3A_2055 : vector<16xi32>
      %and3A_2158 = arith.andi %eq3A_2156, %lt3A_2157 : vector<16xi1>
      %or3A_2159 = arith.ori %gt3A_2155, %and3A_2158 : vector<16xi1>
      %select_n3A_2160 = arith.select %or3A_2159, %gather3A_2090, %select_n3A_2054 : vector<16xi1>, vector<16xf32>
      %select_n3A_2161 = arith.select %or3A_2159, %gather3A_2100, %select_n3A_2055 : vector<16xi1>, vector<16xi32>
      %gt3A_2162 = arith.cmpf ogt, %gather3A_2070, %select_n3A_2056 : vector<16xf32>
      %eq3A_2163 = arith.cmpf oeq, %gather3A_2070, %select_n3A_2056 : vector<16xf32>
      %lt3A_2164 = arith.cmpi slt, %gather3A_2080, %select_n3A_2057 : vector<16xi32>
      %and3A_2165 = arith.andi %eq3A_2163, %lt3A_2164 : vector<16xi1>
      %or3A_2166 = arith.ori %gt3A_2162, %and3A_2165 : vector<16xi1>
      %select_n3A_2167 = arith.select %or3A_2166, %gather3A_2070, %select_n3A_2056 : vector<16xi1>, vector<16xf32>
      %select_n3A_2168 = arith.select %or3A_2166, %gather3A_2080, %select_n3A_2057 : vector<16xi1>, vector<16xi32>
      %gt3A_2169 = arith.cmpf ogt, %select_n3A_2160, %select_n3A_2146 : vector<16xf32>
      %eq3A_2170 = arith.cmpf oeq, %select_n3A_2160, %select_n3A_2146 : vector<16xf32>
      %lt3A_2171 = arith.cmpi slt, %select_n3A_2161, %select_n3A_2147 : vector<16xi32>
      %and3A_2172 = arith.andi %eq3A_2170, %lt3A_2171 : vector<16xi1>
      %or3A_2173 = arith.ori %gt3A_2169, %and3A_2172 : vector<16xi1>
      %select_n3A_2174 = arith.select %or3A_2173, %select_n3A_2160, %select_n3A_2146 : vector<16xi1>, vector<16xf32>
      %select_n3A_2175 = arith.select %or3A_2173, %select_n3A_2161, %select_n3A_2147 : vector<16xi1>, vector<16xi32>
      %select_n3A_2176 = arith.select %or3A_2173, %select_n3A_2146, %select_n3A_2160 : vector<16xi1>, vector<16xf32>
      %select_n3A_2177 = arith.select %or3A_2173, %select_n3A_2147, %select_n3A_2161 : vector<16xi1>, vector<16xi32>
      %gt3A_2178 = arith.cmpf ogt, %select_n3A_2167, %select_n3A_2153 : vector<16xf32>
      %eq3A_2179 = arith.cmpf oeq, %select_n3A_2167, %select_n3A_2153 : vector<16xf32>
      %lt3A_2180 = arith.cmpi slt, %select_n3A_2168, %select_n3A_2154 : vector<16xi32>
      %and3A_2181 = arith.andi %eq3A_2179, %lt3A_2180 : vector<16xi1>
      %or3A_2182 = arith.ori %gt3A_2178, %and3A_2181 : vector<16xi1>
      %select_n3A_2183 = arith.select %or3A_2182, %select_n3A_2167, %select_n3A_2153 : vector<16xi1>, vector<16xf32>
      %select_n3A_2184 = arith.select %or3A_2182, %select_n3A_2168, %select_n3A_2154 : vector<16xi1>, vector<16xi32>
      %select_n3A_2185 = arith.select %or3A_2182, %select_n3A_2153, %select_n3A_2167 : vector<16xi1>, vector<16xf32>
      %select_n3A_2186 = arith.select %or3A_2182, %select_n3A_2154, %select_n3A_2168 : vector<16xi1>, vector<16xi32>
      %gt3A_2187 = arith.cmpf ogt, %select_n3A_2183, %select_n3A_2174 : vector<16xf32>
      %eq3A_2188 = arith.cmpf oeq, %select_n3A_2183, %select_n3A_2174 : vector<16xf32>
      %lt3A_2189 = arith.cmpi slt, %select_n3A_2184, %select_n3A_2175 : vector<16xi32>
      %and3A_2190 = arith.andi %eq3A_2188, %lt3A_2189 : vector<16xi1>
      %or3A_2191 = arith.ori %gt3A_2187, %and3A_2190 : vector<16xi1>
      %select_n3A_2192 = arith.select %or3A_2191, %select_n3A_2183, %select_n3A_2174 : vector<16xi1>, vector<16xf32>
      %select_n3A_2193 = arith.select %or3A_2191, %select_n3A_2184, %select_n3A_2175 : vector<16xi1>, vector<16xi32>
      %select_n3A_2194 = arith.select %or3A_2191, %select_n3A_2174, %select_n3A_2183 : vector<16xi1>, vector<16xf32>
      %select_n3A_2195 = arith.select %or3A_2191, %select_n3A_2175, %select_n3A_2184 : vector<16xi1>, vector<16xi32>
      %gt3A_2196 = arith.cmpf ogt, %select_n3A_2185, %select_n3A_2176 : vector<16xf32>
      %eq3A_2197 = arith.cmpf oeq, %select_n3A_2185, %select_n3A_2176 : vector<16xf32>
      %lt3A_2198 = arith.cmpi slt, %select_n3A_2186, %select_n3A_2177 : vector<16xi32>
      %and3A_2199 = arith.andi %eq3A_2197, %lt3A_2198 : vector<16xi1>
      %or3A_2200 = arith.ori %gt3A_2196, %and3A_2199 : vector<16xi1>
      %select_n3A_2201 = arith.select %or3A_2200, %select_n3A_2185, %select_n3A_2176 : vector<16xi1>, vector<16xf32>
      %select_n3A_2202 = arith.select %or3A_2200, %select_n3A_2186, %select_n3A_2177 : vector<16xi1>, vector<16xi32>
      %select_n3A_2203 = arith.select %or3A_2200, %select_n3A_2176, %select_n3A_2185 : vector<16xi1>, vector<16xf32>
      %select_n3A_2204 = arith.select %or3A_2200, %select_n3A_2177, %select_n3A_2186 : vector<16xi1>, vector<16xi32>
      %bitcast3A_2205 = vector.bitcast %select_n3A_2204 : vector<16xi32> to vector<16xf32>
      %bitcast3A_2206 = vector.bitcast %select_n3A_2204 : vector<16xi32> to vector<16xf32>
      %eq3A_2207 = arith.constant 6 : i32
      %eq3A_2208 = vector.broadcast %eq3A_2207 : i32 to vector<16xi32>
      %eq3A_2209 = arith.cmpi eq, %iota3A, %eq3A_2208 : vector<16xi32>
      %select_n3A_2210 = arith.select %eq3A_2209, %select_n3A_2203, %bitcast3A_2205 : vector<16xi1>, vector<16xf32>
      %bitcast3A_2211 = vector.bitcast %select_n3A_2202 : vector<16xi32> to vector<16xf32>
      %eq3A_2212 = arith.constant 5 : i32
      %eq3A_2213 = vector.broadcast %eq3A_2212 : i32 to vector<16xi32>
      %eq3A_2214 = arith.cmpi eq, %iota3A, %eq3A_2213 : vector<16xi32>
      %select_n3A_2215 = arith.select %eq3A_2214, %bitcast3A_2211, %select_n3A_2210 : vector<16xi1>, vector<16xf32>
      %eq3A_2216 = arith.constant 4 : i32
      %eq3A_2217 = vector.broadcast %eq3A_2216 : i32 to vector<16xi32>
      %eq3A_2218 = arith.cmpi eq, %iota3A, %eq3A_2217 : vector<16xi32>
      %select_n3A_2219 = arith.select %eq3A_2218, %select_n3A_2201, %select_n3A_2215 : vector<16xi1>, vector<16xf32>
      %bitcast3A_2220 = vector.bitcast %select_n3A_2195 : vector<16xi32> to vector<16xf32>
      %eq3A_2221 = arith.constant 3 : i32
      %eq3A_2222 = vector.broadcast %eq3A_2221 : i32 to vector<16xi32>
      %eq3A_2223 = arith.cmpi eq, %iota3A, %eq3A_2222 : vector<16xi32>
      %select_n3A_2224 = arith.select %eq3A_2223, %bitcast3A_2220, %select_n3A_2219 : vector<16xi1>, vector<16xf32>
      %eq3A_2225 = arith.constant 2 : i32
      %eq3A_2226 = vector.broadcast %eq3A_2225 : i32 to vector<16xi32>
      %eq3A_2227 = arith.cmpi eq, %iota3A, %eq3A_2226 : vector<16xi32>
      %select_n3A_2228 = arith.select %eq3A_2227, %select_n3A_2194, %select_n3A_2224 : vector<16xi1>, vector<16xf32>
      %bitcast3A_2229 = vector.bitcast %select_n3A_2193 : vector<16xi32> to vector<16xf32>
      %eq3A_2230 = arith.constant 1 : i32
      %eq3A_2231 = vector.broadcast %eq3A_2230 : i32 to vector<16xi32>
      %eq3A_2232 = arith.cmpi eq, %iota3A, %eq3A_2231 : vector<16xi32>
      %select_n3A_2233 = arith.select %eq3A_2232, %bitcast3A_2229, %select_n3A_2228 : vector<16xi1>, vector<16xf32>
      %eq3A_2234 = arith.constant 0 : i32
      %eq3A_2235 = vector.broadcast %eq3A_2234 : i32 to vector<16xi32>
      %eq3A_2236 = arith.cmpi eq, %iota3A, %eq3A_2235 : vector<16xi32>
      %select_n3A_2237 = arith.select %eq3A_2236, %select_n3A_2192, %select_n3A_2233 : vector<16xi1>, vector<16xf32>
      %swap3A_2238 = arith.constant 0 : index
      %swap3A_2239 = tpu.vector_load %arg16[%swap3A_2238] {strides = array<i32>} : memref<16xf32, #tpu.memory_space<vmem>>, vector<16xf32>,
      tpu.vector_store %arg16[%swap3A_2238], %select_n3A_2237 {strides = array<i32>} : memref<16xf32, #tpu.memory_space<vmem>>, vector<16xf32>,
      "tpu.region"() ({
        %run_scoped3A_2254 = tpu.sem_alloc : memref<!tpu.dma_semaphore, #tpu.memory_space<semaphore_mem>>
        %dma_start3A = arith.constant 0 : i32
        %dma_start3A_2255 = tpu.memref_slice %arg17[%select_n3A_1616, %arg1, %dma_start3A] : memref<2x16x16xf32, #tpu.memory_space<vmem_shared>> -> memref<1x1x16xf32, #tpu.memory_space<vmem_shared>>
        %dma_start3A_2256 = tpu.memref_squeeze %dma_start3A_2255 : memref<1x1x16xf32, #tpu.memory_space<vmem_shared>> -> memref<16xf32, #tpu.memory_space<vmem_shared>>
        %dma_start3A_2257 = arith.constant 0 : i32
        %dma_start3A_2258 = tpu.memref_slice %arg17[%select_n3A_1616, %arg1, %dma_start3A_2257] : memref<2x16x16xf32, #tpu.memory_space<vmem_shared>> -> memref<1x1x16xf32, #tpu.memory_space<vmem_shared>>
        %dma_start3A_2259 = tpu.memref_squeeze %dma_start3A_2258 : memref<1x1x16xf32, #tpu.memory_space<vmem_shared>> -> memref<16xf32, #tpu.memory_space<vmem_shared>>
        tpu.enqueue_dma source(%arg16 : memref<16xf32, #tpu.memory_space<vmem>>) target(%dma_start3A_2259 : memref<16xf32, #tpu.memory_space<vmem_shared>>) target_semaphore(%run_scoped3A_2254 : memref<!tpu.dma_semaphore, #tpu.memory_space<semaphore_mem>>)
        %dma_wait3A = arith.constant 0 : i32
        %dma_wait3A_2260 = tpu.memref_slice %arg17[%select_n3A_1616, %arg1, %dma_wait3A] : memref<2x16x16xf32, #tpu.memory_space<vmem_shared>> -> memref<1x1x16xf32, #tpu.memory_space<vmem_shared>>
        %dma_wait3A_2261 = tpu.memref_squeeze %dma_wait3A_2260 : memref<1x1x16xf32, #tpu.memory_space<vmem_shared>> -> memref<16xf32, #tpu.memory_space<vmem_shared>>
        %dma_wait3A_2262 = arith.constant 0 : i32
        %dma_wait3A_2263 = tpu.memref_slice %arg17[%select_n3A_1616, %arg1, %dma_wait3A_2262] : memref<2x16x16xf32, #tpu.memory_space<vmem_shared>> -> memref<1x1x16xf32, #tpu.memory_space<vmem_shared>>
        %dma_wait3A_2264 = tpu.memref_squeeze %dma_wait3A_2263 : memref<1x1x16xf32, #tpu.memory_space<vmem_shared>> -> memref<16xf32, #tpu.memory_space<vmem_shared>>
        tpu.wait_dma2 semaphore(%run_scoped3A_2254 : memref<!tpu.dma_semaphore, #tpu.memory_space<semaphore_mem>>) src(%arg16 : memref<16xf32, #tpu.memory_space<vmem>>) dst(%dma_wait3A_2264 : memref<16xf32, #tpu.memory_space<vmem_shared>>)
        tpu.yield
      }) : () -> ()
      %barrier3A_2240 = arith.constant 0 : index
      tpu.barrier barrier_id(%barrier3A_2240)
      %add3A_2241 = arith.constant 1 : i32
      %add3A_2242 = arith.addi %while3A_637, %add3A_2241 : i32
      %add3A_2243 = arith.addi %add3A_2242, %squeeze3A_1537 : i32
      %add3A_2244 = arith.addi %add3A_2243, %squeeze3A_1544 : i32
      %add3A_2245 = arith.addi %add3A_2244, %squeeze3A_1551 : i32
      %lt3A_2246 = arith.constant 256 : i32
      %lt3A_2247 = arith.cmpi slt, %add3A_2245, %lt3A_2246 : i32
      %and3A_2248 = arith.andi %gt3A_1523, %lt3A_2247 : i1
      %jit3A_2249 = arith.constant 1 : i32
      %jit3A_2250 = arith.constant 0 : i32
      %select_n3A_2251 = arith.select %and3A_2248, %jit3A_2249, %jit3A_2250 : i32
      %add3A_2252 = arith.constant 1 : i32
      %add3A_2253 = arith.addi %while3A_636, %add3A_2252 : i32
      scf.yield %add3A_2253, %add3A_2245, %select_n3A_2251 : i32, i32, i32
    }
    %eq3A_633 = arith.constant 0 : i32
    %eq3A_634 = arith.cmpi eq, %arg1, %eq3A_633 : i32
    %convert_element_type3A = arith.extui %eq3A_634 : i1 to i32
    %cond3A = arith.constant 0 : i32
    %cond3A_635 = arith.cmpi ne, %convert_element_type3A, %cond3A : i32
    scf.if %cond3A_635 {
      "tpu.region"() ({
        %run_scoped3A_636 = tpu.sem_alloc : memref<!tpu.dma_semaphore, #tpu.memory_space<semaphore_mem>>
        tpu.enqueue_dma source(%arg14 : memref<1280x16xf32, #tpu.memory_space<vmem>>) target(%arg7 : memref<1280x16xf32, #tpu.memory_space<hbm>>) target_semaphore(%run_scoped3A_636 : memref<!tpu.dma_semaphore, #tpu.memory_space<semaphore_mem>>)
        tpu.wait_dma2 semaphore(%run_scoped3A_636 : memref<!tpu.dma_semaphore, #tpu.memory_space<semaphore_mem>>) src(%arg14 : memref<1280x16xf32, #tpu.memory_space<vmem>>) dst(%arg7 : memref<1280x16xf32, #tpu.memory_space<hbm>>)
        tpu.yield
      }) : () -> ()
    } else {
    }
    return
  }
}

</mosaic_0001>

<sc_bundles>
// kernel: _nms_sc.3.cloned.1.call-start
scs
__scs_entry_jumppad:
0x0: {  	(pc) =	sbr.rel $0x88, $3  }
0x1: {  	(tag) =	ssettag $0x0;
	lr =	simm.s32 $0x1  }
0x2: {  	[smem:$0x3F9C] =	sst lr;
	_ =	strace $0xD0000000  }
0x3: {  	_ = 	snop  }
0x4: {  	_ = 	snop  }
0x5: {  	_ = 	snop  }
0x6: {  	_ = 	snop  }
0x7: {  	_ = 	snop  }
__scs_overlays_trampoline_lowered:
0x8: {  	[smem:$0x3FAB] =	sst s0  }
0x9: {  	[smem:$0x3FAC] =	sst s1  }
0xa: {  	[smem:$0x3FAD] =	sst s2  }
0xb: {  	[smem:$0x3FAE] =	sst s3  }
0xc: {  	[smem:$0x3FAF] =	sst s4  }
0xd: {  	[smem:$0x3FB0] =	sst s5  }
0xe: {  	[smem:$0x3FB1] =	sst s6  }
0xf: {  	[smem:$0x3FB2] =	sst s7  }
0x10: {  	[smem:$0x3FB3] =	sst s8  }
0x11: {  	[smem:$0x3FB4] =	sst s9;
	s0 =	simm.s32 @!p0 $0x0  }
0x12: {  	s1 =	sld [smem:$0x3F9A];
	s0 =	simm.s32 @p0 $0x1  }
0x13: {  	[smem:$0x3FB5] =	sst s0;
	s0 =	simm.s32 @!p1 $0x0  }
0x14: {  	s2 =	sld [smem:$0x3F99];
	s0 =	simm.s32 @p1 $0x1  }
0x15: {  	[smem:$0x3FB6] =	sst s0;
	s0 =	simm.s32 @!p2 $0x0  }
0x16: {  	s3 =	sld [smem:$0x3FDB];
	s0 =	simm.s32 @p2 $0x1  }
0x17: {  	s4 =	simm.s32 $0x1BF5;
	[smem:$0x3FB8] =	sst s0  }
0x18: {  	s0 =	sld [smem:$0x3F9B];
	_ =	swait.ge [sflag:s4], $0x0  }
0x19: {  	s7 =	sld [smem:$0x3F9C]  }
0x1a: {  	s8 =	sadd.s32 $0xFFFFE003, lr  }
0x1b: {  	s9 =	sadd.s32 $0xFFFFFEF7, lr;
	s5 =	simm.s32 $0xFFFFFFFF;
	p2 =	slt.u32 s8, $0xFFFFF086  }
0x1c: {  	p1 =	slt.u32 s9, $0xF7A;
	s5 =	simm.s32 @!p2 $0x0  }
0x1d: {  	s5 =	simm.s32 @p1 $0x1;
	p0 =	seq.s32 s7, s2  }
0x1e: {  	s7 =	smul.u32 @!p0 $0xF7A, s2;
	p2 =	seq.s32 @!p0 s5, $0x0  }
0x1f: {  	s9 =	smul.u32 $0xF7A, s1;
	s8 =	simm.s32 @!p0 $0x1BF5;
	p2 =	por !p2, p0  }
0x20: {  	[sflag:s8] =	ssyncset.s32 @!p0 $0xFFFFF086;
	s6 =	sadd.s32 @!p0 s3, s7;
	s7 =	simm.s32 @!p0 $0x108  }
0x21: {  	s3 =	sadd.s32 s3, s9;
	s6 =	sadd.s32 @!p0 $0x88, s6;
	s7 =	simm.s32 @p2 $0x1082  }
0x22: {  	[simem:s7], [sflag:s8] =	dma.local @!p0 [hbm:s6], $0xF7A  }
0x23: {  	s9 =	sor.u32 $0xD0000000, s2;
	s6 =	simm.s32 $0x108;
	_ =	swait.ge @!p0 [sflag:s8], $0x0  }
0x24: {  	s3 =	sadd.s32 $0x88, s3;
	s6 =	simm.s32 @!p1 $0x1082;
	[sflag:s4] =	ssyncset.s32 $0xFFFFF086  }
0x25: {  	[simem:s6], [sflag:s4] =	dma.local [hbm:s3], $0xF7A  }
0x26: {  	[smem:$0x3F9C] =	sst s1;
	(tag) =	ssettag s2;
	_ =	strace s9  }
0x27: {  	s1 =	sld [smem:$0x3FAC]  }
0x28: {  	s2 =	sld [smem:$0x3FAD]  }
0x29: {  	s4 =	sld [smem:$0x3FAF]  }
0x2a: {  	p0 =	seq.s32 s5, $0x0;
	s5 =	sld [smem:$0x3FB0]  }
0x2b: {  	s6 =	sld [smem:$0x3FB1]  }
0x2c: {  	s7 =	sld [smem:$0x3FB2]  }
0x2d: {  	s3 =	simm.s32 $0x108;
	s8 =	sld [smem:$0x3FB3]  }
0x2e: {  	s3 =	simm.s32 @!p0 $0x1082;
	s9 =	sld [smem:$0x3FB4]  }
0x2f: {  	lr =	sadd.s32 s0, s3;
	s0 =	sld [smem:$0x3FAB]  }
0x30: {  	s3 =	sld [smem:$0x3FAE]  }
0x31: {  	[smem:$0x3FB7] =	sst s10  }
0x32: {  	s10 =	sld [smem:$0x3FB5];
	_ =	sdelay $0x3  }
0x33: {  	p0 =	seq.s32 s10, $0x1;
	s10 =	sld [smem:$0x3FB7];
	_ =	sdelay $0x3  }
0x34: {  	[smem:$0x3FB7] =	sst s10  }
0x35: {  	s10 =	sld [smem:$0x3FB6];
	_ =	sdelay $0x3  }
0x36: {  	p1 =	seq.s32 s10, $0x1;
	s10 =	sld [smem:$0x3FB7];
	_ =	sdelay $0x3  }
0x37: {  	[smem:$0x3FB7] =	sst s10  }
0x38: {  	s10 =	sld [smem:$0x3FB8]  }
0x39: {  	_ = 	snop;
	(pc) =	sbr.ind lr, $3  }
0x3a: {  	_ = 	snop  }
0x3b: {  	_ = 	snop  }
0x3c: {  	p2 =	seq.s32 s10, $0x1;
	s10 =	sld [smem:$0x3FB7]  }
0x3d: {  	_ =	shalt  }
0x3e: {  	_ =	shalt  }
0x3f: {  	_ =	shalt  }
0x40: {  	_ =	shalt  }
0x41: {  	_ =	shalt  }
0x42: {  	_ =	shalt  }
0x43: {  	_ =	shalt  }
0x44: {  	_ =	shalt  }
0x45: {  	_ =	shalt  }
0x46: {  	_ =	shalt  }
0x47: {  	_ =	shalt  }
0x48: {  	_ =	shalt  }
0x49: {  	_ =	shalt  }
0x4a: {  	_ =	shalt  }
0x4b: {  	_ =	shalt  }
0x4c: {  	_ =	shalt  }
0x4d: {  	_ =	shalt  }
0x4e: {  	_ =	shalt  }
0x4f: {  	_ =	shalt  }
0x50: {  	_ =	shalt  }
0x51: {  	_ =	shalt  }
0x52: {  	_ =	shalt  }
0x53: {  	_ =	shalt  }
0x54: {  	_ =	shalt  }
0x55: {  	_ =	shalt  }
0x56: {  	_ =	shalt  }
0x57: {  	_ =	shalt  }
0x58: {  	_ =	shalt  }
0x59: {  	_ =	shalt  }
0x5a: {  	_ =	shalt  }
0x5b: {  	_ =	shalt  }
0x5c: {  	_ =	shalt  }
0x5d: {  	_ =	shalt  }
0x5e: {  	_ =	shalt  }
0x5f: {  	_ =	shalt  }
0x60: {  	_ =	shalt  }
0x61: {  	_ =	shalt  }
0x62: {  	_ =	shalt  }
0x63: {  	_ =	shalt  }
0x64: {  	_ =	shalt  }
0x65: {  	_ =	shalt  }
0x66: {  	_ =	shalt  }
0x67: {  	_ =	shalt  }
0x68: {  	_ =	shalt  }
0x69: {  	_ =	shalt  }
0x6a: {  	_ =	shalt  }
0x6b: {  	_ =	shalt  }
0x6c: {  	_ =	shalt  }
0x6d: {  	_ =	shalt  }
0x6e: {  	_ =	shalt  }
0x6f: {  	_ =	shalt  }
0x70: {  	_ =	shalt  }
0x71: {  	_ =	shalt  }
0x72: {  	_ =	shalt  }
0x73: {  	_ =	shalt  }
0x74: {  	_ =	shalt  }
0x75: {  	_ =	shalt  }
0x76: {  	_ =	shalt  }
0x77: {  	_ =	shalt  }
0x78: {  	_ =	shalt  }
0x79: {  	_ =	shalt  }
0x7a: {  	_ =	shalt  }
0x7b: {  	_ =	shalt  }
0x7c: {  	_ =	shalt  }
0x7d: {  	_ =	shalt  }
0x7e: {  	_ =	shalt  }
0x7f: {  	_ =	shalt  }
0x80: {  	_ =	shalt  }
0x81: {  	_ =	shalt  }
0x82: {  	_ =	shalt  }
0x83: {  	_ =	shalt  }
0x84: {  	_ =	shalt  }
0x85: {  	_ =	shalt  }
0x86: {  	_ =	shalt  }
0x87: {  	_ =	shalt  }
.Lfunc_end0:
.L_simem_size_0:
called_computation_lowered:
.L_overlay_start_0:
0x88: {  	s0 =	sld [smem:$0x3FD9]  }
0x89: {  	s1 =	sld [smem:$0x3FFE];
	_ =	sdelay $0x3  }
0x8a: {  	s0 =	sadd.s32 s1, s0  }
0x8b: {  	[smem:$0x3FC3] =	sst s0  }
0x8c: {  	_ = 	snop  }
0x8d: {  	s0 =	sld [smem:$0x3FC9]  }
0x8e: {  	s17 =	sld [smem:$0x3FC8]  }
0x8f: {  	s2 =	sld [smem:$0x3FC7]  }
0x90: {  	s3 =	sld [smem:$0x3FC6]  }
0x91: {  	s4 =	sld [smem:$0x3FC5]  }
0x92: {  	s5 =	sld [smem:$0x3FD0];
	(tm) =	ssettm $0x1  }
0x93: {  	s6 =	sld [smem:$0x3FFB];
	_ =	sdelay $0x3  }
0x94: {  	_ =	strace s6  }
0x95: {  	s6 =	sld [smem:$0x3FFC];
	_ =	sdelay $0x3  }
0x96: {  	_ =	strace s6  }
0x97: {  	s6 =	sld [smem:$0x3FFD];
	_ =	sdelay $0x3  }
0x98: {  	_ =	strace s6  }
0x99: {  	_ =	strace $0x8FFFFFFF  }
0x9a: {  	s18 =	sld [smem:$0x3FDB];
	_ =	sdelay $0x1  }
0x9b: {  	s7 =	simm.s32 $_scs_section_size  }
0x9c: {  	s8 =	simm.s32 $_size__tile_overlayer_lowered;
	s9 =	simm.s32 $_tile_overlayer_lowered  }
0x9d: {  	s21 =	simm.s32 $0x1BFF;
	s20 =	sshll.u32 s9, $0x1;
	s6 =	sadd.s32 s7, s18  }
0x9e: {  	s10 =	simm.s32 $0x0;
	s19 =	sshll.u32 s8, $0x1;
	s8 =	sadd.s32 s20, s6  }
0x9f: {  	[timem:s10], [sflag:s21] =	dma.local [hbm:s8], s19  }
0xa0: {  	_ =	swait.ge [sflag:s21], s19  }
0xa1: {  	s7 =	ssub.s32 $0x0, s19;
	[sflag:s21] =	ssyncset.done $0x0  }
0xa2: {  	[sflag:s21] =	ssyncadd.s32 s7;
	_ =	sdelay $0x1  }
0xa3: {  	s22 =	simm.s32 $0x1B8B  }
0xa4: {  	_ =	swait.ge [sflag:s22], $0x1  }
0xa5: {  	[sflag:s22] =	ssyncset.done $0x0  }
0xa6: {  	s23 =	simm.s32 $0x1B8E;
	[sflag:s22] =	ssyncadd.s32 $0xFFFFFFFF  }
0xa7: {  	s24 =	simm.s32 $execute0_lowered;
	[smem:$0x3FD2] =	sst s23  }
0xa8: {  	s7 =	sshll.u32 s24, $0x1;
	_ =	strace $0x80000046;
	[dreg:$0x1] =	wrdreg $0xFFFFFFFF  }
0xa9: {  	s25 =	simm.s32 $_size_execute0_lowered;
	s6 =	sadd.s32 s6, s7;
	[dreg:$0x0] =	wrdreg $0x0  }
0xaa: {  	s7 =	sshll.u32 s25, $0x1;
	[dreg:$0x2] =	wrdreg s6  }
0xab: {  	[dreg:$0x3] =	wrdreg s7  }
0xac: {  	[dreg:$0x4] =	wrdreg $0xC0  }
0xad: {  	_ =	task [dreg:s10], $0x5FFFF  }
0xae: {  	[dreg:$0x1] =	wrdreg $0xFFFFFFFF  }
0xaf: {  	[dreg:$0x0] =	wrdreg $0x60  }
0xb0: {  	[dreg:$0x2] =	wrdreg s0  }
0xb1: {  	[dreg:$0x3] =	wrdreg s17  }
0xb2: {  	[dreg:$0x4] =	wrdreg s2  }
0xb3: {  	[dreg:$0x5] =	wrdreg s3  }
0xb4: {  	[dreg:$0x6] =	wrdreg s4  }
0xb5: {  	[dreg:$0x7] =	wrdreg s5  }
0xb6: {  	[dreg:$0x8] =	wrdreg $0x19B100  }
0xb7: {  	[dreg:$0x9] =	wrdreg $0x9  }
0xb8: {  	_ =	task.clear_ibuf [dreg:s10], $0xAFFFF;
	_ =	strace $0x90000046  }
0xb9: {  	s26 =	simm.s32 $0x9;
	_ =	strace $0x80000048  }
0xba: {  	_ =	swait.ge [sflag:s26], $0x1  }
0xbb: {  	[sflag:s26] =	ssyncadd.s32 $0xFFFFFFFF  }
0xbc: {  	_ =	strace $0x90000048  }
0xbd: {  	_ =	sfence  }
0xbe: {  	s28 =	sld [smem:$0x0];
	_ =	sdelay $0x1  }
0xbf: {  	s29 =	srdreg.scid  }
0xc0: {  	s30 =	sshll.u32 s29, $0xD;
	s31 =	sshrl.u32 s29, $0x2  }
0xc1: {  	s1 =	sand.u32 $0x1, s29;
	s2 =	sand.u32 $0x4000, s30;
	s0 =	sadd.s32 s31, s28  }
0xc2: {  	s1 =	sor.u32 s2, s1;
	s0 =	sshll.u32 s0, $0x11  }
0xc3: {  	s0 =	sor.u32 s0, s1  }
0xc4: {  	s0 =	sadd.s32 $0x8F2B, s0  }
0xc5: {  	[sflag:s0] =	ssyncadd.remote.s32 $0x1  }
0xc6: {  	_ =	sfence.sel $0xFFFF  }
0xc7: {  	[dreg:$0x0] =	wrdreg $0xFFFFFFFF;
	(pc) =	sbr.abs _section_cstart, $3  }
0xc8: {  	[dreg:$0x1] =	wrdreg $0xFFFFFFFF  }
0xc9: {  	_ =	task.clear_ibuf [dreg:s10], $0x2FFFF;
	_ =	strace $0x9FFFFFFF  }
0xca: {  	(tm) =	ssettm $0x7FFFFFFF  }
0xcb: {  	_ =	shalt  }
tec
execute0_lowered:
.L_overlay_start_1:
0x0: {  	(tag) =	ssettag $0x1  }
0x1: {  	s3 =	rddreg [dreg:$0x0]  }
0x2: {  	s4 =	rddreg [dreg:$0x1]  }
0x3: {  	s5 =	rddreg [dreg:$0x2]  }
0x4: {  	s6 =	rddreg [dreg:$0x3]  }
0x5: {  	s8 =	rddreg [dreg:$0x4]  }
0x6: {  	s1 =	rddreg [dreg:$0x5];
	s9 =	simm.s32 $0x0  }
0x7: {  	[smem:$0x7FF] =	sst s9  }
0x8: {  	s2 =	rddreg [dreg:$0x6];
	s10 =	simm.s32 $0x1;
	_ =	strace $0x80000047  }
0x9: {  	[tilespmem:s9], [sflag:$0x1] =	stream.linear.gather [hbm4b:s3+s9], $0x5000, $0x38;
	[tilespmem:$0x19B30] =	vst v63  }
0xa: {  	_ =	swait.ge [sflag:s10], $0x5000  }
0xb: {  	[sflag:s10] =	ssyncset.done $0x0  }
0xc: {  	s26 =	simm.s32 $0x5000;
	[sflag:s10] =	ssyncadd.s32 $0xFFFFB000  }
0xd: {  	[tilespmem:s26], [sflag:$0x1] =	stream.linear.gather [hbm4b:s4+s9], $0x5000, $0x38;
	[tilespmem:$0x19B30] =	vst v63  }
0xe: {  	_ =	swait.ge [sflag:s10], $0x5000  }
0xf: {  	[sflag:s10] =	ssyncset.done $0x0  }
0x10: {  	s28 =	simm.s32 $0xA000;
	[sflag:s10] =	ssyncadd.s32 $0xFFFFB000  }
0x11: {  	[tilespmem:s28], [sflag:$0x1] =	stream.linear.gather [hbm4b:s5+s9], $0x5000, $0x38;
	[tilespmem:$0x19B30] =	vst v63  }
0x12: {  	_ =	swait.ge [sflag:s10], $0x5000  }
0x13: {  	s3 =	stileid.u32;
	[sflag:s10] =	ssyncset.done $0x0  }
0x14: {  	s29 =	simm.s32 $0xF000;
	s7 =	smul.u32 $0x500, s3;
	[sflag:s10] =	ssyncadd.s32 $0xFFFFB000  }
0x15: {  	[tilespmem:s29], [sflag:$0x1] =	stream.linear.gather [hbm4b:s6+s9], $0x5000, $0x38;
	[tilespmem:$0x19B30] =	vst v63  }
0x16: {  	_ =	swait.ge [sflag:s10], $0x5000  }
0x17: {  	s30 =	sshrl.u32 s7, $0x3;
	[sflag:s10] =	ssyncset.done $0x0  }
0x18: {  	s31 =	simm.s32 $0x14000;
	s4 =	sadd.s32 s8, s30;
	[sflag:s10] =	ssyncadd.s32 $0xFFFFB000  }
0x19: {  	[tilespmem:s31], [sflag:$0x1] =	stream.linear.gather [hbm4b:s4+s9], $0x500, $0x38;
	[tilespmem:$0x19B30] =	vst v63  }
0x1a: {  	_ =	swait.ge [sflag:s10], $0x500  }
0x1b: {  	[sflag:s10] =	ssyncset.done $0x0  }
0x1c: {  	v0 =	vimm.f32 $0.0e+00;
	s4 =	simm.s32 $0x14A40;
	[sflag:s10] =	ssyncadd.s32 $0xFFFFFB00  }
0x1d: {  	[tilespmem:s4+$0xFFFFFFC0] =	vst v0  }
0x1e: {  	[tilespmem:s4+$0x30] =	vst v0  }
0x1f: {  	[tilespmem:s4+$0x20] =	vst v0  }
0x20: {  	[tilespmem:s4+$0x10] =	vst v0  }
0x21: {  	[tilespmem:s4+$0x0] =	vst v0  }
0x22: {  	[tilespmem:s4+$0xFFFFFFF0] =	vst v0  }
0x23: {  	s5 =	simm.s32 $0x0;
	[tilespmem:s4+$0xFFFFFFE0] =	vst v0  }
.LBB2_1:
0x24: {  	s5 =	sadd.s32 $0x8, s5;
	[tilespmem:s4+$0xFFFFFFD0] =	vst v0;
	s4 =	sadd.s32 $0x80, s4  }
0x25: {  	[tilespmem:s4+$0xFFFFFFC0] =	vst v0;
	p0 =	slt.u32 s5, $0x4F8  }
0x26: {  	[tilespmem:s4+$0x30] =	vst v0  }
.Ltmp0:
0x27: {  	[tilespmem:s4+$0x20] =	vst v0;
	(pc) =	sbr.rel @p0 .LBB2_1-.Ltmp0, $4  }
0x28: {  	[tilespmem:s4+$0x10] =	vst v0  }
0x29: {  	[tilespmem:s4+$0x0] =	vst v0  }
0x2a: {  	[tilespmem:s4+$0xFFFFFFF0] =	vst v0  }
0x2b: {  	[tilespmem:s4+$0xFFFFFFE0] =	vst v0  }
0x2c: {  	[tilespmem:s4+$0xFFFFFFD0] =	vst v0;
	s24 =	simm.s32 $0x14040  }
0x2d: {  	v1 =	vld [tilespmem:s24+$0xFFFFFFC0]  }
0x2e: {  	v5 =	vld [tilespmem:s24+$0x10]  }
0x2f: {  	v2 =	vld [tilespmem:s24+$0xFFFFFFE0]  }
0x30: {  	v7 =	vld [tilespmem:s24+$0xFFFFFFD0]  }
0x31: {  	v9 =	vld [tilespmem:s24+$0x30]  }
0x32: {  	s12 =	sadd.s32 $0x70, s7;
	v6 =	vimm.f32 $-3.000000010e+38;
	v0 =	vlaneseq.u32;
	v14 =	vld [tilespmem:s24+$0xFFFFFFF0]  }
0x33: {  	v8 =	vimm.s32 $0x0;
	s5 =	sadd.s32 $0xFFFFFFD0, s12;
	s6 =	sadd.s32 $0xFFFFFFF0, s12;
	s26 =	sadd.s32 $0xFFFFFF90, s12;
	v16 =	vld [tilespmem:s24+$0x20];
	v43 =	vor.u32 s12, v0  }
0x34: {  	s30 =	smul.u32 $0x1400, s3;
	s8 =	sadd.s32 $0xFFFFFFC0, s12;
	s28 =	sadd.s32 $0xFFFFFFA0, s12;
	v18 =	vld [tilespmem:s24+$0x0];
	v4 =	vor.u32 s5, v0;
	v3 =	vor.u32 s6, v0;
	v11 =	vor.u32 s26, v0  }
0x35: {  	s29 =	sadd.s32 $0xFFFFFFB0, s12;
	v12 =	vor.u32 s8, v0;
	v17 =	vor.u32 s28, v0;
	vm0 =	vgt.f32 v1, $1.000000010e-01  }
0x36: {  	v19 =	vor.u32 s29, v0;
	s11 =	sshrl.u32 s30, $0x2;
	vm1 =	vgt.f32 v5, $1.000000010e-01;
	v10 =	vnsel vm0, $0xD01502F9, v1  }
0x37: {  	s31 =	sadd.s32 $0xF040, s11;
	s13 =	sadd.s32 $0x5040, s11;
	vm2 =	vgt.f32 v2, $1.000000010e-01;
	vm3 =	vgt.f32 v7, $1.000000010e-01;
	vm4 =	vgt.f32 v9, $1.000000010e-01;
	[tilespmem:s24+$0xFFFFFFC0] =	vst v10  }
0x38: {  	vm12 =	vgt.f32 v14, $1.000000010e-01;
	v15 =	vnsel vm2, $0xD01502F9, v2;
	vm0 =	vgt.f32 v10, v6;
	v26 =	vld [tilespmem:s13+$0xFFFFFFC0]  }
0x39: {  	s25 =	sadd.s32 $0xFFFFFFE0, s12;
	s10 =	sadd.s32 $0xA040, s11;
	vm14 =	vgt.f32 v16, $1.000000010e-01;
	vm6 =	vgt.f32 v18, $1.000000010e-01;
	[tilespmem:s24+$0xFFFFFFE0] =	vst v15;
	v13 =	vsel vm0, v10, v6;
	v29 =	vld [tilespmem:s31+$0xFFFFFFC0]  }
0x3a: {  	s9 =	sor.u32 $0x40, s11;
	v1 =	vor.u32 s25, v0;
	v7 =	vnsel vm3, $0xD01502F9, v7;
	v30 =	vld [tilespmem:s10+$0xFFFFFFE0];
	v6 =	vsel vm0, v6, v13  }
0x3b: {  	v14 =	vnsel vm12, $0xD01502F9, v14;
	v18 =	vnsel vm6, $0xD01502F9, v18;
	v31 =	vld [tilespmem:s9+$0xFFFFFFE0];
	vm3 =	vgt.f32 v7, v6  }
0x3c: {  	v11 =	vsel vm0, v11, v8;
	v61 =	vld [tilespmem:s31+$0xFFFFFFE0];
	vm5 =	vgt.f32 v7, v13;
	v2 =	vsel vm3, v7, v6  }
0x3d: {  	v5 =	vnsel vm1, $0xD01502F9, v5;
	v33 =	vld [tilespmem:s13+$0xFFFFFFE0];
	v8 =	vsel vm0, v8, v11;
	v20 =	vsel vm5, v13, v2  }
0x3e: {  	v21 =	vsel vm3, v6, v2;
	v2 =	vnsel vm4, $0xD01502F9, v9;
	v9 =	vsel vm5, v7, v13  }
0x3f: {  	v6 =	vsel vm3, v17, v8;
	vm13 =	vgt.f32 v15, v20;
	vm2 =	vgt.f32 v15, v21  }
0x40: {  	v23 =	vsel vm5, v11, v6;
	vm7 =	vgt.f32 v15, v9;
	v8 =	vsel vm3, v8, v6  }
0x41: {  	[tilespmem:s24+$0xFFFFFFD0] =	vst v7;
	v6 =	vnsel vm14, $0xD01502F9, v16;
	v11 =	vsel vm5, v17, v11;
	v7 =	vsub.f32 v30, v31  }
0x42: {  	v40 =	vsub.f32 v61, v33;
	v41 =	vsub.f32 v29, v26;
	v24 =	vsel vm13, v19, v23  }
0x43: {  	v13 =	vsel vm13, v15, v20;
	v22 =	vsel vm2, v15, v21;
	v49 =	vsel vm7, v11, v24  }
0x44: {  	v11 =	vsel vm7, v19, v11;
	v13 =	vsel vm7, v9, v13;
	v9 =	vsel vm7, v15, v9  }
0x45: {  	v50 =	vsel vm13, v20, v22;
	v21 =	vsel vm2, v21, v22;
	v19 =	vsel vm2, v19, v8  }
0x46: {  	v7 =	vmax.f32 v7, $0.0e+00;
	v20 =	vmax.f32 v40, $0.0e+00;
	v47 =	vmax.f32 v41, $0.0e+00  }
0x47: {  	[tilespmem:s24+$0x0] =	vst v18;
	vm15 =	vgt.f32 v14, v9;
	vm8 =	vgt.f32 v14, v13;
	vm9 =	vgt.f32 v14, v50  }
0x48: {  	v28 =	vld [tilespmem:s13+$0x0];
	vm10 =	vgt.f32 v14, v21;
	v23 =	vsel vm13, v23, v19;
	v8 =	vsel vm2, v8, v19  }
0x49: {  	v55 =	vld [tilespmem:s31+$0x0];
	[tilespmem:s24+$0x30] =	vst v2;
	v7 =	vmul.f32 v20, v7;
	v52 =	vsel vm15, v14, v9;
	v53 =	vsel vm8, v14, v13  }
0x4a: {  	v51 =	vld [tilespmem:s31+$0x30];
	v25 =	vsel vm9, v14, v50;
	v54 =	vsel vm15, v12, v11;
	v27 =	vsel vm8, v12, v49  }
0x4b: {  	v10 =	vld [tilespmem:s13+$0x30];
	v56 =	vsel vm10, v14, v21;
	v57 =	vsel vm9, v12, v23;
	v8 =	vsel vm10, v12, v8  }
0x4c: {  	v36 =	vld [tilespmem:s10+$0xFFFFFFC0];
	v13 =	vsel vm8, v13, v25;
	v11 =	vsel vm15, v11, v27;
	v9 =	vsel vm15, v9, v53  }
0x4d: {  	v15 =	vld [tilespmem:s9+$0xFFFFFFC0];
	v16 =	vsel vm8, v49, v57;
	vm12 =	vgt.f32 v18, v52;
	v17 =	vsel vm9, v50, v56  }
0x4e: {  	v27 =	vsub.f32 v55, v28;
	v8 =	vsel vm9, v23, v8;
	vm11 =	vgt.f32 v18, v13  }
0x4f: {  	vm4 =	vgt.f32 v18, v9;
	v60 =	vsel vm12, v18, v52;
	v25 =	vsel vm12, v4, v54  }
0x50: {  	v38 =	vld [tilespmem:s9+$0x0];
	vm15 =	vgt.f32 v18, v17;
	v10 =	vsub.f32 v51, v10;
	v58 =	vsel vm11, v18, v13  }
0x51: {  	v12 =	vld [tilespmem:s10+$0x0];
	v59 =	vsel vm4, v18, v9;
	v62 =	vsel vm4, v4, v11;
	v32 =	vsel vm11, v4, v16  }
0x52: {  	vm13 =	vgt.f32 v5, v60;
	v17 =	vsel vm15, v18, v17;
	v15 =	vsub.f32 v36, v15  }
0x53: {  	v4 =	vsel vm15, v4, v8;
	v9 =	vsel vm4, v9, v58;
	v21 =	vsel vm12, v52, v59  }
0x54: {  	v44 =	vld [tilespmem:s9+$0xFFFFFFD0];
	v63 =	vsel vm12, v54, v62;
	v34 =	vsel vm13, v5, v60;
	v11 =	vsel vm4, v11, v32  }
0x55: {  	v55 =	vld [tilespmem:s10+$0xFFFFFFD0];
	v13 =	vsel vm11, v13, v17;
	v39 =	vsel vm13, v1, v25;
	v10 =	vmax.f32 v10, $0.0e+00  }
0x56: {  	[tilespmem:s24+$0x10] =	vst v5;
	v4 =	vsel vm11, v16, v4;
	vm14 =	vgt.f32 v5, v21;
	v12 =	vsub.f32 v12, v38  }
0x57: {  	v46 =	vld [tilespmem:s9+$0x10];
	vm8 =	vgt.f32 v5, v9;
	vm9 =	vgt.f32 v5, v13;
	vm10 =	vgt.f32 v6, v34  }
0x58: {  	[tilespmem:s24+$0xFFFFFFF0] =	vst v14;
	v14 =	vld [tilespmem:s13+$0x10];
	v37 =	vsel vm14, v5, v21;
	v45 =	vsel vm14, v1, v63;
	v13 =	vsel vm9, v5, v13  }
0x59: {  	v53 =	vld [tilespmem:s10+$0xFFFFFFF0];
	v4 =	vsel vm9, v1, v4;
	v1 =	vsel vm8, v1, v11;
	v50 =	vsel vm10, v6, v34  }
0x5a: {  	v8 =	vld [tilespmem:s10+$0x10];
	v52 =	vsel vm10, v3, v39;
	v5 =	vsel vm8, v5, v9;
	v62 =	vsub.f32 v55, v44  }
0x5b: {  	v51 =	vld [tilespmem:s9+$0xFFFFFFF0];
	v19 =	vsel vm13, v60, v37;
	v25 =	vsel vm13, v25, v45;
	v12 =	vmax.f32 v12, $0.0e+00  }
0x5c: {  	v54 =	vld [tilespmem:s31+$0x10];
	v4 =	vsel vm8, v11, v4;
	v22 =	vsel vm14, v63, v1;
	vm12 =	vgt.f32 v2, v50  }
0x5d: {  	v42 =	vld [tilespmem:s13+$0xFFFFFFD0];
	[tilespmem:s24+$0x20] =	vst v6;
	v21 =	vsel vm14, v21, v5;
	v9 =	vsel vm8, v9, v13;
	vm11 =	vgt.f32 v6, v19  }
0x5e: {  	v48 =	vld [tilespmem:s13+$0x20];
	v5 =	vsel vm12, v2, v50;
	vm2 =	vgt.f32 v6, v21;
	vm1 =	vgt.f32 v6, v9  }
0x5f: {  	v49 =	vld [tilespmem:s9+$0x20];
	v8 =	vsub.f32 v8, v46;
	v1 =	vsel vm11, v3, v25;
	v35 =	vsel vm11, v6, v19  }
0x60: {  	v11 =	vld [tilespmem:s10+$0x20];
	v36 =	vsel vm2, v6, v21;
	v56 =	vsel vm2, v3, v22;
	v6 =	vsel vm1, v6, v9  }
0x61: {  	v13 =	vld [tilespmem:s31+$0x20];
	v3 =	vsel vm1, v3, v4;
	v9 =	vsub.f32 v53, v51;
	v14 =	vsub.f32 v54, v14  }
0x62: {  	v59 =	vld [tilespmem:s10+$0x30];
	v17 =	vsel vm10, v39, v1;
	v1 =	vsel vm12, v43, v52;
	v34 =	vsel vm10, v34, v35  }
0x63: {  	v60 =	vld [tilespmem:s31+$0xFFFFFFD0];
	v19 =	vsel vm11, v19, v36;
	v6 =	vsel vm2, v21, v6;
	v8 =	vmax.f32 v8, $0.0e+00  }
0x64: {  	v4 =	vld [tilespmem:s9+$0x30];
	v61 =	vsel vm11, v25, v56;
	v3 =	vsel vm2, v22, v3;
	vm13 =	vgt.f32 v2, v19  }
0x65: {  	v57 =	vld [tilespmem:s13+$0xFFFFFFF0];
	vm14 =	vgt.f32 v2, v6;
	v14 =	vmax.f32 v14, $0.0e+00;
	v9 =	vmax.f32 v9, $0.0e+00  }
0x66: {  	v58 =	vld [tilespmem:s31+$0xFFFFFFF0];
	vm15 =	vgt.f32 v2, v34;
	v11 =	vsub.f32 v11, v49;
	v13 =	vsub.f32 v13, v48  }
0x67: {  	s4 =	simm.s32 $0x14540;
	v8 =	vmul.f32 v14, v8;
	v6 =	vsel vm14, v2, v6;
	v14 =	vmax.f32 v27, $0.0e+00  }
0x68: {  	[tilespmem:s4+$0xFFFFFFE0] =	vst v7;
	v7 =	vsub.f32 v60, v42;
	v63 =	vsel vm14, v43, v3;
	v3 =	vmax.f32 v62, $0.0e+00  }
0x69: {  	v12 =	vmul.f32 v14, v12;
	v14 =	vsel vm13, v2, v19;
	v4 =	vsub.f32 v59, v4  }
0x6a: {  	v11 =	vmax.f32 v11, $0.0e+00;
	v13 =	vmax.f32 v13, $0.0e+00;
	v7 =	vmax.f32 v7, $0.0e+00  }
0x6b: {  	[tilespmem:s4+$0x10] =	vst v8;
	v11 =	vmul.f32 v13, v11;
	v13 =	vsub.f32 v58, v57;
	v4 =	vmax.f32 v4, $0.0e+00  }
0x6c: {  	v2 =	vsel vm15, v2, v34;
	[tilespmem:s4+$0x0] =	vst v12;
	v3 =	vmul.f32 v7, v3;
	v4 =	vmul.f32 v10, v4  }
0x6d: {  	v7 =	vsel vm13, v43, v61;
	v12 =	vsel vm12, v50, v2;
	v13 =	vmax.f32 v13, $0.0e+00;
	[tilespmem:s4+$0x20] =	vst v11  }
0x6e: {  	s14 =	simm.s32 $0x140C0;
	s12 =	sadd.s32 $0x80, s12;
	v10 =	vsel vm15, v43, v17;
	v8 =	vmul.f32 v13, v9;
	[tilespmem:s4+$0x30] =	vst v4;
	v4 =	vmax.f32 v15, $0.0e+00  }
0x6f: {  	s5 =	simm.s32 $0x0;
	s6 =	simm.s32 $0x145C0;
	s8 =	sadd.s32 $0x80, s31;
	[tilespmem:s4+$0xFFFFFFD0] =	vst v3;
	v3 =	vsel vm13, v19, v6;
	v9 =	vsel vm15, v34, v14;
	v4 =	vmul.f32 v47, v4  }
0x70: {  	s13 =	sadd.s32 $0x80, s13;
	s10 =	sadd.s32 $0x80, s10;
	s9 =	sadd.s32 $0x80, s9;
	v11 =	vsel vm12, v52, v10;
	v10 =	vsel vm13, v61, v63;
	[tilespmem:s4+$0xFFFFFFF0] =	vst v8;
	v8 =	vsel vm15, v17, v7  }
.LBB2_3:
0x71: {  	v7 =	vld [tilespmem:s14+$0xFFFFFFC0];
	s15 =	sadd.s32 $0xFFFFFFD0, s12;
	s16 =	sadd.s32 $0xFFFFFFF0, s12;
	s5 =	sadd.s32 $0x8, s5;
	[tilespmem:s4+$0xFFFFFFC0] =	vst v4  }
0x72: {  	s4 =	smov.u32 s6;
	v4 =	vor.u32 s15, v0;
	v2 =	vor.u32 s16, v0;
	v13 =	vld [tilespmem:s14+$0x30];
	p0 =	slt.u32 s5, $0x48  }
0x73: {  	v14 =	vld [tilespmem:s14+$0x10]  }
0x74: {  	v15 =	vld [tilespmem:s14+$0xFFFFFFE0]  }
0x75: {  	s15 =	sadd.s32 $0xFFFFFFE0, s12;
	v16 =	vld [tilespmem:s14+$0xFFFFFFD0]  }
0x76: {  	s17 =	sadd.s32 $0xFFFFFFC0, s12;
	s16 =	sadd.s32 $0xFFFFFF90, s12;
	v6 =	vor.u32 s15, v0;
	vm0 =	vgt.f32 v7, $1.000000010e-01  }
0x77: {  	v18 =	vor.u32 s16, v0;
	v17 =	vnsel vm0, $0xD01502F9, v7;
	v7 =	vor.u32 s17, v0  }
0x78: {  	[tilespmem:s14+$0xFFFFFFC0] =	vst v17;
	vm1 =	vgt.f32 v17, v12;
	vm2 =	vgt.f32 v17, v9;
	vm0 =	vgt.f32 v14, $1.000000010e-01  }
0x79: {  	v19 =	vsel vm1, v17, v12;
	v20 =	vsel vm2, v17, v9;
	vm5 =	vgt.f32 v15, $1.000000010e-01;
	v21 =	vld [tilespmem:s14+$0xFFFFFFF0]  }
0x7a: {  	vm4 =	vgt.f32 v13, $1.000000010e-01;
	vm3 =	vgt.f32 v17, v5;
	v12 =	vsel vm1, v12, v20  }
0x7b: {  	v20 =	vsel vm3, v17, v5;
	v19 =	vsel vm3, v5, v19;
	v15 =	vnsel vm5, $0xD01502F9, v15  }
0x7c: {  	v22 =	vsel vm2, v18, v8;
	v5 =	vsel vm1, v18, v11;
	vm5 =	vgt.f32 v16, $1.000000010e-01;
	[tilespmem:s14+$0xFFFFFFE0] =	vst v15  }
0x7d: {  	s15 =	sadd.s32 $0xFFFFFFA0, s12;
	s16 =	sadd.s32 $0xFFFFFFB0, s12;
	vm6 =	vgt.f32 v17, v3;
	v11 =	vsel vm1, v11, v22;
	v23 =	vsel vm3, v1, v5  }
0x7e: {  	v24 =	vor.u32 s16, v0;
	v22 =	vor.u32 s15, v0;
	vm1 =	vgt.f32 v21, $1.000000010e-01  }
0x7f: {  	v3 =	vsel vm6, v17, v3;
	v10 =	vsel vm6, v18, v10;
	v16 =	vnsel vm5, $0xD01502F9, v16  }
0x80: {  	v3 =	vsel vm2, v9, v3;
	vm6 =	vgt.f32 v16, v20;
	vm5 =	vgt.f32 v16, v19;
	[tilespmem:s14+$0xFFFFFFD0] =	vst v16;
	v9 =	vld [tilespmem:s14+$0x20]  }
0x81: {  	vm7 =	vgt.f32 v16, v12;
	vm8 =	vgt.f32 v16, v3;
	v5 =	vsel vm5, v16, v19  }
0x82: {  	v3 =	vsel vm8, v16, v3;
	v17 =	vsel vm6, v20, v5;
	v5 =	vnsel vm1, $0xD01502F9, v21;
	v21 =	vld [tilespmem:s14+$0x0]  }
0x83: {  	v25 =	vsel vm7, v12, v3;
	v3 =	vnsel vm4, $0xD01502F9, v13;
	vm1 =	vgt.f32 v15, v17  }
0x84: {  	v13 =	vsel vm6, v16, v20;
	vm4 =	vgt.f32 v15, v25;
	v20 =	vsel vm1, v15, v17;
	[tilespmem:s14+$0x30] =	vst v3  }
0x85: {  	v26 =	vsel vm5, v22, v23;
	v25 =	vsel vm4, v15, v25;
	vm9 =	vgt.f32 v9, $1.000000010e-01;
	v27 =	vld [tilespmem:s8+$0x30]  }
0x86: {  	v8 =	vsel vm2, v8, v10;
	v1 =	vsel vm3, v18, v1;
	v10 =	vsel vm7, v16, v12;
	v12 =	vld [tilespmem:s13+$0x30]  }
0x87: {  	v8 =	vsel vm8, v22, v8;
	v16 =	vsel vm6, v1, v26;
	vm2 =	vgt.f32 v21, $1.000000010e-01  }
0x88: {  	vm3 =	vgt.f32 v15, v13;
	v18 =	vsel vm1, v24, v16;
	v21 =	vnsel vm2, $0xD01502F9, v21  }
0x89: {  	v26 =	vsel vm7, v22, v11;
	v11 =	vsel vm7, v11, v8;
	v8 =	vnsel vm9, $0xD01502F9, v9;
	[tilespmem:s14+$0x0] =	vst v21  }
0x8a: {  	v10 =	vsel vm5, v19, v10;
	v19 =	vsel vm5, v23, v26;
	v9 =	vsel vm6, v22, v1;
	[tilespmem:s14+$0x20] =	vst v8  }
0x8b: {  	vm5 =	vgt.f32 v15, v10;
	v1 =	vnsel vm0, $0xD01502F9, v14;
	v18 =	vsel vm3, v9, v18  }
0x8c: {  	v14 =	vsel vm3, v13, v20;
	v20 =	vsel vm5, v15, v10;
	v9 =	vsel vm3, v24, v9;
	[tilespmem:s14+$0x10] =	vst v1  }
0x8d: {  	v13 =	vsel vm3, v15, v13;
	v10 =	vsel vm5, v10, v25;
	v15 =	vsel vm1, v17, v20  }
0x8e: {  	vm7 =	vgt.f32 v5, v13;
	vm6 =	vgt.f32 v5, v14;
	vm2 =	vgt.f32 v5, v15  }
0x8f: {  	v17 =	vsel vm7, v5, v13;
	v20 =	vsel vm6, v5, v14;
	v22 =	vsel vm2, v5, v15  }
0x90: {  	v11 =	vsel vm4, v24, v11;
	vm3 =	vgt.f32 v5, v10;
	v14 =	vsel vm6, v14, v22;
	v23 =	vld [tilespmem:s13+$0xFFFFFFC0]  }
0x91: {  	v25 =	vsel vm6, v7, v18;
	v22 =	vsel vm5, v24, v19;
	v24 =	vsel vm7, v7, v9;
	v26 =	vld [tilespmem:s13+$0x0]  }
0x92: {  	v9 =	vsel vm7, v9, v25;
	v16 =	vsel vm1, v16, v22;
	vm0 =	vgt.f32 v21, v14;
	v22 =	vld [tilespmem:s8+$0x0]  }
0x93: {  	v11 =	vsel vm5, v19, v11;
	v10 =	vsel vm3, v5, v10;
	v13 =	vsel vm7, v13, v20;
	v25 =	vld [tilespmem:s8+$0xFFFFFFC0]  }
0x94: {  	vm7 =	vgt.f32 v21, v13;
	v20 =	vsel vm2, v7, v16;
	v28 =	vsel vm0, v21, v14;
	v19 =	vld [tilespmem:s9+$0xFFFFFFC0]  }
0x95: {  	vm1 =	vgt.f32 v21, v17;
	v18 =	vsel vm6, v18, v20;
	v20 =	vsel vm7, v21, v13;
	v29 =	vld [tilespmem:s10+$0xFFFFFFE0]  }
0x96: {  	v10 =	vsel vm2, v15, v10;
	v15 =	vsel vm1, v21, v17;
	v13 =	vsel vm7, v13, v28;
	v30 =	vld [tilespmem:s9+$0xFFFFFFE0]  }
0x97: {  	v31 =	vsel vm0, v4, v18;
	v28 =	vld [tilespmem:s8+$0xFFFFFFE0];
	v22 =	vsub.f32 v22, v26;
	v26 =	vsel vm7, v4, v9  }
0x98: {  	vm4 =	vgt.f32 v1, v15;
	v17 =	vsel vm1, v17, v20;
	v32 =	vld [tilespmem:s13+$0xFFFFFFE0];
	v20 =	vsel vm1, v24, v26  }
0x99: {  	v33 =	vsel vm4, v1, v15;
	v24 =	vsel vm1, v4, v24;
	vm1 =	vgt.f32 v1, v17;
	v26 =	vld [tilespmem:s10+$0xFFFFFFC0]  }
0x9a: {  	vm5 =	vgt.f32 v21, v10;
	v9 =	vsel vm7, v9, v31;
	v31 =	vsel vm1, v1, v17  }
0x9b: {  	v10 =	vsel vm5, v21, v10;
	v12 =	vsub.f32 v27, v12;
	v15 =	vsel vm4, v15, v31;
	v34 =	vld [tilespmem:s9+$0x0]  }
0x9c: {  	v7 =	vsel vm3, v7, v11;
	v10 =	vsel vm0, v14, v10;
	v14 =	vsel vm4, v6, v24;
	v11 =	vld [tilespmem:s10+$0x0]  }
0x9d: {  	v16 =	vsel vm2, v16, v7;
	v21 =	vsub.f32 v29, v30;
	v27 =	vsub.f32 v28, v32  }
0x9e: {  	v7 =	vsub.f32 v26, v19;
	v19 =	vsub.f32 v25, v23;
	v23 =	vld [tilespmem:s13+$0xFFFFFFD0];
	v25 =	vor.u32 s12, v0  }
0x9f: {  	v21 =	vmax.f32 v21, $0.0e+00;
	v28 =	vsel vm1, v6, v20;
	v26 =	vld [tilespmem:s9+$0xFFFFFFD0];
	v27 =	vmax.f32 v27, $0.0e+00  }
0xa0: {  	v12 =	vmax.f32 v12, $0.0e+00;
	v24 =	vsel vm4, v24, v28;
	v21 =	vmul.f32 v27, v21;
	v27 =	vld [tilespmem:s9+$0x10]  }
0xa1: {  	vm3 =	vgt.f32 v1, v13;
	v4 =	vsel vm5, v4, v16;
	v11 =	vsub.f32 v11, v34;
	v16 =	vld [tilespmem:s10+$0x10]  }
0xa2: {  	v4 =	vsel vm0, v18, v4;
	vm0 =	vgt.f32 v1, v10;
	v19 =	vmax.f32 v19, $0.0e+00;
	[tilespmem:s6+$0xFFFFFFE0] =	vst v21;
	v18 =	vld [tilespmem:s13+$0x20]  }
0xa3: {  	v10 =	vsel vm0, v1, v10;
	v4 =	vsel vm0, v6, v4;
	v11 =	vmax.f32 v11, $0.0e+00;
	v21 =	vld [tilespmem:s9+$0x20]  }
0xa4: {  	v4 =	vsel vm3, v9, v4;
	v6 =	vsel vm3, v6, v9;
	vm4 =	vgt.f32 v8, v33;
	v9 =	vld [tilespmem:s10+$0x20]  }
0xa5: {  	vm2 =	vgt.f32 v8, v15;
	v6 =	vsel vm1, v20, v6;
	v20 =	vsel vm4, v8, v33;
	[tilespmem:s14+$0xFFFFFFF0] =	vst v5;
	v28 =	vld [tilespmem:s13+$0x10]  }
0xa6: {  	v30 =	vsel vm4, v2, v14;
	vm0 =	vgt.f32 v3, v20;
	v5 =	vsel vm2, v2, v24;
	v29 =	vld [tilespmem:s9+$0xFFFFFFF0]  }
0xa7: {  	v1 =	vsel vm3, v1, v13;
	v14 =	vsel vm4, v14, v5;
	v5 =	vsel vm0, v3, v20;
	v31 =	vld [tilespmem:s10+$0xFFFFFFF0]  }
0xa8: {  	v17 =	vsel vm1, v17, v1;
	v34 =	vsel vm2, v8, v15;
	v1 =	vsel vm0, v25, v30;
	v32 =	vld [tilespmem:s8+$0x10]  }
0xa9: {  	v10 =	vsel vm3, v13, v10;
	vm3 =	vgt.f32 v8, v17;
	v33 =	vsel vm4, v33, v34;
	v13 =	vld [tilespmem:s8+$0x20]  }
0xaa: {  	vm1 =	vgt.f32 v8, v10;
	v35 =	vsel vm3, v8, v17;
	v36 =	vsel vm3, v2, v6;
	v34 =	vld [tilespmem:s10+$0xFFFFFFD0]  }
0xab: {  	v15 =	vsel vm2, v15, v35;
	v8 =	vsel vm1, v8, v10;
	v2 =	vsel vm1, v2, v4;
	v4 =	vld [tilespmem:s9+$0x30]  }
0xac: {  	vm1 =	vgt.f32 v3, v15;
	v16 =	vsub.f32 v16, v27;
	v10 =	vsub.f32 v31, v29;
	v29 =	vld [tilespmem:s13+$0xFFFFFFF0]  }
0xad: {  	v8 =	vsel vm3, v17, v8;
	v9 =	vsub.f32 v9, v21;
	v27 =	vld [tilespmem:s8+$0xFFFFFFF0];
	v28 =	vsub.f32 v32, v28  }
0xae: {  	vm4 =	vgt.f32 v3, v8;
	v16 =	vmax.f32 v16, $0.0e+00;
	v13 =	vsub.f32 v13, v18;
	v17 =	vld [tilespmem:s10+$0x30]  }
0xaf: {  	v24 =	vsel vm2, v24, v36;
	v9 =	vmax.f32 v9, $0.0e+00;
	v18 =	vld [tilespmem:s8+$0xFFFFFFD0];
	v21 =	vmax.f32 v28, $0.0e+00  }
0xb0: {  	v16 =	vmul.f32 v21, v16;
	v13 =	vmax.f32 v13, $0.0e+00;
	v21 =	vsel vm4, v3, v8  }
0xb1: {  	v2 =	vsel vm3, v6, v2;
	v8 =	vmax.f32 v22, $0.0e+00;
	v9 =	vmul.f32 v13, v9  }
0xb2: {  	v8 =	vmul.f32 v8, v11;
	v11 =	vsel vm1, v3, v15;
	v6 =	vsub.f32 v27, v29;
	[tilespmem:s6+$0x10] =	vst v16  }
0xb3: {  	v10 =	vmax.f32 v10, $0.0e+00;
	v13 =	vsub.f32 v34, v26;
	[tilespmem:s6+$0x20] =	vst v9;
	v4 =	vsub.f32 v17, v4  }
0xb4: {  	v2 =	vsel vm4, v25, v2;
	v9 =	vsub.f32 v18, v23;
	v6 =	vmax.f32 v6, $0.0e+00;
	[tilespmem:s6+$0x0] =	vst v8  }
0xb5: {  	v8 =	vmax.f32 v13, $0.0e+00;
	v6 =	vmul.f32 v6, v10;
	v4 =	vmax.f32 v4, $0.0e+00  }
0xb6: {  	vm2 =	vgt.f32 v3, v33;
	v9 =	vmax.f32 v9, $0.0e+00;
	v4 =	vmul.f32 v12, v4  }
.Ltmp1:
0xb7: {  	v10 =	vmul.f32 v9, v8;
	[tilespmem:s6+$0xFFFFFFF0] =	vst v6;
	v9 =	vsel vm2, v33, v11;
	v6 =	vsel vm1, v25, v24;
	(pc) =	sbr.rel @p0 .LBB2_3-.Ltmp1, $4  }
0xb8: {  	v3 =	vsel vm2, v3, v33;
	[tilespmem:s6+$0x30] =	vst v4;
	v4 =	vsel vm2, v25, v14;
	v8 =	vsel vm2, v14, v6  }
0xb9: {  	v12 =	vsel vm0, v20, v3;
	v6 =	vmax.f32 v7, $0.0e+00;
	s6 =	sadd.s32 $0x80, s6;
	[tilespmem:s4+$0xFFFFFFD0] =	vst v10;
	v11 =	vsel vm0, v30, v4  }
0xba: {  	s9 =	sadd.s32 $0x80, s9;
	s10 =	sadd.s32 $0x80, s10;
	s8 =	sadd.s32 $0x80, s8;
	v3 =	vsel vm1, v15, v21;
	v4 =	vmul.f32 v19, v6;
	v10 =	vsel vm1, v24, v2  }
0xbb: {  	s12 =	sadd.s32 $0x80, s12;
	s14 =	sadd.s32 $0x80, s14;
	s13 =	sadd.s32 $0x80, s13  }
0xbc: {  	v0 =	vimm.s32 $0xFEDCBA98  }
0xbd: {  	v2 =	vimm.s32 $0x76543210;
	v0 =	vunpack.c.l.s4.s8 v0  }
0xbe: {  	v2 =	vunpack.c.l.s4.s8 v2  }
0xbf: {  	v0 =	vunpack.c.0.s8.s32 v0  }
0xc0: {  	v2 =	vunpack.c.0.s8.s32 v2  }
0xc1: {  	v0 =	vand.u32 $0xF, v0  }
0xc2: {  	v22 =	vcombine.low v0, v2;
	_ =	sdelay $0x1  }
0xc3: {  	v2 =	vperm.xlane v3, v22;
	v6 =	vperm.xlane v10, v22  }
0xc4: {  	v7 =	vperm.xlane v5, v22;
	v13 =	vperm.xlane v1, v22  }
0xc5: {  	v14 =	vperm.xlane v9, v22;
	v15 =	vperm.xlane v8, v22  }
0xc6: {  	v51 =	vimm.s32 $0x32107654;
	v16 =	vperm.xlane v12, v22;
	v17 =	vperm.xlane v11, v22  }
0xc7: {  	vm0 =	veq.f32 v2, v5;
	vm1 =	vlt.s32 v6, v1;
	vm2 =	vgt.f32 v2, v5  }
0xc8: {  	vm3 =	vlt.s32 v15, v11;
	vm4 =	vlt.s32 v17, v8;
	vm0 =	vmand vm0, vm1  }
0xc9: {  	vm1 =	vgt.f32 v14, v12;
	vm0 =	vmor vm2, vm0;
	vm2 =	veq.f32 v14, v12  }
0xca: {  	v2 =	vsel vm0, v2, v5;
	vm2 =	vmand vm2, vm3;
	vm3 =	veq.f32 v16, v9  }
0xcb: {  	v44 =	vsel vm0, v6, v1;
	v1 =	vimm.s32 $0xDCFE98BA;
	vm1 =	vmor vm1, vm2  }
0xcc: {  	vm2 =	vgt.f32 v16, v9;
	vm3 =	vmand vm3, vm4;
	v5 =	vsel vm1, v14, v12  }
0xcd: {  	vm0 =	vmor vm2, vm3;
	v6 =	vsel vm1, v15, v11;
	vm1 =	veq.f32 v7, v3  }
0xce: {  	vm2 =	vlt.s32 v13, v10;
	v12 =	vunpack.c.l.s4.s8 v51;
	v14 =	vunpack.c.l.s4.s8 v1  }
0xcf: {  	v45 =	vsel vm0, v16, v9;
	v46 =	vsel vm0, v17, v8;
	vm0 =	vgt.f32 v7, v3  }
0xd0: {  	vm1 =	vmand vm1, vm2;
	vm2 =	veq.f32 v45, v2;
	vm3 =	vlt.s32 v46, v44  }
0xd1: {  	vm0 =	vmor vm0, vm1;
	vm1 =	vgt.f32 v45, v2;
	vm2 =	vmand vm2, vm3  }
0xd2: {  	v3 =	vsel vm0, v7, v3;
	v7 =	vsel vm0, v13, v10;
	vm0 =	vmor vm1, vm2  }
0xd3: {  	vm1 =	veq.f32 v3, v5;
	vm2 =	vlt.s32 v7, v6;
	vm3 =	vgt.f32 v3, v5  }
0xd4: {  	v47 =	vsel vm0, v45, v2;
	v48 =	vsel vm0, v46, v44;
	vm1 =	vmand vm1, vm2  }
0xd5: {  	v2 =	vsel vm0, v2, v45;
	v8 =	vsel vm0, v44, v46;
	vm0 =	vmor vm3, vm1  }
0xd6: {  	v49 =	vsel vm0, v3, v5;
	v3 =	vsel vm0, v5, v3;
	v5 =	vimm.s32 $0xBA98FEDC  }
0xd7: {  	v19 =	vunpack.c.0.s8.s32 v14;
	v50 =	vsel vm0, v7, v6;
	v5 =	vunpack.c.l.s4.s8 v5  }
0xd8: {  	v6 =	vsel vm0, v6, v7;
	v7 =	vunpack.c.0.s8.s32 v12;
	vm1 =	veq.f32 v49, v47  }
0xd9: {  	vm2 =	vlt.s32 v50, v48;
	vm0 =	vgt.f32 v49, v47;
	v5 =	vunpack.c.0.s8.s32 v5  }
0xda: {  	vm3 =	vgt.f32 v3, v2;
	vm1 =	vmand vm1, vm2;
	vm2 =	vlt.s32 v6, v8  }
0xdb: {  	vm0 =	vmor vm0, vm1;
	vm1 =	veq.f32 v3, v2;
	v5 =	vcombine.low v7, v5  }
0xdc: {  	v52 =	vsel vm0, v49, v47;
	vm1 =	vmand vm1, vm2;
	v10 =	vsel vm0, v47, v49  }
0xdd: {  	v7 =	vsel vm0, v50, v48;
	vm1 =	vmor vm3, vm1;
	v23 =	vand.u32 $0xF, v5  }
0xde: {  	v53 =	vsel vm1, v3, v2;
	v2 =	vsel vm1, v2, v3;
	v3 =	vperm.xlane v52, v23  }
0xdf: {  	v54 =	vsel vm1, v6, v8;
	v5 =	vperm.xlane v7, v23;
	v55 =	vperm.xlane v53, v23  }
0xe0: {  	v6 =	vsel vm1, v8, v6;
	v56 =	vperm.xlane v2, v23;
	v57 =	vperm.xlane v54, v23  }
0xe1: {  	v9 =	vsel vm0, v48, v50;
	v58 =	vperm.xlane v6, v23;
	v59 =	vperm.xlane v10, v23  }
0xe2: {  	v18 =	vperm.xlane v9, v23;
	vm0 =	vgt.f32 v56, v52;
	vm1 =	veq.f32 v56, v52  }
0xe3: {  	vm2 =	vlt.s32 v58, v7;
	vm3 =	veq.f32 v55, v10;
	vm4 =	vlt.s32 v57, v9  }
0xe4: {  	vm1 =	vmand vm1, vm2;
	vm2 =	vgt.f32 v55, v10;
	vm3 =	vmand vm3, vm4  }
0xe5: {  	vm4 =	vlt.s32 v5, v6;
	vm0 =	vmor vm0, vm1;
	vm1 =	vmor vm2, vm3  }
0xe6: {  	vm2 =	veq.f32 v59, v53;
	vm3 =	vlt.s32 v18, v54;
	v12 =	vsel vm0, v56, v52  }
0xe7: {  	v7 =	vsel vm0, v58, v7;
	v8 =	vsel vm1, v55, v10;
	vm0 =	vgt.f32 v59, v53  }
0xe8: {  	vm2 =	vmand vm2, vm3;
	vm3 =	veq.f32 v3, v2;
	v9 =	vsel vm1, v57, v9  }
0xe9: {  	vm0 =	vmor vm0, vm2;
	vm2 =	vgt.f32 v3, v2;
	vm3 =	vmand vm3, vm4  }
0xea: {  	v60 =	vsel vm0, v59, v53;
	vm1 =	vmor vm2, vm3;
	v61 =	vsel vm0, v18, v54  }
0xeb: {  	v18 =	vimm.s32 $0x54761032;
	v2 =	vsel vm1, v3, v2;
	v3 =	vsel vm1, v5, v6  }
0xec: {  	vm0 =	vgt.f32 v60, v12;
	vm1 =	veq.f32 v60, v12;
	vm2 =	vlt.s32 v61, v7  }
0xed: {  	v15 =	vunpack.c.l.s4.s8 v18;
	vm1 =	vmand vm1, vm2;
	vm2 =	veq.f32 v2, v8  }
0xee: {  	vm3 =	vlt.s32 v3, v9;
	vm0 =	vmor vm0, vm1;
	vm1 =	vgt.f32 v2, v8  }
0xef: {  	vm2 =	vmand vm2, vm3;
	v28 =	vunpack.c.0.s8.s32 v15;
	v5 =	vsel vm0, v60, v12  }
0xf0: {  	v6 =	vsel vm0, v61, v7;
	vm1 =	vmor vm1, vm2;
	v10 =	vsel vm0, v12, v60  }
0xf1: {  	v7 =	vsel vm0, v7, v61;
	v62 =	vsel vm1, v2, v8;
	v63 =	vsel vm1, v3, v9  }
0xf2: {  	v8 =	vsel vm1, v8, v2;
	v3 =	vsel vm1, v9, v3;
	v30 =	vcombine.low v28, v19  }
0xf3: {  	vm2 =	veq.f32 v62, v5;
	vm3 =	vlt.s32 v63, v6;
	vm0 =	vgt.f32 v62, v5  }
0xf4: {  	vm1 =	veq.f32 v8, v10;
	vm2 =	vmand vm2, vm3;
	vm3 =	vgt.f32 v8, v10  }
0xf5: {  	v24 =	vand.u32 $0xF, v30;
	vm0 =	vmor vm0, vm2;
	vm2 =	vlt.s32 v3, v7  }
0xf6: {  	v29 =	vsel vm0, v62, v5;
	v31 =	vsel vm0, v63, v6;
	vm1 =	vmand vm1, vm2  }
0xf7: {  	v5 =	vsel vm0, v5, v62;
	v6 =	vsel vm0, v6, v63;
	v33 =	vperm.xlane v29, v24  }
0xf8: {  	vm1 =	vmor vm3, vm1;
	v35 =	vperm.xlane v31, v24;
	v36 =	vperm.xlane v5, v24  }
0xf9: {  	v32 =	vsel vm1, v8, v10;
	v8 =	vsel vm1, v10, v8;
	v34 =	vsel vm1, v7, v3  }
0xfa: {  	v3 =	vsel vm1, v3, v7;
	v7 =	vperm.xlane v8, v24;
	v37 =	vperm.xlane v34, v24  }
0xfb: {  	v45 =	vimm.s32 $0x67452301;
	v19 =	vperm.xlane v6, v24;
	v39 =	vperm.xlane v3, v24  }
0xfc: {  	v38 =	vperm.xlane v32, v24;
	vm1 =	veq.f32 v7, v29;
	vm2 =	vlt.s32 v37, v31  }
0xfd: {  	vm0 =	vgt.f32 v7, v29;
	vm3 =	vlt.s32 v39, v6;
	vm1 =	vmand vm1, vm2  }
0xfe: {  	vm2 =	veq.f32 v38, v5;
	vm0 =	vmor vm0, vm1;
	vm1 =	vgt.f32 v38, v5  }
0xff: {  	vm2 =	vmand vm2, vm3;
	vm3 =	vlt.s32 v35, v34;
	v7 =	vsel vm0, v7, v29  }
0x100: {  	vm1 =	vmor vm1, vm2;
	v40 =	vsel vm0, v37, v31;
	vm2 =	vlt.s32 v19, v3  }
0x101: {  	v5 =	vsel vm1, v38, v5;
	v6 =	vsel vm1, v39, v6;
	vm1 =	veq.f32 v36, v32  }
0x102: {  	vm0 =	vgt.f32 v36, v32;
	vm1 =	vmand vm1, vm2;
	vm2 =	veq.f32 v33, v8  }
0x103: {  	vm0 =	vmor vm0, vm1;
	vm1 =	vgt.f32 v33, v8;
	vm2 =	vmand vm2, vm3  }
0x104: {  	v41 =	vsel vm0, v36, v32;
	v3 =	vsel vm0, v19, v3;
	vm0 =	vmor vm1, vm2  }
0x105: {  	v8 =	vsel vm0, v33, v8;
	vm1 =	veq.f32 v41, v7;
	vm2 =	vlt.s32 v3, v40  }
0x106: {  	v42 =	vsel vm0, v35, v34;
	vm0 =	vgt.f32 v41, v7;
	vm1 =	vmand vm1, vm2  }
0x107: {  	vm2 =	vlt.s32 v42, v6;
	vm0 =	vmor vm0, vm1;
	vm1 =	veq.f32 v8, v5  }
0x108: {  	vm3 =	vgt.f32 v8, v5;
	v12 =	vsel vm0, v41, v7;
	vm1 =	vmand vm1, vm2  }
0x109: {  	v43 =	vsel vm0, v3, v40;
	v9 =	vsel vm0, v40, v3;
	v3 =	vimm.s32 $0xEFCDAB89  }
0x10a: {  	v7 =	vsel vm0, v7, v41;
	vm1 =	vmor vm3, vm1;
	v3 =	vunpack.c.l.s4.s8 v3  }
0x10b: {  	v44 =	vsel vm1, v8, v5;
	v14 =	vsel vm1, v42, v6;
	v5 =	vsel vm1, v5, v8  }
0x10c: {  	v6 =	vsel vm1, v6, v42;
	v8 =	vunpack.c.l.s4.s8 v45;
	vm0 =	vgt.f32 v44, v12  }
0x10d: {  	vm1 =	veq.f32 v44, v12;
	vm2 =	vlt.s32 v14, v43;
	v3 =	vunpack.c.0.s8.s32 v3  }
0x10e: {  	vm3 =	vgt.f32 v5, v7;
	vm1 =	vmand vm1, vm2;
	v8 =	vunpack.c.0.s8.s32 v8  }
0x10f: {  	vm2 =	vlt.s32 v6, v9;
	vm0 =	vmor vm0, vm1;
	vm1 =	veq.f32 v5, v7  }
0x110: {  	vm1 =	vmand vm1, vm2;
	v3 =	vcombine.low v8, v3;
	v46 =	vsel vm0, v44, v12  }
0x111: {  	v47 =	vsel vm0, v14, v43;
	v11 =	vsel vm0, v12, v44;
	vm1 =	vmor vm3, vm1  }
0x112: {  	v48 =	vsel vm1, v7, v5;
	v49 =	vsel vm1, v9, v6;
	v25 =	vand.u32 $0xF, v3  }
0x113: {  	v5 =	vsel vm1, v5, v7;
	v50 =	vperm.xlane v48, v25;
	v51 =	vperm.xlane v49, v25  }
0x114: {  	v6 =	vsel vm1, v6, v9;
	v7 =	vperm.xlane v46, v25;
	v52 =	vperm.xlane v11, v25  }
0x115: {  	v13 =	vsel vm0, v43, v14;
	v53 =	vperm.xlane v5, v25;
	v54 =	vperm.xlane v6, v25  }
0x116: {  	v55 =	vperm.xlane v13, v25;
	vm0 =	veq.f32 v50, v46;
	vm1 =	vlt.s32 v51, v47  }
0x117: {  	v10 =	vperm.xlane v47, v25;
	vm2 =	vgt.f32 v50, v46;
	vm0 =	vmand vm0, vm1  }
0x118: {  	vm3 =	vlt.s32 v55, v6;
	vm1 =	veq.f32 v53, v11;
	vm0 =	vmor vm2, vm0  }
0x119: {  	vm2 =	vlt.s32 v54, v13;
	v8 =	vsel vm0, v50, v46;
	v56 =	vsel vm0, v51, v47  }
0x11a: {  	vm0 =	vgt.f32 v53, v11;
	vm1 =	vmand vm1, vm2;
	vm2 =	veq.f32 v52, v5  }
0x11b: {  	vm0 =	vmor vm0, vm1;
	vm1 =	vgt.f32 v52, v5;
	vm2 =	vmand vm2, vm3  }
0x11c: {  	v11 =	vsel vm0, v53, v11;
	vm1 =	vmor vm1, vm2  }
0x11d: {  	v13 =	vsel vm0, v54, v13;
	vm0 =	vgt.f32 v7, v48;
	vm2 =	vlt.s32 v10, v49  }
0x11e: {  	v5 =	vsel vm1, v52, v5;
	v6 =	vsel vm1, v55, v6;
	vm1 =	veq.f32 v7, v48  }
0x11f: {  	vm1 =	vmand vm1, vm2;
	vm2 =	veq.f32 v5, v8;
	vm3 =	vlt.s32 v6, v56  }
0x120: {  	vm0 =	vmor vm0, vm1;
	vm1 =	vgt.f32 v5, v8;
	vm2 =	vmand vm2, vm3  }
0x121: {  	v7 =	vsel vm0, v7, v48;
	v57 =	vsel vm0, v10, v49;
	vm0 =	vmor vm1, vm2  }
0x122: {  	v58 =	vsel vm0, v5, v8;
	vm1 =	veq.f32 v7, v11;
	vm2 =	vlt.s32 v57, v13  }
0x123: {  	v59 =	vsel vm0, v6, v56;
	vm3 =	vgt.f32 v7, v11;
	vm1 =	vmand vm1, vm2  }
0x124: {  	v5 =	vsel vm0, v8, v5;
	v6 =	vsel vm0, v56, v6;
	vm0 =	vmor vm3, vm1  }
0x125: {  	v60 =	vsel vm0, v7, v11;
	v61 =	vsel vm0, v57, v13;
	v7 =	vsel vm0, v11, v7  }
0x126: {  	v9 =	vsel vm0, v13, v57;
	vm0 =	vgt.f32 v60, v58;
	vm1 =	veq.f32 v60, v58  }
0x127: {  	vm2 =	vlt.s32 v61, v59;
	vm3 =	veq.f32 v7, v5;
	vm4 =	vlt.s32 v9, v6  }
0x128: {  	vm1 =	vmand vm1, vm2;
	vm2 =	vgt.f32 v7, v5;
	vm3 =	vmand vm3, vm4  }
0x129: {  	vm6 =	vmor vm0, vm1;
	vm2 =	vmor vm2, vm3  }
0x12a: {  	vm0 =	vcmask $0x3F1C;
	v11 =	vsel vm2, v5, v7;
	v13 =	vsel vm2, v6, v9  }
0x12b: {  	vm1 =	vcmask $0x3F18;
	v6 =	vsel vm2, v9, v6;
	v62 =	vsel vm0, v13, v11  }
0x12c: {  	v5 =	vsel vm2, v7, v5;
	vm2 =	vcmask $0x3F14;
	v6 =	vsel vm1, v62, v6  }
0x12d: {  	vm3 =	vcmask $0x3F10;
	v7 =	vsel vm6, v59, v61;
	v5 =	vsel vm2, v6, v5  }
0x12e: {  	vm4 =	vcmask $0x3F0C;
	v6 =	vsel vm6, v58, v60;
	v5 =	vsel vm3, v5, v7  }
0x12f: {  	vm5 =	vcmask $0x3F08;
	v7 =	vsel vm6, v61, v59;
	v5 =	vsel vm4, v5, v6  }
0x130: {  	v6 =	vsel vm6, v60, v58;
	vm6 =	vmmov $0x1;
	v5 =	vsel vm5, v5, v7  }
0x131: {  	[tilespmem:s4+$0xFFFFFFC0] =	vst v4;
	s31 =	sshll.u32 s3, $0x4;
	v4 =	vsel vm6, v6, v5  }
0x132: {  	s5 =	simm.s32 $0x19B00;
	s6 =	simm.s32 $0x1;
	s4 =	sadd.s32 s31, s2;
	[tilespmem:$0x19B00] =	vst v4  }
0x133: {  	[spmem:s4] =	stream.linear.scatter [tilespmem:s5], [sflag:$0x1], $0x10, $0x38;
	[tilespmem:$0x19B30] =	vst v63  }
0x134: {  	_ =	swait.ge [sflag:s6], $0x10  }
0x135: {  	v4 =	vlaneseq.u32;
	[sflag:s6] =	ssyncset.done $0x0  }
0x136: {  	v63 =	vmul.u32 $0x10, v4;
	[sflag:s6] =	ssyncadd.s32 $0xFFFFFFF0  }
0x137: {  	[bflag:$0x0] =	sbarrier.arrive $0xFFFF  }
0x138: {  	[tilespmem:$0x1FFB0] =	vst v63  }
0x139: {  	s7 =	sadd.s32 $0x130, s7;
	s8 =	sor.u32 $0xA0, s11;
	s9 =	sadd.s32 $0xF0A0, s11;
	[tilespmem:$0x1FFC0] =	vst v22  }
0x13a: {  	s10 =	sadd.s32 $0xA0A0, s11;
	s11 =	sadd.s32 $0x50A0, s11;
	s12 =	simm.s32 $0x0;
	[tilespmem:$0x1FFD0] =	vst v23  }
0x13b: {  	s13 =	simm.s32 $0x19A00;
	s14 =	simm.s32 $0x5000;
	s15 =	simm.s32 $0xA000;
	[tilespmem:$0x1FFE0] =	vst v24  }
0x13c: {  	s16 =	simm.s32 $0xF000;
	s18 =	simm.s32 $0x0;
	s17 =	simm.s32 $0x0;
	[tilespmem:$0x1FFF0] =	vst v25  }
.LBB2_5:
0x13d: {  	v0 =	vld [tilespmem:$0x1FFB0];
	_ =	sdelay $0x1  }
0x13e: {  	s19 =	sshll.u32 s17, $0x8  }
0x13f: {  	s19 =	sand.u32 $0x100, s19  }
0x140: {  	s19 =	sadd.s32 s19, s2  }
0x141: {  	[tilespmem:s13], [sflag:$0x1] =	stream.linear.gather [spmem:s19], $0x100, $0x38;
	v7 =	vor.u32 $0x1, v0;
	[tilespmem:$0x19B30] =	vst v63  }
0x142: {  	_ =	swait.ge [sflag:s6], $0x100;
	v8 =	vor.u32 $0x4, v0  }
0x143: {  	[sflag:s6] =	ssyncset.done $0x0;
	v9 =	vor.u32 $0x5, v0  }
0x144: {  	v10 =	vor.u32 $0x6, v0;
	[sflag:s6] =	ssyncadd.s32 $0xFFFFFF00  }
0x145: {  	v12 =	vor.u32 $0x7, v0;
	v11 =	vld.idx.msk [tilespmem:v0+s13+$0x0], $0xffff  }
0x146: {  	v13 =	vor.u32 $0x2, v0;
	v7 =	vld.idx.msk [tilespmem:v7+s13+$0x0], $0xffff  }
0x147: {  	v14 =	vor.u32 $0x3, v0;
	v8 =	vld.idx.msk [tilespmem:v8+s13+$0x0], $0xffff  }
0x148: {  	v9 =	vld.idx.msk [tilespmem:v9+s13+$0x0], $0xffff  }
0x149: {  	v10 =	vld.idx.msk [tilespmem:v10+s13+$0x0], $0xffff  }
0x14a: {  	v12 =	vld.idx.msk [tilespmem:v12+s13+$0x0], $0xffff  }
0x14b: {  	v13 =	vld.idx.msk [tilespmem:v13+s13+$0x0], $0xffff  }
0x14c: {  	v14 =	vld.idx.msk [tilespmem:v14+s13+$0x0], $0xffff;
	_ =	sdelay $0x1  }
0x14d: {  	v15 =	vperm.xlane v11, v22;
	v16 =	vperm.xlane v7, v22  }
0x14e: {  	v17 =	vperm.xlane v8, v22;
	v18 =	vperm.xlane v10, v22  }
0x14f: {  	v19 =	vperm.xlane v9, v22;
	v20 =	vperm.xlane v12, v22  }
0x150: {  	v21 =	vperm.xlane v13, v22;
	v22 =	vperm.xlane v14, v22;
	vm7 =	vgt.f32 v18, v11  }
0x151: {  	vm8 =	veq.f32 v18, v11;
	vm9 =	vlt.s32 v20, v7;
	vm10 =	veq.f32 v17, v13  }
0x152: {  	vm11 =	vlt.s32 v19, v14;
	vm8 =	vmand vm8, vm9;
	vm9 =	vgt.f32 v17, v13  }
0x153: {  	vm10 =	vmand vm10, vm11;
	vm11 =	vlt.s32 v16, v12;
	vm7 =	vmor vm7, vm8  }
0x154: {  	vm8 =	vmor vm9, vm10;
	vm9 =	veq.f32 v21, v8;
	vm10 =	vlt.s32 v22, v9  }
0x155: {  	v11 =	vsel vm7, v18, v11;
	v7 =	vsel vm7, v20, v7;
	v13 =	vsel vm8, v17, v13  }
0x156: {  	vm7 =	vgt.f32 v21, v8;
	vm9 =	vmand vm9, vm10;
	vm10 =	veq.f32 v15, v10  }
0x157: {  	vm7 =	vmor vm7, vm9;
	vm9 =	vgt.f32 v15, v10;
	vm10 =	vmand vm10, vm11  }
0x158: {  	v14 =	vsel vm8, v19, v14;
	v8 =	vsel vm7, v21, v8;
	vm8 =	vmor vm9, vm10  }
0x159: {  	v9 =	vsel vm7, v22, v9;
	v10 =	vsel vm8, v15, v10;
	v12 =	vsel vm8, v16, v12  }
0x15a: {  	vm7 =	vgt.f32 v8, v11;
	vm8 =	veq.f32 v8, v11;
	vm9 =	vlt.s32 v9, v7  }
0x15b: {  	vm8 =	vmand vm8, vm9;
	vm9 =	veq.f32 v10, v13;
	vm10 =	vlt.s32 v12, v14  }
0x15c: {  	vm7 =	vmor vm7, vm8;
	vm8 =	vgt.f32 v10, v13;
	vm9 =	vmand vm9, vm10  }
0x15d: {  	v15 =	vsel vm7, v8, v11;
	v16 =	vsel vm7, v9, v7;
	vm8 =	vmor vm8, vm9  }
0x15e: {  	v8 =	vsel vm7, v11, v8;
	v7 =	vsel vm7, v7, v9;
	v9 =	vsel vm8, v10, v13  }
0x15f: {  	v11 =	vsel vm8, v12, v14;
	v10 =	vsel vm8, v13, v10;
	v12 =	vsel vm8, v14, v12  }
0x160: {  	vm7 =	vgt.f32 v9, v15;
	vm8 =	veq.f32 v9, v15;
	vm9 =	vlt.s32 v11, v16  }
0x161: {  	vm10 =	vlt.s32 v12, v7;
	vm8 =	vmand vm8, vm9;
	vm9 =	veq.f32 v10, v8  }
0x162: {  	vm7 =	vmor vm7, vm8;
	vm8 =	vgt.f32 v10, v8;
	vm9 =	vmand vm9, vm10  }
0x163: {  	v13 =	vsel vm7, v9, v15;
	v14 =	vsel vm7, v11, v16;
	vm8 =	vmor vm8, vm9  }
0x164: {  	v9 =	vsel vm7, v15, v9;
	v15 =	vsel vm8, v10, v8;
	v17 =	vsel vm8, v12, v7  }
0x165: {  	v8 =	vsel vm8, v8, v10;
	v10 =	vperm.xlane v13, v23;
	v18 =	vperm.xlane v14, v23  }
0x166: {  	v7 =	vsel vm8, v7, v12;
	v21 =	vperm.xlane v9, v23;
	v19 =	vperm.xlane v8, v23  }
0x167: {  	v11 =	vsel vm7, v16, v11;
	v12 =	vperm.xlane v15, v23;
	v20 =	vperm.xlane v7, v23  }
0x168: {  	v22 =	vperm.xlane v11, v23;
	v16 =	vperm.xlane v17, v23;
	vm7 =	vgt.f32 v19, v13  }
0x169: {  	vm8 =	veq.f32 v19, v13;
	vm9 =	vlt.s32 v20, v14;
	vm10 =	veq.f32 v12, v9  }
0x16a: {  	vm11 =	vlt.s32 v16, v11;
	vm8 =	vmand vm8, vm9;
	vm9 =	vgt.f32 v12, v9  }
0x16b: {  	vm10 =	vmand vm10, vm11;
	vm11 =	vlt.s32 v18, v7;
	vm7 =	vmor vm7, vm8  }
0x16c: {  	vm8 =	vmor vm9, vm10;
	vm9 =	veq.f32 v21, v15;
	vm10 =	vlt.s32 v22, v17  }
0x16d: {  	v13 =	vsel vm7, v19, v13;
	v14 =	vsel vm7, v20, v14;
	v9 =	vsel vm8, v12, v9  }
0x16e: {  	vm7 =	vgt.f32 v21, v15;
	vm9 =	vmand vm9, vm10;
	vm10 =	veq.f32 v10, v8  }
0x16f: {  	vm7 =	vmor vm7, vm9;
	vm9 =	vgt.f32 v10, v8;
	vm10 =	vmand vm10, vm11  }
0x170: {  	v11 =	vsel vm8, v16, v11;
	v12 =	vsel vm7, v21, v15;
	vm8 =	vmor vm9, vm10  }
0x171: {  	v15 =	vsel vm7, v22, v17;
	v8 =	vsel vm8, v10, v8;
	v7 =	vsel vm8, v18, v7  }
0x172: {  	vm7 =	vgt.f32 v12, v13;
	vm8 =	veq.f32 v12, v13;
	vm9 =	vlt.s32 v15, v14  }
0x173: {  	vm8 =	vmand vm8, vm9;
	vm9 =	veq.f32 v8, v9;
	vm10 =	vlt.s32 v7, v11  }
0x174: {  	vm7 =	vmor vm7, vm8;
	vm8 =	vgt.f32 v8, v9;
	vm9 =	vmand vm9, vm10  }
0x175: {  	v10 =	vsel vm7, v12, v13;
	v16 =	vsel vm7, v15, v14;
	vm8 =	vmor vm8, vm9  }
0x176: {  	v12 =	vsel vm7, v13, v12;
	v13 =	vsel vm7, v14, v15;
	v14 =	vsel vm8, v8, v9  }
0x177: {  	v15 =	vsel vm8, v7, v11;
	v8 =	vsel vm8, v9, v8;
	v7 =	vsel vm8, v11, v7  }
0x178: {  	vm7 =	vgt.f32 v14, v10;
	vm8 =	veq.f32 v14, v10;
	vm9 =	vlt.s32 v15, v16  }
0x179: {  	vm10 =	vlt.s32 v7, v13;
	vm8 =	vmand vm8, vm9;
	vm9 =	veq.f32 v8, v12  }
0x17a: {  	vm7 =	vmor vm7, vm8;
	vm8 =	vgt.f32 v8, v12;
	vm9 =	vmand vm9, vm10  }
0x17b: {  	v9 =	vsel vm7, v14, v10;
	v11 =	vsel vm7, v15, v16;
	vm8 =	vmor vm8, vm9  }
0x17c: {  	v10 =	vsel vm7, v10, v14;
	v14 =	vsel vm8, v8, v12;
	v17 =	vsel vm8, v7, v13  }
0x17d: {  	v8 =	vsel vm8, v12, v8;
	v12 =	vperm.xlane v9, v24;
	v18 =	vperm.xlane v11, v24  }
0x17e: {  	v7 =	vsel vm8, v13, v7;
	v21 =	vperm.xlane v10, v24;
	v19 =	vperm.xlane v8, v24  }
0x17f: {  	v15 =	vsel vm7, v16, v15;
	v13 =	vperm.xlane v14, v24;
	v20 =	vperm.xlane v7, v24  }
0x180: {  	v22 =	vperm.xlane v15, v24;
	v16 =	vperm.xlane v17, v24;
	vm7 =	vgt.f32 v19, v9  }
0x181: {  	vm8 =	veq.f32 v19, v9;
	vm9 =	vlt.s32 v20, v11;
	vm10 =	veq.f32 v13, v10  }
0x182: {  	vm11 =	vlt.s32 v16, v15;
	vm8 =	vmand vm8, vm9;
	vm9 =	vgt.f32 v13, v10  }
0x183: {  	vm10 =	vmand vm10, vm11;
	vm11 =	vlt.s32 v18, v7;
	vm7 =	vmor vm7, vm8  }
0x184: {  	vm8 =	vmor vm9, vm10;
	vm9 =	veq.f32 v21, v14;
	vm10 =	vlt.s32 v22, v17  }
0x185: {  	v9 =	vsel vm7, v19, v9;
	v11 =	vsel vm7, v20, v11;
	v10 =	vsel vm8, v13, v10  }
0x186: {  	vm7 =	vgt.f32 v21, v14;
	vm9 =	vmand vm9, vm10;
	vm10 =	veq.f32 v12, v8  }
0x187: {  	vm7 =	vmor vm7, vm9;
	vm9 =	vgt.f32 v12, v8;
	vm10 =	vmand vm10, vm11  }
0x188: {  	v13 =	vsel vm8, v16, v15;
	v14 =	vsel vm7, v21, v14;
	vm8 =	vmor vm9, vm10  }
0x189: {  	v15 =	vsel vm7, v22, v17;
	v8 =	vsel vm8, v12, v8;
	v7 =	vsel vm8, v18, v7  }
0x18a: {  	vm7 =	vgt.f32 v14, v9;
	vm8 =	veq.f32 v14, v9;
	vm9 =	vlt.s32 v15, v11  }
0x18b: {  	vm8 =	vmand vm8, vm9;
	vm9 =	veq.f32 v8, v10;
	vm10 =	vlt.s32 v7, v13  }
0x18c: {  	vm7 =	vmor vm7, vm8;
	vm8 =	vgt.f32 v8, v10;
	vm9 =	vmand vm9, vm10  }
0x18d: {  	v12 =	vsel vm7, v14, v9;
	v16 =	vsel vm7, v15, v11;
	vm8 =	vmor vm8, vm9  }
0x18e: {  	v9 =	vsel vm7, v9, v14;
	v11 =	vsel vm7, v11, v15;
	v14 =	vsel vm8, v8, v10  }
0x18f: {  	v15 =	vsel vm8, v7, v13;
	v8 =	vsel vm8, v10, v8;
	v7 =	vsel vm8, v13, v7  }
0x190: {  	vm7 =	vgt.f32 v14, v12;
	vm8 =	veq.f32 v14, v12;
	vm9 =	vlt.s32 v15, v16  }
0x191: {  	vm10 =	vlt.s32 v7, v11;
	vm8 =	vmand vm8, vm9;
	vm9 =	veq.f32 v8, v9  }
0x192: {  	vm7 =	vmor vm7, vm8;
	vm8 =	vgt.f32 v8, v9;
	vm9 =	vmand vm9, vm10  }
0x193: {  	v10 =	vsel vm7, v14, v12;
	v13 =	vsel vm7, v15, v16;
	vm8 =	vmor vm8, vm9  }
0x194: {  	v12 =	vsel vm7, v12, v14;
	v14 =	vsel vm8, v8, v9;
	v17 =	vsel vm8, v7, v11  }
0x195: {  	v8 =	vsel vm8, v9, v8;
	v9 =	vperm.xlane v10, v25;
	v18 =	vperm.xlane v13, v25  }
0x196: {  	v7 =	vsel vm8, v11, v7;
	v21 =	vperm.xlane v12, v25;
	v19 =	vperm.xlane v8, v25  }
0x197: {  	v15 =	vsel vm7, v16, v15;
	v11 =	vperm.xlane v14, v25;
	v20 =	vperm.xlane v7, v25  }
0x198: {  	v22 =	vperm.xlane v15, v25;
	v16 =	vperm.xlane v17, v25;
	vm7 =	vgt.f32 v19, v10  }
0x199: {  	vm8 =	veq.f32 v19, v10;
	vm9 =	vlt.s32 v20, v13;
	vm10 =	veq.f32 v11, v12  }
0x19a: {  	vm11 =	vlt.s32 v16, v15;
	vm8 =	vmand vm8, vm9;
	vm9 =	vgt.f32 v11, v12  }
0x19b: {  	vm10 =	vmand vm10, vm11;
	vm11 =	vlt.s32 v18, v7;
	vm7 =	vmor vm7, vm8  }
0x19c: {  	vm8 =	vmor vm9, vm10;
	vm9 =	veq.f32 v21, v14;
	vm10 =	vlt.s32 v22, v17  }
0x19d: {  	v10 =	vsel vm7, v19, v10;
	v13 =	vsel vm7, v20, v13;
	v11 =	vsel vm8, v11, v12  }
0x19e: {  	vm7 =	vgt.f32 v21, v14;
	vm9 =	vmand vm9, vm10;
	vm10 =	veq.f32 v9, v8  }
0x19f: {  	vm7 =	vmor vm7, vm9;
	vm9 =	vgt.f32 v9, v8;
	vm10 =	vmand vm10, vm11  }
0x1a0: {  	v12 =	vsel vm8, v16, v15;
	v14 =	vsel vm7, v21, v14;
	vm8 =	vmor vm9, vm10  }
0x1a1: {  	v15 =	vsel vm7, v22, v17;
	v8 =	vsel vm8, v9, v8;
	v7 =	vsel vm8, v18, v7  }
0x1a2: {  	vm7 =	vgt.f32 v14, v10;
	vm8 =	veq.f32 v14, v10;
	vm9 =	vlt.s32 v15, v13  }
0x1a3: {  	vm8 =	vmand vm8, vm9;
	vm9 =	veq.f32 v8, v11;
	vm10 =	vlt.s32 v7, v12  }
0x1a4: {  	vm8 =	vmor vm7, vm8;
	vm7 =	vgt.f32 v8, v11;
	vm9 =	vmand vm9, vm10  }
0x1a5: {  	v27 =	vsel vm8, v14, v10;
	vm9 =	vmor vm7, vm9  }
0x1a6: {  	v9 =	vsel vm8, v15, v13;
	v28 =	vsel vm9, v8, v11;
	v16 =	vsel vm9, v7, v12  }
0x1a7: {  	vm7 =	veq.f32 v28, v27;
	vm10 =	vlt.s32 v16, v9  }
0x1a8: {  	vm11 =	vgt.f32 v28, v27;
	vm7 =	vmand vm7, vm10  }
0x1a9: {  	vm7 =	vmor vm11, vm7  }
0x1aa: {  	v17 =	vsel vm7, v16, v9;
	_ =	sdelay $0x2  }
0x1ab: {  	v29 =	vsel vm8, v10, v14;
	v18 =	vsel vm8, v13, v15  }
0x1ac: {  	v30 =	vsel vm9, v11, v8;
	v19 =	vsel vm9, v12, v7;
	v14 =	vsel vm7, v9, v16  }
0x1ad: {  	vm8 =	veq.f32 v30, v29;
	vm9 =	vlt.s32 v19, v18;
	v7 =	vld.idx.msk [tilespmem:v17+s12+$0x0], $0xffff  }
0x1ae: {  	vm10 =	vgt.f32 v30, v29;
	vm8 =	vmand vm8, vm9;
	v8 =	vld.idx.msk [tilespmem:v17+s14+$0x0], $0xffff  }
0x1af: {  	vm8 =	vmor vm10, vm8;
	v9 =	vld.idx.msk [tilespmem:v17+s15+$0x0], $0xffff  }
0x1b0: {  	v20 =	vsel vm8, v19, v18;
	v10 =	vld.idx.msk [tilespmem:v17+s16+$0x0], $0xffff  }
0x1b1: {  	v11 =	vld.idx.msk [tilespmem:v14+s12+$0x0], $0xffff  }
0x1b2: {  	v12 =	vld.idx.msk [tilespmem:v14+s14+$0x0], $0xffff  }
0x1b3: {  	v13 =	vld.idx.msk [tilespmem:v14+s15+$0x0], $0xffff  }
0x1b4: {  	v14 =	vld.idx.msk [tilespmem:v14+s16+$0x0], $0xffff  }
0x1b5: {  	v16 =	vld.idx.msk [tilespmem:v20+s14+$0x0], $0xffff  }
0x1b6: {  	v25 =	vsel vm8, v18, v19;
	v18 =	vld.idx.msk [tilespmem:v20+s16+$0x0], $0xffff  }
0x1b7: {  	v15 =	vld.idx.msk [tilespmem:v20+s12+$0x0], $0xffff  }
0x1b8: {  	v17 =	vld.idx.msk [tilespmem:v20+s15+$0x0], $0xffff  }
0x1b9: {  	v21 =	vsub.f32 v9, v7  }
0x1ba: {  	v22 =	vsub.f32 v10, v8;
	v20 =	vsub.f32 v13, v11;
	v23 =	vmax.f32 v7, v11  }
0x1bb: {  	v24 =	vmin.f32 v10, v14;
	v26 =	vmax.f32 v8, v12;
	v32 =	vsub.f32 v18, v16  }
0x1bc: {  	v34 =	vmax.f32 v7, v15;
	v35 =	vmin.f32 v10, v18;
	v36 =	vmax.f32 v8, v16  }
0x1bd: {  	v62 =	vmin.f32 v13, v17;
	v38 =	vmin.f32 v14, v18;
	v39 =	vmax.f32 v12, v16  }
0x1be: {  	v24 =	vsub.f32 v24, v26;
	v19 =	vmax.f32 v21, $0.0e+00;
	v21 =	vmax.f32 v22, $0.0e+00  }
0x1bf: {  	v22 =	vmin.f32 v9, v13;
	v19 =	vmul.f32 v21, v19;
	v21 =	vsub.f32 v14, v12  }
0x1c0: {  	v26 =	vsub.f32 v17, v15;
	v31 =	vmax.f32 v20, $0.0e+00;
	v20 =	vld.idx.msk [tilespmem:v25+s12+$0x0], $0xffff;
	v23 =	vsub.f32 v22, v23  }
0x1c1: {  	v63 =	vsub.f32 v38, v39;
	v24 =	vmax.f32 v24, $0.0e+00;
	v21 =	vmax.f32 v21, $0.0e+00  }
0x1c2: {  	v22 =	vld.idx.msk [tilespmem:v25+s15+$0x0], $0xffff;
	v26 =	vmax.f32 v26, $0.0e+00;
	v23 =	vmax.f32 v23, $0.0e+00;
	v21 =	vmul.f32 v21, v31  }
0x1c3: {  	v31 =	vmax.f32 v32, $0.0e+00;
	v32 =	vmul.f32 v24, v23;
	v24 =	vmin.f32 v9, v17  }
0x1c4: {  	v37 =	vmax.f32 v11, v15;
	v23 =	vld.idx.msk [tilespmem:v25+s14+$0x0], $0xffff;
	v34 =	vsub.f32 v24, v34;
	v24 =	vmul.f32 v31, v26  }
0x1c5: {  	v25 =	vld.idx.msk [tilespmem:v25+s16+$0x0], $0xffff;
	v26 =	vsub.f32 v35, v36;
	v36 =	vmax.f32 v63, $0.0e+00;
	v2 =	vmax.f32 v7, v20  }
0x1c6: {  	v49 =	vmax.f32 v11, v20;
	v53 =	vmax.f32 v15, v20;
	v33 =	vadd.f32 v21, v19  }
0x1c7: {  	v31 =	vsub.f32 v22, v20;
	v48 =	vmin.f32 v13, v22;
	v52 =	vmin.f32 v17, v22  }
0x1c8: {  	v34 =	vmax.f32 v34, $0.0e+00;
	v26 =	vmax.f32 v26, $0.0e+00;
	v61 =	vadd.f32 v24, v19  }
0x1c9: {  	v1 =	vadd.f32 v24, v21;
	v33 =	vsub.f32 v33, v32;
	v34 =	vmul.f32 v26, v34  }
0x1ca: {  	v26 =	vsub.f32 v62, v37;
	v31 =	vmax.f32 v31, $0.0e+00;
	v0 =	vsub.f32 v25, v23  }
0x1cb: {  	v40 =	vmin.f32 v10, v25;
	v41 =	vmax.f32 v8, v23;
	v50 =	vmin.f32 v14, v25  }
0x1cc: {  	v51 =	vmax.f32 v12, v23;
	v54 =	vmin.f32 v18, v25;
	v55 =	vmax.f32 v16, v23  }
0x1cd: {  	v33 =	vadd.f32 $9.999999970e-07, v33;
	v35 =	vsub.f32 v61, v34;
	v26 =	vmax.f32 v26, $0.0e+00  }
0x1ce: {  	v40 =	vsub.f32 v40, v41;
	v36 =	vmul.f32 v36, v26;
	v26 =	vmin.f32 v9, v22  }
0x1cf: {  	v38 =	vsub.f32 v50, v51;
	v37 =	vmax.f32 v0, $0.0e+00;
	v39 =	vsub.f32 v26, v2  }
0x1d0: {  	v26 =	vmul.f32 v37, v31;
	v31 =	vadd.f32 $9.999999970e-07, v35;
	(erf) = vrcp.f32 v33  }
0x1d1: {  	v46 =	vmax.f32 v40, $0.0e+00;
	v37 =	vsub.f32 v48, v49;
	v44 =	vsub.f32 v1, v36  }
0x1d2: {  	v40 =	vsub.f32 v54, v55;
	v45 =	vmax.f32 v39, $0.0e+00;
	(erf) = vrcp.f32 v31  }
0x1d3: {  	v47 =	vadd.f32 v26, v19;
	v31 =	vadd.f32 $9.999999970e-07, v44;
	v33 =	vmul.f32 v46, v45  }
0x1d4: {  	v38 =	vmax.f32 v38, $0.0e+00;
	v39 =	vsub.f32 v52, v53;
	v37 =	vmax.f32 v37, $0.0e+00  }
0x1d5: {  	v57 =	vadd.f32 v26, v21;
	(erf) = vrcp.f32 v31;
	v31 =	vsub.f32 v47, v33  }
0x1d6: {  	v59 =	vmax.f32 v40, $0.0e+00;
	v56 =	vmul.f32 v38, v37;
	v58 =	vmax.f32 v39, $0.0e+00  }
0x1d7: {  	v60 =	vadd.f32 v26, v24;
	v38 =	vmul.f32 v59, v58;
	v31 =	vadd.f32 $9.999999970e-07, v31  }
0x1d8: {  	v61 =	vsel vm7, v28, v27;
	v37 =	vsub.f32 v57, v56  }
0x1d9: {  	v27 =	vsel vm7, v27, v28;
	v28 =	vsub.f32 v60, v38;
	(erf) = vrcp.f32 v31  }
0x1da: {  	v62 =	vmov s18;
	v41 =	vsel vm8, v29, v30;
	v37 =	vadd.f32 $9.999999970e-07, v37  }
0x1db: {  	v31 =	vsel vm8, v30, v29;
	v29 =	vadd.s32 $0x1, v62;
	v28 =	vadd.f32 $9.999999970e-07, v28  }
0x1dc: {  	v30 =	vpop (erf);
	vm7 =	vlt.s32 v29, $0x100;
	(erf) = vrcp.f32 v37  }
0x1dd: {  	v29 =	vmul.f32 v30, v32;
	v30 =	vpop (erf);
	(erf) = vrcp.f32 v28;
	v28 =	vadd.s32 $0x2, v62  }
0x1de: {  	v63 =	vimm.s32 $0x0;
	vm9 =	vgt.f32 v27, $-5.000000000e+09;
	v30 =	vmul.f32 v30, v34  }
0x1df: {  	vm7 =	vmand vm7, vm9;
	vm9 =	vgt.f32 v31, $-5.000000000e+09;
	vm8 =	vgt.f32 v29, $5.000000000e-01  }
0x1e0: {  	vm10 =	vlt.s32 v28, $0x100;
	vm8 =	vmneg vm8;
	v28 =	vpop (erf);
	vm11 =	vgt.f32 v30, $5.000000000e-01  }
0x1e1: {  	vm8 =	vmand vm8, vm7;
	vm7 =	vgt.f32 v61, $-5.000000000e+09;
	v28 =	vmul.f32 v28, v36  }
0x1e2: {  	vm9 =	vmand vm10, vm9;
	vm10 =	vmneg vm11;
	vm8 =	vmand vm7, vm8;
	v29 =	vpop (erf)  }
0x1e3: {  	vm11 =	vgt.f32 v28, $5.000000000e-01;
	v28 =	vmul.f32 v29, v33;
	v29 =	vsel vm8, $0x1, v63  }
0x1e4: {  	(v2sf) =	vpush v61, $0x0;
	v30 =	vadd.s32 $0x3, v62  }
0x1e5: {  	vm9 =	vmand vm10, vm9;
	vm10 =	vmneg vm11;
	(v2sf) =	vpush v29, $0x0  }
0x1e6: {  	vm11 =	vlt.s32 v30, $0x100;
	vm9 =	vmand vm10, vm9;
	vm10 =	vgt.f32 v41, $-5.000000000e+09;
	v29 =	vpop (erf)  }
0x1e7: {  	vm10 =	vmand vm11, vm10;
	vm11 =	vgt.f32 v28, $5.000000000e-01;
	v28 =	vmul.f32 v29, v56;
	v29 =	vpop (erf)  }
0x1e8: {  	vm9 =	vmand vm9, vm8;
	vm11 =	vmneg vm11;
	v29 =	vmul.f32 v29, v38  }
0x1e9: {  	vm10 =	vmand vm11, vm10;
	vm11 =	vgt.f32 v28, $5.000000000e-01;
	v28 =	vsel vm9, $0x1, v63  }
0x1ea: {  	vm11 =	vmneg vm11;
	vm12 =	vgt.f32 v29, $5.000000000e-01;
	(v2sf) =	vpush v28, $0x0  }
0x1eb: {  	vm10 =	vmand vm11, vm10;
	vm11 =	vmneg vm12  }
0x1ec: {  	vm10 =	vmand vm11, vm10  }
0x1ed: {  	vm10 =	vmand vm10, vm9  }
0x1ee: {  	v28 =	vsel vm10, $0x1, v63  }
0x1ef: {  	s24 =	sshll.u32 s18, $0x6;
	(v2sf) =	vpush v28, $0x0  }
0x1f0: {  	s23 =	sshra.s32 s24, $0x2;
	v28 =	vnsel vm7, $0x0, v7  }
0x1f1: {  	[tilespmem:s23+$0x14A00] =	vst v28;
	v28 =	vnsel vm7, $0x0, v8  }
0x1f2: {  	[tilespmem:s23+$0x15A00] =	vst v28;
	v28 =	vnsel vm7, $0x0, v9  }
0x1f3: {  	s19 =	spop (v2sf);
	[tilespmem:s23+$0x16A00] =	vst v28;
	v28 =	vnsel vm7, $0x0, v10  }
0x1f4: {  	s20 =	spop (v2sf);
	[tilespmem:s23+$0x17A00] =	vst v28;
	v28 =	vnsel vm7, $0x0, v61  }
0x1f5: {  	p0 =	sne.s32 s20, $0x0;
	[tilespmem:s23+$0x18A00] =	vst v28  }
0x1f6: {  	[tilespmem:s23+$0x14A10] =	vst @p0 v11  }
0x1f7: {  	[tilespmem:s23+$0x15A10] =	vst @p0 v12  }
0x1f8: {  	[tilespmem:s23+$0x16A10] =	vst @p0 v13  }
0x1f9: {  	[tilespmem:s23+$0x17A10] =	vst @p0 v14;
	s25 =	spop (v2sf)  }
0x1fa: {  	[tilespmem:s23+$0x18A10] =	vst @p0 v27;
	p1 =	sne.s32 s25, $0x0  }
0x1fb: {  	[tilespmem:s23+$0x14A20] =	vst @p1 v15  }
0x1fc: {  	[tilespmem:s23+$0x15A20] =	vst @p1 v16  }
0x1fd: {  	[tilespmem:s23+$0x16A20] =	vst @p1 v17  }
0x1fe: {  	[tilespmem:s23+$0x17A20] =	vst @p1 v18;
	s26 =	spop (v2sf)  }
0x1ff: {  	[tilespmem:s23+$0x18A20] =	vst @p1 v31;
	p2 =	sne.s32 s26, $0x0  }
0x200: {  	s22 =	simm.s32 $0x1;
	s21 =	simm.s32 $0x1;
	[tilespmem:s23+$0x14A30] =	vst @p2 v20  }
0x201: {  	s28 =	smov.u32 s11;
	s29 =	smov.u32 s10;
	s30 =	smov.u32 s9;
	[tilespmem:s23+$0x15A30] =	vst @p2 v23  }
0x202: {  	s31 =	smov.u32 s7;
	s24 =	simm.s32 $0x145A0;
	v35 =	vimm.f32 $-3.000000010e+38;
	v32 =	vimm.s32 $0x0;
	s20 =	simm.s32 $0x1;
	[tilespmem:s23+$0x16A30] =	vst @p2 v22  }
0x203: {  	v34 =	vimm.s32 $0x0;
	v30 =	vimm.s32 $0x0;
	v33 =	vimm.f32 $-3.000000010e+38;
	s20 =	simm.s32 @!p0 $0x0;
	s25 =	simm.s32 $0x140A0;
	s22 =	simm.s32 @!p1 $0x0;
	[tilespmem:s23+$0x17A30] =	vst @p2 v25  }
0x204: {  	v29 =	vimm.f32 $-3.000000010e+38;
	v28 =	vimm.s32 $0x0;
	v31 =	vimm.f32 $-3.000000010e+38;
	s26 =	smov.u32 s8;
	s21 =	simm.s32 @!p2 $0x0;
	[tilespmem:s23+$0x18A30] =	vst @p2 v41;
	s23 =	simm.s32 $0xFFFFFFEC  }
.LBB2_6:
0x205: {  	v27 =	vld [tilespmem:s26+$0xFFFFFF60]  }
0x206: {  	v36 =	vld [tilespmem:s28+$0xFFFFFF60]  }
0x207: {  	v37 =	vld [tilespmem:s29+$0xFFFFFF60]  }
0x208: {  	v38 =	vld [tilespmem:s30+$0xFFFFFF60]  }
0x209: {  	v40 =	vld [tilespmem:s24+$0xFFFFFF60];
	_ =	sdelay $0x2  }
0x20a: {  	v39 =	vmin.f32 v9, v37  }
0x20b: {  	v41 =	vmax.f32 v7, v27;
	v42 =	vmin.f32 v10, v38;
	v43 =	vmax.f32 v8, v36  }
0x20c: {  	v57 =	vadd.f32 v40, v19;
	v58 =	vmin.f32 v13, v37;
	v59 =	vmax.f32 v11, v27  }
0x20d: {  	v60 =	vmin.f32 v14, v38;
	v44 =	vmax.f32 v12, v36;
	v61 =	vmin.f32 v17, v37  }
0x20e: {  	v45 =	vmax.f32 v15, v27;
	v62 =	vmin.f32 v18, v38;
	v46 =	vmax.f32 v16, v36  }
0x20f: {  	v37 =	vmin.f32 v22, v37;
	v0 =	vadd.f32 v40, v21;
	v2 =	vadd.f32 v40, v24  }
0x210: {  	v27 =	vmax.f32 v20, v27;
	v39 =	vsub.f32 v39, v41;
	v56 =	vsub.f32 v42, v43  }
0x211: {  	v38 =	vmin.f32 v25, v38;
	v42 =	vsub.f32 v58, v59;
	v43 =	vsub.f32 v60, v44  }
0x212: {  	v36 =	vmax.f32 v23, v36;
	v44 =	vsub.f32 v61, v45;
	v45 =	vsub.f32 v62, v46  }
0x213: {  	v27 =	vsub.f32 v37, v27;
	v36 =	vsub.f32 v38, v36  }
0x214: {  	v39 =	vmax.f32 v39, $0.0e+00;
	v41 =	vmax.f32 v56, $0.0e+00;
	v42 =	vmax.f32 v42, $0.0e+00  }
0x215: {  	v43 =	vmax.f32 v43, $0.0e+00;
	v44 =	vmax.f32 v44, $0.0e+00;
	v39 =	vmul.f32 v41, v39  }
0x216: {  	v45 =	vmax.f32 v45, $0.0e+00;
	v27 =	vmax.f32 v27, $0.0e+00;
	v63 =	vmul.f32 v43, v42  }
0x217: {  	v36 =	vmax.f32 v36, $0.0e+00;
	v1 =	vmul.f32 v45, v44;
	v41 =	vsub.f32 v57, v39  }
0x218: {  	v27 =	vmul.f32 v36, v27;
	v45 =	vadd.f32 v40, v26;
	v38 =	vsub.f32 v0, v63  }
0x219: {  	v47 =	vsub.f32 v2, v1;
	v46 =	vadd.f32 $9.999999970e-07, v41  }
0x21a: {  	v36 =	vsub.f32 v45, v27;
	v38 =	vadd.f32 $9.999999970e-07, v38  }
0x21b: {  	v48 =	vadd.f32 $9.999999970e-07, v47;
	(erf) = vrcp.f32 v46  }
0x21c: {  	v43 =	vld [tilespmem:s30+$0xFFFFFF70];
	v36 =	vadd.f32 $9.999999970e-07, v36;
	(erf) = vrcp.f32 v38  }
0x21d: {  	v41 =	vld [tilespmem:s28+$0xFFFFFF70];
	(erf) = vrcp.f32 v48  }
0x21e: {  	v40 =	vld [tilespmem:s26+$0xFFFFFF70];
	(erf) = vrcp.f32 v36  }
0x21f: {  	v42 =	vld [tilespmem:s24+$0xFFFFFF70];
	_ =	sdelay $0x2  }
0x220: {  	v61 =	vmin.f32 v14, v43;
	v47 =	vmax.f32 v12, v41  }
0x221: {  	v53 =	vmax.f32 v7, v40;
	v62 =	vsub.f32 v61, v47  }
0x222: {  	v54 =	vmin.f32 v10, v43;
	v58 =	vadd.f32 v42, v19;
	v60 =	vmax.f32 v11, v40;
	v49 =	vpop (erf)  }
0x223: {  	v55 =	vmax.f32 v8, v41;
	v45 =	vmax.f32 v62, $0.0e+00;
	v38 =	vpop (erf);
	v36 =	vmul.f32 v49, v39  }
0x224: {  	v39 =	vld [tilespmem:s29+$0xFFFFFF70];
	v49 =	vmax.f32 v15, v40;
	v40 =	vmax.f32 v20, v40;
	v37 =	vmul.f32 v38, v63;
	v50 =	vpop (erf)  }
0x225: {  	v38 =	vmul.f32 v50, v1;
	v51 =	vpop (erf);
	vm11 =	vgt.f32 v36, $5.000000000e-01;
	v1 =	vadd.f32 v42, v21  }
0x226: {  	s0 =	sadd.s32 $0xFFFFFED0, s31;
	vm12 =	vgt.f32 v37, $5.000000000e-01;
	v27 =	vmul.f32 v51, v27;
	vm11 =	vmand vm7, vm11  }
0x227: {  	v37 =	vor.u32 s0, v4;
	vm12 =	vmand vm8, vm12;
	vm13 =	vgt.f32 v38, $5.000000000e-01  }
0x228: {  	v52 =	vld [tilespmem:s25+$0xFFFFFF60];
	v38 =	vsub.f32 v54, v55;
	vm11 =	vmor vm11, vm12;
	vm12 =	vmand vm9, vm13  }
0x229: {  	vm13 =	vgt.f32 v27, $5.000000000e-01;
	v27 =	vmin.f32 v9, v39;
	v59 =	vmin.f32 v13, v39  }
0x22a: {  	v51 =	vld [tilespmem:s29+$0xFFFFFF80];
	v48 =	vmin.f32 v17, v39;
	v39 =	vmin.f32 v22, v39;
	vm11 =	vmor vm12, vm11  }
0x22b: {  	vm12 =	vmand vm10, vm13;
	v56 =	vsub.f32 v27, v53;
	v38 =	vmax.f32 v38, $0.0e+00  }
0x22c: {  	v2 =	vsub.f32 v48, v49;
	v53 =	vmax.f32 v16, v41;
	vm11 =	vmor vm12, vm11  }
0x22d: {  	v41 =	vmax.f32 v23, v41;
	v39 =	vsub.f32 v39, v40;
	v27 =	vsel vm11, $0xD01502F9, v52  }
0x22e: {  	v57 =	vmax.f32 v56, $0.0e+00;
	v52 =	vmin.f32 v18, v43;
	v43 =	vmin.f32 v25, v43  }
0x22f: {  	v56 =	vadd.f32 v42, v24;
	v39 =	vmax.f32 v39, $0.0e+00;
	v61 =	vmin.f32 v9, v51  }
0x230: {  	vm14 =	vgt.f32 v27, v35;
	v44 =	vmul.f32 v38, v57;
	vm13 =	vgt.f32 v27, v33  }
0x231: {  	v38 =	vsub.f32 v59, v60;
	vm11 =	vgt.f32 v27, v29;
	v48 =	vsub.f32 v52, v53  }
0x232: {  	v49 =	vld [tilespmem:s28+$0xFFFFFF80];
	vm12 =	vgt.f32 v27, v31;
	v54 =	vsub.f32 v43, v41;
	v57 =	vadd.f32 v42, v26  }
0x233: {  	v36 =	vsel vm14, v27, v35;
	v50 =	vsel vm13, v27, v33;
	v55 =	vsel vm13, v37, v32  }
0x234: {  	v43 =	vsel vm11, v37, v30;
	v31 =	vsel vm12, v27, v31;
	v28 =	vsel vm12, v37, v28  }
0x235: {  	v41 =	vld [tilespmem:s26+$0xFFFFFF80];
	v63 =	vsub.f32 v58, v44;
	v0 =	vmax.f32 v38, $0.0e+00;
	v38 =	vsel vm14, v37, v34  }
0x236: {  	v42 =	vld [tilespmem:s30+$0xFFFFFF80];
	v48 =	vmax.f32 v48, $0.0e+00;
	v40 =	vmax.f32 v54, $0.0e+00;
	v35 =	vsel vm14, v35, v50  }
0x237: {  	v34 =	vsel vm14, v34, v55;
	v58 =	vsel vm11, v27, v29;
	v52 =	vmax.f32 v8, v49  }
0x238: {  	v55 =	vmax.f32 v12, v49;
	v45 =	vmul.f32 v45, v0;
	v39 =	vmul.f32 v40, v39  }
0x239: {  	v43 =	vsel vm13, v32, v43;
	v29 =	vsel vm11, v29, v31;
	v46 =	vadd.f32 $9.999999970e-07, v63  }
0x23a: {  	v33 =	vsel vm13, v33, v58;
	v47 =	vsub.f32 v1, v45;
	v40 =	vsub.f32 v57, v39  }
0x23b: {  	v62 =	vmax.f32 v7, v41;
	v63 =	vmin.f32 v10, v42;
	v1 =	vmin.f32 v13, v51  }
0x23c: {  	(erf) = vrcp.f32 v46;
	v46 =	vmax.f32 v2, $0.0e+00;
	v0 =	vsub.f32 v63, v52  }
0x23d: {  	v53 =	vld [tilespmem:s24+$0xFFFFFF80];
	v2 =	vmax.f32 v11, v41;
	v46 =	vmul.f32 v48, v46;
	v47 =	vadd.f32 $9.999999970e-07, v47  }
0x23e: {  	v54 =	vmin.f32 v14, v42;
	v40 =	vadd.f32 $9.999999970e-07, v40;
	v52 =	vsub.f32 v1, v2  }
0x23f: {  	v1 =	vmin.f32 v17, v51;
	v2 =	vmax.f32 v15, v41;
	v48 =	vsub.f32 v56, v46  }
0x240: {  	v41 =	vmax.f32 v20, v41;
	(erf) = vrcp.f32 v47;
	v47 =	vsub.f32 v61, v62  }
0x241: {  	v58 =	vmax.f32 v0, $0.0e+00;
	v56 =	vsub.f32 v54, v55;
	v60 =	vadd.f32 $9.999999970e-07, v48  }
0x242: {  	v61 =	vadd.f32 v53, v19;
	v48 =	vsub.f32 v1, v2;
	v1 =	vmin.f32 v22, v51  }
0x243: {  	v57 =	vmax.f32 v47, $0.0e+00;
	v41 =	vsub.f32 v1, v41;
	(erf) = vrcp.f32 v60  }
0x244: {  	(erf) = vrcp.f32 v40;
	v40 =	vmul.f32 v58, v57;
	v57 =	vmin.f32 v18, v42  }
0x245: {  	v58 =	vmax.f32 v16, v49;
	v42 =	vmin.f32 v25, v42;
	v49 =	vmax.f32 v23, v49  }
0x246: {  	v37 =	vsel vm11, v30, v28;
	v62 =	vadd.f32 v53, v21;
	v59 =	vpop (erf);
	v42 =	vsub.f32 v42, v49  }
0x247: {  	v51 =	vadd.f32 v53, v26;
	v41 =	vmax.f32 v41, $0.0e+00;
	v44 =	vmul.f32 v59, v44  }
0x248: {  	v59 =	vmax.f32 v56, $0.0e+00;
	v0 =	vsub.f32 v61, v40;
	v42 =	vmax.f32 v42, $0.0e+00  }
0x249: {  	vm14 =	vgt.f32 v44, $5.000000000e-01;
	v44 =	vmax.f32 v52, $0.0e+00;
	v60 =	vpop (erf);
	v41 =	vmul.f32 v42, v41  }
0x24a: {  	v44 =	vmul.f32 v59, v44;
	v63 =	vmul.f32 v60, v45;
	v45 =	vadd.f32 $9.999999970e-07, v0  }
0x24b: {  	vm13 =	vmand vm7, vm14;
	v60 =	vsub.f32 v57, v58;
	v0 =	vadd.f32 v53, v24  }
0x24c: {  	v47 =	vsub.f32 v62, v44;
	vm14 =	vgt.f32 v63, $5.000000000e-01;
	(erf) = vrcp.f32 v45;
	v59 =	vpop (erf)  }
0x24d: {  	v62 =	vmax.f32 v48, $0.0e+00;
	v63 =	vmax.f32 v60, $0.0e+00;
	v48 =	vld [tilespmem:s29+$0xFFFFFF90];
	v32 =	vmul.f32 v59, v46  }
0x24e: {  	v52 =	vsub.f32 v51, v41;
	v61 =	vadd.f32 $9.999999970e-07, v47;
	v47 =	vmul.f32 v63, v62;
	v2 =	vpop (erf);
	v46 =	vld [tilespmem:s26+$0xFFFFFF90]  }
0x24f: {  	v50 =	vld [tilespmem:s25+$0xFFFFFF70];
	vm14 =	vmand vm8, vm14;
	vm15 =	vgt.f32 v32, $5.000000000e-01;
	v32 =	vmul.f32 v2, v39  }
0x250: {  	v31 =	vadd.f32 $9.999999970e-07, v52;
	vm13 =	vmor vm13, vm14;
	v49 =	vsub.f32 v0, v47  }
0x251: {  	(erf) = vrcp.f32 v61;
	vm14 =	vmand vm9, vm15;
	vm15 =	vgt.f32 v32, $5.000000000e-01  }
0x252: {  	v39 =	vadd.f32 $9.999999970e-07, v49;
	vm13 =	vmor vm14, vm13;
	vm14 =	vmand vm10, vm15  }
0x253: {  	s0 =	sadd.s32 $0xFFFFFEE0, s31;
	v62 =	vmin.f32 v13, v48;
	v57 =	vmax.f32 v7, v46;
	vm12 =	vmor vm14, vm13  }
0x254: {  	(erf) = vrcp.f32 v39;
	v39 =	vor.u32 s0, v4;
	v28 =	vsel vm12, $0xD01502F9, v50  }
0x255: {  	(erf) = vrcp.f32 v31;
	v53 =	vpop (erf);
	vm13 =	vgt.f32 v28, v36;
	vm14 =	vgt.f32 v28, v35  }
0x256: {  	vm11 =	vgt.f32 v28, v33;
	vm12 =	vgt.f32 v28, v29;
	v32 =	vmul.f32 v53, v40  }
0x257: {  	v42 =	vsel vm13, v28, v36;
	v30 =	vsel vm14, v28, v35;
	v31 =	vsel vm14, v39, v34  }
0x258: {  	v40 =	vld [tilespmem:s24+$0xFFFFFF90];
	v45 =	vsel vm13, v39, v38;
	v36 =	vsel vm13, v36, v30;
	v30 =	vsel vm11, v28, v33  }
0x259: {  	v29 =	vsel vm12, v28, v29;
	v38 =	vsel vm13, v38, v31;
	v30 =	vsel vm14, v35, v30;
	v35 =	vld [tilespmem:s30+$0xFFFFFF90]  }
0x25a: {  	vm13 =	vgt.f32 v32, $5.000000000e-01;
	v32 =	vsel vm11, v33, v29;
	v29 =	vmin.f32 v9, v48;
	v31 =	vpop (erf)  }
0x25b: {  	v54 =	vsel vm11, v39, v43;
	v29 =	vsub.f32 v29, v57;
	v55 =	vmul.f32 v31, v44  }
0x25c: {  	v63 =	vmax.f32 v11, v46;
	vm13 =	vmand vm7, vm13;
	v44 =	vld [tilespmem:s28+$0xFFFFFF90];
	v31 =	vsel vm14, v34, v54  }
0x25d: {  	v29 =	vmax.f32 v29, $0.0e+00;
	v57 =	vadd.f32 v40, v21;
	v56 =	vpop (erf);
	vm14 =	vgt.f32 v55, $5.000000000e-01  }
0x25e: {  	v34 =	vmul.f32 v56, v47;
	vm14 =	vmand vm8, vm14;
	v58 =	vpop (erf);
	v60 =	vmin.f32 v10, v35  }
0x25f: {  	v0 =	vmin.f32 v14, v35;
	vm13 =	vmor vm13, vm14;
	v59 =	vmul.f32 v58, v41  }
0x260: {  	v41 =	vsub.f32 v62, v63;
	v58 =	vsel vm12, v39, v37;
	v63 =	vmin.f32 v17, v48  }
0x261: {  	v51 =	vld [tilespmem:s26+$0xFFFFFFA0];
	s0 =	sadd.s32 $0xFFFFFEF0, s31;
	v48 =	vmin.f32 v22, v48;
	vm15 =	vgt.f32 v34, $5.000000000e-01;
	v61 =	vmax.f32 v8, v44  }
0x262: {  	v1 =	vmax.f32 v12, v44;
	v39 =	vsel vm11, v43, v58;
	v43 =	vor.u32 s0, v4  }
0x263: {  	v58 =	vadd.f32 v40, v24;
	vm14 =	vmand vm9, vm15;
	v34 =	vsub.f32 v60, v61  }
0x264: {  	v54 =	vsub.f32 v0, v1;
	v55 =	vmax.f32 v41, $0.0e+00;
	v0 =	vmax.f32 v15, v46  }
0x265: {  	v46 =	vmax.f32 v20, v46;
	vm13 =	vmor vm14, vm13;
	vm14 =	vgt.f32 v59, $5.000000000e-01  }
0x266: {  	v2 =	vld [tilespmem:s25+$0xFFFFFF80];
	v1 =	vsub.f32 v63, v0;
	v46 =	vsub.f32 v48, v46;
	v0 =	vmax.f32 v7, v51  }
0x267: {  	s0 =	sadd.s32 $0xFFFFFF00, s31;
	v34 =	vmax.f32 v34, $0.0e+00;
	v56 =	vmax.f32 v54, $0.0e+00;
	vm14 =	vmand vm10, vm14  }
0x268: {  	v54 =	vor.u32 s0, v4;
	v49 =	vmul.f32 v34, v29;
	v29 =	vadd.f32 v40, v19  }
0x269: {  	v41 =	vmul.f32 v56, v55;
	vm12 =	vmor vm14, vm13;
	v56 =	vmin.f32 v18, v35  }
0x26a: {  	v35 =	vmin.f32 v25, v35;
	v46 =	vmax.f32 v46, $0.0e+00;
	v40 =	vadd.f32 v40, v26  }
0x26b: {  	v59 =	vsub.f32 v29, v49;
	v29 =	vsel vm12, $0xD01502F9, v2;
	v33 =	vsub.f32 v57, v41  }
0x26c: {  	v57 =	vmax.f32 v16, v44;
	v44 =	vmax.f32 v23, v44;
	vm14 =	vgt.f32 v29, v42  }
0x26d: {  	vm13 =	vgt.f32 v29, v36;
	vm11 =	vgt.f32 v29, v30;
	v50 =	vsub.f32 v56, v57  }
0x26e: {  	v52 =	vld [tilespmem:s28+$0xFFFFFFA0];
	vm12 =	vgt.f32 v29, v32;
	v35 =	vsub.f32 v35, v44;
	v37 =	vadd.f32 $9.999999970e-07, v59  }
0x26f: {  	v60 =	vadd.f32 $9.999999970e-07, v33;
	v34 =	vsel vm14, v29, v42;
	v33 =	vsel vm14, v43, v45  }
0x270: {  	v48 =	vld [tilespmem:s30+$0xFFFFFFA0];
	v61 =	vsel vm13, v29, v36;
	v62 =	vsel vm13, v43, v38;
	v2 =	vsel vm11, v29, v30  }
0x271: {  	v59 =	vsel vm11, v43, v31;
	v32 =	vsel vm12, v29, v32;
	v39 =	vsel vm12, v43, v39  }
0x272: {  	v44 =	vld [tilespmem:s29+$0xFFFFFFA0];
	v50 =	vmax.f32 v50, $0.0e+00;
	v36 =	vsel vm13, v36, v2;
	v35 =	vmax.f32 v35, $0.0e+00  }
0x273: {  	v2 =	vmax.f32 v8, v52;
	v31 =	vsel vm11, v31, v39;
	(erf) = vrcp.f32 v37  }
0x274: {  	v37 =	vsel vm14, v42, v61;
	v42 =	vsel vm14, v45, v62;
	v45 =	vmax.f32 v1, $0.0e+00  }
0x275: {  	v46 =	vmul.f32 v35, v46;
	v35 =	vsel vm13, v38, v59;
	v1 =	vmin.f32 v10, v48  }
0x276: {  	(erf) = vrcp.f32 v60;
	v45 =	vmul.f32 v50, v45;
	v57 =	vsub.f32 v1, v2  }
0x277: {  	v50 =	vld [tilespmem:s24+$0xFFFFFFA0];
	v1 =	vmax.f32 v15, v51;
	v40 =	vsub.f32 v40, v46;
	v63 =	vmin.f32 v9, v44  }
0x278: {  	v2 =	vmin.f32 v18, v48;
	v47 =	vsub.f32 v58, v45;
	v56 =	vsub.f32 v63, v0  }
0x279: {  	v58 =	vmax.f32 v57, $0.0e+00;
	v63 =	vmax.f32 v12, v52;
	v0 =	vmin.f32 v17, v44  }
0x27a: {  	v57 =	vmax.f32 v16, v52;
	v52 =	vmax.f32 v23, v52;
	v40 =	vadd.f32 $9.999999970e-07, v40  }
0x27b: {  	v53 =	vsub.f32 v2, v57;
	v47 =	vadd.f32 $9.999999970e-07, v47;
	v38 =	vmax.f32 v56, $0.0e+00  }
0x27c: {  	v2 =	vsel vm11, v30, v32;
	v38 =	vmul.f32 v58, v38;
	v59 =	vadd.f32 v50, v19  }
0x27d: {  	v53 =	vmax.f32 v53, $0.0e+00;
	v58 =	vadd.f32 v50, v21;
	(erf) = vrcp.f32 v47  }
0x27e: {  	(erf) = vrcp.f32 v40;
	v40 =	vsub.f32 v59, v38;
	v59 =	vadd.f32 v50, v24;
	v60 =	vpop (erf)  }
0x27f: {  	v61 =	vpop (erf);
	v62 =	vmul.f32 v60, v49;
	v60 =	vmin.f32 v13, v44;
	v49 =	vsub.f32 v0, v1  }
0x280: {  	v44 =	vmin.f32 v22, v44;
	v40 =	vadd.f32 $9.999999970e-07, v40;
	v41 =	vmul.f32 v61, v41  }
0x281: {  	v39 =	vld [tilespmem:s30+$0xFFFFFFB0];
	v61 =	vmax.f32 v11, v51;
	v51 =	vmax.f32 v20, v51;
	vm13 =	vgt.f32 v62, $5.000000000e-01  }
0x282: {  	v62 =	vmin.f32 v14, v48;
	v49 =	vmax.f32 v49, $0.0e+00;
	v48 =	vmin.f32 v25, v48  }
0x283: {  	v44 =	vsub.f32 v44, v51;
	(erf) = vrcp.f32 v40;
	vm13 =	vmand vm7, vm13  }
0x284: {  	vm14 =	vgt.f32 v41, $5.000000000e-01;
	v41 =	vsub.f32 v60, v61;
	v47 =	vsub.f32 v62, v63  }
0x285: {  	v48 =	vsub.f32 v48, v52;
	v49 =	vmul.f32 v53, v49;
	v60 =	vadd.f32 v50, v26  }
0x286: {  	v52 =	vmin.f32 v10, v39;
	v41 =	vmax.f32 v41, $0.0e+00;
	v47 =	vmax.f32 v47, $0.0e+00  }
0x287: {  	v44 =	vmax.f32 v44, $0.0e+00;
	v48 =	vmax.f32 v48, $0.0e+00;
	v41 =	vmul.f32 v47, v41;
	v61 =	vpop (erf)  }
0x288: {  	vm14 =	vmand vm8, vm14;
	v44 =	vmul.f32 v48, v44;
	v45 =	vmul.f32 v61, v45;
	v62 =	vpop (erf)  }
0x289: {  	v63 =	vld [tilespmem:s25+$0xFFFFFF90];
	vm13 =	vmor vm13, vm14;
	v47 =	vsub.f32 v58, v41;
	v46 =	vmul.f32 v62, v46  }
0x28a: {  	v51 =	vsub.f32 v59, v49;
	v48 =	vsub.f32 v60, v44;
	vm14 =	vgt.f32 v45, $5.000000000e-01  }
0x28b: {  	v47 =	vadd.f32 $9.999999970e-07, v47;
	vm14 =	vmand vm9, vm14;
	vm15 =	vgt.f32 v46, $5.000000000e-01  }
0x28c: {  	v0 =	vadd.f32 $9.999999970e-07, v51;
	vm13 =	vmor vm14, vm13;
	vm14 =	vmand vm10, vm15  }
0x28d: {  	v1 =	vadd.f32 $9.999999970e-07, v48;
	v59 =	vpop (erf);
	(erf) = vrcp.f32 v47;
	vm12 =	vmor vm14, vm13  }
0x28e: {  	v38 =	vmul.f32 v59, v38;
	(erf) = vrcp.f32 v0;
	v30 =	vsel vm12, $0xD01502F9, v63  }
0x28f: {  	v40 =	vld [tilespmem:s24+$0xFFFFFFB0];
	(erf) = vrcp.f32 v1;
	vm12 =	vgt.f32 v30, v34;
	vm13 =	vgt.f32 v30, v37  }
0x290: {  	v50 =	vld [tilespmem:s26+$0xFFFFFFB0];
	vm11 =	vgt.f32 v30, v36;
	vm14 =	vgt.f32 v30, v2;
	v55 =	vsel vm13, v30, v37  }
0x291: {  	v47 =	vld [tilespmem:s29+$0xFFFFFFB0];
	v43 =	vsel vm12, v30, v34;
	v45 =	vsel vm12, v54, v33;
	v56 =	vsel vm13, v54, v42  }
0x292: {  	v57 =	vsel vm11, v30, v36;
	v58 =	vsel vm11, v54, v35;
	v61 =	vsel vm14, v30, v2  }
0x293: {  	v31 =	vsel vm14, v54, v31;
	v46 =	vsel vm12, v34, v55;
	v32 =	vsel vm13, v42, v58;
	v42 =	vld [tilespmem:s28+$0xFFFFFFB0]  }
0x294: {  	v51 =	vsel vm12, v33, v56;
	v33 =	vsel vm13, v37, v57;
	v34 =	vsel vm11, v36, v61  }
0x295: {  	vm12 =	vgt.f32 v38, $5.000000000e-01;
	v35 =	vsel vm11, v35, v31;
	v55 =	vadd.f32 v40, v19  }
0x296: {  	v57 =	vmax.f32 v11, v50;
	v58 =	vmin.f32 v14, v39;
	v56 =	vmin.f32 v13, v47  }
0x297: {  	vm12 =	vmand vm7, vm12;
	v48 =	vmin.f32 v9, v47;
	v38 =	vsub.f32 v56, v57;
	v60 =	vpop (erf)  }
0x298: {  	v53 =	vmax.f32 v8, v42;
	v59 =	vmax.f32 v12, v42;
	v62 =	vmul.f32 v60, v41  }
0x299: {  	v41 =	vsub.f32 v52, v53;
	v60 =	vsub.f32 v58, v59;
	v58 =	vmin.f32 v18, v39  }
0x29a: {  	v63 =	vpop (erf);
	v59 =	vmax.f32 v16, v42;
	v39 =	vmin.f32 v25, v39;
	v42 =	vmax.f32 v23, v42  }
0x29b: {  	v0 =	vmul.f32 v63, v49;
	v49 =	vmax.f32 v7, v50;
	v63 =	vadd.f32 v40, v21  }
0x29c: {  	v1 =	vpop (erf);
	v52 =	vsub.f32 v58, v59;
	v39 =	vsub.f32 v39, v42;
	vm13 =	vgt.f32 v62, $5.000000000e-01  }
0x29d: {  	v37 =	vmul.f32 v1, v44;
	v36 =	vsub.f32 v48, v49;
	v54 =	vmax.f32 v41, $0.0e+00  }
0x29e: {  	v62 =	vmax.f32 v38, $0.0e+00;
	v44 =	vmax.f32 v60, $0.0e+00;
	v1 =	vmax.f32 v15, v50  }
0x29f: {  	v50 =	vmax.f32 v20, v50;
	vm13 =	vmand vm8, vm13;
	vm14 =	vgt.f32 v0, $5.000000000e-01  }
0x2a0: {  	v53 =	vld [tilespmem:s28+$0xFFFFFFC0];
	v44 =	vmul.f32 v44, v62;
	v0 =	vmin.f32 v17, v47;
	v47 =	vmin.f32 v22, v47  }
0x2a1: {  	s0 =	sadd.s32 $0xFFFFFF10, s31;
	v2 =	vld [tilespmem:s25+$0xFFFFFFA0];
	v52 =	vmax.f32 v52, $0.0e+00;
	v39 =	vmax.f32 v39, $0.0e+00;
	vm12 =	vmor vm12, vm13  }
0x2a2: {  	vm13 =	vmand vm9, vm14;
	vm14 =	vgt.f32 v37, $5.000000000e-01;
	v37 =	vor.u32 s0, v4  }
0x2a3: {  	v36 =	vmax.f32 v36, $0.0e+00;
	v57 =	vsub.f32 v0, v1;
	v47 =	vsub.f32 v47, v50  }
0x2a4: {  	vm12 =	vmor vm13, vm12;
	vm13 =	vmand vm10, vm14;
	v41 =	vmul.f32 v54, v36  }
0x2a5: {  	v49 =	vsub.f32 v63, v44;
	v56 =	vmax.f32 v8, v53;
	vm12 =	vmor vm13, vm12  }
0x2a6: {  	v59 =	vmax.f32 v12, v53;
	v47 =	vmax.f32 v47, $0.0e+00;
	v31 =	vsel vm12, $0xD01502F9, v2  }
0x2a7: {  	v61 =	vsub.f32 v55, v41;
	v49 =	vadd.f32 $9.999999970e-07, v49;
	v39 =	vmul.f32 v39, v47  }
0x2a8: {  	vm14 =	vgt.f32 v31, v43;
	vm13 =	vgt.f32 v31, v46;
	vm11 =	vgt.f32 v31, v33  }
0x2a9: {  	v42 =	vld [tilespmem:s26+$0xFFFFFFC0];
	vm12 =	vgt.f32 v31, v34;
	v36 =	vsel vm14, v31, v43;
	v38 =	vsel vm14, v37, v45  }
0x2aa: {  	v55 =	vld [tilespmem:s29+$0xFFFFFFC0];
	v48 =	vadd.f32 $9.999999970e-07, v61;
	v2 =	vsel vm13, v31, v46;
	v60 =	vsel vm13, v37, v51  }
0x2ab: {  	v47 =	vld [tilespmem:s30+$0xFFFFFFC0];
	v61 =	vadd.f32 v40, v24;
	v40 =	vadd.f32 v40, v26;
	v62 =	vsel vm11, v31, v33  }
0x2ac: {  	v50 =	vsel vm11, v37, v32;
	v34 =	vsel vm12, v31, v34;
	v43 =	vsel vm14, v43, v2  }
0x2ad: {  	v45 =	vsel vm14, v45, v60;
	v46 =	vsel vm13, v46, v62;
	(erf) = vrcp.f32 v48  }
0x2ae: {  	v2 =	vmax.f32 v7, v42;
	v50 =	vsel vm13, v51, v50;
	v48 =	vmax.f32 v57, $0.0e+00  }
0x2af: {  	v48 =	vmul.f32 v52, v48;
	(erf) = vrcp.f32 v49;
	v1 =	vmin.f32 v9, v55  }
0x2b0: {  	v40 =	vsub.f32 v40, v39;
	v57 =	vld [tilespmem:s24+$0xFFFFFFC0];
	v58 =	vmin.f32 v14, v47;
	v49 =	vsub.f32 v1, v2  }
0x2b1: {  	v60 =	vmin.f32 v10, v47;
	v1 =	vsub.f32 v58, v59;
	v52 =	vsub.f32 v61, v48  }
0x2b2: {  	v62 =	vmin.f32 v13, v55;
	v40 =	vadd.f32 $9.999999970e-07, v40;
	v61 =	vsub.f32 v60, v56  }
0x2b3: {  	v2 =	vmax.f32 v49, $0.0e+00;
	v58 =	vmax.f32 v1, $0.0e+00;
	v0 =	vadd.f32 $9.999999970e-07, v52  }
0x2b4: {  	v1 =	vmin.f32 v18, v47;
	v47 =	vmin.f32 v25, v47;
	v56 =	vmax.f32 v61, $0.0e+00  }
0x2b5: {  	v60 =	vadd.f32 v57, v19;
	v61 =	vadd.f32 v57, v21;
	(erf) = vrcp.f32 v0  }
0x2b6: {  	(erf) = vrcp.f32 v40;
	v40 =	vmul.f32 v56, v2;
	v2 =	vmax.f32 v16, v53;
	v63 =	vpop (erf)  }
0x2b7: {  	v53 =	vmax.f32 v23, v53;
	v41 =	vmul.f32 v63, v41;
	v63 =	vmax.f32 v11, v42  }
0x2b8: {  	v33 =	vsel vm11, v33, v34;
	v47 =	vsub.f32 v47, v53;
	v59 =	vpop (erf);
	v0 =	vsub.f32 v62, v63  }
0x2b9: {  	v44 =	vmul.f32 v59, v44;
	v62 =	vsub.f32 v60, v40;
	v63 =	vmin.f32 v17, v55  }
0x2ba: {  	v60 =	vsub.f32 v1, v2;
	v1 =	vmin.f32 v22, v55;
	v47 =	vmax.f32 v47, $0.0e+00  }
0x2bb: {  	v55 =	vadd.f32 v57, v26;
	vm14 =	vgt.f32 v41, $5.000000000e-01;
	v41 =	vmax.f32 v0, $0.0e+00  }
0x2bc: {  	vm13 =	vmand vm7, vm14;
	v0 =	vmax.f32 v15, v42;
	vm14 =	vgt.f32 v44, $5.000000000e-01  }
0x2bd: {  	v42 =	vmax.f32 v20, v42;
	v41 =	vmul.f32 v58, v41;
	v52 =	vsub.f32 v63, v0  }
0x2be: {  	vm14 =	vmand vm8, vm14;
	v63 =	vmax.f32 v60, $0.0e+00;
	v0 =	vadd.f32 v57, v24  }
0x2bf: {  	v42 =	vsub.f32 v1, v42;
	v57 =	vsel vm12, v37, v35;
	vm13 =	vmor vm13, vm14  }
0x2c0: {  	v49 =	vsub.f32 v61, v41;
	v59 =	vpop (erf);
	v61 =	vadd.f32 $9.999999970e-07, v62;
	v62 =	vmax.f32 v52, $0.0e+00  }
0x2c1: {  	v42 =	vmax.f32 v42, $0.0e+00;
	v44 =	vmul.f32 v59, v48;
	v51 =	vmul.f32 v63, v62;
	v2 =	vpop (erf)  }
0x2c2: {  	v54 =	vld [tilespmem:s25+$0xFFFFFFB0];
	v37 =	vsel vm11, v32, v57;
	v42 =	vmul.f32 v47, v42;
	v39 =	vmul.f32 v2, v39  }
0x2c3: {  	v49 =	vadd.f32 $9.999999970e-07, v49;
	(erf) = vrcp.f32 v61;
	vm15 =	vgt.f32 v44, $5.000000000e-01  }
0x2c4: {  	v53 =	vsub.f32 v0, v51;
	vm14 =	vmand vm9, vm15;
	vm15 =	vgt.f32 v39, $5.000000000e-01  }
0x2c5: {  	v56 =	vsub.f32 v55, v42;
	vm13 =	vmor vm14, vm13;
	vm14 =	vmand vm10, vm15  }
0x2c6: {  	s0 =	sadd.s32 $0xFFFFFF20, s31;
	(erf) = vrcp.f32 v49;
	v44 =	vadd.f32 $9.999999970e-07, v53;
	vm12 =	vmor vm14, vm13  }
0x2c7: {  	v39 =	vor.u32 s0, v4;
	v49 =	vld [tilespmem:s26+$0xFFFFFFD0];
	v58 =	vadd.f32 $9.999999970e-07, v56;
	v32 =	vsel vm12, $0xD01502F9, v54  }
0x2c8: {  	(erf) = vrcp.f32 v44;
	vm13 =	vgt.f32 v32, v36;
	vm14 =	vgt.f32 v32, v43  }
0x2c9: {  	(erf) = vrcp.f32 v58;
	vm11 =	vgt.f32 v32, v46;
	vm12 =	vgt.f32 v32, v33  }
0x2ca: {  	v54 =	vld [tilespmem:s29+$0xFFFFFFD0];
	v44 =	vsel vm13, v32, v36;
	v47 =	vsel vm13, v39, v38;
	v59 =	vsel vm14, v32, v43  }
0x2cb: {  	v60 =	vsel vm14, v39, v45;
	v62 =	vsel vm11, v32, v46;
	v0 =	vsel vm11, v39, v50  }
0x2cc: {  	v33 =	vsel vm12, v32, v33;
	v56 =	vmax.f32 v7, v49;
	v37 =	vsel vm12, v39, v37  }
0x2cd: {  	v52 =	vsel vm13, v36, v59;
	v53 =	vsel vm13, v38, v60;
	v34 =	vsel vm14, v43, v62;
	v43 =	vld [tilespmem:s30+$0xFFFFFFD0];
	v61 =	vpop (erf)  }
0x2ce: {  	v35 =	vsel vm14, v45, v0;
	v36 =	vsel vm11, v46, v33;
	v1 =	vmul.f32 v61, v40  }
0x2cf: {  	v62 =	vmax.f32 v11, v49;
	v55 =	vmin.f32 v9, v54;
	v40 =	vld [tilespmem:s24+$0xFFFFFFD0];
	v61 =	vmin.f32 v13, v54;
	v63 =	vpop (erf)  }
0x2d0: {  	v33 =	vsub.f32 v55, v56;
	v2 =	vmul.f32 v63, v41;
	v41 =	vld [tilespmem:s28+$0xFFFFFFD0];
	vm13 =	vgt.f32 v1, $5.000000000e-01  }
0x2d1: {  	v46 =	vsel vm11, v50, v37;
	v45 =	vsub.f32 v61, v62;
	vm13 =	vmand vm7, vm13  }
0x2d2: {  	v59 =	vmin.f32 v10, v43;
	v33 =	vmax.f32 v33, $0.0e+00;
	v48 =	vpop (erf);
	vm14 =	vgt.f32 v2, $5.000000000e-01  }
0x2d3: {  	v63 =	vmin.f32 v14, v43;
	v51 =	vmul.f32 v48, v51;
	vm14 =	vmand vm8, vm14;
	v57 =	vpop (erf)  }
0x2d4: {  	v48 =	vadd.f32 v40, v19;
	vm13 =	vmor vm13, vm14;
	v58 =	vmul.f32 v57, v42  }
0x2d5: {  	v57 =	vadd.f32 v40, v21;
	vm15 =	vgt.f32 v51, $5.000000000e-01;
	v60 =	vmax.f32 v8, v41  }
0x2d6: {  	v0 =	vmax.f32 v12, v41;
	v51 =	vmax.f32 v45, $0.0e+00;
	vm14 =	vmand vm9, vm15  }
0x2d7: {  	v1 =	vld [tilespmem:s25+$0xFFFFFFC0];
	v42 =	vsub.f32 v59, v60;
	v2 =	vsub.f32 v63, v0;
	v63 =	vmin.f32 v17, v54  }
0x2d8: {  	v0 =	vmax.f32 v15, v49;
	v54 =	vmin.f32 v22, v54;
	v49 =	vmax.f32 v20, v49  }
0x2d9: {  	vm13 =	vmor vm14, vm13;
	vm14 =	vgt.f32 v58, $5.000000000e-01;
	v49 =	vsub.f32 v54, v49  }
0x2da: {  	v42 =	vmax.f32 v42, $0.0e+00;
	v56 =	vmax.f32 v2, $0.0e+00;
	vm14 =	vmand vm10, vm14  }
0x2db: {  	v42 =	vmul.f32 v42, v33;
	v45 =	vmul.f32 v56, v51;
	vm12 =	vmor vm14, vm13  }
0x2dc: {  	s0 =	sadd.s32 $0xFFFFFF30, s31;
	v49 =	vmax.f32 v49, $0.0e+00;
	v33 =	vsel vm12, $0xD01502F9, v1;
	v1 =	vsub.f32 v63, v0  }
0x2dd: {  	v58 =	vsub.f32 v48, v42;
	v59 =	vsub.f32 v57, v45;
	v48 =	vor.u32 s0, v4  }
0x2de: {  	vm14 =	vgt.f32 v33, v44;
	vm13 =	vgt.f32 v33, v52;
	vm11 =	vgt.f32 v33, v34  }
0x2df: {  	vm12 =	vgt.f32 v33, v36;
	v38 =	vsel vm14, v33, v44;
	v37 =	vsel vm14, v48, v47  }
0x2e0: {  	v61 =	vsel vm13, v33, v52;
	v39 =	vadd.f32 $9.999999970e-07, v58;
	v60 =	vadd.f32 $9.999999970e-07, v59  }
0x2e1: {  	v58 =	vmin.f32 v18, v43;
	v59 =	vmax.f32 v16, v41;
	v43 =	vmin.f32 v25, v43  }
0x2e2: {  	v41 =	vmax.f32 v23, v41;
	v51 =	vsub.f32 v58, v59;
	(erf) = vrcp.f32 v39  }
0x2e3: {  	v2 =	vsel vm11, v33, v34;
	v41 =	vsub.f32 v43, v41;
	(erf) = vrcp.f32 v60  }
0x2e4: {  	v55 =	vld [tilespmem:s26+$0xFFFFFFE0];
	v50 =	vsel vm13, v52, v2;
	v39 =	vmax.f32 v1, $0.0e+00;
	v51 =	vmax.f32 v51, $0.0e+00  }
0x2e5: {  	v52 =	vld [tilespmem:s30+$0xFFFFFFE0];
	v60 =	vadd.f32 v40, v24;
	v41 =	vmax.f32 v41, $0.0e+00;
	v51 =	vmul.f32 v51, v39  }
0x2e6: {  	v62 =	vsel vm13, v48, v53;
	v43 =	vld [tilespmem:s29+$0xFFFFFFE0];
	v40 =	vadd.f32 v40, v26;
	v41 =	vmul.f32 v41, v49  }
0x2e7: {  	v56 =	vld [tilespmem:s28+$0xFFFFFFE0];
	v36 =	vsel vm12, v33, v36;
	v44 =	vsel vm14, v44, v61;
	v0 =	vsub.f32 v60, v51  }
0x2e8: {  	s0 =	sadd.s32 $0xFFFFFF40, s31;
	v47 =	vsel vm14, v47, v62;
	v61 =	vsel vm11, v48, v35;
	v40 =	vsub.f32 v40, v41  }
0x2e9: {  	v54 =	vld [tilespmem:s24+$0xFFFFFFE0];
	v58 =	vsel vm11, v34, v36;
	v59 =	vor.u32 s0, v4;
	v1 =	vadd.f32 $9.999999970e-07, v0  }
0x2ea: {  	v39 =	vsel vm13, v53, v61;
	v61 =	vmin.f32 v10, v52;
	v40 =	vadd.f32 $9.999999970e-07, v40  }
0x2eb: {  	v2 =	vmin.f32 v9, v43;
	v60 =	vmax.f32 v7, v55;
	(erf) = vrcp.f32 v1;
	v62 =	vpop (erf)  }
0x2ec: {  	(erf) = vrcp.f32 v40;
	v63 =	vpop (erf);
	v42 =	vmul.f32 v62, v42;
	v62 =	vmax.f32 v8, v56  }
0x2ed: {  	v45 =	vmul.f32 v63, v45;
	v63 =	vsub.f32 v2, v60;
	v0 =	vsub.f32 v61, v62  }
0x2ee: {  	v2 =	vadd.f32 v54, v19;
	v60 =	vmin.f32 v13, v43;
	vm13 =	vgt.f32 v42, $5.000000000e-01  }
0x2ef: {  	v61 =	vmax.f32 v11, v55;
	v62 =	vmin.f32 v14, v52;
	vm13 =	vmand vm7, vm13  }
0x2f0: {  	vm14 =	vgt.f32 v45, $5.000000000e-01;
	v42 =	vmax.f32 v63, $0.0e+00;
	v1 =	vmax.f32 v0, $0.0e+00  }
0x2f1: {  	v45 =	vsub.f32 v60, v61;
	v63 =	vmax.f32 v12, v56;
	v0 =	vmin.f32 v17, v43  }
0x2f2: {  	v60 =	vmax.f32 v16, v56;
	v43 =	vmin.f32 v22, v43;
	v56 =	vmax.f32 v23, v56  }
0x2f3: {  	v61 =	vadd.f32 v54, v21;
	vm14 =	vmand vm8, vm14;
	v40 =	vmul.f32 v1, v42  }
0x2f4: {  	v49 =	vsub.f32 v62, v63;
	v1 =	vmax.f32 v15, v55;
	v62 =	vadd.f32 v54, v24  }
0x2f5: {  	v55 =	vmax.f32 v20, v55;
	v63 =	vadd.f32 v54, v26;
	v53 =	vsub.f32 v0, v1  }
0x2f6: {  	v45 =	vmax.f32 v45, $0.0e+00;
	v43 =	vsub.f32 v43, v55;
	v42 =	vsub.f32 v2, v40  }
0x2f7: {  	v49 =	vmax.f32 v49, $0.0e+00;
	v2 =	vmin.f32 v18, v52;
	v52 =	vmin.f32 v25, v52  }
0x2f8: {  	v53 =	vmax.f32 v53, $0.0e+00;
	v57 =	vsub.f32 v2, v60;
	v52 =	vsub.f32 v52, v56  }
0x2f9: {  	v45 =	vmul.f32 v49, v45;
	v43 =	vmax.f32 v43, $0.0e+00;
	v0 =	vpop (erf);
	v42 =	vadd.f32 $9.999999970e-07, v42  }
0x2fa: {  	v51 =	vmul.f32 v0, v51;
	v1 =	vpop (erf);
	v57 =	vmax.f32 v57, $0.0e+00;
	v52 =	vmax.f32 v52, $0.0e+00  }
0x2fb: {  	v49 =	vsub.f32 v61, v45;
	v41 =	vmul.f32 v1, v41;
	v53 =	vmul.f32 v57, v53  }
0x2fc: {  	vm13 =	vmor vm13, vm14;
	v2 =	vld [tilespmem:s25+$0xFFFFFFD0];
	v43 =	vmul.f32 v52, v43;
	(erf) = vrcp.f32 v42  }
0x2fd: {  	vm14 =	vgt.f32 v51, $5.000000000e-01;
	v57 =	vsel vm12, v48, v46;
	v49 =	vadd.f32 $9.999999970e-07, v49  }
0x2fe: {  	vm14 =	vmand vm9, vm14;
	vm15 =	vgt.f32 v41, $5.000000000e-01;
	v55 =	vsub.f32 v62, v53  }
0x2ff: {  	v52 =	vsub.f32 v63, v43;
	vm13 =	vmor vm14, vm13;
	vm14 =	vmand vm10, vm15  }
0x300: {  	v35 =	vsel vm11, v35, v57;
	(erf) = vrcp.f32 v49;
	vm12 =	vmor vm14, vm13  }
0x301: {  	v54 =	vadd.f32 $9.999999970e-07, v55;
	v55 =	vadd.f32 $9.999999970e-07, v52;
	v34 =	vsel vm12, $0xD01502F9, v2  }
0x302: {  	vm12 =	vgt.f32 v34, v38;
	vm13 =	vgt.f32 v34, v44;
	vm11 =	vgt.f32 v34, v50  }
0x303: {  	v51 =	vld [tilespmem:s29+$0xFFFFFFF0];
	(erf) = vrcp.f32 v54;
	v60 =	vsel vm13, v34, v44;
	v48 =	vsel vm12, v59, v37  }
0x304: {  	v61 =	vsel vm13, v59, v47;
	v62 =	vsel vm11, v34, v50;
	v63 =	vsel vm11, v59, v39;
	v54 =	vld [tilespmem:s26+$0xFFFFFFF0]  }
0x305: {  	s0 =	sadd.s32 $0xFFFFFF50, s31;
	(erf) = vrcp.f32 v55;
	v55 =	vsel vm12, v37, v61;
	v37 =	vsel vm13, v44, v62;
	v44 =	vld [tilespmem:s28+$0xFFFFFFF0]  }
0x306: {  	v41 =	vor.u32 s0, v4;
	vm14 =	vgt.f32 v34, v58;
	v36 =	vsel vm13, v47, v63;
	v47 =	vld [tilespmem:s30+$0xFFFFFFF0]  }
0x307: {  	v46 =	vsel vm12, v34, v38;
	v42 =	vsel vm14, v34, v58;
	v35 =	vsel vm14, v59, v35;
	v0 =	vpop (erf)  }
0x308: {  	v58 =	vmin.f32 v9, v51;
	v49 =	vsel vm12, v38, v60;
	v40 =	vmul.f32 v0, v40  }
0x309: {  	v38 =	vsel vm11, v50, v42;
	v39 =	vsel vm11, v39, v35;
	v59 =	vmax.f32 v7, v54  }
0x30a: {  	v0 =	vmin.f32 v13, v51;
	v1 =	vpop (erf);
	vm12 =	vgt.f32 v40, $5.000000000e-01;
	v40 =	vsub.f32 v58, v59  }
0x30b: {  	v60 =	vmin.f32 v10, v47;
	v61 =	vmax.f32 v8, v44;
	v45 =	vmul.f32 v1, v45  }
0x30c: {  	vm12 =	vmand vm7, vm12;
	v1 =	vmax.f32 v11, v54;
	v40 =	vmax.f32 v40, $0.0e+00  }
0x30d: {  	v42 =	vsub.f32 v0, v1;
	v1 =	vmin.f32 v18, v47;
	vm13 =	vgt.f32 v45, $5.000000000e-01  }
0x30e: {  	v2 =	vpop (erf);
	v45 =	vsub.f32 v60, v61;
	v61 =	vmin.f32 v17, v51;
	v51 =	vmin.f32 v22, v51  }
0x30f: {  	v52 =	vmul.f32 v2, v53;
	v53 =	vpop (erf);
	vm13 =	vmand vm8, vm13;
	v2 =	vmin.f32 v14, v47  }
0x310: {  	v57 =	vld [tilespmem:s25+$0xFFFFFFE0];
	v59 =	vmax.f32 v42, $0.0e+00;
	v47 =	vmin.f32 v25, v47;
	v56 =	vmul.f32 v53, v43  }
0x311: {  	vm12 =	vmor vm12, vm13;
	v43 =	vld [tilespmem:s24+$0xFFFFFFF0];
	v62 =	vmax.f32 v45, $0.0e+00;
	vm14 =	vgt.f32 v52, $5.000000000e-01  }
0x312: {  	v45 =	vmul.f32 v62, v40;
	v62 =	vmax.f32 v15, v54;
	v54 =	vmax.f32 v20, v54  }
0x313: {  	vm13 =	vmand vm9, vm14;
	vm14 =	vgt.f32 v56, $5.000000000e-01;
	v51 =	vsub.f32 v51, v54  }
0x314: {  	v56 =	vmax.f32 v12, v44;
	vm12 =	vmor vm13, vm12;
	vm13 =	vmand vm10, vm14  }
0x315: {  	v0 =	vsub.f32 v61, v62;
	vm12 =	vmor vm13, vm12;
	v51 =	vmax.f32 v51, $0.0e+00  }
0x316: {  	v35 =	vsel vm12, $0xD01502F9, v57;
	v63 =	vadd.f32 v43, v19;
	v57 =	vsub.f32 v2, v56  }
0x317: {  	v60 =	vadd.f32 v43, v21;
	v2 =	vmax.f32 v16, v44;
	v44 =	vmax.f32 v23, v44  }
0x318: {  	v61 =	vadd.f32 v43, v24;
	v43 =	vadd.f32 v43, v26;
	vm14 =	vgt.f32 v35, v46  }
0x319: {  	vm13 =	vgt.f32 v35, v49;
	vm11 =	vgt.f32 v35, v37;
	v56 =	vsub.f32 v1, v2  }
0x31a: {  	vm12 =	vgt.f32 v35, v38;
	v44 =	vsub.f32 v47, v44;
	v58 =	vsub.f32 v63, v45  }
0x31b: {  	v40 =	vsel vm14, v35, v46;
	v50 =	vmax.f32 v57, $0.0e+00;
	v42 =	vsel vm14, v41, v48  }
0x31c: {  	v63 =	vsel vm13, v35, v49;
	v62 =	vsel vm11, v35, v37;
	v54 =	vsel vm11, v41, v36  }
0x31d: {  	v38 =	vsel vm12, v35, v38;
	v50 =	vmul.f32 v50, v59;
	v52 =	vadd.f32 $9.999999970e-07, v58  }
0x31e: {  	v47 =	vld [tilespmem:s26+$0x0];
	v56 =	vmax.f32 v56, $0.0e+00;
	v44 =	vmax.f32 v44, $0.0e+00;
	v46 =	vsel vm14, v46, v63  }
0x31f: {  	v59 =	vld [tilespmem:s29+$0x0];
	v49 =	vsel vm13, v49, v62;
	v54 =	vsel vm13, v55, v54;
	(erf) = vrcp.f32 v52  }
0x320: {  	v57 =	vld [tilespmem:s28+$0x0];
	v44 =	vmul.f32 v44, v51;
	v53 =	vsub.f32 v60, v50;
	v52 =	vmax.f32 v0, $0.0e+00  }
0x321: {  	v37 =	vsel vm11, v37, v38;
	v51 =	vld [tilespmem:s30+$0x0];
	v60 =	vsel vm13, v41, v55;
	v52 =	vmul.f32 v56, v52  }
0x322: {  	v48 =	vsel vm14, v48, v60;
	v43 =	vsub.f32 v43, v44;
	v53 =	vadd.f32 $9.999999970e-07, v53  }
0x323: {  	v2 =	vmax.f32 v7, v47;
	v58 =	vmax.f32 v15, v47;
	v56 =	vsub.f32 v61, v52  }
0x324: {  	v43 =	vadd.f32 $9.999999970e-07, v43;
	v1 =	vmin.f32 v9, v59;
	(erf) = vrcp.f32 v53  }
0x325: {  	v60 =	vmax.f32 v8, v57;
	v53 =	vsub.f32 v1, v2;
	v0 =	vadd.f32 $9.999999970e-07, v56  }
0x326: {  	v61 =	vld [tilespmem:s24+$0x0];
	v1 =	vmin.f32 v13, v59;
	v2 =	vmax.f32 v11, v47;
	v62 =	vmin.f32 v14, v51  }
0x327: {  	v47 =	vmax.f32 v20, v47;
	(erf) = vrcp.f32 v0;
	v0 =	vmin.f32 v10, v51  }
0x328: {  	v56 =	vsub.f32 v0, v60;
	v60 =	vsub.f32 v1, v2;
	(erf) = vrcp.f32 v43;
	v63 =	vpop (erf)  }
0x329: {  	v0 =	vmax.f32 v53, $0.0e+00;
	v45 =	vmul.f32 v63, v45;
	v63 =	vmax.f32 v12, v57  }
0x32a: {  	v1 =	vmax.f32 v56, $0.0e+00;
	v56 =	vmin.f32 v17, v59;
	v63 =	vsub.f32 v62, v63  }
0x32b: {  	v43 =	vmul.f32 v1, v0;
	v62 =	vadd.f32 v61, v19;
	v0 =	vmin.f32 v18, v51  }
0x32c: {  	v1 =	vmax.f32 v16, v57;
	v56 =	vsub.f32 v56, v58;
	v51 =	vmin.f32 v25, v51  }
0x32d: {  	v57 =	vmax.f32 v23, v57;
	vm14 =	vgt.f32 v45, $5.000000000e-01;
	v45 =	vmax.f32 v60, $0.0e+00;
	v60 =	vpop (erf)  }
0x32e: {  	v2 =	vmax.f32 v63, $0.0e+00;
	v63 =	vadd.f32 v61, v21;
	v50 =	vmul.f32 v60, v50  }
0x32f: {  	v55 =	vsub.f32 v62, v43;
	v62 =	vmin.f32 v22, v59;
	v45 =	vmul.f32 v2, v45  }
0x330: {  	v51 =	vsub.f32 v51, v57;
	vm13 =	vmand vm7, vm14;
	v47 =	vsub.f32 v62, v47  }
0x331: {  	vm14 =	vgt.f32 v50, $5.000000000e-01;
	v53 =	vsub.f32 v63, v45;
	v63 =	vsub.f32 v0, v1  }
0x332: {  	v60 =	vadd.f32 v61, v24;
	v51 =	vmax.f32 v51, $0.0e+00;
	vm14 =	vmand vm8, vm14  }
0x333: {  	v2 =	vpop (erf);
	v0 =	vadd.f32 $9.999999970e-07, v55;
	v1 =	vmax.f32 v56, $0.0e+00;
	v47 =	vmax.f32 v47, $0.0e+00  }
0x334: {  	v50 =	vmul.f32 v2, v52;
	v47 =	vmul.f32 v51, v47;
	v2 =	vmax.f32 v63, $0.0e+00  }
0x335: {  	vm13 =	vmor vm13, vm14;
	v53 =	vadd.f32 $9.999999970e-07, v53;
	v55 =	vmul.f32 v2, v1;
	v63 =	vpop (erf)  }
0x336: {  	(erf) = vrcp.f32 v0;
	v1 =	vld [tilespmem:s25+$0xFFFFFFF0];
	v2 =	vadd.f32 v61, v26;
	v44 =	vmul.f32 v63, v44  }
0x337: {  	vm15 =	vgt.f32 v50, $5.000000000e-01;
	(erf) = vrcp.f32 v53;
	v0 =	vsub.f32 v60, v55  }
0x338: {  	vm14 =	vmand vm9, vm15;
	v56 =	vsub.f32 v2, v47;
	vm15 =	vgt.f32 v44, $5.000000000e-01  }
0x339: {  	vm13 =	vmor vm14, vm13;
	v50 =	vadd.f32 $9.999999970e-07, v0;
	vm14 =	vmand vm10, vm15  }
0x33a: {  	v57 =	vsel vm12, v41, v39;
	v58 =	vadd.f32 $9.999999970e-07, v56;
	vm12 =	vmor vm14, vm13  }
0x33b: {  	s0 =	sadd.s32 $0xFFFFFF60, s31;
	v41 =	vsel vm11, v36, v57;
	(erf) = vrcp.f32 v50;
	v36 =	vsel vm12, $0xD01502F9, v1  }
0x33c: {  	v44 =	vor.u32 s0, v4;
	(erf) = vrcp.f32 v58;
	vm13 =	vgt.f32 v36, v40  }
0x33d: {  	vm14 =	vgt.f32 v36, v46;
	vm11 =	vgt.f32 v36, v49;
	vm12 =	vgt.f32 v36, v37  }
0x33e: {  	v53 =	vld [tilespmem:s26+$0x10];
	v50 =	vsel vm13, v36, v40;
	v51 =	vsel vm13, v44, v42;
	v59 =	vsel vm14, v36, v46  }
0x33f: {  	v58 =	vld [tilespmem:s29+$0x10];
	v61 =	vpop (erf);
	v60 =	vsel vm14, v44, v48;
	v62 =	vsel vm11, v36, v49;
	v0 =	vsel vm11, v44, v54  }
0x340: {  	v1 =	vmul.f32 v61, v43;
	v37 =	vsel vm12, v36, v37;
	v38 =	vsel vm14, v46, v62;
	v46 =	vld [tilespmem:s30+$0x10]  }
0x341: {  	v41 =	vsel vm12, v44, v41;
	v56 =	vsel vm13, v40, v59;
	v57 =	vsel vm13, v42, v60;
	v63 =	vpop (erf)  }
0x342: {  	v39 =	vsel vm14, v48, v0;
	v40 =	vsel vm11, v49, v37;
	v2 =	vmul.f32 v63, v45;
	v45 =	vld [tilespmem:s28+$0x10]  }
0x343: {  	v59 =	vmax.f32 v7, v53;
	v0 =	vmax.f32 v11, v53;
	vm13 =	vgt.f32 v1, $5.000000000e-01  }
0x344: {  	v43 =	vld [tilespmem:s24+$0x10];
	v49 =	vsel vm11, v54, v41;
	vm13 =	vmand vm7, vm13;
	vm14 =	vgt.f32 v2, $5.000000000e-01  }
0x345: {  	v63 =	vmin.f32 v13, v58;
	vm14 =	vmand vm8, vm14;
	v48 =	vpop (erf);
	v61 =	vmin.f32 v10, v46  }
0x346: {  	v1 =	vmin.f32 v14, v46;
	v52 =	vmul.f32 v48, v55;
	v55 =	vmin.f32 v9, v58  }
0x347: {  	v60 =	vpop (erf);
	v62 =	vmax.f32 v8, v45;
	v2 =	vmax.f32 v12, v45;
	v48 =	vsub.f32 v63, v0  }
0x348: {  	v37 =	vsub.f32 v55, v59;
	v42 =	vmul.f32 v60, v47;
	v47 =	vsub.f32 v61, v62  }
0x349: {  	vm13 =	vmor vm13, vm14;
	v61 =	vsub.f32 v1, v2;
	v62 =	vadd.f32 v43, v19  }
0x34a: {  	v1 =	vadd.f32 v43, v21;
	vm15 =	vgt.f32 v52, $5.000000000e-01;
	v63 =	vmax.f32 v48, $0.0e+00  }
0x34b: {  	vm14 =	vmand vm9, vm15;
	v37 =	vmax.f32 v37, $0.0e+00;
	v47 =	vmax.f32 v47, $0.0e+00  }
0x34c: {  	v60 =	vld [tilespmem:s25+$0x0];
	v0 =	vmax.f32 v61, $0.0e+00;
	vm13 =	vmor vm14, vm13;
	vm14 =	vgt.f32 v42, $5.000000000e-01  }
0x34d: {  	v47 =	vmul.f32 v47, v37;
	v48 =	vmul.f32 v0, v63;
	v63 =	vmin.f32 v17, v58  }
0x34e: {  	s0 =	sadd.s32 $0xFFFFFF70, s31;
	v0 =	vmax.f32 v15, v53;
	v58 =	vmin.f32 v22, v58;
	v53 =	vmax.f32 v20, v53  }
0x34f: {  	v52 =	vor.u32 s0, v4;
	vm14 =	vmand vm10, vm14;
	v53 =	vsub.f32 v58, v53  }
0x350: {  	vm12 =	vmor vm14, vm13;
	v2 =	vsub.f32 v62, v47;
	v59 =	vsub.f32 v1, v48  }
0x351: {  	v1 =	vsub.f32 v63, v0;
	v63 =	vmax.f32 v16, v45;
	v37 =	vsel vm12, $0xD01502F9, v60  }
0x352: {  	v45 =	vmax.f32 v23, v45;
	v53 =	vmax.f32 v53, $0.0e+00;
	vm14 =	vgt.f32 v37, v50  }
0x353: {  	v44 =	vadd.f32 $9.999999970e-07, v2;
	vm13 =	vgt.f32 v37, v56;
	vm11 =	vgt.f32 v37, v38  }
0x354: {  	v60 =	vadd.f32 $9.999999970e-07, v59;
	vm12 =	vgt.f32 v37, v40;
	v42 =	vsel vm14, v37, v50  }
0x355: {  	v41 =	vsel vm14, v52, v51;
	v61 =	vsel vm13, v37, v56;
	(erf) = vrcp.f32 v44  }
0x356: {  	v62 =	vsel vm13, v52, v57;
	v44 =	vsel vm14, v50, v61;
	(erf) = vrcp.f32 v60  }
0x357: {  	v50 =	vsel vm14, v51, v62;
	v62 =	vmin.f32 v18, v46;
	v46 =	vmin.f32 v25, v46  }
0x358: {  	v59 =	vld [tilespmem:s26+$0x20];
	v2 =	vsel vm11, v37, v38;
	v55 =	vsub.f32 v62, v63;
	v45 =	vsub.f32 v46, v45  }
0x359: {  	v0 =	vsel vm11, v52, v39;
	v51 =	vmax.f32 v1, $0.0e+00;
	v54 =	vsel vm13, v56, v2;
	v46 =	vld [tilespmem:s29+$0x20]  }
0x35a: {  	v56 =	vld [tilespmem:s30+$0x20];
	v63 =	vadd.f32 v43, v26;
	v55 =	vmax.f32 v55, $0.0e+00;
	v45 =	vmax.f32 v45, $0.0e+00  }
0x35b: {  	v60 =	vld [tilespmem:s28+$0x20];
	v51 =	vmul.f32 v55, v51;
	v55 =	vadd.f32 v43, v24;
	v45 =	vmul.f32 v45, v53  }
0x35c: {  	v40 =	vsel vm12, v37, v40;
	v43 =	vsel vm13, v57, v0  }
0x35d: {  	v0 =	vmax.f32 v7, v59;
	v55 =	vsub.f32 v55, v51;
	v53 =	vsub.f32 v63, v45  }
0x35e: {  	v58 =	vld [tilespmem:s24+$0x20];
	v57 =	vmin.f32 v9, v46;
	v62 =	vmin.f32 v13, v46;
	v63 =	vmax.f32 v11, v59;
	v1 =	vpop (erf)  }
0x35f: {  	v0 =	vsub.f32 v57, v0;
	v55 =	vadd.f32 $9.999999970e-07, v55;
	v2 =	vpop (erf);
	v47 =	vmul.f32 v1, v47  }
0x360: {  	v1 =	vmin.f32 v10, v56;
	v48 =	vmul.f32 v2, v48;
	v2 =	vmax.f32 v8, v60  }
0x361: {  	(erf) = vrcp.f32 v55;
	vm13 =	vgt.f32 v47, $5.000000000e-01;
	v1 =	vsub.f32 v1, v2  }
0x362: {  	v2 =	vadd.f32 $9.999999970e-07, v53;
	v47 =	vmax.f32 v0, $0.0e+00;
	v53 =	vsub.f32 v62, v63  }
0x363: {  	v0 =	vmin.f32 v14, v56;
	v62 =	vadd.f32 v58, v26;
	vm13 =	vmand vm7, vm13  }
0x364: {  	vm14 =	vgt.f32 v48, $5.000000000e-01;
	v48 =	vadd.f32 v58, v19;
	v61 =	vmax.f32 v1, $0.0e+00  }
0x365: {  	(erf) = vrcp.f32 v2;
	v1 =	vmax.f32 v12, v60;
	v2 =	vmin.f32 v17, v46  }
0x366: {  	v53 =	vmax.f32 v53, $0.0e+00;
	v46 =	vmin.f32 v22, v46;
	v47 =	vmul.f32 v61, v47  }
0x367: {  	v55 =	vsub.f32 v0, v1;
	v0 =	vmax.f32 v15, v59;
	v1 =	vmin.f32 v18, v56  }
0x368: {  	v59 =	vmax.f32 v20, v59;
	v56 =	vmin.f32 v25, v56;
	v57 =	vsub.f32 v2, v0  }
0x369: {  	v2 =	vmax.f32 v16, v60;
	v60 =	vmax.f32 v23, v60;
	v46 =	vsub.f32 v46, v59  }
0x36a: {  	v48 =	vsub.f32 v48, v47;
	v55 =	vmax.f32 v55, $0.0e+00;
	v61 =	vsub.f32 v1, v2  }
0x36b: {  	v56 =	vsub.f32 v56, v60;
	v60 =	vadd.f32 v58, v21;
	v57 =	vmax.f32 v57, $0.0e+00  }
0x36c: {  	v53 =	vmul.f32 v55, v53;
	v46 =	vmax.f32 v46, $0.0e+00;
	v61 =	vmax.f32 v61, $0.0e+00  }
0x36d: {  	v56 =	vmax.f32 v56, $0.0e+00;
	v48 =	vadd.f32 $9.999999970e-07, v48;
	v57 =	vmul.f32 v61, v57  }
0x36e: {  	v63 =	vpop (erf);
	v61 =	vadd.f32 v58, v24;
	v55 =	vsub.f32 v60, v53;
	v46 =	vmul.f32 v56, v46  }
0x36f: {  	vm14 =	vmand vm8, vm14;
	v51 =	vmul.f32 v63, v51;
	(erf) = vrcp.f32 v48  }
0x370: {  	vm13 =	vmor vm13, vm14;
	v59 =	vsub.f32 v61, v57;
	v55 =	vadd.f32 $9.999999970e-07, v55;
	v0 =	vpop (erf)  }
0x371: {  	v1 =	vld [tilespmem:s25+$0x10];
	v56 =	vsub.f32 v62, v46;
	vm14 =	vgt.f32 v51, $5.000000000e-01;
	v45 =	vmul.f32 v0, v45  }
0x372: {  	v61 =	vsel vm11, v38, v40;
	v2 =	vadd.f32 $9.999999970e-07, v59;
	(erf) = vrcp.f32 v55  }
0x373: {  	vm14 =	vmand vm9, vm14;
	v58 =	vadd.f32 $9.999999970e-07, v56;
	vm15 =	vgt.f32 v45, $5.000000000e-01  }
0x374: {  	vm13 =	vmor vm14, vm13;
	(erf) = vrcp.f32 v2;
	vm14 =	vmand vm10, vm15  }
0x375: {  	s0 =	sadd.s32 $0xFFFFFF80, s31;
	v59 =	vsel vm12, v52, v49;
	(erf) = vrcp.f32 v58;
	vm12 =	vmor vm14, vm13  }
0x376: {  	v39 =	vsel vm11, v39, v59;
	v45 =	vor.u32 s0, v4;
	v38 =	vsel vm12, $0xD01502F9, v1  }
0x377: {  	vm12 =	vgt.f32 v38, v42;
	vm13 =	vgt.f32 v38, v44;
	vm11 =	vgt.f32 v38, v54  }
0x378: {  	vm14 =	vgt.f32 v38, v61;
	v2 =	vpop (erf);
	v62 =	vsel vm13, v38, v44;
	v49 =	vsel vm12, v38, v42  }
0x379: {  	v58 =	vld [tilespmem:s26+$0x30];
	v51 =	vsel vm12, v45, v41;
	v1 =	vsel vm11, v45, v43;
	v47 =	vmul.f32 v2, v47  }
0x37a: {  	v63 =	vsel vm13, v45, v50;
	v0 =	vsel vm11, v38, v54;
	v40 =	vsel vm13, v50, v1;
	v50 =	vld [tilespmem:s28+$0x30]  }
0x37b: {  	v52 =	vsel vm12, v42, v62;
	v59 =	vsel vm12, v41, v63;
	v55 =	vpop (erf);
	vm12 =	vgt.f32 v47, $5.000000000e-01;
	v47 =	vld [tilespmem:s24+$0x30]  }
0x37c: {  	v60 =	vsel vm14, v38, v61;
	v39 =	vsel vm14, v45, v39;
	v61 =	vmul.f32 v55, v53;
	v55 =	vld [tilespmem:s29+$0x30]  }
0x37d: {  	v41 =	vsel vm13, v44, v0;
	v42 =	vsel vm11, v54, v60;
	v43 =	vsel vm11, v43, v39;
	v53 =	vld [tilespmem:s30+$0x30];
	v62 =	vpop (erf)  }
0x37e: {  	vm12 =	vmand vm7, vm12;
	v63 =	vmul.f32 v62, v57;
	v0 =	vpop (erf);
	vm13 =	vgt.f32 v61, $5.000000000e-01  }
0x37f: {  	v57 =	vmax.f32 v7, v58;
	v45 =	vmul.f32 v0, v46;
	vm13 =	vmand vm8, vm13  }
0x380: {  	v61 =	vmax.f32 v8, v50;
	vm14 =	vgt.f32 v63, $5.000000000e-01;
	vm12 =	vmor vm12, vm13  }
0x381: {  	s0 =	sadd.s32 $0xFFFFFF90, s31;
	v1 =	vld [tilespmem:s25+$0x20];
	v63 =	vadd.f32 v47, v19;
	vm13 =	vmand vm9, vm14;
	vm14 =	vgt.f32 v45, $5.000000000e-01  }
0x382: {  	v2 =	vmin.f32 v9, v55;
	v60 =	vmin.f32 v10, v53;
	v45 =	vor.u32 s0, v4  }
0x383: {  	v0 =	vmin.f32 v13, v55;
	vm12 =	vmor vm13, vm12;
	vm13 =	vmand vm10, vm14  }
0x384: {  	v44 =	vsub.f32 v2, v57;
	v48 =	vsub.f32 v60, v61;
	v2 =	vmin.f32 v14, v53  }
0x385: {  	v60 =	vmax.f32 v12, v50;
	v57 =	vadd.f32 v47, v21;
	vm12 =	vmor vm13, vm12  }
0x386: {  	v61 =	vsub.f32 v2, v60;
	v39 =	vsel vm12, $0xD01502F9, v1;
	v44 =	vmax.f32 v44, $0.0e+00  }
0x387: {  	v62 =	vmax.f32 v48, $0.0e+00;
	v1 =	vmax.f32 v11, v58;
	vm14 =	vgt.f32 v39, v49  }
0x388: {  	v48 =	vmul.f32 v62, v44;
	vm13 =	vgt.f32 v39, v52;
	v46 =	vsub.f32 v0, v1  }
0x389: {  	vm11 =	vgt.f32 v39, v41;
	vm12 =	vgt.f32 v39, v42;
	v54 =	vmax.f32 v61, $0.0e+00  }
0x38a: {  	v0 =	vmin.f32 v17, v55;
	v1 =	vmax.f32 v15, v58;
	v55 =	vmin.f32 v22, v55  }
0x38b: {  	v58 =	vmax.f32 v20, v58;
	v44 =	vsel vm14, v39, v49;
	v2 =	vsub.f32 v0, v1  }
0x38c: {  	v0 =	vmin.f32 v18, v53;
	v1 =	vmax.f32 v16, v50;
	v53 =	vmin.f32 v25, v53  }
0x38d: {  	v50 =	vmax.f32 v23, v50;
	v55 =	vsub.f32 v55, v58;
	v62 =	vsub.f32 v63, v48  }
0x38e: {  	v58 =	vsel vm11, v45, v40;
	v42 =	vsel vm12, v39, v42;
	v63 =	vmax.f32 v46, $0.0e+00  }
0x38f: {  	v60 =	vsub.f32 v0, v1;
	v54 =	vmul.f32 v54, v63;
	v56 =	vadd.f32 $9.999999970e-07, v62  }
0x390: {  	v46 =	vsel vm14, v45, v51;
	v50 =	vsub.f32 v53, v50;
	v0 =	vadd.f32 v47, v24  }
0x391: {  	v61 =	vld [tilespmem:s28+$0x40];
	v47 =	vadd.f32 v47, v26;
	v57 =	vsub.f32 v57, v54;
	(erf) = vrcp.f32 v56  }
0x392: {  	v53 =	vld [tilespmem:s26+$0x40];
	v1 =	vsel vm11, v39, v41;
	v55 =	vmax.f32 v55, $0.0e+00;
	v60 =	vmax.f32 v60, $0.0e+00  }
0x393: {  	v63 =	vld [tilespmem:s29+$0x40];
	v50 =	vmax.f32 v50, $0.0e+00;
	v56 =	vmax.f32 v2, $0.0e+00;
	v57 =	vadd.f32 $9.999999970e-07, v57  }
0x394: {  	v41 =	vsel vm11, v41, v42;
	v50 =	vmul.f32 v50, v55;
	v55 =	vld [tilespmem:s30+$0x40];
	v56 =	vmul.f32 v60, v56  }
0x395: {  	v62 =	vsel vm13, v39, v52;
	v52 =	vsel vm13, v52, v1;
	(erf) = vrcp.f32 v57  }
0x396: {  	v49 =	vsel vm14, v49, v62;
	v2 =	vsel vm13, v45, v59;
	v60 =	vsub.f32 v0, v56  }
0x397: {  	v6 =	vmax.f32 v8, v61;
	v51 =	vsel vm14, v51, v2;
	v47 =	vsub.f32 v47, v50  }
0x398: {  	v1 =	vmax.f32 v7, v53;
	v0 =	vmin.f32 v9, v63;
	v60 =	vadd.f32 $9.999999970e-07, v60  }
0x399: {  	v57 =	vsub.f32 v0, v1;
	v0 =	vmin.f32 v14, v55;
	v1 =	vmax.f32 v12, v61  }
0x39a: {  	v47 =	vadd.f32 $9.999999970e-07, v47;
	v0 =	vsub.f32 v0, v1;
	(erf) = vrcp.f32 v60;
	v2 =	vpop (erf)  }
0x39b: {  	v5 =	vld [tilespmem:s24+$0x40];
	v60 =	vmin.f32 v13, v63;
	v48 =	vmul.f32 v2, v48;
	v2 =	vmin.f32 v10, v55  }
0x39c: {  	v62 =	vmax.f32 v11, v53;
	v57 =	vmax.f32 v57, $0.0e+00;
	v6 =	vsub.f32 v2, v6  }
0x39d: {  	v0 =	vmax.f32 v0, $0.0e+00;
	v62 =	vsub.f32 v60, v62;
	(erf) = vrcp.f32 v47  }
0x39e: {  	v2 =	vmax.f32 v16, v61;
	vm14 =	vgt.f32 v48, $5.000000000e-01;
	v60 =	vpop (erf);
	v6 =	vmax.f32 v6, $0.0e+00  }
0x39f: {  	v47 =	vmul.f32 v60, v54;
	v54 =	vmin.f32 v17, v63;
	v1 =	vmul.f32 v6, v57  }
0x3a0: {  	v6 =	vmax.f32 v62, $0.0e+00;
	v62 =	vadd.f32 v5, v19;
	v57 =	vsel vm13, v59, v58  }
0x3a1: {  	vm13 =	vmand vm7, vm14;
	v58 =	vmax.f32 v15, v53;
	v59 =	vmin.f32 v18, v55  }
0x3a2: {  	v53 =	vmax.f32 v20, v53;
	v0 =	vmul.f32 v0, v6;
	v6 =	vadd.f32 v5, v21  }
0x3a3: {  	vm14 =	vgt.f32 v47, $5.000000000e-01;
	v54 =	vsub.f32 v54, v58;
	v2 =	vsub.f32 v59, v2  }
0x3a4: {  	v55 =	vmin.f32 v25, v55;
	v48 =	vsub.f32 v62, v1;
	vm14 =	vmand vm8, vm14  }
0x3a5: {  	v6 =	vsub.f32 v6, v0;
	v54 =	vmax.f32 v54, $0.0e+00;
	v60 =	vmax.f32 v2, $0.0e+00  }
0x3a6: {  	v2 =	vmin.f32 v22, v63;
	vm13 =	vmor vm13, vm14;
	v48 =	vadd.f32 $9.999999970e-07, v48  }
0x3a7: {  	v62 =	vpop (erf);
	v54 =	vmul.f32 v60, v54;
	v60 =	vmax.f32 v23, v61;
	v53 =	vsub.f32 v2, v53  }
0x3a8: {  	v47 =	vmul.f32 v62, v56;
	v6 =	vadd.f32 $9.999999970e-07, v6;
	v62 =	vadd.f32 v5, v24  }
0x3a9: {  	v61 =	vpop (erf);
	v55 =	vsub.f32 v55, v60;
	v5 =	vadd.f32 v5, v26;
	(erf) = vrcp.f32 v48  }
0x3aa: {  	v2 =	vld [tilespmem:s25+$0x30];
	vm15 =	vgt.f32 v47, $5.000000000e-01;
	v47 =	vmul.f32 v61, v50;
	v62 =	vsub.f32 v62, v54  }
0x3ab: {  	(erf) = vrcp.f32 v6;
	v6 =	vmax.f32 v53, $0.0e+00;
	v63 =	vmax.f32 v55, $0.0e+00  }
0x3ac: {  	v6 =	vmul.f32 v63, v6;
	vm14 =	vmand vm9, vm15;
	vm15 =	vgt.f32 v47, $5.000000000e-01  }
0x3ad: {  	v56 =	vsel vm12, v45, v43;
	vm13 =	vmor vm14, vm13;
	vm14 =	vmand vm10, vm15  }
0x3ae: {  	s0 =	sadd.s32 $0xFFFFFFA0, s31;
	v48 =	vadd.f32 $9.999999970e-07, v62;
	v5 =	vsub.f32 v5, v6;
	vm12 =	vmor vm14, vm13  }
0x3af: {  	v45 =	vsel vm11, v40, v56;
	v47 =	vor.u32 s0, v4;
	v40 =	vsel vm12, $0xD01502F9, v2  }
0x3b0: {  	(erf) = vrcp.f32 v48;
	v5 =	vadd.f32 $9.999999970e-07, v5;
	vm13 =	vgt.f32 v40, v44  }
0x3b1: {  	v53 =	vld [tilespmem:s26+$0x50];
	vm14 =	vgt.f32 v40, v49;
	vm11 =	vgt.f32 v40, v52;
	vm12 =	vgt.f32 v40, v41  }
0x3b2: {  	v50 =	vld [tilespmem:s28+$0x50];
	(erf) = vrcp.f32 v5;
	v5 =	vsel vm13, v40, v44;
	v58 =	vsel vm14, v40, v49  }
0x3b3: {  	v48 =	vsel vm13, v47, v46;
	v61 =	vsel vm11, v40, v52;
	v60 =	vpop (erf);
	v55 =	vsel vm13, v44, v58;
	v58 =	vld [tilespmem:s29+$0x50]  }
0x3b4: {  	v59 =	vsel vm14, v47, v51;
	v63 =	vsel vm11, v47, v57;
	v42 =	vsel vm14, v49, v61;
	v49 =	vld [tilespmem:s30+$0x50];
	v62 =	vpop (erf)  }
0x3b5: {  	v41 =	vsel vm12, v40, v41;
	v1 =	vmul.f32 v60, v1;
	v0 =	vmul.f32 v62, v0  }
0x3b6: {  	v56 =	vsel vm13, v46, v59;
	v43 =	vsel vm14, v51, v63;
	v44 =	vsel vm11, v52, v41  }
0x3b7: {  	v61 =	vmax.f32 v8, v50;
	vm13 =	vgt.f32 v1, $5.000000000e-01;
	vm14 =	vgt.f32 v0, $5.000000000e-01  }
0x3b8: {  	v63 =	vmax.f32 v11, v53;
	vm13 =	vmand vm7, vm13;
	vm14 =	vmand vm8, vm14  }
0x3b9: {  	v2 =	vpop (erf);
	v52 =	vmin.f32 v9, v58;
	v60 =	vmin.f32 v10, v49;
	v62 =	vmin.f32 v13, v58  }
0x3ba: {  	v51 =	vmul.f32 v2, v54;
	v54 =	vmax.f32 v7, v53;
	v41 =	vsub.f32 v60, v61  }
0x3bb: {  	v2 =	vmin.f32 v14, v49;
	v60 =	vmax.f32 v12, v50;
	v46 =	vsub.f32 v62, v63  }
0x3bc: {  	vm13 =	vmor vm13, vm14;
	v61 =	vld [tilespmem:s25+$0x40];
	v0 =	vsub.f32 v52, v54;
	v62 =	vsub.f32 v2, v60;
	v59 =	vpop (erf)  }
0x3bd: {  	v54 =	vsel vm12, v47, v45;
	vm15 =	vgt.f32 v51, $5.000000000e-01;
	v1 =	vmul.f32 v59, v6;
	v6 =	vld [tilespmem:s24+$0x50]  }
0x3be: {  	v41 =	vmax.f32 v41, $0.0e+00;
	v2 =	vmax.f32 v46, $0.0e+00;
	vm14 =	vmand vm9, vm15  }
0x3bf: {  	v47 =	vsel vm11, v57, v54;
	vm13 =	vmor vm14, vm13;
	vm14 =	vgt.f32 v1, $5.000000000e-01  }
0x3c0: {  	v0 =	vmax.f32 v0, $0.0e+00;
	v51 =	vmax.f32 v62, $0.0e+00;
	vm14 =	vmand vm10, vm14  }
0x3c1: {  	v0 =	vmul.f32 v41, v0;
	v51 =	vmul.f32 v51, v2;
	vm12 =	vmor vm14, vm13  }
0x3c2: {  	v63 =	vadd.f32 v6, v19;
	v52 =	vadd.f32 v6, v21;
	v41 =	vsel vm12, $0xD01502F9, v61  }
0x3c3: {  	s0 =	sadd.s32 $0xFFFFFFB0, s31;
	vm14 =	vgt.f32 v41, v5;
	vm13 =	vgt.f32 v41, v55;
	vm11 =	vgt.f32 v41, v42  }
0x3c4: {  	v1 =	vsub.f32 v63, v0;
	v59 =	vsub.f32 v52, v51;
	v52 =	vor.u32 s0, v4  }
0x3c5: {  	v45 =	vsel vm14, v41, v5;
	v61 =	vsel vm13, v41, v55;
	v63 =	vmin.f32 v17, v58  }
0x3c6: {  	v2 =	vsel vm11, v41, v42;
	v58 =	vmin.f32 v22, v58;
	v1 =	vadd.f32 $9.999999970e-07, v1  }
0x3c7: {  	v46 =	vsel vm14, v52, v48;
	v62 =	vsel vm13, v52, v56;
	v60 =	vadd.f32 $9.999999970e-07, v59  }
0x3c8: {  	(erf) = vrcp.f32 v1;
	v1 =	vsel vm14, v5, v61;
	v5 =	vsel vm14, v48, v62  }
0x3c9: {  	v62 =	vmin.f32 v18, v49;
	(erf) = vrcp.f32 v60;
	v60 =	vmax.f32 v15, v53  }
0x3ca: {  	v49 =	vmin.f32 v25, v49;
	v61 =	vsub.f32 v63, v60;
	v63 =	vmax.f32 v16, v50  }
0x3cb: {  	v53 =	vmax.f32 v20, v53;
	v50 =	vmax.f32 v23, v50;
	v57 =	vsub.f32 v62, v63  }
0x3cc: {  	v54 =	vsel vm13, v55, v2;
	v60 =	vld [tilespmem:s28+$0x60];
	v53 =	vsub.f32 v58, v53;
	v49 =	vsub.f32 v49, v50  }
0x3cd: {  	v55 =	vadd.f32 v6, v24;
	v50 =	vld [tilespmem:s29+$0x60];
	v48 =	vmax.f32 v61, $0.0e+00;
	v57 =	vmax.f32 v57, $0.0e+00  }
0x3ce: {  	v59 =	vld [tilespmem:s26+$0x60];
	v53 =	vmax.f32 v53, $0.0e+00;
	v49 =	vmax.f32 v49, $0.0e+00;
	v48 =	vmul.f32 v57, v48  }
0x3cf: {  	v6 =	vadd.f32 v6, v26;
	v57 =	vld [tilespmem:s30+$0x60];
	v49 =	vmul.f32 v49, v53  }
0x3d0: {  	vm12 =	vgt.f32 v41, v44;
	v58 =	vsel vm11, v52, v43;
	v55 =	vsub.f32 v55, v48  }
0x3d1: {  	v53 =	vsel vm13, v56, v58;
	v63 =	vmax.f32 v8, v60;
	v6 =	vsub.f32 v6, v49;
	v2 =	vpop (erf)  }
0x3d2: {  	v56 =	vmin.f32 v9, v50;
	v62 =	vpop (erf);
	v0 =	vmul.f32 v2, v0;
	v55 =	vadd.f32 $9.999999970e-07, v55  }
0x3d3: {  	v58 =	vld [tilespmem:s24+$0x60];
	v2 =	vmax.f32 v7, v59;
	v6 =	vadd.f32 $9.999999970e-07, v6;
	v51 =	vmul.f32 v62, v51  }
0x3d4: {  	v62 =	vmin.f32 v10, v57;
	v61 =	vsub.f32 v56, v2;
	v2 =	vmin.f32 v13, v50  }
0x3d5: {  	v56 =	vmin.f32 v17, v50;
	v50 =	vmin.f32 v22, v50;
	vm13 =	vgt.f32 v0, $5.000000000e-01  }
0x3d6: {  	v62 =	vsub.f32 v62, v63;
	(erf) = vrcp.f32 v55;
	vm13 =	vmand vm7, vm13  }
0x3d7: {  	vm14 =	vgt.f32 v51, $5.000000000e-01;
	v0 =	vmax.f32 v61, $0.0e+00;
	(erf) = vrcp.f32 v6  }
0x3d8: {  	v6 =	vadd.f32 v58, v19;
	v61 =	vmax.f32 v11, v59;
	v63 =	vmax.f32 v62, $0.0e+00  }
0x3d9: {  	vm14 =	vmand vm8, vm14;
	v51 =	vsub.f32 v2, v61;
	v62 =	vmin.f32 v14, v57  }
0x3da: {  	v2 =	vmax.f32 v15, v59;
	v61 =	vmin.f32 v18, v57;
	v59 =	vmax.f32 v20, v59  }
0x3db: {  	v57 =	vmin.f32 v25, v57;
	v0 =	vmul.f32 v63, v0;
	v63 =	vmax.f32 v12, v60  }
0x3dc: {  	v56 =	vsub.f32 v56, v2;
	v2 =	vmax.f32 v16, v60;
	v50 =	vsub.f32 v50, v59  }
0x3dd: {  	v60 =	vmax.f32 v23, v60;
	v55 =	vsub.f32 v62, v63;
	v61 =	vsub.f32 v61, v2  }
0x3de: {  	v51 =	vmax.f32 v51, $0.0e+00;
	v57 =	vsub.f32 v57, v60;
	v60 =	vadd.f32 v58, v21  }
0x3df: {  	v6 =	vsub.f32 v6, v0;
	v56 =	vmax.f32 v56, $0.0e+00;
	v50 =	vmax.f32 v50, $0.0e+00  }
0x3e0: {  	v55 =	vmax.f32 v55, $0.0e+00;
	v61 =	vmax.f32 v61, $0.0e+00;
	v57 =	vmax.f32 v57, $0.0e+00  }
0x3e1: {  	v51 =	vmul.f32 v55, v51;
	v56 =	vmul.f32 v61, v56;
	v61 =	vadd.f32 v58, v24  }
0x3e2: {  	v62 =	vadd.f32 v58, v26;
	v50 =	vmul.f32 v57, v50;
	v6 =	vadd.f32 $9.999999970e-07, v6  }
0x3e3: {  	vm13 =	vmor vm13, vm14;
	v55 =	vsub.f32 v60, v51;
	v63 =	vpop (erf);
	v59 =	vsub.f32 v61, v56  }
0x3e4: {  	v57 =	vsub.f32 v62, v50;
	(erf) = vrcp.f32 v6;
	v48 =	vmul.f32 v63, v48;
	v58 =	vpop (erf)  }
0x3e5: {  	v2 =	vld [tilespmem:s25+$0x50];
	v55 =	vadd.f32 $9.999999970e-07, v55;
	v49 =	vmul.f32 v58, v49;
	v6 =	vadd.f32 $9.999999970e-07, v59  }
0x3e6: {  	s0 =	sadd.s32 $0xFFFFFFC0, s31;
	v57 =	vadd.f32 $9.999999970e-07, v57;
	v58 =	vsel vm12, v52, v47;
	vm14 =	vgt.f32 v48, $5.000000000e-01  }
0x3e7: {  	v47 =	vor.u32 s0, v4;
	vm14 =	vmand vm9, vm14;
	vm15 =	vgt.f32 v49, $5.000000000e-01  }
0x3e8: {  	(erf) = vrcp.f32 v55;
	vm13 =	vmor vm14, vm13;
	vm14 =	vmand vm10, vm15  }
0x3e9: {  	(erf) = vrcp.f32 v6;
	v6 =	vsel vm12, v41, v44;
	vm12 =	vmor vm14, vm13  }
0x3ea: {  	(erf) = vrcp.f32 v57;
	v6 =	vsel vm11, v42, v6;
	v42 =	vsel vm12, $0xD01502F9, v2  }
0x3eb: {  	v43 =	vsel vm11, v43, v58;
	v55 =	vld [tilespmem:s26+$0x70];
	vm12 =	vgt.f32 v42, v45;
	vm13 =	vgt.f32 v42, v1  }
0x3ec: {  	vm11 =	vgt.f32 v42, v54;
	vm14 =	vgt.f32 v42, v6;
	v59 =	vsel vm13, v42, v1  }
0x3ed: {  	v44 =	vsel vm12, v42, v45;
	v52 =	vsel vm12, v47, v46;
	v6 =	vsel vm14, v42, v6  }
0x3ee: {  	v60 =	vsel vm13, v47, v5;
	v61 =	vsel vm11, v42, v54;
	v63 =	vpop (erf);
	v6 =	vsel vm11, v54, v6;
	v54 =	vld [tilespmem:s29+$0x70]  }
0x3ef: {  	v62 =	vsel vm11, v47, v53;
	v43 =	vsel vm14, v47, v43;
	v0 =	vmul.f32 v63, v0  }
0x3f0: {  	v57 =	vmax.f32 v7, v55;
	v45 =	vsel vm12, v45, v59;
	v46 =	vsel vm12, v46, v60  }
0x3f1: {  	s0 =	sadd.s32 $0xFFFFFFD0, s31;
	v49 =	vsel vm13, v1, v61;
	v1 =	vsel vm13, v5, v62;
	vm12 =	vgt.f32 v0, $5.000000000e-01;
	v59 =	vpop (erf)  }
0x3f2: {  	v0 =	vsel vm11, v53, v43;
	v53 =	vor.u32 s0, v4;
	v48 =	vmul.f32 v59, v51;
	v60 =	vpop (erf)  }
0x3f3: {  	vm12 =	vmand vm7, vm12;
	v51 =	vld [tilespmem:s30+$0x70];
	v61 =	vmul.f32 v60, v56;
	v62 =	vpop (erf);
	v56 =	vmin.f32 v9, v54  }
0x3f4: {  	v5 =	vld [tilespmem:s25+$0x60];
	v60 =	vmin.f32 v13, v54;
	vm13 =	vgt.f32 v48, $5.000000000e-01;
	v63 =	vmul.f32 v62, v50  }
0x3f5: {  	v50 =	vld [tilespmem:s28+$0x70];
	vm13 =	vmand vm8, vm13;
	vm14 =	vgt.f32 v61, $5.000000000e-01;
	v61 =	vmax.f32 v11, v55  }
0x3f6: {  	vm12 =	vmor vm12, vm13;
	vm13 =	vmand vm9, vm14;
	vm14 =	vgt.f32 v63, $5.000000000e-01  }
0x3f7: {  	v48 =	vsub.f32 v60, v61;
	vm11 =	vmor vm13, vm12;
	vm12 =	vmand vm10, vm14  }
0x3f8: {  	v58 =	vmin.f32 v10, v51;
	v62 =	vmin.f32 v14, v51;
	vm11 =	vmor vm12, vm11  }
0x3f9: {  	v61 =	vmax.f32 v48, $0.0e+00;
	v48 =	vmin.f32 v17, v54;
	v54 =	vmin.f32 v22, v54  }
0x3fa: {  	v43 =	vsel vm11, $0xD01502F9, v5;
	v5 =	vsub.f32 v56, v57;
	v59 =	vmax.f32 v8, v50  }
0x3fb: {  	v56 =	vld [tilespmem:s24+$0x70];
	v63 =	vmax.f32 v12, v50;
	vm11 =	vgt.f32 v43, v44;
	v47 =	vsub.f32 v58, v59  }
0x3fc: {  	v2 =	vsub.f32 v62, v63;
	vm12 =	vgt.f32 v43, v45;
	vm13 =	vgt.f32 v43, v49  }
0x3fd: {  	vm14 =	vgt.f32 v43, v6;
	v5 =	vmax.f32 v5, $0.0e+00;
	v59 =	vsel vm12, v53, v46  }
0x3fe: {  	v6 =	vsel vm14, v43, v6;
	v0 =	vsel vm14, v53, v0;
	v47 =	vmax.f32 v47, $0.0e+00  }
0x3ff: {  	v62 =	vmax.f32 v2, $0.0e+00;
	v2 =	vmax.f32 v15, v55;
	v55 =	vmax.f32 v20, v55  }
0x400: {  	v6 =	vsel vm13, v49, v6;
	v5 =	vmul.f32 v47, v5;
	v60 =	vadd.f32 v56, v19  }
0x401: {  	v57 =	vmul.f32 v62, v61;
	v61 =	vsub.f32 v48, v2;
	v48 =	vmin.f32 v18, v51  }
0x402: {  	v62 =	vmax.f32 v16, v50;
	v63 =	vadd.f32 v56, v21;
	v58 =	vsub.f32 v60, v5  }
0x403: {  	v3 =	vld [tilespmem:s28+$0x80];
	v49 =	vsel vm13, v43, v49;
	v47 =	vsel vm11, v53, v52;
	v62 =	vsub.f32 v48, v62  }
0x404: {  	v48 =	vsel vm11, v52, v59;
	v52 =	vld [tilespmem:s29+$0x80];
	v60 =	vsub.f32 v63, v57;
	v58 =	vadd.f32 $9.999999970e-07, v58  }
0x405: {  	v2 =	vsel vm13, v53, v1;
	v54 =	vsub.f32 v54, v55;
	v51 =	vmin.f32 v25, v51;
	v63 =	vld [tilespmem:s26+$0x80]  }
0x406: {  	v46 =	vsel vm12, v46, v2;
	v2 =	vadd.f32 $9.999999970e-07, v60;
	v60 =	vld [tilespmem:s30+$0x80];
	(erf) = vrcp.f32 v58  }
0x407: {  	v50 =	vmax.f32 v23, v50;
	v49 =	vsel vm12, v45, v49;
	v45 =	vsel vm12, v43, v45  }
0x408: {  	v50 =	vsub.f32 v51, v50;
	v45 =	vsel vm11, v44, v45;
	v59 =	vmax.f32 v62, $0.0e+00  }
0x409: {  	v62 =	vmin.f32 v9, v52;
	v58 =	vmax.f32 v61, $0.0e+00;
	(erf) = vrcp.f32 v2  }
0x40a: {  	v51 =	vld [tilespmem:s24+$0x80];
	v2 =	vmul.f32 v59, v58;
	v58 =	vadd.f32 v56, v24;
	v61 =	vmax.f32 v7, v63  }
0x40b: {  	v55 =	vsub.f32 v62, v61;
	v61 =	vmax.f32 v8, v3;
	v59 =	vmin.f32 v10, v60  }
0x40c: {  	v54 =	vmax.f32 v54, $0.0e+00;
	v50 =	vmax.f32 v50, $0.0e+00;
	v59 =	vsub.f32 v59, v61  }
0x40d: {  	v53 =	vmul.f32 v50, v54;
	v50 =	vsel vm13, v1, v0;
	v62 =	vadd.f32 v56, v26  }
0x40e: {  	v54 =	vsub.f32 v58, v2;
	v55 =	vmax.f32 v55, $0.0e+00;
	v61 =	vmax.f32 v59, $0.0e+00  }
0x40f: {  	v56 =	vmin.f32 v13, v52;
	v55 =	vmul.f32 v61, v55;
	v61 =	vadd.f32 v51, v19;
	v58 =	vpop (erf)  }
0x410: {  	v62 =	vsub.f32 v62, v53;
	v1 =	vadd.f32 $9.999999970e-07, v54;
	v0 =	vmul.f32 v58, v5  }
0x411: {  	v59 =	vmin.f32 v14, v60;
	v54 =	vsub.f32 v61, v55;
	v61 =	vmax.f32 v12, v3  }
0x412: {  	v5 =	vadd.f32 $9.999999970e-07, v62;
	v58 =	vmax.f32 v11, v63;
	v62 =	vsub.f32 v59, v61  }
0x413: {  	(erf) = vrcp.f32 v1;
	v56 =	vsub.f32 v56, v58;
	v61 =	vadd.f32 $9.999999970e-07, v54  }
0x414: {  	v58 =	vmin.f32 v18, v60;
	v60 =	vmin.f32 v25, v60;
	vm15 =	vgt.f32 v0, $5.000000000e-01;
	v0 =	vpop (erf)  }
0x415: {  	v1 =	vld [tilespmem:s29+$0x90];
	(erf) = vrcp.f32 v5;
	v62 =	vmax.f32 v62, $0.0e+00;
	v0 =	vmul.f32 v0, v57  }
0x416: {  	v54 =	vld [tilespmem:s26+$0x90];
	v5 =	vmax.f32 v56, $0.0e+00;
	vm13 =	vmand vm7, vm15;
	(erf) = vrcp.f32 v61  }
0x417: {  	v61 =	vmin.f32 v17, v52;
	v52 =	vmin.f32 v22, v52;
	v57 =	vld [tilespmem:s28+$0x90];
	vm14 =	vgt.f32 v0, $5.000000000e-01  }
0x418: {  	v59 =	vld [tilespmem:s30+$0x90];
	v0 =	vmul.f32 v62, v5;
	v5 =	vadd.f32 v51, v21;
	v62 =	vmax.f32 v15, v63  }
0x419: {  	v56 =	vsub.f32 v61, v62;
	v61 =	vmax.f32 v16, v3;
	v3 =	vmax.f32 v23, v3  }
0x41a: {  	vm14 =	vmand vm8, vm14;
	v58 =	vsub.f32 v58, v61;
	v61 =	vmax.f32 v20, v63  }
0x41b: {  	v3 =	vsub.f32 v60, v3;
	v60 =	vmin.f32 v9, v1;
	v5 =	vsub.f32 v5, v0  }
0x41c: {  	v52 =	vsub.f32 v52, v61;
	v61 =	vmax.f32 v7, v54;
	v62 =	vmax.f32 v8, v57  }
0x41d: {  	v56 =	vmax.f32 v56, $0.0e+00;
	v60 =	vsub.f32 v60, v61;
	v61 =	vmin.f32 v10, v59  }
0x41e: {  	v58 =	vmax.f32 v58, $0.0e+00;
	v3 =	vmax.f32 v3, $0.0e+00;
	v61 =	vsub.f32 v61, v62;
	v62 =	vld [tilespmem:s24+$0x90]  }
0x41f: {  	v52 =	vmax.f32 v52, $0.0e+00;
	v56 =	vmul.f32 v58, v56;
	v58 =	vadd.f32 v51, v24  }
0x420: {  	vm13 =	vmor vm13, vm14;
	v51 =	vadd.f32 v51, v26;
	v3 =	vmul.f32 v3, v52  }
0x421: {  	v52 =	vmax.f32 v60, $0.0e+00;
	v60 =	vmax.f32 v61, $0.0e+00;
	v58 =	vsub.f32 v58, v56  }
0x422: {  	v5 =	vadd.f32 $9.999999970e-07, v5;
	v52 =	vmul.f32 v60, v52;
	v51 =	vsub.f32 v51, v3;
	v61 =	vpop (erf)  }
0x423: {  	v58 =	vadd.f32 $9.999999970e-07, v58;
	v60 =	vadd.f32 v62, v19;
	v2 =	vmul.f32 v61, v2;
	v61 =	vpop (erf)  }
0x424: {  	(erf) = vrcp.f32 v5;
	v5 =	vadd.f32 $9.999999970e-07, v51;
	v53 =	vmul.f32 v61, v53  }
0x425: {  	(erf) = vrcp.f32 v58;
	v58 =	vmax.f32 v11, v54;
	v61 =	vmax.f32 v12, v57  }
0x426: {  	v60 =	vsub.f32 v60, v52;
	(erf) = vrcp.f32 v5;
	v5 =	vmin.f32 v13, v1  }
0x427: {  	vm14 =	vgt.f32 v2, $5.000000000e-01;
	vm15 =	vgt.f32 v53, $5.000000000e-01;
	v5 =	vsub.f32 v5, v58  }
0x428: {  	v58 =	vmax.f32 v15, v54;
	vm14 =	vmand vm9, vm14;
	v54 =	vmax.f32 v20, v54  }
0x429: {  	v63 =	vadd.f32 $9.999999970e-07, v60;
	v60 =	vmin.f32 v14, v59;
	vm12 =	vmor vm14, vm13  }
0x42a: {  	vm13 =	vmand vm10, vm15;
	v51 =	vsub.f32 v60, v61;
	v60 =	vmin.f32 v18, v59  }
0x42b: {  	v53 =	vpop (erf);
	v61 =	vmax.f32 v16, v57;
	vm12 =	vmor vm13, vm12;
	v5 =	vmax.f32 v5, $0.0e+00  }
0x42c: {  	v57 =	vmax.f32 v23, v57;
	v2 =	vmul.f32 v53, v55;
	(erf) = vrcp.f32 v63  }
0x42d: {  	v53 =	vmin.f32 v17, v1;
	v63 =	vsub.f32 v60, v61;
	v1 =	vmin.f32 v22, v1  }
0x42e: {  	v55 =	vld [tilespmem:s25+$0x70];
	v60 =	vmin.f32 v25, v59;
	v61 =	vadd.f32 v62, v21;
	v53 =	vsub.f32 v53, v58  }
0x42f: {  	v1 =	vsub.f32 v1, v54;
	v54 =	vsel vm11, v43, v44;
	v51 =	vmax.f32 v51, $0.0e+00  }
0x430: {  	v5 =	vmul.f32 v51, v5;
	v58 =	vmax.f32 v63, $0.0e+00;
	v63 =	vadd.f32 v62, v24  }
0x431: {  	vm15 =	vgt.f32 v2, $5.000000000e-01;
	v53 =	vmax.f32 v53, $0.0e+00;
	v1 =	vmax.f32 v1, $0.0e+00  }
0x432: {  	s0 =	sadd.s32 $0xFFFFFFE0, s31;
	v51 =	vsub.f32 v61, v5;
	v53 =	vmul.f32 v58, v53;
	v61 =	vadd.f32 v62, v26  }
0x433: {  	v44 =	vsel vm12, $0xD01502F9, v55;
	v55 =	vsub.f32 v60, v57;
	v57 =	vor.u32 s0, v4  }
0x434: {  	vm11 =	vgt.f32 v44, v54;
	vm12 =	vgt.f32 v44, v45;
	vm13 =	vgt.f32 v44, v49  }
0x435: {  	v51 =	vadd.f32 $9.999999970e-07, v51;
	vm14 =	vgt.f32 v44, v6;
	v55 =	vmax.f32 v55, $0.0e+00  }
0x436: {  	v58 =	vsub.f32 v63, v53;
	v63 =	vpop (erf);
	v60 =	vsel vm13, v57, v46;
	v1 =	vmul.f32 v55, v1  }
0x437: {  	v50 =	vsel vm14, v57, v50;
	v0 =	vmul.f32 v63, v0;
	(erf) = vrcp.f32 v51  }
0x438: {  	[tilespmem:s25+$0xFFFFFF70] =	vst v28;
	v6 =	vsel vm14, v44, v6;
	v28 =	vsel vm12, v44, v45;
	v62 =	vsub.f32 v61, v1  }
0x439: {  	v55 =	vsel vm12, v48, v60;
	v48 =	vsel vm12, v57, v48;
	v58 =	vadd.f32 $9.999999970e-07, v58  }
0x43a: {  	v6 =	vsel vm13, v49, v6;
	v49 =	vsel vm13, v44, v49;
	v51 =	vadd.f32 $9.999999970e-07, v62  }
0x43b: {  	v63 =	vsel vm13, v46, v50;
	vm13 =	vmand vm7, vm15;
	v60 =	vpop (erf);
	(erf) = vrcp.f32 v58  }
0x43c: {  	v48 =	vsel vm11, v47, v48;
	v61 =	vmul.f32 v60, v56;
	v62 =	vpop (erf);
	(erf) = vrcp.f32 v51  }
0x43d: {  	v47 =	vsel vm11, v57, v47;
	vm14 =	vgt.f32 v0, $5.000000000e-01;
	v56 =	vld [tilespmem:s25+$0x80];
	v3 =	vmul.f32 v62, v3  }
0x43e: {  	vm14 =	vmand vm8, vm14;
	v58 =	vsel vm12, v45, v49;
	vm15 =	vgt.f32 v61, $5.000000000e-01  }
0x43f: {  	vm13 =	vmor vm13, vm14;
	vm15 =	vmand vm9, vm15;
	v57 =	vpop (erf);
	vm14 =	vgt.f32 v3, $5.000000000e-01  }
0x440: {  	[tilespmem:s25+$0xFFFFFF60] =	vst v27;
	vm12 =	vmor vm15, vm13;
	v3 =	vmul.f32 v57, v52;
	v27 =	vpop (erf);
	vm13 =	vmand vm10, vm14  }
0x441: {  	v5 =	vmul.f32 v27, v5;
	v27 =	vsel vm11, v54, v28;
	vm12 =	vmor vm13, vm12  }
0x442: {  	[tilespmem:s25+$0xFFFFFF80] =	vst v29;
	s0 =	sadd.s32 $0xFFFFFFF0, s31;
	v28 =	vsel vm11, v44, v54;
	v29 =	vsel vm12, $0xD01502F9, v56;
	vm12 =	vgt.f32 v3, $5.000000000e-01  }
0x443: {  	[tilespmem:s25+$0xFFFFFF90] =	vst v30;
	vm13 =	vgt.f32 v5, $5.000000000e-01;
	v5 =	vor.u32 s0, v4;
	vm11 =	vgt.f32 v29, v58  }
0x444: {  	[tilespmem:s25+$0xFFFFFFA0] =	vst v31;
	v3 =	vpop (erf);
	vm14 =	vgt.f32 v29, v28;
	vm15 =	vgt.f32 v29, v27;
	v31 =	vsel vm11, v29, v58  }
0x445: {  	[tilespmem:s25+$0xFFFFFFB0] =	vst v32;
	v3 =	vmul.f32 v3, v53;
	v60 =	vsel vm14, v5, v47;
	v30 =	vpop (erf);
	v31 =	vsel vm15, v27, v31  }
0x446: {  	[tilespmem:s25+$0xFFFFFFC0] =	vst v33;
	v27 =	vsel vm15, v29, v27;
	v1 =	vmul.f32 v30, v1;
	v30 =	vsel vm11, v5, v55  }
0x447: {  	[tilespmem:s25+$0xFFFFFFD0] =	vst v34;
	v27 =	vsel vm14, v28, v27;
	v59 =	vsel vm15, v48, v30;
	v30 =	vsel vm15, v5, v48  }
0x448: {  	[tilespmem:s25+$0xFFFFFFE0] =	vst v35;
	v28 =	vsel vm14, v29, v28;
	v30 =	vsel vm14, v47, v30;
	vm14 =	vgt.f32 v3, $5.000000000e-01;
	v3 =	vld [tilespmem:s25+$0x90]  }
0x449: {  	[tilespmem:s25+$0xFFFFFFF0] =	vst v36;
	v62 =	vor.u32 s31, v4;
	vm12 =	vmand vm7, vm12;
	vm13 =	vmand vm8, vm13  }
0x44a: {  	[tilespmem:s25+$0x0] =	vst v37;
	vm12 =	vmor vm12, vm13;
	vm15 =	vgt.f32 v1, $5.000000000e-01;
	vm14 =	vmand vm9, vm14  }
0x44b: {  	[tilespmem:s25+$0x10] =	vst v38;
	vm13 =	vgt.f32 v29, v6;
	vm12 =	vmor vm14, vm12;
	vm14 =	vmand vm10, vm15  }
0x44c: {  	[tilespmem:s25+$0x20] =	vst v39;
	v61 =	vsel vm13, v29, v6;
	v0 =	vsel vm13, v5, v63;
	vm12 =	vmor vm14, vm12  }
0x44d: {  	s23 =	sadd.s32 $0x14, s23;
	[tilespmem:s25+$0x30] =	vst v40;
	v0 =	vsel vm11, v55, v0;
	v1 =	vsel vm11, v58, v61;
	v3 =	vsel vm12, $0xD01502F9, v3  }
0x44e: {  	p0 =	slt.u32 s23, $0x3C;
	[tilespmem:s25+$0x40] =	vst v41;
	vm11 =	vgt.f32 v3, v28;
	vm12 =	vgt.f32 v3, v27;
	vm13 =	vgt.f32 v3, v31  }
.Ltmp2:
0x44f: {  	[tilespmem:s25+$0x50] =	vst v42;
	vm14 =	vgt.f32 v3, v1;
	v35 =	vsel vm11, v3, v28;
	v34 =	vsel vm11, v62, v60;
	(pc) =	sbr.rel @p0 .LBB2_6-.Ltmp2, $4  }
0x450: {  	[tilespmem:s25+$0x60] =	vst v43;
	v5 =	vsel vm12, v3, v27;
	v6 =	vsel vm12, v62, v30;
	v63 =	vsel vm13, v3, v31  }
0x451: {  	s29 =	sadd.s32 $0x140, s29;
	[tilespmem:s25+$0x70] =	vst v44;
	v1 =	vsel vm14, v3, v1;
	v0 =	vsel vm14, v62, v0;
	v33 =	vsel vm11, v28, v5  }
0x452: {  	s30 =	sadd.s32 $0x140, s30;
	s26 =	sadd.s32 $0x140, s26;
	s28 =	sadd.s32 $0x140, s28;
	[tilespmem:s25+$0x80] =	vst v29;
	v32 =	vsel vm11, v60, v6;
	v29 =	vsel vm12, v27, v63;
	v5 =	vsel vm13, v62, v59  }
0x453: {  	s24 =	sadd.s32 $0x140, s24;
	s31 =	sadd.s32 $0x140, s31;
	[tilespmem:s25+$0x90] =	vst v3;
	s25 =	sadd.s32 $0x140, s25;
	v31 =	vsel vm13, v31, v1;
	v28 =	vsel vm13, v59, v0;
	v30 =	vsel vm12, v30, v5  }
0x454: {  	v22 =	vld [tilespmem:$0x1FFC0];
	_ =	sdelay $0x4  }
0x455: {  	v0 =	vperm.xlane v35, v22  }
0x456: {  	v1 =	vperm.xlane v34, v22;
	v2 =	vperm.xlane v33, v22  }
0x457: {  	v3 =	vperm.xlane v31, v22;
	v5 =	vperm.xlane v28, v22  }
0x458: {  	v6 =	vperm.xlane v29, v22;
	v7 =	vperm.xlane v30, v22  }
0x459: {  	v8 =	vperm.xlane v32, v22;
	vm7 =	vgt.f32 v3, v35;
	vm8 =	veq.f32 v3, v35  }
0x45a: {  	vm9 =	vlt.s32 v5, v34;
	vm13 =	veq.f32 v6, v33;
	vm10 =	vlt.s32 v7, v32  }
0x45b: {  	vm14 =	vlt.s32 v8, v30;
	vm15 =	veq.f32 v0, v31;
	vm8 =	vmand vm8, vm9  }
0x45c: {  	vm9 =	vmand vm13, vm10;
	vm7 =	vmor vm7, vm8;
	vm8 =	vgt.f32 v6, v33  }
0x45d: {  	vm12 =	vlt.s32 v1, v28;
	v3 =	vsel vm7, v3, v35;
	vm8 =	vmor vm8, vm9  }
0x45e: {  	v6 =	vsel vm8, v6, v33;
	v7 =	vsel vm8, v7, v32;
	vm8 =	veq.f32 v2, v29  }
0x45f: {  	v5 =	vsel vm7, v5, v34;
	vm7 =	vgt.f32 v2, v29;
	vm8 =	vmand vm8, vm14  }
0x460: {  	vm9 =	vmand vm15, vm12;
	vm7 =	vmor vm7, vm8;
	vm8 =	vgt.f32 v0, v31  }
0x461: {  	v2 =	vsel vm7, v2, v29;
	v8 =	vsel vm7, v8, v30;
	vm7 =	vmor vm8, vm9  }
0x462: {  	v0 =	vsel vm7, v0, v31;
	vm8 =	veq.f32 v2, v3;
	vm13 =	vlt.s32 v8, v5  }
0x463: {  	v1 =	vsel vm7, v1, v28;
	vm7 =	vgt.f32 v2, v3;
	vm8 =	vmand vm8, vm13  }
0x464: {  	vm14 =	vlt.s32 v1, v7;
	vm7 =	vmor vm7, vm8;
	vm8 =	veq.f32 v0, v6  }
0x465: {  	vm15 =	vgt.f32 v0, v6;
	v9 =	vsel vm7, v2, v3;
	vm8 =	vmand vm8, vm14  }
0x466: {  	v10 =	vsel vm7, v8, v5;
	v2 =	vsel vm7, v3, v2;
	vm8 =	vmor vm15, vm8  }
0x467: {  	v23 =	vld [tilespmem:$0x1FFD0];
	v3 =	vsel vm7, v5, v8;
	v5 =	vsel vm8, v0, v6;
	v31 =	vsel vm8, v1, v7  }
0x468: {  	v0 =	vsel vm8, v6, v0;
	vm7 =	veq.f32 v5, v9;
	vm12 =	vlt.s32 v31, v10  }
0x469: {  	v1 =	vsel vm8, v7, v1;
	vm8 =	vgt.f32 v5, v9;
	vm7 =	vmand vm7, vm12  }
0x46a: {  	vm13 =	vlt.s32 v1, v3;
	vm7 =	vmor vm8, vm7;
	vm8 =	veq.f32 v0, v2  }
0x46b: {  	vm14 =	vgt.f32 v0, v2;
	v6 =	vsel vm7, v5, v9;
	vm8 =	vmand vm8, vm13  }
0x46c: {  	v7 =	vsel vm7, v31, v10;
	v8 =	vsel vm7, v10, v31;
	v33 =	vperm.xlane v6, v23  }
0x46d: {  	vm8 =	vmor vm14, vm8;
	v12 =	vperm.xlane v7, v23;
	v16 =	vperm.xlane v8, v23  }
0x46e: {  	v32 =	vsel vm8, v0, v2;
	v0 =	vsel vm8, v2, v0;
	v11 =	vsel vm8, v3, v1  }
0x46f: {  	v1 =	vsel vm8, v1, v3;
	v3 =	vperm.xlane v0, v23;
	v14 =	vperm.xlane v11, v23  }
0x470: {  	v5 =	vsel vm7, v9, v5;
	v34 =	vperm.xlane v32, v23;
	v15 =	vperm.xlane v1, v23  }
0x471: {  	v13 =	vperm.xlane v5, v23;
	vm14 =	vlt.s32 v16, v1;
	vm8 =	veq.f32 v3, v6  }
0x472: {  	vm15 =	vlt.s32 v14, v7;
	vm12 =	veq.f32 v34, v5;
	vm13 =	vlt.s32 v15, v8  }
0x473: {  	vm7 =	vgt.f32 v3, v6;
	vm8 =	vmand vm8, vm15;
	vm9 =	vmand vm12, vm13  }
0x474: {  	vm15 =	veq.f32 v33, v0;
	vm7 =	vmor vm7, vm8;
	vm8 =	vgt.f32 v34, v5  }
0x475: {  	v3 =	vsel vm7, v3, v6;
	vm8 =	vmor vm8, vm9;
	v6 =	vsel vm7, v14, v7  }
0x476: {  	v5 =	vsel vm8, v34, v5;
	v7 =	vsel vm8, v15, v8;
	vm8 =	veq.f32 v13, v32  }
0x477: {  	vm12 =	vlt.s32 v12, v11;
	vm7 =	vgt.f32 v13, v32;
	vm8 =	vmand vm8, vm14  }
0x478: {  	vm9 =	vmand vm15, vm12;
	vm7 =	vmor vm7, vm8;
	vm8 =	vgt.f32 v33, v0  }
0x479: {  	v35 =	vsel vm7, v13, v32;
	v1 =	vsel vm7, v16, v1;
	vm7 =	vmor vm8, vm9  }
0x47a: {  	v0 =	vsel vm7, v33, v0  }
0x47b: {  	vm8 =	veq.f32 v35, v3;
	vm13 =	vlt.s32 v1, v6;
	v36 =	vsel vm7, v12, v11  }
0x47c: {  	vm7 =	vgt.f32 v35, v3;
	vm8 =	vmand vm8, vm13;
	vm14 =	vlt.s32 v36, v7  }
0x47d: {  	vm15 =	vgt.f32 v0, v5;
	vm7 =	vmor vm7, vm8;
	vm8 =	veq.f32 v0, v5  }
0x47e: {  	v9 =	vsel vm7, v35, v3;
	vm8 =	vmand vm8, vm14;
	v37 =	vsel vm7, v1, v6  }
0x47f: {  	v3 =	vsel vm7, v3, v35;
	v1 =	vsel vm7, v6, v1;
	vm8 =	vmor vm15, vm8  }
0x480: {  	v24 =	vld [tilespmem:$0x1FFE0];
	v6 =	vsel vm8, v0, v5;
	v38 =	vsel vm8, v36, v7;
	v0 =	vsel vm8, v5, v0  }
0x481: {  	v2 =	vsel vm8, v7, v36;
	vm7 =	veq.f32 v6, v9;
	vm12 =	vlt.s32 v38, v37  }
0x482: {  	vm8 =	vgt.f32 v6, v9;
	vm13 =	vlt.s32 v2, v1;
	vm7 =	vmand vm7, vm12  }
0x483: {  	vm14 =	vgt.f32 v0, v3;
	vm7 =	vmor vm8, vm7;
	vm8 =	veq.f32 v0, v3  }
0x484: {  	v5 =	vsel vm7, v6, v9;
	vm8 =	vmand vm8, vm13;
	v7 =	vsel vm7, v38, v37  }
0x485: {  	v6 =	vsel vm7, v9, v6;
	v8 =	vsel vm7, v37, v38;
	v41 =	vperm.xlane v7, v24  }
0x486: {  	vm8 =	vmor vm14, vm8;
	v42 =	vperm.xlane v6, v24;
	v47 =	vperm.xlane v8, v24  }
0x487: {  	v39 =	vsel vm8, v0, v3;
	v0 =	vsel vm8, v3, v0;
	v40 =	vsel vm8, v1, v2  }
0x488: {  	v1 =	vsel vm8, v2, v1;
	v43 =	vperm.xlane v0, v24;
	v44 =	vperm.xlane v40, v24  }
0x489: {  	v45 =	vperm.xlane v39, v24;
	v46 =	vperm.xlane v1, v24  }
0x48a: {  	v3 =	vperm.xlane v5, v24;
	vm14 =	vlt.s32 v47, v1;
	vm8 =	veq.f32 v43, v5  }
0x48b: {  	vm15 =	vlt.s32 v44, v7;
	vm12 =	veq.f32 v45, v6;
	vm13 =	vlt.s32 v46, v8  }
0x48c: {  	vm7 =	vgt.f32 v43, v5;
	vm8 =	vmand vm8, vm15;
	vm9 =	vmand vm12, vm13  }
0x48d: {  	vm15 =	veq.f32 v3, v0;
	vm7 =	vmor vm7, vm8;
	vm8 =	vgt.f32 v45, v6  }
0x48e: {  	v2 =	vsel vm7, v43, v5;
	vm8 =	vmor vm8, vm9;
	v5 =	vsel vm7, v44, v7  }
0x48f: {  	v6 =	vsel vm8, v45, v6;
	v7 =	vsel vm8, v46, v8;
	vm8 =	veq.f32 v42, v39  }
0x490: {  	vm12 =	vlt.s32 v41, v40;
	vm7 =	vgt.f32 v42, v39;
	vm8 =	vmand vm8, vm14  }
0x491: {  	vm9 =	vmand vm15, vm12;
	vm7 =	vmor vm7, vm8;
	vm8 =	vgt.f32 v3, v0  }
0x492: {  	v48 =	vsel vm7, v42, v39;
	v1 =	vsel vm7, v47, v1;
	vm7 =	vmor vm8, vm9  }
0x493: {  	v0 =	vsel vm7, v3, v0;
	vm8 =	veq.f32 v48, v2;
	vm13 =	vlt.s32 v1, v5  }
0x494: {  	v3 =	vsel vm7, v41, v40;
	vm7 =	vgt.f32 v48, v2;
	vm8 =	vmand vm8, vm13  }
0x495: {  	vm14 =	vlt.s32 v3, v7;
	vm7 =	vmor vm7, vm8;
	vm8 =	veq.f32 v0, v6  }
0x496: {  	vm15 =	vgt.f32 v0, v6;
	v9 =	vsel vm7, v48, v2;
	vm8 =	vmand vm8, vm14  }
0x497: {  	v49 =	vsel vm7, v1, v5;
	v2 =	vsel vm7, v2, v48;
	vm8 =	vmor vm15, vm8  }
0x498: {  	v25 =	vld [tilespmem:$0x1FFF0];
	v1 =	vsel vm7, v5, v1;
	v5 =	vsel vm8, v0, v6;
	v50 =	vsel vm8, v3, v7  }
0x499: {  	v0 =	vsel vm8, v6, v0;
	vm7 =	veq.f32 v5, v9;
	vm12 =	vlt.s32 v50, v49  }
0x49a: {  	v3 =	vsel vm8, v7, v3;
	vm8 =	vgt.f32 v5, v9;
	vm7 =	vmand vm7, vm12  }
0x49b: {  	vm13 =	vlt.s32 v3, v1;
	vm7 =	vmor vm8, vm7;
	vm8 =	veq.f32 v0, v2  }
0x49c: {  	vm14 =	vgt.f32 v0, v2;
	v6 =	vsel vm7, v5, v9;
	vm8 =	vmand vm8, vm13  }
0x49d: {  	v7 =	vsel vm7, v50, v49;
	v8 =	vsel vm7, v49, v50;
	v52 =	vperm.xlane v6, v25  }
0x49e: {  	vm8 =	vmor vm14, vm8;
	v54 =	vperm.xlane v7, v25;
	v59 =	vperm.xlane v8, v25  }
0x49f: {  	v51 =	vsel vm8, v0, v2;
	v0 =	vsel vm8, v2, v0;
	v53 =	vsel vm8, v1, v3  }
0x4a0: {  	v1 =	vsel vm8, v3, v1;
	v3 =	vperm.xlane v0, v25;
	v56 =	vperm.xlane v53, v25  }
0x4a1: {  	v5 =	vsel vm7, v9, v5;
	v57 =	vperm.xlane v51, v25;
	v58 =	vperm.xlane v1, v25  }
0x4a2: {  	v55 =	vperm.xlane v5, v25;
	vm14 =	vlt.s32 v59, v1;
	vm8 =	veq.f32 v3, v6  }
0x4a3: {  	vm15 =	vlt.s32 v56, v7;
	vm12 =	veq.f32 v57, v5;
	vm13 =	vlt.s32 v58, v8  }
0x4a4: {  	vm7 =	vgt.f32 v3, v6;
	vm8 =	vmand vm8, vm15;
	vm9 =	vmand vm12, vm13  }
0x4a5: {  	vm15 =	veq.f32 v52, v0;
	vm7 =	vmor vm7, vm8;
	vm8 =	vgt.f32 v57, v5  }
0x4a6: {  	v3 =	vsel vm7, v3, v6;
	vm8 =	vmor vm8, vm9;
	v6 =	vsel vm7, v56, v7  }
0x4a7: {  	v5 =	vsel vm8, v57, v5;
	v7 =	vsel vm8, v58, v8;
	vm8 =	veq.f32 v55, v51  }
0x4a8: {  	vm12 =	vlt.s32 v54, v53;
	vm7 =	vgt.f32 v55, v51;
	vm8 =	vmand vm8, vm14  }
0x4a9: {  	vm13 =	vgt.f32 v52, v0;
	vm7 =	vmor vm7, vm8;
	vm8 =	vmand vm15, vm12  }
0x4aa: {  	v60 =	vsel vm7, v55, v51;
	v1 =	vsel vm7, v59, v1;
	vm7 =	vmor vm13, vm8  }
0x4ab: {  	v0 =	vsel vm7, v52, v0;
	vm8 =	veq.f32 v60, v3;
	vm14 =	vlt.s32 v1, v6  }
0x4ac: {  	v61 =	vsel vm7, v54, v53;
	vm7 =	vgt.f32 v60, v3;
	vm8 =	vmand vm8, vm14  }
0x4ad: {  	vm15 =	vlt.s32 v61, v7;
	vm7 =	vmor vm7, vm8;
	vm8 =	veq.f32 v0, v5  }
0x4ae: {  	vm12 =	vgt.f32 v0, v5;
	v9 =	vsel vm7, v60, v3;
	vm8 =	vmand vm8, vm15  }
0x4af: {  	v62 =	vsel vm7, v1, v6;
	v3 =	vsel vm7, v3, v60;
	vm8 =	vmor vm12, vm8  }
0x4b0: {  	v1 =	vsel vm7, v6, v1;
	v6 =	vsel vm8, v5, v0;
	v63 =	vsel vm8, v7, v61  }
0x4b1: {  	v0 =	vsel vm8, v0, v5;
	vm7 =	veq.f32 v6, v3;
	vm13 =	vlt.s32 v63, v1  }
0x4b2: {  	v2 =	vsel vm8, v61, v7;
	vm8 =	vgt.f32 v6, v3;
	vm7 =	vmand vm7, vm13  }
0x4b3: {  	vm14 =	veq.f32 v0, v9;
	vm15 =	vgt.f32 v0, v9;
	vm7 =	vmor vm8, vm7  }
0x4b4: {  	vm8 =	vlt.s32 v2, v62;
	v5 =	vsel vm7, v3, v6;
	v7 =	vsel vm7, v1, v63  }
0x4b5: {  	vm8 =	vmand vm14, vm8;
	v1 =	vsel vm7, v63, v1;
	v5 =	vsel vm0, v7, v5  }
0x4b6: {  	v3 =	vsel vm7, v6, v3;
	vm8 =	vmor vm15, vm8;
	v1 =	vsel vm1, v5, v1  }
0x4b7: {  	v5 =	vsel vm8, v62, v2;
	v1 =	vsel vm2, v1, v3  }
0x4b8: {  	v3 =	vsel vm8, v9, v0;
	v1 =	vsel vm3, v1, v5  }
0x4b9: {  	s17 =	sadd.s32 $0x1, s17;
	v2 =	vsel vm8, v2, v62;
	v1 =	vsel vm4, v1, v3  }
0x4ba: {  	s0 =	sshll.u32 s17, $0x8;
	v0 =	vsel vm8, v0, v9;
	v1 =	vsel vm5, v1, v2  }
0x4bb: {  	s0 =	sand.u32 $0x100, s0;
	v0 =	vsel vm6, v0, v1  }
0x4bc: {  	s31 =	sadd.s32 s20, s18;
	s0 =	sadd.s32 s0, s4;
	[tilespmem:$0x19B00] =	vst v0  }
0x4bd: {  	[spmem:s0] =	stream.linear.scatter [tilespmem:s5], [sflag:$0x1], $0x10, $0x38;
	[tilespmem:$0x19B30] =	vst v63  }
0x4be: {  	s0 =	sadd.s32 s22, s31  }
0x4bf: {  	p0 =	sgt.f32 s19, $-5.000000000e+09;
	s0 =	sadd.s32 s21, s0  }
0x4c0: {  	s18 =	sadd.s32 $0x1, s0  }
0x4c1: {  	p1 =	slt.s32 @p0 s18, $0x100  }
0x4c2: {  	p0 =	por !p0, !p1  }
.Ltmp3:
0x4c3: {  	_ =	swait.ge [sflag:s6], $0x10;
	(pc) =	sbr.rel @!p0 .LBB2_5-.Ltmp3, $3  }
0x4c4: {  	[sflag:s6] =	ssyncset.done $0x0  }
0x4c5: {  	[sflag:s6] =	ssyncadd.s32 $0xFFFFFFF0  }
0x4c6: {  	[bflag:$0x0] =	sbarrier.arrive $0xFFFF;
	_ =	sdelay $0x1  }
0x4c7: {  	p0 =	sne.s32 s3, $0x0  }
0x4c8: {  	_ =	sfence.sel @p0 $0x180000  }
0x4c9: {  	[bflag:$0x0] =	sbarrier.arrive @p0 $0xFFFF  }
0x4ca: {  	_ =	strace @p0 $0x90000047  }
0x4cb: {  	s0 =	simm.s32 @!p0 $0x0;
	s2 =	simm.s32 @!p0 $0x14A00;
	[bflag:$0x2] =	sbarrier.arrive @p0 $0xFFFF  }
0x4cc: {  	[hbm4b:s1+s0] =	stream.linear.scatter @!p0 [tilespmem:s2], [sflag:$0x1], $0x5000, $0x38;
	[tilespmem:$0x19B30] =	vst v63  }
0x4cd: {  	s0 =	simm.s32 @!p0 $0x1  }
0x4ce: {  	_ =	swait.ge @!p0 [sflag:s0], $0x5000  }
0x4cf: {  	[sflag:s0] =	ssyncset.done @!p0 $0x0  }
0x4d0: {  	[sflag:s0] =	ssyncadd.s32 @!p0 $0xFFFFB000  }
0x4d1: {  	_ =	sfence.sel @!p0 $0x180000  }
0x4d2: {  	[bflag:$0x0] =	sbarrier.arrive @!p0 $0xFFFF  }
0x4d3: {  	_ =	strace @!p0 $0x90000047  }
0x4d4: {  	[bflag:$0x2] =	sbarrier.arrive @!p0 $0xFFFF  }
0x4d5: {  	s0 =	rddreg [dreg:$0x7]  }
0x4d6: {  	s0 =	sadd.s32 @!p0 $0x100000, s0  }
0x4d7: {  	[sflag:s0] =	ssyncadd.tile.s32 @!p0 $0x1;
	_ =	shalt  }
.Lfunc_end2:
_tile_overlayer_lowered:
.L_overlay_start_2:
0x4d8: {  	(tag) =	ssettag $0x2  }
0x4d9: {  	s0 =	rddreg [dreg:$0x0];
	s2 =	stileid.u32  }
0x4da: {  	s1 =	rddreg [dreg:$0x1];
	p0 =	sne.s32 s2, $0x0  }
0x4db: {  	s3 =	rddreg [dreg:$0x2];
	[bflag:$0x3] =	sbarrier.arrive $0xFFFF;
	s2 =	simm.s32 @!p0 $0x1C01  }
0x4dc: {  	[timem:s3], [sflag:s2] =	dma.local @!p0 [hbm:s0], s1  }
0x4dd: {  	s0 =	simm.s32 @!p0 $0x1  }
0x4de: {  	_ =	swait.ge @!p0 [sflag:s0], s1  }
0x4df: {  	s1 =	ssub.s32 @!p0 $0x0, s1;
	[sflag:s0] =	ssyncset.done @!p0 $0x0  }
0x4e0: {  	[sflag:s0] =	ssyncadd.s32 @!p0 s1  }
0x4e1: {  	[bflag:$0x3] =	sbarrier.arrive $0xFFFF  }
0x4e2: {  	_ =	shalt  }

</sc_bundles>
